<compile_context>
chip_gen: v7x
topology: tpu7x:2x2x1
jax: 0.10.2.dev20260603
libtpu: 0.0.44.dev20260713+nightly
codegen_flags: <defaults>
</compile_context>

<pallas_src>
import functools

import jax
import jax.numpy as jnp
from jax import lax
from jax.experimental import pallas as pl
from jax.experimental.pallas import tpu as pltpu
from jax.experimental.pallas import tpu_sc as plsc

NC = 2
NS = 16
NW = NC * NS
LANES = 16
NBUF = 6


def _tree_sum(vals):
    while len(vals) > 1:
        nxt = [a + b for a, b in zip(vals[::2], vals[1::2])]
        if len(vals) % 2:
            nxt.append(vals[-1])
        vals = nxt
    return vals[0]


def _make_kernel(B, K):
    assert B % NW == 0
    b_per_w = B // NW
    C = min(64, b_per_w)
    n_chunks = b_per_w // C
    k_regs = K // LANES

    mesh = plsc.VectorSubcoreMesh(core_axis_name="c", subcore_axis_name="s")

    @functools.partial(
        pl.kernel,
        out_type=jax.ShapeDtypeStruct((B,), jnp.float32),
        mesh=mesh,
        compiler_params=pltpu.CompilerParams(needs_layout_passes=False),
        scratch_types=[
            pltpu.VMEM((b_per_w,), jnp.int32),
            pltpu.VMEM((b_per_w,), jnp.int32),
        ] + [pltpu.VMEM((C, K), jnp.float32) for _ in range(2 * NBUF)] + [
            pltpu.VMEM((b_per_w,), jnp.float32),
            pltpu.VMEM((b_per_w,), jnp.float32),
            pltpu.VMEM((LANES,), jnp.float32),
            pltpu.VMEM((b_per_w,), jnp.float32),
        ] + [pltpu.SemaphoreType.DMA for _ in range(NBUF + 1)],
    )
    def cf_kernel(uidx_hbm, iidx_hbm, uemb_hbm, iemb_hbm, ubias_hbm,
                  ibias_hbm, gbias_hbm, out_hbm,
                  uidx_v, iidx_v, *rest):
        urows = rest[0:NBUF]
        irows = rest[NBUF:2 * NBUF]
        ub_v, ib_v, gb_v, out_v = rest[2 * NBUF:2 * NBUF + 4]
        sems = rest[2 * NBUF + 4:2 * NBUF + 4 + NBUF]
        bias_sem = rest[2 * NBUF + 4 + NBUF]

        wid = lax.axis_index("s") * NC + lax.axis_index("c")
        base = wid * b_per_w
        idx_cps = [
            pltpu.async_copy(uidx_hbm.at[pl.ds(base, b_per_w)], uidx_v,
                             bias_sem),
            pltpu.async_copy(iidx_hbm.at[pl.ds(base, b_per_w)], iidx_v,
                             bias_sem),
            pltpu.async_copy(gbias_hbm, gb_v.at[pl.ds(0, 1)], bias_sem),
        ]
        for cp in idx_cps:
            cp.wait()
        lane = lax.iota(jnp.int32, LANES)

        def issue(c):
            bi = c % NBUF
            u_idx = uidx_v.at[pl.ds(c * C, C)]
            i_idx = iidx_v.at[pl.ds(c * C, C)]
            return [
                pltpu.async_copy(uemb_hbm.at[u_idx], urows[bi], sems[bi]),
                pltpu.async_copy(iemb_hbm.at[i_idx], irows[bi], sems[bi]),
            ]

        pending = [issue(c) for c in range(min(NBUF, n_chunks))]
        bias_cps = []
        for c in range(n_chunks):
            u_idx = uidx_v.at[pl.ds(c * C, C)]
            i_idx = iidx_v.at[pl.ds(c * C, C)]
            bias_cps.append(pltpu.async_copy(
                ubias_hbm.at[u_idx], ub_v.at[pl.ds(c * C, C)], bias_sem))
            bias_cps.append(pltpu.async_copy(
                ibias_hbm.at[i_idx], ib_v.at[pl.ds(c * C, C)], bias_sem))

        for c in range(n_chunks):
            bi = c % NBUF
            for cp in pending[0]:
                cp.wait()
            pending = pending[1:]

            uro, iro = urows[bi], irows[bi]

            @plsc.parallel_loop(0, C, unroll=4)
            def _(e):
                prods = [uro[e, pl.ds(j * LANES, LANES)]
                         * iro[e, pl.ds(j * LANES, LANES)]
                         for j in range(k_regs)]
                tot = plsc.cumsum(_tree_sum(prods))
                plsc.store_scatter(
                    out_v, [jnp.full((LANES,), c * C, jnp.int32) + e], tot,
                    mask=lane == LANES - 1)

            if c + NBUF < n_chunks:
                pending.append(issue(c + NBUF))

        for cp in bias_cps:
            cp.wait()
        gb = gb_v[pl.ds(0, LANES)][0]

        @plsc.parallel_loop(0, b_per_w // LANES)
        def _(g):
            goff = g * LANES
            out_v[pl.ds(goff, LANES)] = (
                out_v[pl.ds(goff, LANES)] + ub_v[pl.ds(goff, LANES)]
                + ib_v[pl.ds(goff, LANES)] + gb)

        pltpu.sync_copy(out_v, out_hbm.at[pl.ds(base, b_per_w)])

    return cf_kernel


def kernel(user_input, item_input, user_emb, item_emb, user_bias, item_bias,
           global_bias):
    B = user_input.shape[0]
    K = user_emb.shape[1]
    k = _make_kernel(B, K)
    return k(user_input.astype(jnp.int32), item_input.astype(jnp.int32),
             user_emb, item_emb,
             user_bias.reshape(-1), item_bias.reshape(-1), global_bias)

# --- scband reference (transcript-rebuilt; emitter-appended) ---
"""Pipeline reference for scband-cfmodel-61735859913422 (READ-ONLY COPY).

The authoritative reference and input builder live on the scoring server;
editing this copy changes nothing except your own understanding.
"""

import jax, jax.numpy as jnp
import numpy as np

N_USERS = 100000
M_ITEMS = 100000
K_FACTORS = 128
BATCH = 16384


def setup_inputs(seed: int = 0) -> dict:
    key = jax.random.key(seed)
    k1, k2, k3, k4, k5, k6 = jax.random.split(key, 6)
    # xavier_normal for embeddings: std = sqrt(2 / (fan_in + fan_out))
    std_u = float(np.sqrt(2.0 / (N_USERS + K_FACTORS)))
    std_i = float(np.sqrt(2.0 / (M_ITEMS + K_FACTORS)))
    user_emb = jax.random.normal(k1, (N_USERS, K_FACTORS), dtype=jnp.float32) * std_u
    item_emb = jax.random.normal(k2, (M_ITEMS, K_FACTORS), dtype=jnp.float32) * std_i
    user_bias = jax.random.normal(k3, (N_USERS, 1), dtype=jnp.float32) * 0.01
    item_bias = jax.random.normal(k4, (M_ITEMS, 1), dtype=jnp.float32) * 0.01
    global_bias = jnp.zeros((1,), dtype=jnp.float32)
    user_input = jax.random.randint(k5, (BATCH,), 0, N_USERS, dtype=jnp.int64 if jax.config.read('jax_enable_x64') else jnp.int32)
    item_input = jax.random.randint(k6, (BATCH,), 0, M_ITEMS, dtype=jnp.int64 if jax.config.read('jax_enable_x64') else jnp.int32)
    return {
        'user_input': user_input,
        'item_input': item_input,
        'user_emb': user_emb,
        'item_emb': item_emb,
        'user_bias': user_bias,
        'item_bias': item_bias,
        'global_bias': global_bias,
    }


def reference(user_input, item_input, user_emb, item_emb, user_bias, item_bias, global_bias):
    # Eval-mode forward (dropout inactive).
    user_embedded = jnp.take(user_emb, user_input, axis=0)      # [B, K]
    item_embedded = jnp.take(item_emb, item_input, axis=0)      # [B, K]
    dot_product = jnp.sum(user_embedded * item_embedded, axis=1)  # [B]
    ub = jnp.take(user_bias, user_input, axis=0).squeeze(-1)      # [B]
    ib = jnp.take(item_bias, item_input, axis=0).squeeze(-1)      # [B]
    output = dot_product + ub + ib + global_bias
    return output

if __name__ == "__main__":
    import jax
    _d = setup_inputs()
    print(jax.jit(kernel)(*tuple(_d.values())))

</pallas_src>

<mosaic_0001>
#map = affine_map<(d0, d1) -> (0)>
#map1 = affine_map<(d0, d1) -> (0, 0)>
module attributes {stable_mosaic.version = 14 : i64} {
  func.func @cf_kernel(%arg0: i32, %arg1: i32, %arg2: memref<16384xi32, #tpu.memory_space<hbm>>, %arg3: memref<16384xi32, #tpu.memory_space<hbm>>, %arg4: memref<100000x128xf32, #tpu.memory_space<hbm>>, %arg5: memref<100000x128xf32, #tpu.memory_space<hbm>>, %arg6: memref<100000xf32, #tpu.memory_space<hbm>>, %arg7: memref<100000xf32, #tpu.memory_space<hbm>>, %arg8: memref<1xf32, #tpu.memory_space<hbm>>, %arg9: memref<16384xf32, #tpu.memory_space<hbm>>, %arg10: memref<512xi32, #tpu.memory_space<vmem>>, %arg11: memref<512xi32, #tpu.memory_space<vmem>>, %arg12: memref<64x128xf32, #tpu.memory_space<vmem>>, %arg13: memref<64x128xf32, #tpu.memory_space<vmem>>, %arg14: memref<64x128xf32, #tpu.memory_space<vmem>>, %arg15: memref<64x128xf32, #tpu.memory_space<vmem>>, %arg16: memref<64x128xf32, #tpu.memory_space<vmem>>, %arg17: memref<64x128xf32, #tpu.memory_space<vmem>>, %arg18: memref<64x128xf32, #tpu.memory_space<vmem>>, %arg19: memref<64x128xf32, #tpu.memory_space<vmem>>, %arg20: memref<64x128xf32, #tpu.memory_space<vmem>>, %arg21: memref<64x128xf32, #tpu.memory_space<vmem>>, %arg22: memref<64x128xf32, #tpu.memory_space<vmem>>, %arg23: memref<64x128xf32, #tpu.memory_space<vmem>>, %arg24: memref<512xf32, #tpu.memory_space<vmem>>, %arg25: memref<512xf32, #tpu.memory_space<vmem>>, %arg26: memref<16xf32, #tpu.memory_space<vmem>>, %arg27: memref<512xf32, #tpu.memory_space<vmem>>, %arg28: memref<!tpu.dma_semaphore, #tpu.memory_space<semaphore_mem>>, %arg29: memref<!tpu.dma_semaphore, #tpu.memory_space<semaphore_mem>>, %arg30: memref<!tpu.dma_semaphore, #tpu.memory_space<semaphore_mem>>, %arg31: memref<!tpu.dma_semaphore, #tpu.memory_space<semaphore_mem>>, %arg32: memref<!tpu.dma_semaphore, #tpu.memory_space<semaphore_mem>>, %arg33: memref<!tpu.dma_semaphore, #tpu.memory_space<semaphore_mem>>, %arg34: memref<!tpu.dma_semaphore, #tpu.memory_space<semaphore_mem>>) attributes {dimension_semantics = [#tpu.dimension_semantics<core_parallel>, #tpu.dimension_semantics<subcore_parallel>], iteration_bounds = array<i64: 2, 16>, scalar_prefetch = 0 : i64, scratch_operands = 25 : i64, tpu.core_type = #tpu.core_type<sc_vector_subcore>, window_params = [{transform_indices = #map}, {transform_indices = #map}, {transform_indices = #map1}, {transform_indices = #map1}, {transform_indices = #map}, {transform_indices = #map}, {transform_indices = #map}, {transform_indices = #map}]} {
    %mul3A = arith.constant 2 : i32
    %mul3A_0 = arith.muli %arg1, %mul3A : i32
    %add3A = arith.addi %mul3A_0, %arg0 : i32
    %mul3A_1 = arith.constant 512 : i32
    %mul3A_2 = arith.muli %add3A, %mul3A_1 : i32
    %dma_start3A = tpu.memref_slice %arg2[%mul3A_2] : memref<16384xi32, #tpu.memory_space<hbm>> -> memref<512xi32, #tpu.memory_space<hbm>>
    %dma_start3A_3 = tpu.memref_slice %arg2[%mul3A_2] : memref<16384xi32, #tpu.memory_space<hbm>> -> memref<512xi32, #tpu.memory_space<hbm>>
    tpu.enqueue_dma source(%dma_start3A_3 : memref<512xi32, #tpu.memory_space<hbm>>) target(%arg10 : memref<512xi32, #tpu.memory_space<vmem>>) target_semaphore(%arg34 : memref<!tpu.dma_semaphore, #tpu.memory_space<semaphore_mem>>)
    %dma_start3A_4 = tpu.memref_slice %arg3[%mul3A_2] : memref<16384xi32, #tpu.memory_space<hbm>> -> memref<512xi32, #tpu.memory_space<hbm>>
    %dma_start3A_5 = tpu.memref_slice %arg3[%mul3A_2] : memref<16384xi32, #tpu.memory_space<hbm>> -> memref<512xi32, #tpu.memory_space<hbm>>
    tpu.enqueue_dma source(%dma_start3A_5 : memref<512xi32, #tpu.memory_space<hbm>>) target(%arg11 : memref<512xi32, #tpu.memory_space<vmem>>) target_semaphore(%arg34 : memref<!tpu.dma_semaphore, #tpu.memory_space<semaphore_mem>>)
    %dma_start3A_6 = arith.constant 0 : i32
    %dma_start3A_7 = tpu.memref_slice %arg26[%dma_start3A_6] : memref<16xf32, #tpu.memory_space<vmem>> -> memref<1xf32, #tpu.memory_space<vmem>>
    %dma_start3A_8 = arith.constant 0 : i32
    %dma_start3A_9 = tpu.memref_slice %arg26[%dma_start3A_8] : memref<16xf32, #tpu.memory_space<vmem>> -> memref<1xf32, #tpu.memory_space<vmem>>
    tpu.enqueue_dma source(%arg8 : memref<1xf32, #tpu.memory_space<hbm>>) target(%dma_start3A_9 : memref<1xf32, #tpu.memory_space<vmem>>) target_semaphore(%arg34 : memref<!tpu.dma_semaphore, #tpu.memory_space<semaphore_mem>>)
    %dma_wait3A = tpu.memref_slice %arg2[%mul3A_2] : memref<16384xi32, #tpu.memory_space<hbm>> -> memref<512xi32, #tpu.memory_space<hbm>>
    %dma_wait3A_10 = tpu.memref_slice %arg2[%mul3A_2] : memref<16384xi32, #tpu.memory_space<hbm>> -> memref<512xi32, #tpu.memory_space<hbm>>
    tpu.wait_dma2 semaphore(%arg34 : memref<!tpu.dma_semaphore, #tpu.memory_space<semaphore_mem>>) src(%dma_wait3A_10 : memref<512xi32, #tpu.memory_space<hbm>>) dst(%arg10 : memref<512xi32, #tpu.memory_space<vmem>>)
    %dma_wait3A_11 = tpu.memref_slice %arg3[%mul3A_2] : memref<16384xi32, #tpu.memory_space<hbm>> -> memref<512xi32, #tpu.memory_space<hbm>>
    %dma_wait3A_12 = tpu.memref_slice %arg3[%mul3A_2] : memref<16384xi32, #tpu.memory_space<hbm>> -> memref<512xi32, #tpu.memory_space<hbm>>
    tpu.wait_dma2 semaphore(%arg34 : memref<!tpu.dma_semaphore, #tpu.memory_space<semaphore_mem>>) src(%dma_wait3A_12 : memref<512xi32, #tpu.memory_space<hbm>>) dst(%arg11 : memref<512xi32, #tpu.memory_space<vmem>>)
    %dma_wait3A_13 = arith.constant 0 : i32
    %dma_wait3A_14 = tpu.memref_slice %arg26[%dma_wait3A_13] : memref<16xf32, #tpu.memory_space<vmem>> -> memref<1xf32, #tpu.memory_space<vmem>>
    %dma_wait3A_15 = arith.constant 0 : i32
    %dma_wait3A_16 = tpu.memref_slice %arg26[%dma_wait3A_15] : memref<16xf32, #tpu.memory_space<vmem>> -> memref<1xf32, #tpu.memory_space<vmem>>
    tpu.wait_dma2 semaphore(%arg34 : memref<!tpu.dma_semaphore, #tpu.memory_space<semaphore_mem>>) src(%arg8 : memref<1xf32, #tpu.memory_space<hbm>>) dst(%dma_wait3A_16 : memref<1xf32, #tpu.memory_space<vmem>>)
    %iota3A = tpu.iota {dimensions = array<i32: 0>} : vector<16xi32>
    %dma_start3A_17 = arith.constant 0 : i32
    %dma_start3A_18 = tpu.memref_slice %arg10[%dma_start3A_17] : memref<512xi32, #tpu.memory_space<vmem>> -> memref<64xi32, #tpu.memory_space<vmem>>
    %dma_start3A_19 = arith.constant 0 : i32
    %dma_start3A_20 = arith.constant 0 : i32
    %dma_start3A_21 = tpu.memref_slice %arg4[%dma_start3A_19, %dma_start3A_20] : memref<100000x128xf32, #tpu.memory_space<hbm>> -> memref<100000x128xf32, #tpu.memory_space<hbm>>
    tpu.enqueue_indirect_dma source(%dma_start3A_21 : memref<100000x128xf32, #tpu.memory_space<hbm>>) target(%arg12 : memref<64x128xf32, #tpu.memory_space<vmem>>) offsets(%dma_start3A_18 : memref<64xi32, #tpu.memory_space<vmem>>) semaphore(%arg28 : memref<!tpu.dma_semaphore, #tpu.memory_space<semaphore_mem>>)
    %dma_start3A_22 = arith.constant 0 : i32
    %dma_start3A_23 = tpu.memref_slice %arg11[%dma_start3A_22] : memref<512xi32, #tpu.memory_space<vmem>> -> memref<64xi32, #tpu.memory_space<vmem>>
    %dma_start3A_24 = arith.constant 0 : i32
    %dma_start3A_25 = arith.constant 0 : i32
    %dma_start3A_26 = tpu.memref_slice %arg5[%dma_start3A_24, %dma_start3A_25] : memref<100000x128xf32, #tpu.memory_space<hbm>> -> memref<100000x128xf32, #tpu.memory_space<hbm>>
    tpu.enqueue_indirect_dma source(%dma_start3A_26 : memref<100000x128xf32, #tpu.memory_space<hbm>>) target(%arg18 : memref<64x128xf32, #tpu.memory_space<vmem>>) offsets(%dma_start3A_23 : memref<64xi32, #tpu.memory_space<vmem>>) semaphore(%arg28 : memref<!tpu.dma_semaphore, #tpu.memory_space<semaphore_mem>>)
    %dma_start3A_27 = arith.constant 64 : i32
    %dma_start3A_28 = tpu.memref_slice %arg10[%dma_start3A_27] : memref<512xi32, #tpu.memory_space<vmem>> -> memref<64xi32, #tpu.memory_space<vmem>>
    %dma_start3A_29 = arith.constant 0 : i32
    %dma_start3A_30 = arith.constant 0 : i32
    %dma_start3A_31 = tpu.memref_slice %arg4[%dma_start3A_29, %dma_start3A_30] : memref<100000x128xf32, #tpu.memory_space<hbm>> -> memref<100000x128xf32, #tpu.memory_space<hbm>>
    tpu.enqueue_indirect_dma source(%dma_start3A_31 : memref<100000x128xf32, #tpu.memory_space<hbm>>) target(%arg13 : memref<64x128xf32, #tpu.memory_space<vmem>>) offsets(%dma_start3A_28 : memref<64xi32, #tpu.memory_space<vmem>>) semaphore(%arg29 : memref<!tpu.dma_semaphore, #tpu.memory_space<semaphore_mem>>)
    %dma_start3A_32 = arith.constant 64 : i32
    %dma_start3A_33 = tpu.memref_slice %arg11[%dma_start3A_32] : memref<512xi32, #tpu.memory_space<vmem>> -> memref<64xi32, #tpu.memory_space<vmem>>
    %dma_start3A_34 = arith.constant 0 : i32
    %dma_start3A_35 = arith.constant 0 : i32
    %dma_start3A_36 = tpu.memref_slice %arg5[%dma_start3A_34, %dma_start3A_35] : memref<100000x128xf32, #tpu.memory_space<hbm>> -> memref<100000x128xf32, #tpu.memory_space<hbm>>
    tpu.enqueue_indirect_dma source(%dma_start3A_36 : memref<100000x128xf32, #tpu.memory_space<hbm>>) target(%arg19 : memref<64x128xf32, #tpu.memory_space<vmem>>) offsets(%dma_start3A_33 : memref<64xi32, #tpu.memory_space<vmem>>) semaphore(%arg29 : memref<!tpu.dma_semaphore, #tpu.memory_space<semaphore_mem>>)
    %dma_start3A_37 = arith.constant 128 : i32
    %dma_start3A_38 = tpu.memref_slice %arg10[%dma_start3A_37] : memref<512xi32, #tpu.memory_space<vmem>> -> memref<64xi32, #tpu.memory_space<vmem>>
    %dma_start3A_39 = arith.constant 0 : i32
    %dma_start3A_40 = arith.constant 0 : i32
    %dma_start3A_41 = tpu.memref_slice %arg4[%dma_start3A_39, %dma_start3A_40] : memref<100000x128xf32, #tpu.memory_space<hbm>> -> memref<100000x128xf32, #tpu.memory_space<hbm>>
    tpu.enqueue_indirect_dma source(%dma_start3A_41 : memref<100000x128xf32, #tpu.memory_space<hbm>>) target(%arg14 : memref<64x128xf32, #tpu.memory_space<vmem>>) offsets(%dma_start3A_38 : memref<64xi32, #tpu.memory_space<vmem>>) semaphore(%arg30 : memref<!tpu.dma_semaphore, #tpu.memory_space<semaphore_mem>>)
    %dma_start3A_42 = arith.constant 128 : i32
    %dma_start3A_43 = tpu.memref_slice %arg11[%dma_start3A_42] : memref<512xi32, #tpu.memory_space<vmem>> -> memref<64xi32, #tpu.memory_space<vmem>>
    %dma_start3A_44 = arith.constant 0 : i32
    %dma_start3A_45 = arith.constant 0 : i32
    %dma_start3A_46 = tpu.memref_slice %arg5[%dma_start3A_44, %dma_start3A_45] : memref<100000x128xf32, #tpu.memory_space<hbm>> -> memref<100000x128xf32, #tpu.memory_space<hbm>>
    tpu.enqueue_indirect_dma source(%dma_start3A_46 : memref<100000x128xf32, #tpu.memory_space<hbm>>) target(%arg20 : memref<64x128xf32, #tpu.memory_space<vmem>>) offsets(%dma_start3A_43 : memref<64xi32, #tpu.memory_space<vmem>>) semaphore(%arg30 : memref<!tpu.dma_semaphore, #tpu.memory_space<semaphore_mem>>)
    %dma_start3A_47 = arith.constant 192 : i32
    %dma_start3A_48 = tpu.memref_slice %arg10[%dma_start3A_47] : memref<512xi32, #tpu.memory_space<vmem>> -> memref<64xi32, #tpu.memory_space<vmem>>
    %dma_start3A_49 = arith.constant 0 : i32
    %dma_start3A_50 = arith.constant 0 : i32
    %dma_start3A_51 = tpu.memref_slice %arg4[%dma_start3A_49, %dma_start3A_50] : memref<100000x128xf32, #tpu.memory_space<hbm>> -> memref<100000x128xf32, #tpu.memory_space<hbm>>
    tpu.enqueue_indirect_dma source(%dma_start3A_51 : memref<100000x128xf32, #tpu.memory_space<hbm>>) target(%arg15 : memref<64x128xf32, #tpu.memory_space<vmem>>) offsets(%dma_start3A_48 : memref<64xi32, #tpu.memory_space<vmem>>) semaphore(%arg31 : memref<!tpu.dma_semaphore, #tpu.memory_space<semaphore_mem>>)
    %dma_start3A_52 = arith.constant 192 : i32
    %dma_start3A_53 = tpu.memref_slice %arg11[%dma_start3A_52] : memref<512xi32, #tpu.memory_space<vmem>> -> memref<64xi32, #tpu.memory_space<vmem>>
    %dma_start3A_54 = arith.constant 0 : i32
    %dma_start3A_55 = arith.constant 0 : i32
    %dma_start3A_56 = tpu.memref_slice %arg5[%dma_start3A_54, %dma_start3A_55] : memref<100000x128xf32, #tpu.memory_space<hbm>> -> memref<100000x128xf32, #tpu.memory_space<hbm>>
    tpu.enqueue_indirect_dma source(%dma_start3A_56 : memref<100000x128xf32, #tpu.memory_space<hbm>>) target(%arg21 : memref<64x128xf32, #tpu.memory_space<vmem>>) offsets(%dma_start3A_53 : memref<64xi32, #tpu.memory_space<vmem>>) semaphore(%arg31 : memref<!tpu.dma_semaphore, #tpu.memory_space<semaphore_mem>>)
    %dma_start3A_57 = arith.constant 256 : i32
    %dma_start3A_58 = tpu.memref_slice %arg10[%dma_start3A_57] : memref<512xi32, #tpu.memory_space<vmem>> -> memref<64xi32, #tpu.memory_space<vmem>>
    %dma_start3A_59 = arith.constant 0 : i32
    %dma_start3A_60 = arith.constant 0 : i32
    %dma_start3A_61 = tpu.memref_slice %arg4[%dma_start3A_59, %dma_start3A_60] : memref<100000x128xf32, #tpu.memory_space<hbm>> -> memref<100000x128xf32, #tpu.memory_space<hbm>>
    tpu.enqueue_indirect_dma source(%dma_start3A_61 : memref<100000x128xf32, #tpu.memory_space<hbm>>) target(%arg16 : memref<64x128xf32, #tpu.memory_space<vmem>>) offsets(%dma_start3A_58 : memref<64xi32, #tpu.memory_space<vmem>>) semaphore(%arg32 : memref<!tpu.dma_semaphore, #tpu.memory_space<semaphore_mem>>)
    %dma_start3A_62 = arith.constant 256 : i32
    %dma_start3A_63 = tpu.memref_slice %arg11[%dma_start3A_62] : memref<512xi32, #tpu.memory_space<vmem>> -> memref<64xi32, #tpu.memory_space<vmem>>
    %dma_start3A_64 = arith.constant 0 : i32
    %dma_start3A_65 = arith.constant 0 : i32
    %dma_start3A_66 = tpu.memref_slice %arg5[%dma_start3A_64, %dma_start3A_65] : memref<100000x128xf32, #tpu.memory_space<hbm>> -> memref<100000x128xf32, #tpu.memory_space<hbm>>
    tpu.enqueue_indirect_dma source(%dma_start3A_66 : memref<100000x128xf32, #tpu.memory_space<hbm>>) target(%arg22 : memref<64x128xf32, #tpu.memory_space<vmem>>) offsets(%dma_start3A_63 : memref<64xi32, #tpu.memory_space<vmem>>) semaphore(%arg32 : memref<!tpu.dma_semaphore, #tpu.memory_space<semaphore_mem>>)
    %dma_start3A_67 = arith.constant 320 : i32
    %dma_start3A_68 = tpu.memref_slice %arg10[%dma_start3A_67] : memref<512xi32, #tpu.memory_space<vmem>> -> memref<64xi32, #tpu.memory_space<vmem>>
    %dma_start3A_69 = arith.constant 0 : i32
    %dma_start3A_70 = arith.constant 0 : i32
    %dma_start3A_71 = tpu.memref_slice %arg4[%dma_start3A_69, %dma_start3A_70] : memref<100000x128xf32, #tpu.memory_space<hbm>> -> memref<100000x128xf32, #tpu.memory_space<hbm>>
    tpu.enqueue_indirect_dma source(%dma_start3A_71 : memref<100000x128xf32, #tpu.memory_space<hbm>>) target(%arg17 : memref<64x128xf32, #tpu.memory_space<vmem>>) offsets(%dma_start3A_68 : memref<64xi32, #tpu.memory_space<vmem>>) semaphore(%arg33 : memref<!tpu.dma_semaphore, #tpu.memory_space<semaphore_mem>>)
    %dma_start3A_72 = arith.constant 320 : i32
    %dma_start3A_73 = tpu.memref_slice %arg11[%dma_start3A_72] : memref<512xi32, #tpu.memory_space<vmem>> -> memref<64xi32, #tpu.memory_space<vmem>>
    %dma_start3A_74 = arith.constant 0 : i32
    %dma_start3A_75 = arith.constant 0 : i32
    %dma_start3A_76 = tpu.memref_slice %arg5[%dma_start3A_74, %dma_start3A_75] : memref<100000x128xf32, #tpu.memory_space<hbm>> -> memref<100000x128xf32, #tpu.memory_space<hbm>>
    tpu.enqueue_indirect_dma source(%dma_start3A_76 : memref<100000x128xf32, #tpu.memory_space<hbm>>) target(%arg23 : memref<64x128xf32, #tpu.memory_space<vmem>>) offsets(%dma_start3A_73 : memref<64xi32, #tpu.memory_space<vmem>>) semaphore(%arg33 : memref<!tpu.dma_semaphore, #tpu.memory_space<semaphore_mem>>)
    %dma_start3A_77 = arith.constant 0 : i32
    %dma_start3A_78 = tpu.memref_slice %arg24[%dma_start3A_77] : memref<512xf32, #tpu.memory_space<vmem>> -> memref<64xf32, #tpu.memory_space<vmem>>
    %dma_start3A_79 = arith.constant 0 : i32
    %dma_start3A_80 = tpu.memref_slice %arg10[%dma_start3A_79] : memref<512xi32, #tpu.memory_space<vmem>> -> memref<64xi32, #tpu.memory_space<vmem>>
    %dma_start3A_81 = arith.constant 0 : i32
    %dma_start3A_82 = tpu.memref_slice %arg6[%dma_start3A_81] : memref<100000xf32, #tpu.memory_space<hbm>> -> memref<100000xf32, #tpu.memory_space<hbm>>
    tpu.enqueue_indirect_dma source(%dma_start3A_82 : memref<100000xf32, #tpu.memory_space<hbm>>) target(%dma_start3A_78 : memref<64xf32, #tpu.memory_space<vmem>>) offsets(%dma_start3A_80 : memref<64xi32, #tpu.memory_space<vmem>>) semaphore(%arg34 : memref<!tpu.dma_semaphore, #tpu.memory_space<semaphore_mem>>)
    %dma_start3A_83 = arith.constant 0 : i32
    %dma_start3A_84 = tpu.memref_slice %arg25[%dma_start3A_83] : memref<512xf32, #tpu.memory_space<vmem>> -> memref<64xf32, #tpu.memory_space<vmem>>
    %dma_start3A_85 = arith.constant 0 : i32
    %dma_start3A_86 = tpu.memref_slice %arg11[%dma_start3A_85] : memref<512xi32, #tpu.memory_space<vmem>> -> memref<64xi32, #tpu.memory_space<vmem>>
    %dma_start3A_87 = arith.constant 0 : i32
    %dma_start3A_88 = tpu.memref_slice %arg7[%dma_start3A_87] : memref<100000xf32, #tpu.memory_space<hbm>> -> memref<100000xf32, #tpu.memory_space<hbm>>
    tpu.enqueue_indirect_dma source(%dma_start3A_88 : memref<100000xf32, #tpu.memory_space<hbm>>) target(%dma_start3A_84 : memref<64xf32, #tpu.memory_space<vmem>>) offsets(%dma_start3A_86 : memref<64xi32, #tpu.memory_space<vmem>>) semaphore(%arg34 : memref<!tpu.dma_semaphore, #tpu.memory_space<semaphore_mem>>)
    %dma_start3A_89 = arith.constant 64 : i32
    %dma_start3A_90 = tpu.memref_slice %arg24[%dma_start3A_89] : memref<512xf32, #tpu.memory_space<vmem>> -> memref<64xf32, #tpu.memory_space<vmem>>
    %dma_start3A_91 = arith.constant 64 : i32
    %dma_start3A_92 = tpu.memref_slice %arg10[%dma_start3A_91] : memref<512xi32, #tpu.memory_space<vmem>> -> memref<64xi32, #tpu.memory_space<vmem>>
    %dma_start3A_93 = arith.constant 0 : i32
    %dma_start3A_94 = tpu.memref_slice %arg6[%dma_start3A_93] : memref<100000xf32, #tpu.memory_space<hbm>> -> memref<100000xf32, #tpu.memory_space<hbm>>
    tpu.enqueue_indirect_dma source(%dma_start3A_94 : memref<100000xf32, #tpu.memory_space<hbm>>) target(%dma_start3A_90 : memref<64xf32, #tpu.memory_space<vmem>>) offsets(%dma_start3A_92 : memref<64xi32, #tpu.memory_space<vmem>>) semaphore(%arg34 : memref<!tpu.dma_semaphore, #tpu.memory_space<semaphore_mem>>)
    %dma_start3A_95 = arith.constant 64 : i32
    %dma_start3A_96 = tpu.memref_slice %arg25[%dma_start3A_95] : memref<512xf32, #tpu.memory_space<vmem>> -> memref<64xf32, #tpu.memory_space<vmem>>
    %dma_start3A_97 = arith.constant 64 : i32
    %dma_start3A_98 = tpu.memref_slice %arg11[%dma_start3A_97] : memref<512xi32, #tpu.memory_space<vmem>> -> memref<64xi32, #tpu.memory_space<vmem>>
    %dma_start3A_99 = arith.constant 0 : i32
    %dma_start3A_100 = tpu.memref_slice %arg7[%dma_start3A_99] : memref<100000xf32, #tpu.memory_space<hbm>> -> memref<100000xf32, #tpu.memory_space<hbm>>
    tpu.enqueue_indirect_dma source(%dma_start3A_100 : memref<100000xf32, #tpu.memory_space<hbm>>) target(%dma_start3A_96 : memref<64xf32, #tpu.memory_space<vmem>>) offsets(%dma_start3A_98 : memref<64xi32, #tpu.memory_space<vmem>>) semaphore(%arg34 : memref<!tpu.dma_semaphore, #tpu.memory_space<semaphore_mem>>)
    %dma_start3A_101 = arith.constant 128 : i32
    %dma_start3A_102 = tpu.memref_slice %arg24[%dma_start3A_101] : memref<512xf32, #tpu.memory_space<vmem>> -> memref<64xf32, #tpu.memory_space<vmem>>
    %dma_start3A_103 = arith.constant 128 : i32
    %dma_start3A_104 = tpu.memref_slice %arg10[%dma_start3A_103] : memref<512xi32, #tpu.memory_space<vmem>> -> memref<64xi32, #tpu.memory_space<vmem>>
    %dma_start3A_105 = arith.constant 0 : i32
    %dma_start3A_106 = tpu.memref_slice %arg6[%dma_start3A_105] : memref<100000xf32, #tpu.memory_space<hbm>> -> memref<100000xf32, #tpu.memory_space<hbm>>
    tpu.enqueue_indirect_dma source(%dma_start3A_106 : memref<100000xf32, #tpu.memory_space<hbm>>) target(%dma_start3A_102 : memref<64xf32, #tpu.memory_space<vmem>>) offsets(%dma_start3A_104 : memref<64xi32, #tpu.memory_space<vmem>>) semaphore(%arg34 : memref<!tpu.dma_semaphore, #tpu.memory_space<semaphore_mem>>)
    %dma_start3A_107 = arith.constant 128 : i32
    %dma_start3A_108 = tpu.memref_slice %arg25[%dma_start3A_107] : memref<512xf32, #tpu.memory_space<vmem>> -> memref<64xf32, #tpu.memory_space<vmem>>
    %dma_start3A_109 = arith.constant 128 : i32
    %dma_start3A_110 = tpu.memref_slice %arg11[%dma_start3A_109] : memref<512xi32, #tpu.memory_space<vmem>> -> memref<64xi32, #tpu.memory_space<vmem>>
    %dma_start3A_111 = arith.constant 0 : i32
    %dma_start3A_112 = tpu.memref_slice %arg7[%dma_start3A_111] : memref<100000xf32, #tpu.memory_space<hbm>> -> memref<100000xf32, #tpu.memory_space<hbm>>
    tpu.enqueue_indirect_dma source(%dma_start3A_112 : memref<100000xf32, #tpu.memory_space<hbm>>) target(%dma_start3A_108 : memref<64xf32, #tpu.memory_space<vmem>>) offsets(%dma_start3A_110 : memref<64xi32, #tpu.memory_space<vmem>>) semaphore(%arg34 : memref<!tpu.dma_semaphore, #tpu.memory_space<semaphore_mem>>)
    %dma_start3A_113 = arith.constant 192 : i32
    %dma_start3A_114 = tpu.memref_slice %arg24[%dma_start3A_113] : memref<512xf32, #tpu.memory_space<vmem>> -> memref<64xf32, #tpu.memory_space<vmem>>
    %dma_start3A_115 = arith.constant 192 : i32
    %dma_start3A_116 = tpu.memref_slice %arg10[%dma_start3A_115] : memref<512xi32, #tpu.memory_space<vmem>> -> memref<64xi32, #tpu.memory_space<vmem>>
    %dma_start3A_117 = arith.constant 0 : i32
    %dma_start3A_118 = tpu.memref_slice %arg6[%dma_start3A_117] : memref<100000xf32, #tpu.memory_space<hbm>> -> memref<100000xf32, #tpu.memory_space<hbm>>
    tpu.enqueue_indirect_dma source(%dma_start3A_118 : memref<100000xf32, #tpu.memory_space<hbm>>) target(%dma_start3A_114 : memref<64xf32, #tpu.memory_space<vmem>>) offsets(%dma_start3A_116 : memref<64xi32, #tpu.memory_space<vmem>>) semaphore(%arg34 : memref<!tpu.dma_semaphore, #tpu.memory_space<semaphore_mem>>)
    %dma_start3A_119 = arith.constant 192 : i32
    %dma_start3A_120 = tpu.memref_slice %arg25[%dma_start3A_119] : memref<512xf32, #tpu.memory_space<vmem>> -> memref<64xf32, #tpu.memory_space<vmem>>
    %dma_start3A_121 = arith.constant 192 : i32
    %dma_start3A_122 = tpu.memref_slice %arg11[%dma_start3A_121] : memref<512xi32, #tpu.memory_space<vmem>> -> memref<64xi32, #tpu.memory_space<vmem>>
    %dma_start3A_123 = arith.constant 0 : i32
    %dma_start3A_124 = tpu.memref_slice %arg7[%dma_start3A_123] : memref<100000xf32, #tpu.memory_space<hbm>> -> memref<100000xf32, #tpu.memory_space<hbm>>
    tpu.enqueue_indirect_dma source(%dma_start3A_124 : memref<100000xf32, #tpu.memory_space<hbm>>) target(%dma_start3A_120 : memref<64xf32, #tpu.memory_space<vmem>>) offsets(%dma_start3A_122 : memref<64xi32, #tpu.memory_space<vmem>>) semaphore(%arg34 : memref<!tpu.dma_semaphore, #tpu.memory_space<semaphore_mem>>)
    %dma_start3A_125 = arith.constant 256 : i32
    %dma_start3A_126 = tpu.memref_slice %arg24[%dma_start3A_125] : memref<512xf32, #tpu.memory_space<vmem>> -> memref<64xf32, #tpu.memory_space<vmem>>
    %dma_start3A_127 = arith.constant 256 : i32
    %dma_start3A_128 = tpu.memref_slice %arg10[%dma_start3A_127] : memref<512xi32, #tpu.memory_space<vmem>> -> memref<64xi32, #tpu.memory_space<vmem>>
    %dma_start3A_129 = arith.constant 0 : i32
    %dma_start3A_130 = tpu.memref_slice %arg6[%dma_start3A_129] : memref<100000xf32, #tpu.memory_space<hbm>> -> memref<100000xf32, #tpu.memory_space<hbm>>
    tpu.enqueue_indirect_dma source(%dma_start3A_130 : memref<100000xf32, #tpu.memory_space<hbm>>) target(%dma_start3A_126 : memref<64xf32, #tpu.memory_space<vmem>>) offsets(%dma_start3A_128 : memref<64xi32, #tpu.memory_space<vmem>>) semaphore(%arg34 : memref<!tpu.dma_semaphore, #tpu.memory_space<semaphore_mem>>)
    %dma_start3A_131 = arith.constant 256 : i32
    %dma_start3A_132 = tpu.memref_slice %arg25[%dma_start3A_131] : memref<512xf32, #tpu.memory_space<vmem>> -> memref<64xf32, #tpu.memory_space<vmem>>
    %dma_start3A_133 = arith.constant 256 : i32
    %dma_start3A_134 = tpu.memref_slice %arg11[%dma_start3A_133] : memref<512xi32, #tpu.memory_space<vmem>> -> memref<64xi32, #tpu.memory_space<vmem>>
    %dma_start3A_135 = arith.constant 0 : i32
    %dma_start3A_136 = tpu.memref_slice %arg7[%dma_start3A_135] : memref<100000xf32, #tpu.memory_space<hbm>> -> memref<100000xf32, #tpu.memory_space<hbm>>
    tpu.enqueue_indirect_dma source(%dma_start3A_136 : memref<100000xf32, #tpu.memory_space<hbm>>) target(%dma_start3A_132 : memref<64xf32, #tpu.memory_space<vmem>>) offsets(%dma_start3A_134 : memref<64xi32, #tpu.memory_space<vmem>>) semaphore(%arg34 : memref<!tpu.dma_semaphore, #tpu.memory_space<semaphore_mem>>)
    %dma_start3A_137 = arith.constant 320 : i32
    %dma_start3A_138 = tpu.memref_slice %arg24[%dma_start3A_137] : memref<512xf32, #tpu.memory_space<vmem>> -> memref<64xf32, #tpu.memory_space<vmem>>
    %dma_start3A_139 = arith.constant 320 : i32
    %dma_start3A_140 = tpu.memref_slice %arg10[%dma_start3A_139] : memref<512xi32, #tpu.memory_space<vmem>> -> memref<64xi32, #tpu.memory_space<vmem>>
    %dma_start3A_141 = arith.constant 0 : i32
    %dma_start3A_142 = tpu.memref_slice %arg6[%dma_start3A_141] : memref<100000xf32, #tpu.memory_space<hbm>> -> memref<100000xf32, #tpu.memory_space<hbm>>
    tpu.enqueue_indirect_dma source(%dma_start3A_142 : memref<100000xf32, #tpu.memory_space<hbm>>) target(%dma_start3A_138 : memref<64xf32, #tpu.memory_space<vmem>>) offsets(%dma_start3A_140 : memref<64xi32, #tpu.memory_space<vmem>>) semaphore(%arg34 : memref<!tpu.dma_semaphore, #tpu.memory_space<semaphore_mem>>)
    %dma_start3A_143 = arith.constant 320 : i32
    %dma_start3A_144 = tpu.memref_slice %arg25[%dma_start3A_143] : memref<512xf32, #tpu.memory_space<vmem>> -> memref<64xf32, #tpu.memory_space<vmem>>
    %dma_start3A_145 = arith.constant 320 : i32
    %dma_start3A_146 = tpu.memref_slice %arg11[%dma_start3A_145] : memref<512xi32, #tpu.memory_space<vmem>> -> memref<64xi32, #tpu.memory_space<vmem>>
    %dma_start3A_147 = arith.constant 0 : i32
    %dma_start3A_148 = tpu.memref_slice %arg7[%dma_start3A_147] : memref<100000xf32, #tpu.memory_space<hbm>> -> memref<100000xf32, #tpu.memory_space<hbm>>
    tpu.enqueue_indirect_dma source(%dma_start3A_148 : memref<100000xf32, #tpu.memory_space<hbm>>) target(%dma_start3A_144 : memref<64xf32, #tpu.memory_space<vmem>>) offsets(%dma_start3A_146 : memref<64xi32, #tpu.memory_space<vmem>>) semaphore(%arg34 : memref<!tpu.dma_semaphore, #tpu.memory_space<semaphore_mem>>)
    %dma_start3A_149 = arith.constant 384 : i32
    %dma_start3A_150 = tpu.memref_slice %arg24[%dma_start3A_149] : memref<512xf32, #tpu.memory_space<vmem>> -> memref<64xf32, #tpu.memory_space<vmem>>
    %dma_start3A_151 = arith.constant 384 : i32
    %dma_start3A_152 = tpu.memref_slice %arg10[%dma_start3A_151] : memref<512xi32, #tpu.memory_space<vmem>> -> memref<64xi32, #tpu.memory_space<vmem>>
    %dma_start3A_153 = arith.constant 0 : i32
    %dma_start3A_154 = tpu.memref_slice %arg6[%dma_start3A_153] : memref<100000xf32, #tpu.memory_space<hbm>> -> memref<100000xf32, #tpu.memory_space<hbm>>
    tpu.enqueue_indirect_dma source(%dma_start3A_154 : memref<100000xf32, #tpu.memory_space<hbm>>) target(%dma_start3A_150 : memref<64xf32, #tpu.memory_space<vmem>>) offsets(%dma_start3A_152 : memref<64xi32, #tpu.memory_space<vmem>>) semaphore(%arg34 : memref<!tpu.dma_semaphore, #tpu.memory_space<semaphore_mem>>)
    %dma_start3A_155 = arith.constant 384 : i32
    %dma_start3A_156 = tpu.memref_slice %arg25[%dma_start3A_155] : memref<512xf32, #tpu.memory_space<vmem>> -> memref<64xf32, #tpu.memory_space<vmem>>
    %dma_start3A_157 = arith.constant 384 : i32
    %dma_start3A_158 = tpu.memref_slice %arg11[%dma_start3A_157] : memref<512xi32, #tpu.memory_space<vmem>> -> memref<64xi32, #tpu.memory_space<vmem>>
    %dma_start3A_159 = arith.constant 0 : i32
    %dma_start3A_160 = tpu.memref_slice %arg7[%dma_start3A_159] : memref<100000xf32, #tpu.memory_space<hbm>> -> memref<100000xf32, #tpu.memory_space<hbm>>
    tpu.enqueue_indirect_dma source(%dma_start3A_160 : memref<100000xf32, #tpu.memory_space<hbm>>) target(%dma_start3A_156 : memref<64xf32, #tpu.memory_space<vmem>>) offsets(%dma_start3A_158 : memref<64xi32, #tpu.memory_space<vmem>>) semaphore(%arg34 : memref<!tpu.dma_semaphore, #tpu.memory_space<semaphore_mem>>)
    %dma_start3A_161 = arith.constant 448 : i32
    %dma_start3A_162 = tpu.memref_slice %arg24[%dma_start3A_161] : memref<512xf32, #tpu.memory_space<vmem>> -> memref<64xf32, #tpu.memory_space<vmem>>
    %dma_start3A_163 = arith.constant 448 : i32
    %dma_start3A_164 = tpu.memref_slice %arg10[%dma_start3A_163] : memref<512xi32, #tpu.memory_space<vmem>> -> memref<64xi32, #tpu.memory_space<vmem>>
    %dma_start3A_165 = arith.constant 0 : i32
    %dma_start3A_166 = tpu.memref_slice %arg6[%dma_start3A_165] : memref<100000xf32, #tpu.memory_space<hbm>> -> memref<100000xf32, #tpu.memory_space<hbm>>
    tpu.enqueue_indirect_dma source(%dma_start3A_166 : memref<100000xf32, #tpu.memory_space<hbm>>) target(%dma_start3A_162 : memref<64xf32, #tpu.memory_space<vmem>>) offsets(%dma_start3A_164 : memref<64xi32, #tpu.memory_space<vmem>>) semaphore(%arg34 : memref<!tpu.dma_semaphore, #tpu.memory_space<semaphore_mem>>)
    %dma_start3A_167 = arith.constant 448 : i32
    %dma_start3A_168 = tpu.memref_slice %arg25[%dma_start3A_167] : memref<512xf32, #tpu.memory_space<vmem>> -> memref<64xf32, #tpu.memory_space<vmem>>
    %dma_start3A_169 = arith.constant 448 : i32
    %dma_start3A_170 = tpu.memref_slice %arg11[%dma_start3A_169] : memref<512xi32, #tpu.memory_space<vmem>> -> memref<64xi32, #tpu.memory_space<vmem>>
    %dma_start3A_171 = arith.constant 0 : i32
    %dma_start3A_172 = tpu.memref_slice %arg7[%dma_start3A_171] : memref<100000xf32, #tpu.memory_space<hbm>> -> memref<100000xf32, #tpu.memory_space<hbm>>
    tpu.enqueue_indirect_dma source(%dma_start3A_172 : memref<100000xf32, #tpu.memory_space<hbm>>) target(%dma_start3A_168 : memref<64xf32, #tpu.memory_space<vmem>>) offsets(%dma_start3A_170 : memref<64xi32, #tpu.memory_space<vmem>>) semaphore(%arg34 : memref<!tpu.dma_semaphore, #tpu.memory_space<semaphore_mem>>)
    %dma_wait3A_173 = arith.constant 0 : i32
    %dma_wait3A_174 = tpu.memref_slice %arg10[%dma_wait3A_173] : memref<512xi32, #tpu.memory_space<vmem>> -> memref<64xi32, #tpu.memory_space<vmem>>
    %dma_wait3A_175 = arith.constant 0 : i32
    %dma_wait3A_176 = arith.constant 0 : i32
    %dma_wait3A_177 = tpu.memref_slice %arg4[%dma_wait3A_175, %dma_wait3A_176] : memref<100000x128xf32, #tpu.memory_space<hbm>> -> memref<100000x128xf32, #tpu.memory_space<hbm>>
    tpu.wait_indirect_dma semaphore(%arg28 : memref<!tpu.dma_semaphore, #tpu.memory_space<semaphore_mem>>) src(%dma_wait3A_177 : memref<100000x128xf32, #tpu.memory_space<hbm>>) dst(%arg12 : memref<64x128xf32, #tpu.memory_space<vmem>>)
    %dma_wait3A_178 = arith.constant 0 : i32
    %dma_wait3A_179 = tpu.memref_slice %arg11[%dma_wait3A_178] : memref<512xi32, #tpu.memory_space<vmem>> -> memref<64xi32, #tpu.memory_space<vmem>>
    %dma_wait3A_180 = arith.constant 0 : i32
    %dma_wait3A_181 = arith.constant 0 : i32
    %dma_wait3A_182 = tpu.memref_slice %arg5[%dma_wait3A_180, %dma_wait3A_181] : memref<100000x128xf32, #tpu.memory_space<hbm>> -> memref<100000x128xf32, #tpu.memory_space<hbm>>
    tpu.wait_indirect_dma semaphore(%arg28 : memref<!tpu.dma_semaphore, #tpu.memory_space<semaphore_mem>>) src(%dma_wait3A_182 : memref<100000x128xf32, #tpu.memory_space<hbm>>) dst(%arg18 : memref<64x128xf32, #tpu.memory_space<vmem>>)
    %parallel_loop3A = arith.constant 0 : i32
    %parallel_loop3A_183 = arith.constant 64 : i32
    %parallel_loop3A_184 = arith.constant 1 : i32
    scf.for %parallel_loop3A_396 = %parallel_loop3A to %parallel_loop3A_183 step %parallel_loop3A_184  : i32 {
      %parallel_loop3A_397 = arith.index_cast %parallel_loop3A_396 : i32 to index
      %parallel_loop3A_398 = arith.constant 0 : index
      %parallel_loop3A_399 = tpu.vector_load %arg12[%parallel_loop3A_397, %parallel_loop3A_398] {strides = array<i32>} : memref<64x128xf32, #tpu.memory_space<vmem>>, vector<16xf32>,
      %parallel_loop3A_400 = arith.index_cast %parallel_loop3A_396 : i32 to index
      %parallel_loop3A_401 = arith.constant 0 : index
      %parallel_loop3A_402 = tpu.vector_load %arg18[%parallel_loop3A_400, %parallel_loop3A_401] {strides = array<i32>} : memref<64x128xf32, #tpu.memory_space<vmem>>, vector<16xf32>,
      %parallel_loop3A_403 = arith.mulf %parallel_loop3A_399, %parallel_loop3A_402 : vector<16xf32>
      %parallel_loop3A_404 = arith.index_cast %parallel_loop3A_396 : i32 to index
      %parallel_loop3A_405 = arith.constant 16 : index
      %parallel_loop3A_406 = tpu.vector_load %arg12[%parallel_loop3A_404, %parallel_loop3A_405] {strides = array<i32>} : memref<64x128xf32, #tpu.memory_space<vmem>>, vector<16xf32>,
      %parallel_loop3A_407 = arith.index_cast %parallel_loop3A_396 : i32 to index
      %parallel_loop3A_408 = arith.constant 16 : index
      %parallel_loop3A_409 = tpu.vector_load %arg18[%parallel_loop3A_407, %parallel_loop3A_408] {strides = array<i32>} : memref<64x128xf32, #tpu.memory_space<vmem>>, vector<16xf32>,
      %parallel_loop3A_410 = arith.mulf %parallel_loop3A_406, %parallel_loop3A_409 : vector<16xf32>
      %parallel_loop3A_411 = arith.index_cast %parallel_loop3A_396 : i32 to index
      %parallel_loop3A_412 = arith.constant 32 : index
      %parallel_loop3A_413 = tpu.vector_load %arg12[%parallel_loop3A_411, %parallel_loop3A_412] {strides = array<i32>} : memref<64x128xf32, #tpu.memory_space<vmem>>, vector<16xf32>,
      %parallel_loop3A_414 = arith.index_cast %parallel_loop3A_396 : i32 to index
      %parallel_loop3A_415 = arith.constant 32 : index
      %parallel_loop3A_416 = tpu.vector_load %arg18[%parallel_loop3A_414, %parallel_loop3A_415] {strides = array<i32>} : memref<64x128xf32, #tpu.memory_space<vmem>>, vector<16xf32>,
      %parallel_loop3A_417 = arith.mulf %parallel_loop3A_413, %parallel_loop3A_416 : vector<16xf32>
      %parallel_loop3A_418 = arith.index_cast %parallel_loop3A_396 : i32 to index
      %parallel_loop3A_419 = arith.constant 48 : index
      %parallel_loop3A_420 = tpu.vector_load %arg12[%parallel_loop3A_418, %parallel_loop3A_419] {strides = array<i32>} : memref<64x128xf32, #tpu.memory_space<vmem>>, vector<16xf32>,
      %parallel_loop3A_421 = arith.index_cast %parallel_loop3A_396 : i32 to index
      %parallel_loop3A_422 = arith.constant 48 : index
      %parallel_loop3A_423 = tpu.vector_load %arg18[%parallel_loop3A_421, %parallel_loop3A_422] {strides = array<i32>} : memref<64x128xf32, #tpu.memory_space<vmem>>, vector<16xf32>,
      %parallel_loop3A_424 = arith.mulf %parallel_loop3A_420, %parallel_loop3A_423 : vector<16xf32>
      %parallel_loop3A_425 = arith.index_cast %parallel_loop3A_396 : i32 to index
      %parallel_loop3A_426 = arith.constant 64 : index
      %parallel_loop3A_427 = tpu.vector_load %arg12[%parallel_loop3A_425, %parallel_loop3A_426] {strides = array<i32>} : memref<64x128xf32, #tpu.memory_space<vmem>>, vector<16xf32>,
      %parallel_loop3A_428 = arith.index_cast %parallel_loop3A_396 : i32 to index
      %parallel_loop3A_429 = arith.constant 64 : index
      %parallel_loop3A_430 = tpu.vector_load %arg18[%parallel_loop3A_428, %parallel_loop3A_429] {strides = array<i32>} : memref<64x128xf32, #tpu.memory_space<vmem>>, vector<16xf32>,
      %parallel_loop3A_431 = arith.mulf %parallel_loop3A_427, %parallel_loop3A_430 : vector<16xf32>
      %parallel_loop3A_432 = arith.index_cast %parallel_loop3A_396 : i32 to index
      %parallel_loop3A_433 = arith.constant 80 : index
      %parallel_loop3A_434 = tpu.vector_load %arg12[%parallel_loop3A_432, %parallel_loop3A_433] {strides = array<i32>} : memref<64x128xf32, #tpu.memory_space<vmem>>, vector<16xf32>,
      %parallel_loop3A_435 = arith.index_cast %parallel_loop3A_396 : i32 to index
      %parallel_loop3A_436 = arith.constant 80 : index
      %parallel_loop3A_437 = tpu.vector_load %arg18[%parallel_loop3A_435, %parallel_loop3A_436] {strides = array<i32>} : memref<64x128xf32, #tpu.memory_space<vmem>>, vector<16xf32>,
      %parallel_loop3A_438 = arith.mulf %parallel_loop3A_434, %parallel_loop3A_437 : vector<16xf32>
      %parallel_loop3A_439 = arith.index_cast %parallel_loop3A_396 : i32 to index
      %parallel_loop3A_440 = arith.constant 96 : index
      %parallel_loop3A_441 = tpu.vector_load %arg12[%parallel_loop3A_439, %parallel_loop3A_440] {strides = array<i32>} : memref<64x128xf32, #tpu.memory_space<vmem>>, vector<16xf32>,
      %parallel_loop3A_442 = arith.index_cast %parallel_loop3A_396 : i32 to index
      %parallel_loop3A_443 = arith.constant 96 : index
      %parallel_loop3A_444 = tpu.vector_load %arg18[%parallel_loop3A_442, %parallel_loop3A_443] {strides = array<i32>} : memref<64x128xf32, #tpu.memory_space<vmem>>, vector<16xf32>,
      %parallel_loop3A_445 = arith.mulf %parallel_loop3A_441, %parallel_loop3A_444 : vector<16xf32>
      %parallel_loop3A_446 = arith.index_cast %parallel_loop3A_396 : i32 to index
      %parallel_loop3A_447 = arith.constant 112 : index
      %parallel_loop3A_448 = tpu.vector_load %arg12[%parallel_loop3A_446, %parallel_loop3A_447] {strides = array<i32>} : memref<64x128xf32, #tpu.memory_space<vmem>>, vector<16xf32>,
      %parallel_loop3A_449 = arith.index_cast %parallel_loop3A_396 : i32 to index
      %parallel_loop3A_450 = arith.constant 112 : index
      %parallel_loop3A_451 = tpu.vector_load %arg18[%parallel_loop3A_449, %parallel_loop3A_450] {strides = array<i32>} : memref<64x128xf32, #tpu.memory_space<vmem>>, vector<16xf32>,
      %parallel_loop3A_452 = arith.mulf %parallel_loop3A_448, %parallel_loop3A_451 : vector<16xf32>
      %parallel_loop3A_453 = arith.addf %parallel_loop3A_403, %parallel_loop3A_410 : vector<16xf32>
      %parallel_loop3A_454 = arith.addf %parallel_loop3A_417, %parallel_loop3A_424 : vector<16xf32>
      %parallel_loop3A_455 = arith.addf %parallel_loop3A_431, %parallel_loop3A_438 : vector<16xf32>
      %parallel_loop3A_456 = arith.addf %parallel_loop3A_445, %parallel_loop3A_452 : vector<16xf32>
      %parallel_loop3A_457 = arith.addf %parallel_loop3A_453, %parallel_loop3A_454 : vector<16xf32>
      %parallel_loop3A_458 = arith.addf %parallel_loop3A_455, %parallel_loop3A_456 : vector<16xf32>
      %parallel_loop3A_459 = arith.addf %parallel_loop3A_457, %parallel_loop3A_458 : vector<16xf32>
      %parallel_loop3A_460 = arith.constant true
      %parallel_loop3A_461 = vector.broadcast %parallel_loop3A_460 : i1 to vector<16xi1>
      %parallel_loop3A_462 = tpu.scan <sum>, %parallel_loop3A_459 masked %parallel_loop3A_461 : vector<16xf32>, vector<16xi1> -> vector<16xf32>
      %parallel_loop3A_463 = arith.constant 0 : i32
      %parallel_loop3A_464 = vector.broadcast %parallel_loop3A_463 : i32 to vector<16xi32>
      %parallel_loop3A_465 = vector.broadcast %parallel_loop3A_396 : i32 to vector<16xi32>
      %parallel_loop3A_466 = arith.addi %parallel_loop3A_464, %parallel_loop3A_465 : vector<16xi32>
      %parallel_loop3A_467 = arith.constant 15 : i32
      %parallel_loop3A_468 = vector.broadcast %parallel_loop3A_467 : i32 to vector<16xi32>
      %parallel_loop3A_469 = arith.cmpi eq, %iota3A, %parallel_loop3A_468 : vector<16xi32>
      tpu.vector_store_idx %arg27[%parallel_loop3A_466], %parallel_loop3A_462 masked %parallel_loop3A_469 : memref<512xf32, #tpu.memory_space<vmem>>[vector<16xi32>], vector<16xf32>, vector<16xi1>
    } {sc.loop_unroll_factor = 4 : i64, sc.parallel_access}
    %dma_start3A_185 = arith.constant 384 : i32
    %dma_start3A_186 = tpu.memref_slice %arg10[%dma_start3A_185] : memref<512xi32, #tpu.memory_space<vmem>> -> memref<64xi32, #tpu.memory_space<vmem>>
    %dma_start3A_187 = arith.constant 0 : i32
    %dma_start3A_188 = arith.constant 0 : i32
    %dma_start3A_189 = tpu.memref_slice %arg4[%dma_start3A_187, %dma_start3A_188] : memref<100000x128xf32, #tpu.memory_space<hbm>> -> memref<100000x128xf32, #tpu.memory_space<hbm>>
    tpu.enqueue_indirect_dma source(%dma_start3A_189 : memref<100000x128xf32, #tpu.memory_space<hbm>>) target(%arg12 : memref<64x128xf32, #tpu.memory_space<vmem>>) offsets(%dma_start3A_186 : memref<64xi32, #tpu.memory_space<vmem>>) semaphore(%arg28 : memref<!tpu.dma_semaphore, #tpu.memory_space<semaphore_mem>>)
    %dma_start3A_190 = arith.constant 384 : i32
    %dma_start3A_191 = tpu.memref_slice %arg11[%dma_start3A_190] : memref<512xi32, #tpu.memory_space<vmem>> -> memref<64xi32, #tpu.memory_space<vmem>>
    %dma_start3A_192 = arith.constant 0 : i32
    %dma_start3A_193 = arith.constant 0 : i32
    %dma_start3A_194 = tpu.memref_slice %arg5[%dma_start3A_192, %dma_start3A_193] : memref<100000x128xf32, #tpu.memory_space<hbm>> -> memref<100000x128xf32, #tpu.memory_space<hbm>>
    tpu.enqueue_indirect_dma source(%dma_start3A_194 : memref<100000x128xf32, #tpu.memory_space<hbm>>) target(%arg18 : memref<64x128xf32, #tpu.memory_space<vmem>>) offsets(%dma_start3A_191 : memref<64xi32, #tpu.memory_space<vmem>>) semaphore(%arg28 : memref<!tpu.dma_semaphore, #tpu.memory_space<semaphore_mem>>)
    %dma_wait3A_195 = arith.constant 64 : i32
    %dma_wait3A_196 = tpu.memref_slice %arg10[%dma_wait3A_195] : memref<512xi32, #tpu.memory_space<vmem>> -> memref<64xi32, #tpu.memory_space<vmem>>
    %dma_wait3A_197 = arith.constant 0 : i32
    %dma_wait3A_198 = arith.constant 0 : i32
    %dma_wait3A_199 = tpu.memref_slice %arg4[%dma_wait3A_197, %dma_wait3A_198] : memref<100000x128xf32, #tpu.memory_space<hbm>> -> memref<100000x128xf32, #tpu.memory_space<hbm>>
    tpu.wait_indirect_dma semaphore(%arg29 : memref<!tpu.dma_semaphore, #tpu.memory_space<semaphore_mem>>) src(%dma_wait3A_199 : memref<100000x128xf32, #tpu.memory_space<hbm>>) dst(%arg13 : memref<64x128xf32, #tpu.memory_space<vmem>>)
    %dma_wait3A_200 = arith.constant 64 : i32
    %dma_wait3A_201 = tpu.memref_slice %arg11[%dma_wait3A_200] : memref<512xi32, #tpu.memory_space<vmem>> -> memref<64xi32, #tpu.memory_space<vmem>>
    %dma_wait3A_202 = arith.constant 0 : i32
    %dma_wait3A_203 = arith.constant 0 : i32
    %dma_wait3A_204 = tpu.memref_slice %arg5[%dma_wait3A_202, %dma_wait3A_203] : memref<100000x128xf32, #tpu.memory_space<hbm>> -> memref<100000x128xf32, #tpu.memory_space<hbm>>
    tpu.wait_indirect_dma semaphore(%arg29 : memref<!tpu.dma_semaphore, #tpu.memory_space<semaphore_mem>>) src(%dma_wait3A_204 : memref<100000x128xf32, #tpu.memory_space<hbm>>) dst(%arg19 : memref<64x128xf32, #tpu.memory_space<vmem>>)
    %parallel_loop3A_205 = arith.constant 0 : i32
    %parallel_loop3A_206 = arith.constant 64 : i32
    %parallel_loop3A_207 = arith.constant 1 : i32
    scf.for %parallel_loop3A_396 = %parallel_loop3A_205 to %parallel_loop3A_206 step %parallel_loop3A_207  : i32 {
      %parallel_loop3A_397 = arith.index_cast %parallel_loop3A_396 : i32 to index
      %parallel_loop3A_398 = arith.constant 0 : index
      %parallel_loop3A_399 = tpu.vector_load %arg13[%parallel_loop3A_397, %parallel_loop3A_398] {strides = array<i32>} : memref<64x128xf32, #tpu.memory_space<vmem>>, vector<16xf32>,
      %parallel_loop3A_400 = arith.index_cast %parallel_loop3A_396 : i32 to index
      %parallel_loop3A_401 = arith.constant 0 : index
      %parallel_loop3A_402 = tpu.vector_load %arg19[%parallel_loop3A_400, %parallel_loop3A_401] {strides = array<i32>} : memref<64x128xf32, #tpu.memory_space<vmem>>, vector<16xf32>,
      %parallel_loop3A_403 = arith.mulf %parallel_loop3A_399, %parallel_loop3A_402 : vector<16xf32>
      %parallel_loop3A_404 = arith.index_cast %parallel_loop3A_396 : i32 to index
      %parallel_loop3A_405 = arith.constant 16 : index
      %parallel_loop3A_406 = tpu.vector_load %arg13[%parallel_loop3A_404, %parallel_loop3A_405] {strides = array<i32>} : memref<64x128xf32, #tpu.memory_space<vmem>>, vector<16xf32>,
      %parallel_loop3A_407 = arith.index_cast %parallel_loop3A_396 : i32 to index
      %parallel_loop3A_408 = arith.constant 16 : index
      %parallel_loop3A_409 = tpu.vector_load %arg19[%parallel_loop3A_407, %parallel_loop3A_408] {strides = array<i32>} : memref<64x128xf32, #tpu.memory_space<vmem>>, vector<16xf32>,
      %parallel_loop3A_410 = arith.mulf %parallel_loop3A_406, %parallel_loop3A_409 : vector<16xf32>
      %parallel_loop3A_411 = arith.index_cast %parallel_loop3A_396 : i32 to index
      %parallel_loop3A_412 = arith.constant 32 : index
      %parallel_loop3A_413 = tpu.vector_load %arg13[%parallel_loop3A_411, %parallel_loop3A_412] {strides = array<i32>} : memref<64x128xf32, #tpu.memory_space<vmem>>, vector<16xf32>,
      %parallel_loop3A_414 = arith.index_cast %parallel_loop3A_396 : i32 to index
      %parallel_loop3A_415 = arith.constant 32 : index
      %parallel_loop3A_416 = tpu.vector_load %arg19[%parallel_loop3A_414, %parallel_loop3A_415] {strides = array<i32>} : memref<64x128xf32, #tpu.memory_space<vmem>>, vector<16xf32>,
      %parallel_loop3A_417 = arith.mulf %parallel_loop3A_413, %parallel_loop3A_416 : vector<16xf32>
      %parallel_loop3A_418 = arith.index_cast %parallel_loop3A_396 : i32 to index
      %parallel_loop3A_419 = arith.constant 48 : index
      %parallel_loop3A_420 = tpu.vector_load %arg13[%parallel_loop3A_418, %parallel_loop3A_419] {strides = array<i32>} : memref<64x128xf32, #tpu.memory_space<vmem>>, vector<16xf32>,
      %parallel_loop3A_421 = arith.index_cast %parallel_loop3A_396 : i32 to index
      %parallel_loop3A_422 = arith.constant 48 : index
      %parallel_loop3A_423 = tpu.vector_load %arg19[%parallel_loop3A_421, %parallel_loop3A_422] {strides = array<i32>} : memref<64x128xf32, #tpu.memory_space<vmem>>, vector<16xf32>,
      %parallel_loop3A_424 = arith.mulf %parallel_loop3A_420, %parallel_loop3A_423 : vector<16xf32>
      %parallel_loop3A_425 = arith.index_cast %parallel_loop3A_396 : i32 to index
      %parallel_loop3A_426 = arith.constant 64 : index
      %parallel_loop3A_427 = tpu.vector_load %arg13[%parallel_loop3A_425, %parallel_loop3A_426] {strides = array<i32>} : memref<64x128xf32, #tpu.memory_space<vmem>>, vector<16xf32>,
      %parallel_loop3A_428 = arith.index_cast %parallel_loop3A_396 : i32 to index
      %parallel_loop3A_429 = arith.constant 64 : index
      %parallel_loop3A_430 = tpu.vector_load %arg19[%parallel_loop3A_428, %parallel_loop3A_429] {strides = array<i32>} : memref<64x128xf32, #tpu.memory_space<vmem>>, vector<16xf32>,
      %parallel_loop3A_431 = arith.mulf %parallel_loop3A_427, %parallel_loop3A_430 : vector<16xf32>
      %parallel_loop3A_432 = arith.index_cast %parallel_loop3A_396 : i32 to index
      %parallel_loop3A_433 = arith.constant 80 : index
      %parallel_loop3A_434 = tpu.vector_load %arg13[%parallel_loop3A_432, %parallel_loop3A_433] {strides = array<i32>} : memref<64x128xf32, #tpu.memory_space<vmem>>, vector<16xf32>,
      %parallel_loop3A_435 = arith.index_cast %parallel_loop3A_396 : i32 to index
      %parallel_loop3A_436 = arith.constant 80 : index
      %parallel_loop3A_437 = tpu.vector_load %arg19[%parallel_loop3A_435, %parallel_loop3A_436] {strides = array<i32>} : memref<64x128xf32, #tpu.memory_space<vmem>>, vector<16xf32>,
      %parallel_loop3A_438 = arith.mulf %parallel_loop3A_434, %parallel_loop3A_437 : vector<16xf32>
      %parallel_loop3A_439 = arith.index_cast %parallel_loop3A_396 : i32 to index
      %parallel_loop3A_440 = arith.constant 96 : index
      %parallel_loop3A_441 = tpu.vector_load %arg13[%parallel_loop3A_439, %parallel_loop3A_440] {strides = array<i32>} : memref<64x128xf32, #tpu.memory_space<vmem>>, vector<16xf32>,
      %parallel_loop3A_442 = arith.index_cast %parallel_loop3A_396 : i32 to index
      %parallel_loop3A_443 = arith.constant 96 : index
      %parallel_loop3A_444 = tpu.vector_load %arg19[%parallel_loop3A_442, %parallel_loop3A_443] {strides = array<i32>} : memref<64x128xf32, #tpu.memory_space<vmem>>, vector<16xf32>,
      %parallel_loop3A_445 = arith.mulf %parallel_loop3A_441, %parallel_loop3A_444 : vector<16xf32>
      %parallel_loop3A_446 = arith.index_cast %parallel_loop3A_396 : i32 to index
      %parallel_loop3A_447 = arith.constant 112 : index
      %parallel_loop3A_448 = tpu.vector_load %arg13[%parallel_loop3A_446, %parallel_loop3A_447] {strides = array<i32>} : memref<64x128xf32, #tpu.memory_space<vmem>>, vector<16xf32>,
      %parallel_loop3A_449 = arith.index_cast %parallel_loop3A_396 : i32 to index
      %parallel_loop3A_450 = arith.constant 112 : index
      %parallel_loop3A_451 = tpu.vector_load %arg19[%parallel_loop3A_449, %parallel_loop3A_450] {strides = array<i32>} : memref<64x128xf32, #tpu.memory_space<vmem>>, vector<16xf32>,
      %parallel_loop3A_452 = arith.mulf %parallel_loop3A_448, %parallel_loop3A_451 : vector<16xf32>
      %parallel_loop3A_453 = arith.addf %parallel_loop3A_403, %parallel_loop3A_410 : vector<16xf32>
      %parallel_loop3A_454 = arith.addf %parallel_loop3A_417, %parallel_loop3A_424 : vector<16xf32>
      %parallel_loop3A_455 = arith.addf %parallel_loop3A_431, %parallel_loop3A_438 : vector<16xf32>
      %parallel_loop3A_456 = arith.addf %parallel_loop3A_445, %parallel_loop3A_452 : vector<16xf32>
      %parallel_loop3A_457 = arith.addf %parallel_loop3A_453, %parallel_loop3A_454 : vector<16xf32>
      %parallel_loop3A_458 = arith.addf %parallel_loop3A_455, %parallel_loop3A_456 : vector<16xf32>
      %parallel_loop3A_459 = arith.addf %parallel_loop3A_457, %parallel_loop3A_458 : vector<16xf32>
      %parallel_loop3A_460 = arith.constant true
      %parallel_loop3A_461 = vector.broadcast %parallel_loop3A_460 : i1 to vector<16xi1>
      %parallel_loop3A_462 = tpu.scan <sum>, %parallel_loop3A_459 masked %parallel_loop3A_461 : vector<16xf32>, vector<16xi1> -> vector<16xf32>
      %parallel_loop3A_463 = arith.constant 64 : i32
      %parallel_loop3A_464 = vector.broadcast %parallel_loop3A_463 : i32 to vector<16xi32>
      %parallel_loop3A_465 = vector.broadcast %parallel_loop3A_396 : i32 to vector<16xi32>
      %parallel_loop3A_466 = arith.addi %parallel_loop3A_464, %parallel_loop3A_465 : vector<16xi32>
      %parallel_loop3A_467 = arith.constant 15 : i32
      %parallel_loop3A_468 = vector.broadcast %parallel_loop3A_467 : i32 to vector<16xi32>
      %parallel_loop3A_469 = arith.cmpi eq, %iota3A, %parallel_loop3A_468 : vector<16xi32>
      tpu.vector_store_idx %arg27[%parallel_loop3A_466], %parallel_loop3A_462 masked %parallel_loop3A_469 : memref<512xf32, #tpu.memory_space<vmem>>[vector<16xi32>], vector<16xf32>, vector<16xi1>
    } {sc.loop_unroll_factor = 4 : i64, sc.parallel_access}
    %dma_start3A_208 = arith.constant 448 : i32
    %dma_start3A_209 = tpu.memref_slice %arg10[%dma_start3A_208] : memref<512xi32, #tpu.memory_space<vmem>> -> memref<64xi32, #tpu.memory_space<vmem>>
    %dma_start3A_210 = arith.constant 0 : i32
    %dma_start3A_211 = arith.constant 0 : i32
    %dma_start3A_212 = tpu.memref_slice %arg4[%dma_start3A_210, %dma_start3A_211] : memref<100000x128xf32, #tpu.memory_space<hbm>> -> memref<100000x128xf32, #tpu.memory_space<hbm>>
    tpu.enqueue_indirect_dma source(%dma_start3A_212 : memref<100000x128xf32, #tpu.memory_space<hbm>>) target(%arg13 : memref<64x128xf32, #tpu.memory_space<vmem>>) offsets(%dma_start3A_209 : memref<64xi32, #tpu.memory_space<vmem>>) semaphore(%arg29 : memref<!tpu.dma_semaphore, #tpu.memory_space<semaphore_mem>>)
    %dma_start3A_213 = arith.constant 448 : i32
    %dma_start3A_214 = tpu.memref_slice %arg11[%dma_start3A_213] : memref<512xi32, #tpu.memory_space<vmem>> -> memref<64xi32, #tpu.memory_space<vmem>>
    %dma_start3A_215 = arith.constant 0 : i32
    %dma_start3A_216 = arith.constant 0 : i32
    %dma_start3A_217 = tpu.memref_slice %arg5[%dma_start3A_215, %dma_start3A_216] : memref<100000x128xf32, #tpu.memory_space<hbm>> -> memref<100000x128xf32, #tpu.memory_space<hbm>>
    tpu.enqueue_indirect_dma source(%dma_start3A_217 : memref<100000x128xf32, #tpu.memory_space<hbm>>) target(%arg19 : memref<64x128xf32, #tpu.memory_space<vmem>>) offsets(%dma_start3A_214 : memref<64xi32, #tpu.memory_space<vmem>>) semaphore(%arg29 : memref<!tpu.dma_semaphore, #tpu.memory_space<semaphore_mem>>)
    %dma_wait3A_218 = arith.constant 128 : i32
    %dma_wait3A_219 = tpu.memref_slice %arg10[%dma_wait3A_218] : memref<512xi32, #tpu.memory_space<vmem>> -> memref<64xi32, #tpu.memory_space<vmem>>
    %dma_wait3A_220 = arith.constant 0 : i32
    %dma_wait3A_221 = arith.constant 0 : i32
    %dma_wait3A_222 = tpu.memref_slice %arg4[%dma_wait3A_220, %dma_wait3A_221] : memref<100000x128xf32, #tpu.memory_space<hbm>> -> memref<100000x128xf32, #tpu.memory_space<hbm>>
    tpu.wait_indirect_dma semaphore(%arg30 : memref<!tpu.dma_semaphore, #tpu.memory_space<semaphore_mem>>) src(%dma_wait3A_222 : memref<100000x128xf32, #tpu.memory_space<hbm>>) dst(%arg14 : memref<64x128xf32, #tpu.memory_space<vmem>>)
    %dma_wait3A_223 = arith.constant 128 : i32
    %dma_wait3A_224 = tpu.memref_slice %arg11[%dma_wait3A_223] : memref<512xi32, #tpu.memory_space<vmem>> -> memref<64xi32, #tpu.memory_space<vmem>>
    %dma_wait3A_225 = arith.constant 0 : i32
    %dma_wait3A_226 = arith.constant 0 : i32
    %dma_wait3A_227 = tpu.memref_slice %arg5[%dma_wait3A_225, %dma_wait3A_226] : memref<100000x128xf32, #tpu.memory_space<hbm>> -> memref<100000x128xf32, #tpu.memory_space<hbm>>
    tpu.wait_indirect_dma semaphore(%arg30 : memref<!tpu.dma_semaphore, #tpu.memory_space<semaphore_mem>>) src(%dma_wait3A_227 : memref<100000x128xf32, #tpu.memory_space<hbm>>) dst(%arg20 : memref<64x128xf32, #tpu.memory_space<vmem>>)
    %parallel_loop3A_228 = arith.constant 0 : i32
    %parallel_loop3A_229 = arith.constant 64 : i32
    %parallel_loop3A_230 = arith.constant 1 : i32
    scf.for %parallel_loop3A_396 = %parallel_loop3A_228 to %parallel_loop3A_229 step %parallel_loop3A_230  : i32 {
      %parallel_loop3A_397 = arith.index_cast %parallel_loop3A_396 : i32 to index
      %parallel_loop3A_398 = arith.constant 0 : index
      %parallel_loop3A_399 = tpu.vector_load %arg14[%parallel_loop3A_397, %parallel_loop3A_398] {strides = array<i32>} : memref<64x128xf32, #tpu.memory_space<vmem>>, vector<16xf32>,
      %parallel_loop3A_400 = arith.index_cast %parallel_loop3A_396 : i32 to index
      %parallel_loop3A_401 = arith.constant 0 : index
      %parallel_loop3A_402 = tpu.vector_load %arg20[%parallel_loop3A_400, %parallel_loop3A_401] {strides = array<i32>} : memref<64x128xf32, #tpu.memory_space<vmem>>, vector<16xf32>,
      %parallel_loop3A_403 = arith.mulf %parallel_loop3A_399, %parallel_loop3A_402 : vector<16xf32>
      %parallel_loop3A_404 = arith.index_cast %parallel_loop3A_396 : i32 to index
      %parallel_loop3A_405 = arith.constant 16 : index
      %parallel_loop3A_406 = tpu.vector_load %arg14[%parallel_loop3A_404, %parallel_loop3A_405] {strides = array<i32>} : memref<64x128xf32, #tpu.memory_space<vmem>>, vector<16xf32>,
      %parallel_loop3A_407 = arith.index_cast %parallel_loop3A_396 : i32 to index
      %parallel_loop3A_408 = arith.constant 16 : index
      %parallel_loop3A_409 = tpu.vector_load %arg20[%parallel_loop3A_407, %parallel_loop3A_408] {strides = array<i32>} : memref<64x128xf32, #tpu.memory_space<vmem>>, vector<16xf32>,
      %parallel_loop3A_410 = arith.mulf %parallel_loop3A_406, %parallel_loop3A_409 : vector<16xf32>
      %parallel_loop3A_411 = arith.index_cast %parallel_loop3A_396 : i32 to index
      %parallel_loop3A_412 = arith.constant 32 : index
      %parallel_loop3A_413 = tpu.vector_load %arg14[%parallel_loop3A_411, %parallel_loop3A_412] {strides = array<i32>} : memref<64x128xf32, #tpu.memory_space<vmem>>, vector<16xf32>,
      %parallel_loop3A_414 = arith.index_cast %parallel_loop3A_396 : i32 to index
      %parallel_loop3A_415 = arith.constant 32 : index
      %parallel_loop3A_416 = tpu.vector_load %arg20[%parallel_loop3A_414, %parallel_loop3A_415] {strides = array<i32>} : memref<64x128xf32, #tpu.memory_space<vmem>>, vector<16xf32>,
      %parallel_loop3A_417 = arith.mulf %parallel_loop3A_413, %parallel_loop3A_416 : vector<16xf32>
      %parallel_loop3A_418 = arith.index_cast %parallel_loop3A_396 : i32 to index
      %parallel_loop3A_419 = arith.constant 48 : index
      %parallel_loop3A_420 = tpu.vector_load %arg14[%parallel_loop3A_418, %parallel_loop3A_419] {strides = array<i32>} : memref<64x128xf32, #tpu.memory_space<vmem>>, vector<16xf32>,
      %parallel_loop3A_421 = arith.index_cast %parallel_loop3A_396 : i32 to index
      %parallel_loop3A_422 = arith.constant 48 : index
      %parallel_loop3A_423 = tpu.vector_load %arg20[%parallel_loop3A_421, %parallel_loop3A_422] {strides = array<i32>} : memref<64x128xf32, #tpu.memory_space<vmem>>, vector<16xf32>,
      %parallel_loop3A_424 = arith.mulf %parallel_loop3A_420, %parallel_loop3A_423 : vector<16xf32>
      %parallel_loop3A_425 = arith.index_cast %parallel_loop3A_396 : i32 to index
      %parallel_loop3A_426 = arith.constant 64 : index
      %parallel_loop3A_427 = tpu.vector_load %arg14[%parallel_loop3A_425, %parallel_loop3A_426] {strides = array<i32>} : memref<64x128xf32, #tpu.memory_space<vmem>>, vector<16xf32>,
      %parallel_loop3A_428 = arith.index_cast %parallel_loop3A_396 : i32 to index
      %parallel_loop3A_429 = arith.constant 64 : index
      %parallel_loop3A_430 = tpu.vector_load %arg20[%parallel_loop3A_428, %parallel_loop3A_429] {strides = array<i32>} : memref<64x128xf32, #tpu.memory_space<vmem>>, vector<16xf32>,
      %parallel_loop3A_431 = arith.mulf %parallel_loop3A_427, %parallel_loop3A_430 : vector<16xf32>
      %parallel_loop3A_432 = arith.index_cast %parallel_loop3A_396 : i32 to index
      %parallel_loop3A_433 = arith.constant 80 : index
      %parallel_loop3A_434 = tpu.vector_load %arg14[%parallel_loop3A_432, %parallel_loop3A_433] {strides = array<i32>} : memref<64x128xf32, #tpu.memory_space<vmem>>, vector<16xf32>,
      %parallel_loop3A_435 = arith.index_cast %parallel_loop3A_396 : i32 to index
      %parallel_loop3A_436 = arith.constant 80 : index
      %parallel_loop3A_437 = tpu.vector_load %arg20[%parallel_loop3A_435, %parallel_loop3A_436] {strides = array<i32>} : memref<64x128xf32, #tpu.memory_space<vmem>>, vector<16xf32>,
      %parallel_loop3A_438 = arith.mulf %parallel_loop3A_434, %parallel_loop3A_437 : vector<16xf32>
      %parallel_loop3A_439 = arith.index_cast %parallel_loop3A_396 : i32 to index
      %parallel_loop3A_440 = arith.constant 96 : index
      %parallel_loop3A_441 = tpu.vector_load %arg14[%parallel_loop3A_439, %parallel_loop3A_440] {strides = array<i32>} : memref<64x128xf32, #tpu.memory_space<vmem>>, vector<16xf32>,
      %parallel_loop3A_442 = arith.index_cast %parallel_loop3A_396 : i32 to index
      %parallel_loop3A_443 = arith.constant 96 : index
      %parallel_loop3A_444 = tpu.vector_load %arg20[%parallel_loop3A_442, %parallel_loop3A_443] {strides = array<i32>} : memref<64x128xf32, #tpu.memory_space<vmem>>, vector<16xf32>,
      %parallel_loop3A_445 = arith.mulf %parallel_loop3A_441, %parallel_loop3A_444 : vector<16xf32>
      %parallel_loop3A_446 = arith.index_cast %parallel_loop3A_396 : i32 to index
      %parallel_loop3A_447 = arith.constant 112 : index
      %parallel_loop3A_448 = tpu.vector_load %arg14[%parallel_loop3A_446, %parallel_loop3A_447] {strides = array<i32>} : memref<64x128xf32, #tpu.memory_space<vmem>>, vector<16xf32>,
      %parallel_loop3A_449 = arith.index_cast %parallel_loop3A_396 : i32 to index
      %parallel_loop3A_450 = arith.constant 112 : index
      %parallel_loop3A_451 = tpu.vector_load %arg20[%parallel_loop3A_449, %parallel_loop3A_450] {strides = array<i32>} : memref<64x128xf32, #tpu.memory_space<vmem>>, vector<16xf32>,
      %parallel_loop3A_452 = arith.mulf %parallel_loop3A_448, %parallel_loop3A_451 : vector<16xf32>
      %parallel_loop3A_453 = arith.addf %parallel_loop3A_403, %parallel_loop3A_410 : vector<16xf32>
      %parallel_loop3A_454 = arith.addf %parallel_loop3A_417, %parallel_loop3A_424 : vector<16xf32>
      %parallel_loop3A_455 = arith.addf %parallel_loop3A_431, %parallel_loop3A_438 : vector<16xf32>
      %parallel_loop3A_456 = arith.addf %parallel_loop3A_445, %parallel_loop3A_452 : vector<16xf32>
      %parallel_loop3A_457 = arith.addf %parallel_loop3A_453, %parallel_loop3A_454 : vector<16xf32>
      %parallel_loop3A_458 = arith.addf %parallel_loop3A_455, %parallel_loop3A_456 : vector<16xf32>
      %parallel_loop3A_459 = arith.addf %parallel_loop3A_457, %parallel_loop3A_458 : vector<16xf32>
      %parallel_loop3A_460 = arith.constant true
      %parallel_loop3A_461 = vector.broadcast %parallel_loop3A_460 : i1 to vector<16xi1>
      %parallel_loop3A_462 = tpu.scan <sum>, %parallel_loop3A_459 masked %parallel_loop3A_461 : vector<16xf32>, vector<16xi1> -> vector<16xf32>
      %parallel_loop3A_463 = arith.constant 128 : i32
      %parallel_loop3A_464 = vector.broadcast %parallel_loop3A_463 : i32 to vector<16xi32>
      %parallel_loop3A_465 = vector.broadcast %parallel_loop3A_396 : i32 to vector<16xi32>
      %parallel_loop3A_466 = arith.addi %parallel_loop3A_464, %parallel_loop3A_465 : vector<16xi32>
      %parallel_loop3A_467 = arith.constant 15 : i32
      %parallel_loop3A_468 = vector.broadcast %parallel_loop3A_467 : i32 to vector<16xi32>
      %parallel_loop3A_469 = arith.cmpi eq, %iota3A, %parallel_loop3A_468 : vector<16xi32>
      tpu.vector_store_idx %arg27[%parallel_loop3A_466], %parallel_loop3A_462 masked %parallel_loop3A_469 : memref<512xf32, #tpu.memory_space<vmem>>[vector<16xi32>], vector<16xf32>, vector<16xi1>
    } {sc.loop_unroll_factor = 4 : i64, sc.parallel_access}
    %dma_wait3A_231 = arith.constant 192 : i32
    %dma_wait3A_232 = tpu.memref_slice %arg10[%dma_wait3A_231] : memref<512xi32, #tpu.memory_space<vmem>> -> memref<64xi32, #tpu.memory_space<vmem>>
    %dma_wait3A_233 = arith.constant 0 : i32
    %dma_wait3A_234 = arith.constant 0 : i32
    %dma_wait3A_235 = tpu.memref_slice %arg4[%dma_wait3A_233, %dma_wait3A_234] : memref<100000x128xf32, #tpu.memory_space<hbm>> -> memref<100000x128xf32, #tpu.memory_space<hbm>>
    tpu.wait_indirect_dma semaphore(%arg31 : memref<!tpu.dma_semaphore, #tpu.memory_space<semaphore_mem>>) src(%dma_wait3A_235 : memref<100000x128xf32, #tpu.memory_space<hbm>>) dst(%arg15 : memref<64x128xf32, #tpu.memory_space<vmem>>)
    %dma_wait3A_236 = arith.constant 192 : i32
    %dma_wait3A_237 = tpu.memref_slice %arg11[%dma_wait3A_236] : memref<512xi32, #tpu.memory_space<vmem>> -> memref<64xi32, #tpu.memory_space<vmem>>
    %dma_wait3A_238 = arith.constant 0 : i32
    %dma_wait3A_239 = arith.constant 0 : i32
    %dma_wait3A_240 = tpu.memref_slice %arg5[%dma_wait3A_238, %dma_wait3A_239] : memref<100000x128xf32, #tpu.memory_space<hbm>> -> memref<100000x128xf32, #tpu.memory_space<hbm>>
    tpu.wait_indirect_dma semaphore(%arg31 : memref<!tpu.dma_semaphore, #tpu.memory_space<semaphore_mem>>) src(%dma_wait3A_240 : memref<100000x128xf32, #tpu.memory_space<hbm>>) dst(%arg21 : memref<64x128xf32, #tpu.memory_space<vmem>>)
    %parallel_loop3A_241 = arith.constant 0 : i32
    %parallel_loop3A_242 = arith.constant 64 : i32
    %parallel_loop3A_243 = arith.constant 1 : i32
    scf.for %parallel_loop3A_396 = %parallel_loop3A_241 to %parallel_loop3A_242 step %parallel_loop3A_243  : i32 {
      %parallel_loop3A_397 = arith.index_cast %parallel_loop3A_396 : i32 to index
      %parallel_loop3A_398 = arith.constant 0 : index
      %parallel_loop3A_399 = tpu.vector_load %arg15[%parallel_loop3A_397, %parallel_loop3A_398] {strides = array<i32>} : memref<64x128xf32, #tpu.memory_space<vmem>>, vector<16xf32>,
      %parallel_loop3A_400 = arith.index_cast %parallel_loop3A_396 : i32 to index
      %parallel_loop3A_401 = arith.constant 0 : index
      %parallel_loop3A_402 = tpu.vector_load %arg21[%parallel_loop3A_400, %parallel_loop3A_401] {strides = array<i32>} : memref<64x128xf32, #tpu.memory_space<vmem>>, vector<16xf32>,
      %parallel_loop3A_403 = arith.mulf %parallel_loop3A_399, %parallel_loop3A_402 : vector<16xf32>
      %parallel_loop3A_404 = arith.index_cast %parallel_loop3A_396 : i32 to index
      %parallel_loop3A_405 = arith.constant 16 : index
      %parallel_loop3A_406 = tpu.vector_load %arg15[%parallel_loop3A_404, %parallel_loop3A_405] {strides = array<i32>} : memref<64x128xf32, #tpu.memory_space<vmem>>, vector<16xf32>,
      %parallel_loop3A_407 = arith.index_cast %parallel_loop3A_396 : i32 to index
      %parallel_loop3A_408 = arith.constant 16 : index
      %parallel_loop3A_409 = tpu.vector_load %arg21[%parallel_loop3A_407, %parallel_loop3A_408] {strides = array<i32>} : memref<64x128xf32, #tpu.memory_space<vmem>>, vector<16xf32>,
      %parallel_loop3A_410 = arith.mulf %parallel_loop3A_406, %parallel_loop3A_409 : vector<16xf32>
      %parallel_loop3A_411 = arith.index_cast %parallel_loop3A_396 : i32 to index
      %parallel_loop3A_412 = arith.constant 32 : index
      %parallel_loop3A_413 = tpu.vector_load %arg15[%parallel_loop3A_411, %parallel_loop3A_412] {strides = array<i32>} : memref<64x128xf32, #tpu.memory_space<vmem>>, vector<16xf32>,
      %parallel_loop3A_414 = arith.index_cast %parallel_loop3A_396 : i32 to index
      %parallel_loop3A_415 = arith.constant 32 : index
      %parallel_loop3A_416 = tpu.vector_load %arg21[%parallel_loop3A_414, %parallel_loop3A_415] {strides = array<i32>} : memref<64x128xf32, #tpu.memory_space<vmem>>, vector<16xf32>,
      %parallel_loop3A_417 = arith.mulf %parallel_loop3A_413, %parallel_loop3A_416 : vector<16xf32>
      %parallel_loop3A_418 = arith.index_cast %parallel_loop3A_396 : i32 to index
      %parallel_loop3A_419 = arith.constant 48 : index
      %parallel_loop3A_420 = tpu.vector_load %arg15[%parallel_loop3A_418, %parallel_loop3A_419] {strides = array<i32>} : memref<64x128xf32, #tpu.memory_space<vmem>>, vector<16xf32>,
      %parallel_loop3A_421 = arith.index_cast %parallel_loop3A_396 : i32 to index
      %parallel_loop3A_422 = arith.constant 48 : index
      %parallel_loop3A_423 = tpu.vector_load %arg21[%parallel_loop3A_421, %parallel_loop3A_422] {strides = array<i32>} : memref<64x128xf32, #tpu.memory_space<vmem>>, vector<16xf32>,
      %parallel_loop3A_424 = arith.mulf %parallel_loop3A_420, %parallel_loop3A_423 : vector<16xf32>
      %parallel_loop3A_425 = arith.index_cast %parallel_loop3A_396 : i32 to index
      %parallel_loop3A_426 = arith.constant 64 : index
      %parallel_loop3A_427 = tpu.vector_load %arg15[%parallel_loop3A_425, %parallel_loop3A_426] {strides = array<i32>} : memref<64x128xf32, #tpu.memory_space<vmem>>, vector<16xf32>,
      %parallel_loop3A_428 = arith.index_cast %parallel_loop3A_396 : i32 to index
      %parallel_loop3A_429 = arith.constant 64 : index
      %parallel_loop3A_430 = tpu.vector_load %arg21[%parallel_loop3A_428, %parallel_loop3A_429] {strides = array<i32>} : memref<64x128xf32, #tpu.memory_space<vmem>>, vector<16xf32>,
      %parallel_loop3A_431 = arith.mulf %parallel_loop3A_427, %parallel_loop3A_430 : vector<16xf32>
      %parallel_loop3A_432 = arith.index_cast %parallel_loop3A_396 : i32 to index
      %parallel_loop3A_433 = arith.constant 80 : index
      %parallel_loop3A_434 = tpu.vector_load %arg15[%parallel_loop3A_432, %parallel_loop3A_433] {strides = array<i32>} : memref<64x128xf32, #tpu.memory_space<vmem>>, vector<16xf32>,
      %parallel_loop3A_435 = arith.index_cast %parallel_loop3A_396 : i32 to index
      %parallel_loop3A_436 = arith.constant 80 : index
      %parallel_loop3A_437 = tpu.vector_load %arg21[%parallel_loop3A_435, %parallel_loop3A_436] {strides = array<i32>} : memref<64x128xf32, #tpu.memory_space<vmem>>, vector<16xf32>,
      %parallel_loop3A_438 = arith.mulf %parallel_loop3A_434, %parallel_loop3A_437 : vector<16xf32>
      %parallel_loop3A_439 = arith.index_cast %parallel_loop3A_396 : i32 to index
      %parallel_loop3A_440 = arith.constant 96 : index
      %parallel_loop3A_441 = tpu.vector_load %arg15[%parallel_loop3A_439, %parallel_loop3A_440] {strides = array<i32>} : memref<64x128xf32, #tpu.memory_space<vmem>>, vector<16xf32>,
      %parallel_loop3A_442 = arith.index_cast %parallel_loop3A_396 : i32 to index
      %parallel_loop3A_443 = arith.constant 96 : index
      %parallel_loop3A_444 = tpu.vector_load %arg21[%parallel_loop3A_442, %parallel_loop3A_443] {strides = array<i32>} : memref<64x128xf32, #tpu.memory_space<vmem>>, vector<16xf32>,
      %parallel_loop3A_445 = arith.mulf %parallel_loop3A_441, %parallel_loop3A_444 : vector<16xf32>
      %parallel_loop3A_446 = arith.index_cast %parallel_loop3A_396 : i32 to index
      %parallel_loop3A_447 = arith.constant 112 : index
      %parallel_loop3A_448 = tpu.vector_load %arg15[%parallel_loop3A_446, %parallel_loop3A_447] {strides = array<i32>} : memref<64x128xf32, #tpu.memory_space<vmem>>, vector<16xf32>,
      %parallel_loop3A_449 = arith.index_cast %parallel_loop3A_396 : i32 to index
      %parallel_loop3A_450 = arith.constant 112 : index
      %parallel_loop3A_451 = tpu.vector_load %arg21[%parallel_loop3A_449, %parallel_loop3A_450] {strides = array<i32>} : memref<64x128xf32, #tpu.memory_space<vmem>>, vector<16xf32>,
      %parallel_loop3A_452 = arith.mulf %parallel_loop3A_448, %parallel_loop3A_451 : vector<16xf32>
      %parallel_loop3A_453 = arith.addf %parallel_loop3A_403, %parallel_loop3A_410 : vector<16xf32>
      %parallel_loop3A_454 = arith.addf %parallel_loop3A_417, %parallel_loop3A_424 : vector<16xf32>
      %parallel_loop3A_455 = arith.addf %parallel_loop3A_431, %parallel_loop3A_438 : vector<16xf32>
      %parallel_loop3A_456 = arith.addf %parallel_loop3A_445, %parallel_loop3A_452 : vector<16xf32>
      %parallel_loop3A_457 = arith.addf %parallel_loop3A_453, %parallel_loop3A_454 : vector<16xf32>
      %parallel_loop3A_458 = arith.addf %parallel_loop3A_455, %parallel_loop3A_456 : vector<16xf32>
      %parallel_loop3A_459 = arith.addf %parallel_loop3A_457, %parallel_loop3A_458 : vector<16xf32>
      %parallel_loop3A_460 = arith.constant true
      %parallel_loop3A_461 = vector.broadcast %parallel_loop3A_460 : i1 to vector<16xi1>
      %parallel_loop3A_462 = tpu.scan <sum>, %parallel_loop3A_459 masked %parallel_loop3A_461 : vector<16xf32>, vector<16xi1> -> vector<16xf32>
      %parallel_loop3A_463 = arith.constant 192 : i32
      %parallel_loop3A_464 = vector.broadcast %parallel_loop3A_463 : i32 to vector<16xi32>
      %parallel_loop3A_465 = vector.broadcast %parallel_loop3A_396 : i32 to vector<16xi32>
      %parallel_loop3A_466 = arith.addi %parallel_loop3A_464, %parallel_loop3A_465 : vector<16xi32>
      %parallel_loop3A_467 = arith.constant 15 : i32
      %parallel_loop3A_468 = vector.broadcast %parallel_loop3A_467 : i32 to vector<16xi32>
      %parallel_loop3A_469 = arith.cmpi eq, %iota3A, %parallel_loop3A_468 : vector<16xi32>
      tpu.vector_store_idx %arg27[%parallel_loop3A_466], %parallel_loop3A_462 masked %parallel_loop3A_469 : memref<512xf32, #tpu.memory_space<vmem>>[vector<16xi32>], vector<16xf32>, vector<16xi1>
    } {sc.loop_unroll_factor = 4 : i64, sc.parallel_access}
    %dma_wait3A_244 = arith.constant 256 : i32
    %dma_wait3A_245 = tpu.memref_slice %arg10[%dma_wait3A_244] : memref<512xi32, #tpu.memory_space<vmem>> -> memref<64xi32, #tpu.memory_space<vmem>>
    %dma_wait3A_246 = arith.constant 0 : i32
    %dma_wait3A_247 = arith.constant 0 : i32
    %dma_wait3A_248 = tpu.memref_slice %arg4[%dma_wait3A_246, %dma_wait3A_247] : memref<100000x128xf32, #tpu.memory_space<hbm>> -> memref<100000x128xf32, #tpu.memory_space<hbm>>
    tpu.wait_indirect_dma semaphore(%arg32 : memref<!tpu.dma_semaphore, #tpu.memory_space<semaphore_mem>>) src(%dma_wait3A_248 : memref<100000x128xf32, #tpu.memory_space<hbm>>) dst(%arg16 : memref<64x128xf32, #tpu.memory_space<vmem>>)
    %dma_wait3A_249 = arith.constant 256 : i32
    %dma_wait3A_250 = tpu.memref_slice %arg11[%dma_wait3A_249] : memref<512xi32, #tpu.memory_space<vmem>> -> memref<64xi32, #tpu.memory_space<vmem>>
    %dma_wait3A_251 = arith.constant 0 : i32
    %dma_wait3A_252 = arith.constant 0 : i32
    %dma_wait3A_253 = tpu.memref_slice %arg5[%dma_wait3A_251, %dma_wait3A_252] : memref<100000x128xf32, #tpu.memory_space<hbm>> -> memref<100000x128xf32, #tpu.memory_space<hbm>>
    tpu.wait_indirect_dma semaphore(%arg32 : memref<!tpu.dma_semaphore, #tpu.memory_space<semaphore_mem>>) src(%dma_wait3A_253 : memref<100000x128xf32, #tpu.memory_space<hbm>>) dst(%arg22 : memref<64x128xf32, #tpu.memory_space<vmem>>)
    %parallel_loop3A_254 = arith.constant 0 : i32
    %parallel_loop3A_255 = arith.constant 64 : i32
    %parallel_loop3A_256 = arith.constant 1 : i32
    scf.for %parallel_loop3A_396 = %parallel_loop3A_254 to %parallel_loop3A_255 step %parallel_loop3A_256  : i32 {
      %parallel_loop3A_397 = arith.index_cast %parallel_loop3A_396 : i32 to index
      %parallel_loop3A_398 = arith.constant 0 : index
      %parallel_loop3A_399 = tpu.vector_load %arg16[%parallel_loop3A_397, %parallel_loop3A_398] {strides = array<i32>} : memref<64x128xf32, #tpu.memory_space<vmem>>, vector<16xf32>,
      %parallel_loop3A_400 = arith.index_cast %parallel_loop3A_396 : i32 to index
      %parallel_loop3A_401 = arith.constant 0 : index
      %parallel_loop3A_402 = tpu.vector_load %arg22[%parallel_loop3A_400, %parallel_loop3A_401] {strides = array<i32>} : memref<64x128xf32, #tpu.memory_space<vmem>>, vector<16xf32>,
      %parallel_loop3A_403 = arith.mulf %parallel_loop3A_399, %parallel_loop3A_402 : vector<16xf32>
      %parallel_loop3A_404 = arith.index_cast %parallel_loop3A_396 : i32 to index
      %parallel_loop3A_405 = arith.constant 16 : index
      %parallel_loop3A_406 = tpu.vector_load %arg16[%parallel_loop3A_404, %parallel_loop3A_405] {strides = array<i32>} : memref<64x128xf32, #tpu.memory_space<vmem>>, vector<16xf32>,
      %parallel_loop3A_407 = arith.index_cast %parallel_loop3A_396 : i32 to index
      %parallel_loop3A_408 = arith.constant 16 : index
      %parallel_loop3A_409 = tpu.vector_load %arg22[%parallel_loop3A_407, %parallel_loop3A_408] {strides = array<i32>} : memref<64x128xf32, #tpu.memory_space<vmem>>, vector<16xf32>,
      %parallel_loop3A_410 = arith.mulf %parallel_loop3A_406, %parallel_loop3A_409 : vector<16xf32>
      %parallel_loop3A_411 = arith.index_cast %parallel_loop3A_396 : i32 to index
      %parallel_loop3A_412 = arith.constant 32 : index
      %parallel_loop3A_413 = tpu.vector_load %arg16[%parallel_loop3A_411, %parallel_loop3A_412] {strides = array<i32>} : memref<64x128xf32, #tpu.memory_space<vmem>>, vector<16xf32>,
      %parallel_loop3A_414 = arith.index_cast %parallel_loop3A_396 : i32 to index
      %parallel_loop3A_415 = arith.constant 32 : index
      %parallel_loop3A_416 = tpu.vector_load %arg22[%parallel_loop3A_414, %parallel_loop3A_415] {strides = array<i32>} : memref<64x128xf32, #tpu.memory_space<vmem>>, vector<16xf32>,
      %parallel_loop3A_417 = arith.mulf %parallel_loop3A_413, %parallel_loop3A_416 : vector<16xf32>
      %parallel_loop3A_418 = arith.index_cast %parallel_loop3A_396 : i32 to index
      %parallel_loop3A_419 = arith.constant 48 : index
      %parallel_loop3A_420 = tpu.vector_load %arg16[%parallel_loop3A_418, %parallel_loop3A_419] {strides = array<i32>} : memref<64x128xf32, #tpu.memory_space<vmem>>, vector<16xf32>,
      %parallel_loop3A_421 = arith.index_cast %parallel_loop3A_396 : i32 to index
      %parallel_loop3A_422 = arith.constant 48 : index
      %parallel_loop3A_423 = tpu.vector_load %arg22[%parallel_loop3A_421, %parallel_loop3A_422] {strides = array<i32>} : memref<64x128xf32, #tpu.memory_space<vmem>>, vector<16xf32>,
      %parallel_loop3A_424 = arith.mulf %parallel_loop3A_420, %parallel_loop3A_423 : vector<16xf32>
      %parallel_loop3A_425 = arith.index_cast %parallel_loop3A_396 : i32 to index
      %parallel_loop3A_426 = arith.constant 64 : index
      %parallel_loop3A_427 = tpu.vector_load %arg16[%parallel_loop3A_425, %parallel_loop3A_426] {strides = array<i32>} : memref<64x128xf32, #tpu.memory_space<vmem>>, vector<16xf32>,
      %parallel_loop3A_428 = arith.index_cast %parallel_loop3A_396 : i32 to index
      %parallel_loop3A_429 = arith.constant 64 : index
      %parallel_loop3A_430 = tpu.vector_load %arg22[%parallel_loop3A_428, %parallel_loop3A_429] {strides = array<i32>} : memref<64x128xf32, #tpu.memory_space<vmem>>, vector<16xf32>,
      %parallel_loop3A_431 = arith.mulf %parallel_loop3A_427, %parallel_loop3A_430 : vector<16xf32>
      %parallel_loop3A_432 = arith.index_cast %parallel_loop3A_396 : i32 to index
      %parallel_loop3A_433 = arith.constant 80 : index
      %parallel_loop3A_434 = tpu.vector_load %arg16[%parallel_loop3A_432, %parallel_loop3A_433] {strides = array<i32>} : memref<64x128xf32, #tpu.memory_space<vmem>>, vector<16xf32>,
      %parallel_loop3A_435 = arith.index_cast %parallel_loop3A_396 : i32 to index
      %parallel_loop3A_436 = arith.constant 80 : index
      %parallel_loop3A_437 = tpu.vector_load %arg22[%parallel_loop3A_435, %parallel_loop3A_436] {strides = array<i32>} : memref<64x128xf32, #tpu.memory_space<vmem>>, vector<16xf32>,
      %parallel_loop3A_438 = arith.mulf %parallel_loop3A_434, %parallel_loop3A_437 : vector<16xf32>
      %parallel_loop3A_439 = arith.index_cast %parallel_loop3A_396 : i32 to index
      %parallel_loop3A_440 = arith.constant 96 : index
      %parallel_loop3A_441 = tpu.vector_load %arg16[%parallel_loop3A_439, %parallel_loop3A_440] {strides = array<i32>} : memref<64x128xf32, #tpu.memory_space<vmem>>, vector<16xf32>,
      %parallel_loop3A_442 = arith.index_cast %parallel_loop3A_396 : i32 to index
      %parallel_loop3A_443 = arith.constant 96 : index
      %parallel_loop3A_444 = tpu.vector_load %arg22[%parallel_loop3A_442, %parallel_loop3A_443] {strides = array<i32>} : memref<64x128xf32, #tpu.memory_space<vmem>>, vector<16xf32>,
      %parallel_loop3A_445 = arith.mulf %parallel_loop3A_441, %parallel_loop3A_444 : vector<16xf32>
      %parallel_loop3A_446 = arith.index_cast %parallel_loop3A_396 : i32 to index
      %parallel_loop3A_447 = arith.constant 112 : index
      %parallel_loop3A_448 = tpu.vector_load %arg16[%parallel_loop3A_446, %parallel_loop3A_447] {strides = array<i32>} : memref<64x128xf32, #tpu.memory_space<vmem>>, vector<16xf32>,
      %parallel_loop3A_449 = arith.index_cast %parallel_loop3A_396 : i32 to index
      %parallel_loop3A_450 = arith.constant 112 : index
      %parallel_loop3A_451 = tpu.vector_load %arg22[%parallel_loop3A_449, %parallel_loop3A_450] {strides = array<i32>} : memref<64x128xf32, #tpu.memory_space<vmem>>, vector<16xf32>,
      %parallel_loop3A_452 = arith.mulf %parallel_loop3A_448, %parallel_loop3A_451 : vector<16xf32>
      %parallel_loop3A_453 = arith.addf %parallel_loop3A_403, %parallel_loop3A_410 : vector<16xf32>
      %parallel_loop3A_454 = arith.addf %parallel_loop3A_417, %parallel_loop3A_424 : vector<16xf32>
      %parallel_loop3A_455 = arith.addf %parallel_loop3A_431, %parallel_loop3A_438 : vector<16xf32>
      %parallel_loop3A_456 = arith.addf %parallel_loop3A_445, %parallel_loop3A_452 : vector<16xf32>
      %parallel_loop3A_457 = arith.addf %parallel_loop3A_453, %parallel_loop3A_454 : vector<16xf32>
      %parallel_loop3A_458 = arith.addf %parallel_loop3A_455, %parallel_loop3A_456 : vector<16xf32>
      %parallel_loop3A_459 = arith.addf %parallel_loop3A_457, %parallel_loop3A_458 : vector<16xf32>
      %parallel_loop3A_460 = arith.constant true
      %parallel_loop3A_461 = vector.broadcast %parallel_loop3A_460 : i1 to vector<16xi1>
      %parallel_loop3A_462 = tpu.scan <sum>, %parallel_loop3A_459 masked %parallel_loop3A_461 : vector<16xf32>, vector<16xi1> -> vector<16xf32>
      %parallel_loop3A_463 = arith.constant 256 : i32
      %parallel_loop3A_464 = vector.broadcast %parallel_loop3A_463 : i32 to vector<16xi32>
      %parallel_loop3A_465 = vector.broadcast %parallel_loop3A_396 : i32 to vector<16xi32>
      %parallel_loop3A_466 = arith.addi %parallel_loop3A_464, %parallel_loop3A_465 : vector<16xi32>
      %parallel_loop3A_467 = arith.constant 15 : i32
      %parallel_loop3A_468 = vector.broadcast %parallel_loop3A_467 : i32 to vector<16xi32>
      %parallel_loop3A_469 = arith.cmpi eq, %iota3A, %parallel_loop3A_468 : vector<16xi32>
      tpu.vector_store_idx %arg27[%parallel_loop3A_466], %parallel_loop3A_462 masked %parallel_loop3A_469 : memref<512xf32, #tpu.memory_space<vmem>>[vector<16xi32>], vector<16xf32>, vector<16xi1>
    } {sc.loop_unroll_factor = 4 : i64, sc.parallel_access}
    %dma_wait3A_257 = arith.constant 320 : i32
    %dma_wait3A_258 = tpu.memref_slice %arg10[%dma_wait3A_257] : memref<512xi32, #tpu.memory_space<vmem>> -> memref<64xi32, #tpu.memory_space<vmem>>
    %dma_wait3A_259 = arith.constant 0 : i32
    %dma_wait3A_260 = arith.constant 0 : i32
    %dma_wait3A_261 = tpu.memref_slice %arg4[%dma_wait3A_259, %dma_wait3A_260] : memref<100000x128xf32, #tpu.memory_space<hbm>> -> memref<100000x128xf32, #tpu.memory_space<hbm>>
    tpu.wait_indirect_dma semaphore(%arg33 : memref<!tpu.dma_semaphore, #tpu.memory_space<semaphore_mem>>) src(%dma_wait3A_261 : memref<100000x128xf32, #tpu.memory_space<hbm>>) dst(%arg17 : memref<64x128xf32, #tpu.memory_space<vmem>>)
    %dma_wait3A_262 = arith.constant 320 : i32
    %dma_wait3A_263 = tpu.memref_slice %arg11[%dma_wait3A_262] : memref<512xi32, #tpu.memory_space<vmem>> -> memref<64xi32, #tpu.memory_space<vmem>>
    %dma_wait3A_264 = arith.constant 0 : i32
    %dma_wait3A_265 = arith.constant 0 : i32
    %dma_wait3A_266 = tpu.memref_slice %arg5[%dma_wait3A_264, %dma_wait3A_265] : memref<100000x128xf32, #tpu.memory_space<hbm>> -> memref<100000x128xf32, #tpu.memory_space<hbm>>
    tpu.wait_indirect_dma semaphore(%arg33 : memref<!tpu.dma_semaphore, #tpu.memory_space<semaphore_mem>>) src(%dma_wait3A_266 : memref<100000x128xf32, #tpu.memory_space<hbm>>) dst(%arg23 : memref<64x128xf32, #tpu.memory_space<vmem>>)
    %parallel_loop3A_267 = arith.constant 0 : i32
    %parallel_loop3A_268 = arith.constant 64 : i32
    %parallel_loop3A_269 = arith.constant 1 : i32
    scf.for %parallel_loop3A_396 = %parallel_loop3A_267 to %parallel_loop3A_268 step %parallel_loop3A_269  : i32 {
      %parallel_loop3A_397 = arith.index_cast %parallel_loop3A_396 : i32 to index
      %parallel_loop3A_398 = arith.constant 0 : index
      %parallel_loop3A_399 = tpu.vector_load %arg17[%parallel_loop3A_397, %parallel_loop3A_398] {strides = array<i32>} : memref<64x128xf32, #tpu.memory_space<vmem>>, vector<16xf32>,
      %parallel_loop3A_400 = arith.index_cast %parallel_loop3A_396 : i32 to index
      %parallel_loop3A_401 = arith.constant 0 : index
      %parallel_loop3A_402 = tpu.vector_load %arg23[%parallel_loop3A_400, %parallel_loop3A_401] {strides = array<i32>} : memref<64x128xf32, #tpu.memory_space<vmem>>, vector<16xf32>,
      %parallel_loop3A_403 = arith.mulf %parallel_loop3A_399, %parallel_loop3A_402 : vector<16xf32>
      %parallel_loop3A_404 = arith.index_cast %parallel_loop3A_396 : i32 to index
      %parallel_loop3A_405 = arith.constant 16 : index
      %parallel_loop3A_406 = tpu.vector_load %arg17[%parallel_loop3A_404, %parallel_loop3A_405] {strides = array<i32>} : memref<64x128xf32, #tpu.memory_space<vmem>>, vector<16xf32>,
      %parallel_loop3A_407 = arith.index_cast %parallel_loop3A_396 : i32 to index
      %parallel_loop3A_408 = arith.constant 16 : index
      %parallel_loop3A_409 = tpu.vector_load %arg23[%parallel_loop3A_407, %parallel_loop3A_408] {strides = array<i32>} : memref<64x128xf32, #tpu.memory_space<vmem>>, vector<16xf32>,
      %parallel_loop3A_410 = arith.mulf %parallel_loop3A_406, %parallel_loop3A_409 : vector<16xf32>
      %parallel_loop3A_411 = arith.index_cast %parallel_loop3A_396 : i32 to index
      %parallel_loop3A_412 = arith.constant 32 : index
      %parallel_loop3A_413 = tpu.vector_load %arg17[%parallel_loop3A_411, %parallel_loop3A_412] {strides = array<i32>} : memref<64x128xf32, #tpu.memory_space<vmem>>, vector<16xf32>,
      %parallel_loop3A_414 = arith.index_cast %parallel_loop3A_396 : i32 to index
      %parallel_loop3A_415 = arith.constant 32 : index
      %parallel_loop3A_416 = tpu.vector_load %arg23[%parallel_loop3A_414, %parallel_loop3A_415] {strides = array<i32>} : memref<64x128xf32, #tpu.memory_space<vmem>>, vector<16xf32>,
      %parallel_loop3A_417 = arith.mulf %parallel_loop3A_413, %parallel_loop3A_416 : vector<16xf32>
      %parallel_loop3A_418 = arith.index_cast %parallel_loop3A_396 : i32 to index
      %parallel_loop3A_419 = arith.constant 48 : index
      %parallel_loop3A_420 = tpu.vector_load %arg17[%parallel_loop3A_418, %parallel_loop3A_419] {strides = array<i32>} : memref<64x128xf32, #tpu.memory_space<vmem>>, vector<16xf32>,
      %parallel_loop3A_421 = arith.index_cast %parallel_loop3A_396 : i32 to index
      %parallel_loop3A_422 = arith.constant 48 : index
      %parallel_loop3A_423 = tpu.vector_load %arg23[%parallel_loop3A_421, %parallel_loop3A_422] {strides = array<i32>} : memref<64x128xf32, #tpu.memory_space<vmem>>, vector<16xf32>,
      %parallel_loop3A_424 = arith.mulf %parallel_loop3A_420, %parallel_loop3A_423 : vector<16xf32>
      %parallel_loop3A_425 = arith.index_cast %parallel_loop3A_396 : i32 to index
      %parallel_loop3A_426 = arith.constant 64 : index
      %parallel_loop3A_427 = tpu.vector_load %arg17[%parallel_loop3A_425, %parallel_loop3A_426] {strides = array<i32>} : memref<64x128xf32, #tpu.memory_space<vmem>>, vector<16xf32>,
      %parallel_loop3A_428 = arith.index_cast %parallel_loop3A_396 : i32 to index
      %parallel_loop3A_429 = arith.constant 64 : index
      %parallel_loop3A_430 = tpu.vector_load %arg23[%parallel_loop3A_428, %parallel_loop3A_429] {strides = array<i32>} : memref<64x128xf32, #tpu.memory_space<vmem>>, vector<16xf32>,
      %parallel_loop3A_431 = arith.mulf %parallel_loop3A_427, %parallel_loop3A_430 : vector<16xf32>
      %parallel_loop3A_432 = arith.index_cast %parallel_loop3A_396 : i32 to index
      %parallel_loop3A_433 = arith.constant 80 : index
      %parallel_loop3A_434 = tpu.vector_load %arg17[%parallel_loop3A_432, %parallel_loop3A_433] {strides = array<i32>} : memref<64x128xf32, #tpu.memory_space<vmem>>, vector<16xf32>,
      %parallel_loop3A_435 = arith.index_cast %parallel_loop3A_396 : i32 to index
      %parallel_loop3A_436 = arith.constant 80 : index
      %parallel_loop3A_437 = tpu.vector_load %arg23[%parallel_loop3A_435, %parallel_loop3A_436] {strides = array<i32>} : memref<64x128xf32, #tpu.memory_space<vmem>>, vector<16xf32>,
      %parallel_loop3A_438 = arith.mulf %parallel_loop3A_434, %parallel_loop3A_437 : vector<16xf32>
      %parallel_loop3A_439 = arith.index_cast %parallel_loop3A_396 : i32 to index
      %parallel_loop3A_440 = arith.constant 96 : index
      %parallel_loop3A_441 = tpu.vector_load %arg17[%parallel_loop3A_439, %parallel_loop3A_440] {strides = array<i32>} : memref<64x128xf32, #tpu.memory_space<vmem>>, vector<16xf32>,
      %parallel_loop3A_442 = arith.index_cast %parallel_loop3A_396 : i32 to index
      %parallel_loop3A_443 = arith.constant 96 : index
      %parallel_loop3A_444 = tpu.vector_load %arg23[%parallel_loop3A_442, %parallel_loop3A_443] {strides = array<i32>} : memref<64x128xf32, #tpu.memory_space<vmem>>, vector<16xf32>,
      %parallel_loop3A_445 = arith.mulf %parallel_loop3A_441, %parallel_loop3A_444 : vector<16xf32>
      %parallel_loop3A_446 = arith.index_cast %parallel_loop3A_396 : i32 to index
      %parallel_loop3A_447 = arith.constant 112 : index
      %parallel_loop3A_448 = tpu.vector_load %arg17[%parallel_loop3A_446, %parallel_loop3A_447] {strides = array<i32>} : memref<64x128xf32, #tpu.memory_space<vmem>>, vector<16xf32>,
      %parallel_loop3A_449 = arith.index_cast %parallel_loop3A_396 : i32 to index
      %parallel_loop3A_450 = arith.constant 112 : index
      %parallel_loop3A_451 = tpu.vector_load %arg23[%parallel_loop3A_449, %parallel_loop3A_450] {strides = array<i32>} : memref<64x128xf32, #tpu.memory_space<vmem>>, vector<16xf32>,
      %parallel_loop3A_452 = arith.mulf %parallel_loop3A_448, %parallel_loop3A_451 : vector<16xf32>
      %parallel_loop3A_453 = arith.addf %parallel_loop3A_403, %parallel_loop3A_410 : vector<16xf32>
      %parallel_loop3A_454 = arith.addf %parallel_loop3A_417, %parallel_loop3A_424 : vector<16xf32>
      %parallel_loop3A_455 = arith.addf %parallel_loop3A_431, %parallel_loop3A_438 : vector<16xf32>
      %parallel_loop3A_456 = arith.addf %parallel_loop3A_445, %parallel_loop3A_452 : vector<16xf32>
      %parallel_loop3A_457 = arith.addf %parallel_loop3A_453, %parallel_loop3A_454 : vector<16xf32>
      %parallel_loop3A_458 = arith.addf %parallel_loop3A_455, %parallel_loop3A_456 : vector<16xf32>
      %parallel_loop3A_459 = arith.addf %parallel_loop3A_457, %parallel_loop3A_458 : vector<16xf32>
      %parallel_loop3A_460 = arith.constant true
      %parallel_loop3A_461 = vector.broadcast %parallel_loop3A_460 : i1 to vector<16xi1>
      %parallel_loop3A_462 = tpu.scan <sum>, %parallel_loop3A_459 masked %parallel_loop3A_461 : vector<16xf32>, vector<16xi1> -> vector<16xf32>
      %parallel_loop3A_463 = arith.constant 320 : i32
      %parallel_loop3A_464 = vector.broadcast %parallel_loop3A_463 : i32 to vector<16xi32>
      %parallel_loop3A_465 = vector.broadcast %parallel_loop3A_396 : i32 to vector<16xi32>
      %parallel_loop3A_466 = arith.addi %parallel_loop3A_464, %parallel_loop3A_465 : vector<16xi32>
      %parallel_loop3A_467 = arith.constant 15 : i32
      %parallel_loop3A_468 = vector.broadcast %parallel_loop3A_467 : i32 to vector<16xi32>
      %parallel_loop3A_469 = arith.cmpi eq, %iota3A, %parallel_loop3A_468 : vector<16xi32>
      tpu.vector_store_idx %arg27[%parallel_loop3A_466], %parallel_loop3A_462 masked %parallel_loop3A_469 : memref<512xf32, #tpu.memory_space<vmem>>[vector<16xi32>], vector<16xf32>, vector<16xi1>
    } {sc.loop_unroll_factor = 4 : i64, sc.parallel_access}
    %dma_wait3A_270 = arith.constant 384 : i32
    %dma_wait3A_271 = tpu.memref_slice %arg10[%dma_wait3A_270] : memref<512xi32, #tpu.memory_space<vmem>> -> memref<64xi32, #tpu.memory_space<vmem>>
    %dma_wait3A_272 = arith.constant 0 : i32
    %dma_wait3A_273 = arith.constant 0 : i32
    %dma_wait3A_274 = tpu.memref_slice %arg4[%dma_wait3A_272, %dma_wait3A_273] : memref<100000x128xf32, #tpu.memory_space<hbm>> -> memref<100000x128xf32, #tpu.memory_space<hbm>>
    tpu.wait_indirect_dma semaphore(%arg28 : memref<!tpu.dma_semaphore, #tpu.memory_space<semaphore_mem>>) src(%dma_wait3A_274 : memref<100000x128xf32, #tpu.memory_space<hbm>>) dst(%arg12 : memref<64x128xf32, #tpu.memory_space<vmem>>)
    %dma_wait3A_275 = arith.constant 384 : i32
    %dma_wait3A_276 = tpu.memref_slice %arg11[%dma_wait3A_275] : memref<512xi32, #tpu.memory_space<vmem>> -> memref<64xi32, #tpu.memory_space<vmem>>
    %dma_wait3A_277 = arith.constant 0 : i32
    %dma_wait3A_278 = arith.constant 0 : i32
    %dma_wait3A_279 = tpu.memref_slice %arg5[%dma_wait3A_277, %dma_wait3A_278] : memref<100000x128xf32, #tpu.memory_space<hbm>> -> memref<100000x128xf32, #tpu.memory_space<hbm>>
    tpu.wait_indirect_dma semaphore(%arg28 : memref<!tpu.dma_semaphore, #tpu.memory_space<semaphore_mem>>) src(%dma_wait3A_279 : memref<100000x128xf32, #tpu.memory_space<hbm>>) dst(%arg18 : memref<64x128xf32, #tpu.memory_space<vmem>>)
    %parallel_loop3A_280 = arith.constant 0 : i32
    %parallel_loop3A_281 = arith.constant 64 : i32
    %parallel_loop3A_282 = arith.constant 1 : i32
    scf.for %parallel_loop3A_396 = %parallel_loop3A_280 to %parallel_loop3A_281 step %parallel_loop3A_282  : i32 {
      %parallel_loop3A_397 = arith.index_cast %parallel_loop3A_396 : i32 to index
      %parallel_loop3A_398 = arith.constant 0 : index
      %parallel_loop3A_399 = tpu.vector_load %arg12[%parallel_loop3A_397, %parallel_loop3A_398] {strides = array<i32>} : memref<64x128xf32, #tpu.memory_space<vmem>>, vector<16xf32>,
      %parallel_loop3A_400 = arith.index_cast %parallel_loop3A_396 : i32 to index
      %parallel_loop3A_401 = arith.constant 0 : index
      %parallel_loop3A_402 = tpu.vector_load %arg18[%parallel_loop3A_400, %parallel_loop3A_401] {strides = array<i32>} : memref<64x128xf32, #tpu.memory_space<vmem>>, vector<16xf32>,
      %parallel_loop3A_403 = arith.mulf %parallel_loop3A_399, %parallel_loop3A_402 : vector<16xf32>
      %parallel_loop3A_404 = arith.index_cast %parallel_loop3A_396 : i32 to index
      %parallel_loop3A_405 = arith.constant 16 : index
      %parallel_loop3A_406 = tpu.vector_load %arg12[%parallel_loop3A_404, %parallel_loop3A_405] {strides = array<i32>} : memref<64x128xf32, #tpu.memory_space<vmem>>, vector<16xf32>,
      %parallel_loop3A_407 = arith.index_cast %parallel_loop3A_396 : i32 to index
      %parallel_loop3A_408 = arith.constant 16 : index
      %parallel_loop3A_409 = tpu.vector_load %arg18[%parallel_loop3A_407, %parallel_loop3A_408] {strides = array<i32>} : memref<64x128xf32, #tpu.memory_space<vmem>>, vector<16xf32>,
      %parallel_loop3A_410 = arith.mulf %parallel_loop3A_406, %parallel_loop3A_409 : vector<16xf32>
      %parallel_loop3A_411 = arith.index_cast %parallel_loop3A_396 : i32 to index
      %parallel_loop3A_412 = arith.constant 32 : index
      %parallel_loop3A_413 = tpu.vector_load %arg12[%parallel_loop3A_411, %parallel_loop3A_412] {strides = array<i32>} : memref<64x128xf32, #tpu.memory_space<vmem>>, vector<16xf32>,
      %parallel_loop3A_414 = arith.index_cast %parallel_loop3A_396 : i32 to index
      %parallel_loop3A_415 = arith.constant 32 : index
      %parallel_loop3A_416 = tpu.vector_load %arg18[%parallel_loop3A_414, %parallel_loop3A_415] {strides = array<i32>} : memref<64x128xf32, #tpu.memory_space<vmem>>, vector<16xf32>,
      %parallel_loop3A_417 = arith.mulf %parallel_loop3A_413, %parallel_loop3A_416 : vector<16xf32>
      %parallel_loop3A_418 = arith.index_cast %parallel_loop3A_396 : i32 to index
      %parallel_loop3A_419 = arith.constant 48 : index
      %parallel_loop3A_420 = tpu.vector_load %arg12[%parallel_loop3A_418, %parallel_loop3A_419] {strides = array<i32>} : memref<64x128xf32, #tpu.memory_space<vmem>>, vector<16xf32>,
      %parallel_loop3A_421 = arith.index_cast %parallel_loop3A_396 : i32 to index
      %parallel_loop3A_422 = arith.constant 48 : index
      %parallel_loop3A_423 = tpu.vector_load %arg18[%parallel_loop3A_421, %parallel_loop3A_422] {strides = array<i32>} : memref<64x128xf32, #tpu.memory_space<vmem>>, vector<16xf32>,
      %parallel_loop3A_424 = arith.mulf %parallel_loop3A_420, %parallel_loop3A_423 : vector<16xf32>
      %parallel_loop3A_425 = arith.index_cast %parallel_loop3A_396 : i32 to index
      %parallel_loop3A_426 = arith.constant 64 : index
      %parallel_loop3A_427 = tpu.vector_load %arg12[%parallel_loop3A_425, %parallel_loop3A_426] {strides = array<i32>} : memref<64x128xf32, #tpu.memory_space<vmem>>, vector<16xf32>,
      %parallel_loop3A_428 = arith.index_cast %parallel_loop3A_396 : i32 to index
      %parallel_loop3A_429 = arith.constant 64 : index
      %parallel_loop3A_430 = tpu.vector_load %arg18[%parallel_loop3A_428, %parallel_loop3A_429] {strides = array<i32>} : memref<64x128xf32, #tpu.memory_space<vmem>>, vector<16xf32>,
      %parallel_loop3A_431 = arith.mulf %parallel_loop3A_427, %parallel_loop3A_430 : vector<16xf32>
      %parallel_loop3A_432 = arith.index_cast %parallel_loop3A_396 : i32 to index
      %parallel_loop3A_433 = arith.constant 80 : index
      %parallel_loop3A_434 = tpu.vector_load %arg12[%parallel_loop3A_432, %parallel_loop3A_433] {strides = array<i32>} : memref<64x128xf32, #tpu.memory_space<vmem>>, vector<16xf32>,
      %parallel_loop3A_435 = arith.index_cast %parallel_loop3A_396 : i32 to index
      %parallel_loop3A_436 = arith.constant 80 : index
      %parallel_loop3A_437 = tpu.vector_load %arg18[%parallel_loop3A_435, %parallel_loop3A_436] {strides = array<i32>} : memref<64x128xf32, #tpu.memory_space<vmem>>, vector<16xf32>,
      %parallel_loop3A_438 = arith.mulf %parallel_loop3A_434, %parallel_loop3A_437 : vector<16xf32>
      %parallel_loop3A_439 = arith.index_cast %parallel_loop3A_396 : i32 to index
      %parallel_loop3A_440 = arith.constant 96 : index
      %parallel_loop3A_441 = tpu.vector_load %arg12[%parallel_loop3A_439, %parallel_loop3A_440] {strides = array<i32>} : memref<64x128xf32, #tpu.memory_space<vmem>>, vector<16xf32>,
      %parallel_loop3A_442 = arith.index_cast %parallel_loop3A_396 : i32 to index
      %parallel_loop3A_443 = arith.constant 96 : index
      %parallel_loop3A_444 = tpu.vector_load %arg18[%parallel_loop3A_442, %parallel_loop3A_443] {strides = array<i32>} : memref<64x128xf32, #tpu.memory_space<vmem>>, vector<16xf32>,
      %parallel_loop3A_445 = arith.mulf %parallel_loop3A_441, %parallel_loop3A_444 : vector<16xf32>
      %parallel_loop3A_446 = arith.index_cast %parallel_loop3A_396 : i32 to index
      %parallel_loop3A_447 = arith.constant 112 : index
      %parallel_loop3A_448 = tpu.vector_load %arg12[%parallel_loop3A_446, %parallel_loop3A_447] {strides = array<i32>} : memref<64x128xf32, #tpu.memory_space<vmem>>, vector<16xf32>,
      %parallel_loop3A_449 = arith.index_cast %parallel_loop3A_396 : i32 to index
      %parallel_loop3A_450 = arith.constant 112 : index
      %parallel_loop3A_451 = tpu.vector_load %arg18[%parallel_loop3A_449, %parallel_loop3A_450] {strides = array<i32>} : memref<64x128xf32, #tpu.memory_space<vmem>>, vector<16xf32>,
      %parallel_loop3A_452 = arith.mulf %parallel_loop3A_448, %parallel_loop3A_451 : vector<16xf32>
      %parallel_loop3A_453 = arith.addf %parallel_loop3A_403, %parallel_loop3A_410 : vector<16xf32>
      %parallel_loop3A_454 = arith.addf %parallel_loop3A_417, %parallel_loop3A_424 : vector<16xf32>
      %parallel_loop3A_455 = arith.addf %parallel_loop3A_431, %parallel_loop3A_438 : vector<16xf32>
      %parallel_loop3A_456 = arith.addf %parallel_loop3A_445, %parallel_loop3A_452 : vector<16xf32>
      %parallel_loop3A_457 = arith.addf %parallel_loop3A_453, %parallel_loop3A_454 : vector<16xf32>
      %parallel_loop3A_458 = arith.addf %parallel_loop3A_455, %parallel_loop3A_456 : vector<16xf32>
      %parallel_loop3A_459 = arith.addf %parallel_loop3A_457, %parallel_loop3A_458 : vector<16xf32>
      %parallel_loop3A_460 = arith.constant true
      %parallel_loop3A_461 = vector.broadcast %parallel_loop3A_460 : i1 to vector<16xi1>
      %parallel_loop3A_462 = tpu.scan <sum>, %parallel_loop3A_459 masked %parallel_loop3A_461 : vector<16xf32>, vector<16xi1> -> vector<16xf32>
      %parallel_loop3A_463 = arith.constant 384 : i32
      %parallel_loop3A_464 = vector.broadcast %parallel_loop3A_463 : i32 to vector<16xi32>
      %parallel_loop3A_465 = vector.broadcast %parallel_loop3A_396 : i32 to vector<16xi32>
      %parallel_loop3A_466 = arith.addi %parallel_loop3A_464, %parallel_loop3A_465 : vector<16xi32>
      %parallel_loop3A_467 = arith.constant 15 : i32
      %parallel_loop3A_468 = vector.broadcast %parallel_loop3A_467 : i32 to vector<16xi32>
      %parallel_loop3A_469 = arith.cmpi eq, %iota3A, %parallel_loop3A_468 : vector<16xi32>
      tpu.vector_store_idx %arg27[%parallel_loop3A_466], %parallel_loop3A_462 masked %parallel_loop3A_469 : memref<512xf32, #tpu.memory_space<vmem>>[vector<16xi32>], vector<16xf32>, vector<16xi1>
    } {sc.loop_unroll_factor = 4 : i64, sc.parallel_access}
    %dma_wait3A_283 = arith.constant 448 : i32
    %dma_wait3A_284 = tpu.memref_slice %arg10[%dma_wait3A_283] : memref<512xi32, #tpu.memory_space<vmem>> -> memref<64xi32, #tpu.memory_space<vmem>>
    %dma_wait3A_285 = arith.constant 0 : i32
    %dma_wait3A_286 = arith.constant 0 : i32
    %dma_wait3A_287 = tpu.memref_slice %arg4[%dma_wait3A_285, %dma_wait3A_286] : memref<100000x128xf32, #tpu.memory_space<hbm>> -> memref<100000x128xf32, #tpu.memory_space<hbm>>
    tpu.wait_indirect_dma semaphore(%arg29 : memref<!tpu.dma_semaphore, #tpu.memory_space<semaphore_mem>>) src(%dma_wait3A_287 : memref<100000x128xf32, #tpu.memory_space<hbm>>) dst(%arg13 : memref<64x128xf32, #tpu.memory_space<vmem>>)
    %dma_wait3A_288 = arith.constant 448 : i32
    %dma_wait3A_289 = tpu.memref_slice %arg11[%dma_wait3A_288] : memref<512xi32, #tpu.memory_space<vmem>> -> memref<64xi32, #tpu.memory_space<vmem>>
    %dma_wait3A_290 = arith.constant 0 : i32
    %dma_wait3A_291 = arith.constant 0 : i32
    %dma_wait3A_292 = tpu.memref_slice %arg5[%dma_wait3A_290, %dma_wait3A_291] : memref<100000x128xf32, #tpu.memory_space<hbm>> -> memref<100000x128xf32, #tpu.memory_space<hbm>>
    tpu.wait_indirect_dma semaphore(%arg29 : memref<!tpu.dma_semaphore, #tpu.memory_space<semaphore_mem>>) src(%dma_wait3A_292 : memref<100000x128xf32, #tpu.memory_space<hbm>>) dst(%arg19 : memref<64x128xf32, #tpu.memory_space<vmem>>)
    %parallel_loop3A_293 = arith.constant 0 : i32
    %parallel_loop3A_294 = arith.constant 64 : i32
    %parallel_loop3A_295 = arith.constant 1 : i32
    scf.for %parallel_loop3A_396 = %parallel_loop3A_293 to %parallel_loop3A_294 step %parallel_loop3A_295  : i32 {
      %parallel_loop3A_397 = arith.index_cast %parallel_loop3A_396 : i32 to index
      %parallel_loop3A_398 = arith.constant 0 : index
      %parallel_loop3A_399 = tpu.vector_load %arg13[%parallel_loop3A_397, %parallel_loop3A_398] {strides = array<i32>} : memref<64x128xf32, #tpu.memory_space<vmem>>, vector<16xf32>,
      %parallel_loop3A_400 = arith.index_cast %parallel_loop3A_396 : i32 to index
      %parallel_loop3A_401 = arith.constant 0 : index
      %parallel_loop3A_402 = tpu.vector_load %arg19[%parallel_loop3A_400, %parallel_loop3A_401] {strides = array<i32>} : memref<64x128xf32, #tpu.memory_space<vmem>>, vector<16xf32>,
      %parallel_loop3A_403 = arith.mulf %parallel_loop3A_399, %parallel_loop3A_402 : vector<16xf32>
      %parallel_loop3A_404 = arith.index_cast %parallel_loop3A_396 : i32 to index
      %parallel_loop3A_405 = arith.constant 16 : index
      %parallel_loop3A_406 = tpu.vector_load %arg13[%parallel_loop3A_404, %parallel_loop3A_405] {strides = array<i32>} : memref<64x128xf32, #tpu.memory_space<vmem>>, vector<16xf32>,
      %parallel_loop3A_407 = arith.index_cast %parallel_loop3A_396 : i32 to index
      %parallel_loop3A_408 = arith.constant 16 : index
      %parallel_loop3A_409 = tpu.vector_load %arg19[%parallel_loop3A_407, %parallel_loop3A_408] {strides = array<i32>} : memref<64x128xf32, #tpu.memory_space<vmem>>, vector<16xf32>,
      %parallel_loop3A_410 = arith.mulf %parallel_loop3A_406, %parallel_loop3A_409 : vector<16xf32>
      %parallel_loop3A_411 = arith.index_cast %parallel_loop3A_396 : i32 to index
      %parallel_loop3A_412 = arith.constant 32 : index
      %parallel_loop3A_413 = tpu.vector_load %arg13[%parallel_loop3A_411, %parallel_loop3A_412] {strides = array<i32>} : memref<64x128xf32, #tpu.memory_space<vmem>>, vector<16xf32>,
      %parallel_loop3A_414 = arith.index_cast %parallel_loop3A_396 : i32 to index
      %parallel_loop3A_415 = arith.constant 32 : index
      %parallel_loop3A_416 = tpu.vector_load %arg19[%parallel_loop3A_414, %parallel_loop3A_415] {strides = array<i32>} : memref<64x128xf32, #tpu.memory_space<vmem>>, vector<16xf32>,
      %parallel_loop3A_417 = arith.mulf %parallel_loop3A_413, %parallel_loop3A_416 : vector<16xf32>
      %parallel_loop3A_418 = arith.index_cast %parallel_loop3A_396 : i32 to index
      %parallel_loop3A_419 = arith.constant 48 : index
      %parallel_loop3A_420 = tpu.vector_load %arg13[%parallel_loop3A_418, %parallel_loop3A_419] {strides = array<i32>} : memref<64x128xf32, #tpu.memory_space<vmem>>, vector<16xf32>,
      %parallel_loop3A_421 = arith.index_cast %parallel_loop3A_396 : i32 to index
      %parallel_loop3A_422 = arith.constant 48 : index
      %parallel_loop3A_423 = tpu.vector_load %arg19[%parallel_loop3A_421, %parallel_loop3A_422] {strides = array<i32>} : memref<64x128xf32, #tpu.memory_space<vmem>>, vector<16xf32>,
      %parallel_loop3A_424 = arith.mulf %parallel_loop3A_420, %parallel_loop3A_423 : vector<16xf32>
      %parallel_loop3A_425 = arith.index_cast %parallel_loop3A_396 : i32 to index
      %parallel_loop3A_426 = arith.constant 64 : index
      %parallel_loop3A_427 = tpu.vector_load %arg13[%parallel_loop3A_425, %parallel_loop3A_426] {strides = array<i32>} : memref<64x128xf32, #tpu.memory_space<vmem>>, vector<16xf32>,
      %parallel_loop3A_428 = arith.index_cast %parallel_loop3A_396 : i32 to index
      %parallel_loop3A_429 = arith.constant 64 : index
      %parallel_loop3A_430 = tpu.vector_load %arg19[%parallel_loop3A_428, %parallel_loop3A_429] {strides = array<i32>} : memref<64x128xf32, #tpu.memory_space<vmem>>, vector<16xf32>,
      %parallel_loop3A_431 = arith.mulf %parallel_loop3A_427, %parallel_loop3A_430 : vector<16xf32>
      %parallel_loop3A_432 = arith.index_cast %parallel_loop3A_396 : i32 to index
      %parallel_loop3A_433 = arith.constant 80 : index
      %parallel_loop3A_434 = tpu.vector_load %arg13[%parallel_loop3A_432, %parallel_loop3A_433] {strides = array<i32>} : memref<64x128xf32, #tpu.memory_space<vmem>>, vector<16xf32>,
      %parallel_loop3A_435 = arith.index_cast %parallel_loop3A_396 : i32 to index
      %parallel_loop3A_436 = arith.constant 80 : index
      %parallel_loop3A_437 = tpu.vector_load %arg19[%parallel_loop3A_435, %parallel_loop3A_436] {strides = array<i32>} : memref<64x128xf32, #tpu.memory_space<vmem>>, vector<16xf32>,
      %parallel_loop3A_438 = arith.mulf %parallel_loop3A_434, %parallel_loop3A_437 : vector<16xf32>
      %parallel_loop3A_439 = arith.index_cast %parallel_loop3A_396 : i32 to index
      %parallel_loop3A_440 = arith.constant 96 : index
      %parallel_loop3A_441 = tpu.vector_load %arg13[%parallel_loop3A_439, %parallel_loop3A_440] {strides = array<i32>} : memref<64x128xf32, #tpu.memory_space<vmem>>, vector<16xf32>,
      %parallel_loop3A_442 = arith.index_cast %parallel_loop3A_396 : i32 to index
      %parallel_loop3A_443 = arith.constant 96 : index
      %parallel_loop3A_444 = tpu.vector_load %arg19[%parallel_loop3A_442, %parallel_loop3A_443] {strides = array<i32>} : memref<64x128xf32, #tpu.memory_space<vmem>>, vector<16xf32>,
      %parallel_loop3A_445 = arith.mulf %parallel_loop3A_441, %parallel_loop3A_444 : vector<16xf32>
      %parallel_loop3A_446 = arith.index_cast %parallel_loop3A_396 : i32 to index
      %parallel_loop3A_447 = arith.constant 112 : index
      %parallel_loop3A_448 = tpu.vector_load %arg13[%parallel_loop3A_446, %parallel_loop3A_447] {strides = array<i32>} : memref<64x128xf32, #tpu.memory_space<vmem>>, vector<16xf32>,
      %parallel_loop3A_449 = arith.index_cast %parallel_loop3A_396 : i32 to index
      %parallel_loop3A_450 = arith.constant 112 : index
      %parallel_loop3A_451 = tpu.vector_load %arg19[%parallel_loop3A_449, %parallel_loop3A_450] {strides = array<i32>} : memref<64x128xf32, #tpu.memory_space<vmem>>, vector<16xf32>,
      %parallel_loop3A_452 = arith.mulf %parallel_loop3A_448, %parallel_loop3A_451 : vector<16xf32>
      %parallel_loop3A_453 = arith.addf %parallel_loop3A_403, %parallel_loop3A_410 : vector<16xf32>
      %parallel_loop3A_454 = arith.addf %parallel_loop3A_417, %parallel_loop3A_424 : vector<16xf32>
      %parallel_loop3A_455 = arith.addf %parallel_loop3A_431, %parallel_loop3A_438 : vector<16xf32>
      %parallel_loop3A_456 = arith.addf %parallel_loop3A_445, %parallel_loop3A_452 : vector<16xf32>
      %parallel_loop3A_457 = arith.addf %parallel_loop3A_453, %parallel_loop3A_454 : vector<16xf32>
      %parallel_loop3A_458 = arith.addf %parallel_loop3A_455, %parallel_loop3A_456 : vector<16xf32>
      %parallel_loop3A_459 = arith.addf %parallel_loop3A_457, %parallel_loop3A_458 : vector<16xf32>
      %parallel_loop3A_460 = arith.constant true
      %parallel_loop3A_461 = vector.broadcast %parallel_loop3A_460 : i1 to vector<16xi1>
      %parallel_loop3A_462 = tpu.scan <sum>, %parallel_loop3A_459 masked %parallel_loop3A_461 : vector<16xf32>, vector<16xi1> -> vector<16xf32>
      %parallel_loop3A_463 = arith.constant 448 : i32
      %parallel_loop3A_464 = vector.broadcast %parallel_loop3A_463 : i32 to vector<16xi32>
      %parallel_loop3A_465 = vector.broadcast %parallel_loop3A_396 : i32 to vector<16xi32>
      %parallel_loop3A_466 = arith.addi %parallel_loop3A_464, %parallel_loop3A_465 : vector<16xi32>
      %parallel_loop3A_467 = arith.constant 15 : i32
      %parallel_loop3A_468 = vector.broadcast %parallel_loop3A_467 : i32 to vector<16xi32>
      %parallel_loop3A_469 = arith.cmpi eq, %iota3A, %parallel_loop3A_468 : vector<16xi32>
      tpu.vector_store_idx %arg27[%parallel_loop3A_466], %parallel_loop3A_462 masked %parallel_loop3A_469 : memref<512xf32, #tpu.memory_space<vmem>>[vector<16xi32>], vector<16xf32>, vector<16xi1>
    } {sc.loop_unroll_factor = 4 : i64, sc.parallel_access}
    %dma_wait3A_296 = arith.constant 0 : i32
    %dma_wait3A_297 = tpu.memref_slice %arg24[%dma_wait3A_296] : memref<512xf32, #tpu.memory_space<vmem>> -> memref<64xf32, #tpu.memory_space<vmem>>
    %dma_wait3A_298 = arith.constant 0 : i32
    %dma_wait3A_299 = tpu.memref_slice %arg10[%dma_wait3A_298] : memref<512xi32, #tpu.memory_space<vmem>> -> memref<64xi32, #tpu.memory_space<vmem>>
    %dma_wait3A_300 = arith.constant 0 : i32
    %dma_wait3A_301 = tpu.memref_slice %arg6[%dma_wait3A_300] : memref<100000xf32, #tpu.memory_space<hbm>> -> memref<100000xf32, #tpu.memory_space<hbm>>
    tpu.wait_indirect_dma semaphore(%arg34 : memref<!tpu.dma_semaphore, #tpu.memory_space<semaphore_mem>>) src(%dma_wait3A_301 : memref<100000xf32, #tpu.memory_space<hbm>>) dst(%dma_wait3A_297 : memref<64xf32, #tpu.memory_space<vmem>>)
    %dma_wait3A_302 = arith.constant 0 : i32
    %dma_wait3A_303 = tpu.memref_slice %arg25[%dma_wait3A_302] : memref<512xf32, #tpu.memory_space<vmem>> -> memref<64xf32, #tpu.memory_space<vmem>>
    %dma_wait3A_304 = arith.constant 0 : i32
    %dma_wait3A_305 = tpu.memref_slice %arg11[%dma_wait3A_304] : memref<512xi32, #tpu.memory_space<vmem>> -> memref<64xi32, #tpu.memory_space<vmem>>
    %dma_wait3A_306 = arith.constant 0 : i32
    %dma_wait3A_307 = tpu.memref_slice %arg7[%dma_wait3A_306] : memref<100000xf32, #tpu.memory_space<hbm>> -> memref<100000xf32, #tpu.memory_space<hbm>>
    tpu.wait_indirect_dma semaphore(%arg34 : memref<!tpu.dma_semaphore, #tpu.memory_space<semaphore_mem>>) src(%dma_wait3A_307 : memref<100000xf32, #tpu.memory_space<hbm>>) dst(%dma_wait3A_303 : memref<64xf32, #tpu.memory_space<vmem>>)
    %dma_wait3A_308 = arith.constant 64 : i32
    %dma_wait3A_309 = tpu.memref_slice %arg24[%dma_wait3A_308] : memref<512xf32, #tpu.memory_space<vmem>> -> memref<64xf32, #tpu.memory_space<vmem>>
    %dma_wait3A_310 = arith.constant 64 : i32
    %dma_wait3A_311 = tpu.memref_slice %arg10[%dma_wait3A_310] : memref<512xi32, #tpu.memory_space<vmem>> -> memref<64xi32, #tpu.memory_space<vmem>>
    %dma_wait3A_312 = arith.constant 0 : i32
    %dma_wait3A_313 = tpu.memref_slice %arg6[%dma_wait3A_312] : memref<100000xf32, #tpu.memory_space<hbm>> -> memref<100000xf32, #tpu.memory_space<hbm>>
    tpu.wait_indirect_dma semaphore(%arg34 : memref<!tpu.dma_semaphore, #tpu.memory_space<semaphore_mem>>) src(%dma_wait3A_313 : memref<100000xf32, #tpu.memory_space<hbm>>) dst(%dma_wait3A_309 : memref<64xf32, #tpu.memory_space<vmem>>)
    %dma_wait3A_314 = arith.constant 64 : i32
    %dma_wait3A_315 = tpu.memref_slice %arg25[%dma_wait3A_314] : memref<512xf32, #tpu.memory_space<vmem>> -> memref<64xf32, #tpu.memory_space<vmem>>
    %dma_wait3A_316 = arith.constant 64 : i32
    %dma_wait3A_317 = tpu.memref_slice %arg11[%dma_wait3A_316] : memref<512xi32, #tpu.memory_space<vmem>> -> memref<64xi32, #tpu.memory_space<vmem>>
    %dma_wait3A_318 = arith.constant 0 : i32
    %dma_wait3A_319 = tpu.memref_slice %arg7[%dma_wait3A_318] : memref<100000xf32, #tpu.memory_space<hbm>> -> memref<100000xf32, #tpu.memory_space<hbm>>
    tpu.wait_indirect_dma semaphore(%arg34 : memref<!tpu.dma_semaphore, #tpu.memory_space<semaphore_mem>>) src(%dma_wait3A_319 : memref<100000xf32, #tpu.memory_space<hbm>>) dst(%dma_wait3A_315 : memref<64xf32, #tpu.memory_space<vmem>>)
    %dma_wait3A_320 = arith.constant 128 : i32
    %dma_wait3A_321 = tpu.memref_slice %arg24[%dma_wait3A_320] : memref<512xf32, #tpu.memory_space<vmem>> -> memref<64xf32, #tpu.memory_space<vmem>>
    %dma_wait3A_322 = arith.constant 128 : i32
    %dma_wait3A_323 = tpu.memref_slice %arg10[%dma_wait3A_322] : memref<512xi32, #tpu.memory_space<vmem>> -> memref<64xi32, #tpu.memory_space<vmem>>
    %dma_wait3A_324 = arith.constant 0 : i32
    %dma_wait3A_325 = tpu.memref_slice %arg6[%dma_wait3A_324] : memref<100000xf32, #tpu.memory_space<hbm>> -> memref<100000xf32, #tpu.memory_space<hbm>>
    tpu.wait_indirect_dma semaphore(%arg34 : memref<!tpu.dma_semaphore, #tpu.memory_space<semaphore_mem>>) src(%dma_wait3A_325 : memref<100000xf32, #tpu.memory_space<hbm>>) dst(%dma_wait3A_321 : memref<64xf32, #tpu.memory_space<vmem>>)
    %dma_wait3A_326 = arith.constant 128 : i32
    %dma_wait3A_327 = tpu.memref_slice %arg25[%dma_wait3A_326] : memref<512xf32, #tpu.memory_space<vmem>> -> memref<64xf32, #tpu.memory_space<vmem>>
    %dma_wait3A_328 = arith.constant 128 : i32
    %dma_wait3A_329 = tpu.memref_slice %arg11[%dma_wait3A_328] : memref<512xi32, #tpu.memory_space<vmem>> -> memref<64xi32, #tpu.memory_space<vmem>>
    %dma_wait3A_330 = arith.constant 0 : i32
    %dma_wait3A_331 = tpu.memref_slice %arg7[%dma_wait3A_330] : memref<100000xf32, #tpu.memory_space<hbm>> -> memref<100000xf32, #tpu.memory_space<hbm>>
    tpu.wait_indirect_dma semaphore(%arg34 : memref<!tpu.dma_semaphore, #tpu.memory_space<semaphore_mem>>) src(%dma_wait3A_331 : memref<100000xf32, #tpu.memory_space<hbm>>) dst(%dma_wait3A_327 : memref<64xf32, #tpu.memory_space<vmem>>)
    %dma_wait3A_332 = arith.constant 192 : i32
    %dma_wait3A_333 = tpu.memref_slice %arg24[%dma_wait3A_332] : memref<512xf32, #tpu.memory_space<vmem>> -> memref<64xf32, #tpu.memory_space<vmem>>
    %dma_wait3A_334 = arith.constant 192 : i32
    %dma_wait3A_335 = tpu.memref_slice %arg10[%dma_wait3A_334] : memref<512xi32, #tpu.memory_space<vmem>> -> memref<64xi32, #tpu.memory_space<vmem>>
    %dma_wait3A_336 = arith.constant 0 : i32
    %dma_wait3A_337 = tpu.memref_slice %arg6[%dma_wait3A_336] : memref<100000xf32, #tpu.memory_space<hbm>> -> memref<100000xf32, #tpu.memory_space<hbm>>
    tpu.wait_indirect_dma semaphore(%arg34 : memref<!tpu.dma_semaphore, #tpu.memory_space<semaphore_mem>>) src(%dma_wait3A_337 : memref<100000xf32, #tpu.memory_space<hbm>>) dst(%dma_wait3A_333 : memref<64xf32, #tpu.memory_space<vmem>>)
    %dma_wait3A_338 = arith.constant 192 : i32
    %dma_wait3A_339 = tpu.memref_slice %arg25[%dma_wait3A_338] : memref<512xf32, #tpu.memory_space<vmem>> -> memref<64xf32, #tpu.memory_space<vmem>>
    %dma_wait3A_340 = arith.constant 192 : i32
    %dma_wait3A_341 = tpu.memref_slice %arg11[%dma_wait3A_340] : memref<512xi32, #tpu.memory_space<vmem>> -> memref<64xi32, #tpu.memory_space<vmem>>
    %dma_wait3A_342 = arith.constant 0 : i32
    %dma_wait3A_343 = tpu.memref_slice %arg7[%dma_wait3A_342] : memref<100000xf32, #tpu.memory_space<hbm>> -> memref<100000xf32, #tpu.memory_space<hbm>>
    tpu.wait_indirect_dma semaphore(%arg34 : memref<!tpu.dma_semaphore, #tpu.memory_space<semaphore_mem>>) src(%dma_wait3A_343 : memref<100000xf32, #tpu.memory_space<hbm>>) dst(%dma_wait3A_339 : memref<64xf32, #tpu.memory_space<vmem>>)
    %dma_wait3A_344 = arith.constant 256 : i32
    %dma_wait3A_345 = tpu.memref_slice %arg24[%dma_wait3A_344] : memref<512xf32, #tpu.memory_space<vmem>> -> memref<64xf32, #tpu.memory_space<vmem>>
    %dma_wait3A_346 = arith.constant 256 : i32
    %dma_wait3A_347 = tpu.memref_slice %arg10[%dma_wait3A_346] : memref<512xi32, #tpu.memory_space<vmem>> -> memref<64xi32, #tpu.memory_space<vmem>>
    %dma_wait3A_348 = arith.constant 0 : i32
    %dma_wait3A_349 = tpu.memref_slice %arg6[%dma_wait3A_348] : memref<100000xf32, #tpu.memory_space<hbm>> -> memref<100000xf32, #tpu.memory_space<hbm>>
    tpu.wait_indirect_dma semaphore(%arg34 : memref<!tpu.dma_semaphore, #tpu.memory_space<semaphore_mem>>) src(%dma_wait3A_349 : memref<100000xf32, #tpu.memory_space<hbm>>) dst(%dma_wait3A_345 : memref<64xf32, #tpu.memory_space<vmem>>)
    %dma_wait3A_350 = arith.constant 256 : i32
    %dma_wait3A_351 = tpu.memref_slice %arg25[%dma_wait3A_350] : memref<512xf32, #tpu.memory_space<vmem>> -> memref<64xf32, #tpu.memory_space<vmem>>
    %dma_wait3A_352 = arith.constant 256 : i32
    %dma_wait3A_353 = tpu.memref_slice %arg11[%dma_wait3A_352] : memref<512xi32, #tpu.memory_space<vmem>> -> memref<64xi32, #tpu.memory_space<vmem>>
    %dma_wait3A_354 = arith.constant 0 : i32
    %dma_wait3A_355 = tpu.memref_slice %arg7[%dma_wait3A_354] : memref<100000xf32, #tpu.memory_space<hbm>> -> memref<100000xf32, #tpu.memory_space<hbm>>
    tpu.wait_indirect_dma semaphore(%arg34 : memref<!tpu.dma_semaphore, #tpu.memory_space<semaphore_mem>>) src(%dma_wait3A_355 : memref<100000xf32, #tpu.memory_space<hbm>>) dst(%dma_wait3A_351 : memref<64xf32, #tpu.memory_space<vmem>>)
    %dma_wait3A_356 = arith.constant 320 : i32
    %dma_wait3A_357 = tpu.memref_slice %arg24[%dma_wait3A_356] : memref<512xf32, #tpu.memory_space<vmem>> -> memref<64xf32, #tpu.memory_space<vmem>>
    %dma_wait3A_358 = arith.constant 320 : i32
    %dma_wait3A_359 = tpu.memref_slice %arg10[%dma_wait3A_358] : memref<512xi32, #tpu.memory_space<vmem>> -> memref<64xi32, #tpu.memory_space<vmem>>
    %dma_wait3A_360 = arith.constant 0 : i32
    %dma_wait3A_361 = tpu.memref_slice %arg6[%dma_wait3A_360] : memref<100000xf32, #tpu.memory_space<hbm>> -> memref<100000xf32, #tpu.memory_space<hbm>>
    tpu.wait_indirect_dma semaphore(%arg34 : memref<!tpu.dma_semaphore, #tpu.memory_space<semaphore_mem>>) src(%dma_wait3A_361 : memref<100000xf32, #tpu.memory_space<hbm>>) dst(%dma_wait3A_357 : memref<64xf32, #tpu.memory_space<vmem>>)
    %dma_wait3A_362 = arith.constant 320 : i32
    %dma_wait3A_363 = tpu.memref_slice %arg25[%dma_wait3A_362] : memref<512xf32, #tpu.memory_space<vmem>> -> memref<64xf32, #tpu.memory_space<vmem>>
    %dma_wait3A_364 = arith.constant 320 : i32
    %dma_wait3A_365 = tpu.memref_slice %arg11[%dma_wait3A_364] : memref<512xi32, #tpu.memory_space<vmem>> -> memref<64xi32, #tpu.memory_space<vmem>>
    %dma_wait3A_366 = arith.constant 0 : i32
    %dma_wait3A_367 = tpu.memref_slice %arg7[%dma_wait3A_366] : memref<100000xf32, #tpu.memory_space<hbm>> -> memref<100000xf32, #tpu.memory_space<hbm>>
    tpu.wait_indirect_dma semaphore(%arg34 : memref<!tpu.dma_semaphore, #tpu.memory_space<semaphore_mem>>) src(%dma_wait3A_367 : memref<100000xf32, #tpu.memory_space<hbm>>) dst(%dma_wait3A_363 : memref<64xf32, #tpu.memory_space<vmem>>)
    %dma_wait3A_368 = arith.constant 384 : i32
    %dma_wait3A_369 = tpu.memref_slice %arg24[%dma_wait3A_368] : memref<512xf32, #tpu.memory_space<vmem>> -> memref<64xf32, #tpu.memory_space<vmem>>
    %dma_wait3A_370 = arith.constant 384 : i32
    %dma_wait3A_371 = tpu.memref_slice %arg10[%dma_wait3A_370] : memref<512xi32, #tpu.memory_space<vmem>> -> memref<64xi32, #tpu.memory_space<vmem>>
    %dma_wait3A_372 = arith.constant 0 : i32
    %dma_wait3A_373 = tpu.memref_slice %arg6[%dma_wait3A_372] : memref<100000xf32, #tpu.memory_space<hbm>> -> memref<100000xf32, #tpu.memory_space<hbm>>
    tpu.wait_indirect_dma semaphore(%arg34 : memref<!tpu.dma_semaphore, #tpu.memory_space<semaphore_mem>>) src(%dma_wait3A_373 : memref<100000xf32, #tpu.memory_space<hbm>>) dst(%dma_wait3A_369 : memref<64xf32, #tpu.memory_space<vmem>>)
    %dma_wait3A_374 = arith.constant 384 : i32
    %dma_wait3A_375 = tpu.memref_slice %arg25[%dma_wait3A_374] : memref<512xf32, #tpu.memory_space<vmem>> -> memref<64xf32, #tpu.memory_space<vmem>>
    %dma_wait3A_376 = arith.constant 384 : i32
    %dma_wait3A_377 = tpu.memref_slice %arg11[%dma_wait3A_376] : memref<512xi32, #tpu.memory_space<vmem>> -> memref<64xi32, #tpu.memory_space<vmem>>
    %dma_wait3A_378 = arith.constant 0 : i32
    %dma_wait3A_379 = tpu.memref_slice %arg7[%dma_wait3A_378] : memref<100000xf32, #tpu.memory_space<hbm>> -> memref<100000xf32, #tpu.memory_space<hbm>>
    tpu.wait_indirect_dma semaphore(%arg34 : memref<!tpu.dma_semaphore, #tpu.memory_space<semaphore_mem>>) src(%dma_wait3A_379 : memref<100000xf32, #tpu.memory_space<hbm>>) dst(%dma_wait3A_375 : memref<64xf32, #tpu.memory_space<vmem>>)
    %dma_wait3A_380 = arith.constant 448 : i32
    %dma_wait3A_381 = tpu.memref_slice %arg24[%dma_wait3A_380] : memref<512xf32, #tpu.memory_space<vmem>> -> memref<64xf32, #tpu.memory_space<vmem>>
    %dma_wait3A_382 = arith.constant 448 : i32
    %dma_wait3A_383 = tpu.memref_slice %arg10[%dma_wait3A_382] : memref<512xi32, #tpu.memory_space<vmem>> -> memref<64xi32, #tpu.memory_space<vmem>>
    %dma_wait3A_384 = arith.constant 0 : i32
    %dma_wait3A_385 = tpu.memref_slice %arg6[%dma_wait3A_384] : memref<100000xf32, #tpu.memory_space<hbm>> -> memref<100000xf32, #tpu.memory_space<hbm>>
    tpu.wait_indirect_dma semaphore(%arg34 : memref<!tpu.dma_semaphore, #tpu.memory_space<semaphore_mem>>) src(%dma_wait3A_385 : memref<100000xf32, #tpu.memory_space<hbm>>) dst(%dma_wait3A_381 : memref<64xf32, #tpu.memory_space<vmem>>)
    %dma_wait3A_386 = arith.constant 448 : i32
    %dma_wait3A_387 = tpu.memref_slice %arg25[%dma_wait3A_386] : memref<512xf32, #tpu.memory_space<vmem>> -> memref<64xf32, #tpu.memory_space<vmem>>
    %dma_wait3A_388 = arith.constant 448 : i32
    %dma_wait3A_389 = tpu.memref_slice %arg11[%dma_wait3A_388] : memref<512xi32, #tpu.memory_space<vmem>> -> memref<64xi32, #tpu.memory_space<vmem>>
    %dma_wait3A_390 = arith.constant 0 : i32
    %dma_wait3A_391 = tpu.memref_slice %arg7[%dma_wait3A_390] : memref<100000xf32, #tpu.memory_space<hbm>> -> memref<100000xf32, #tpu.memory_space<hbm>>
    tpu.wait_indirect_dma semaphore(%arg34 : memref<!tpu.dma_semaphore, #tpu.memory_space<semaphore_mem>>) src(%dma_wait3A_391 : memref<100000xf32, #tpu.memory_space<hbm>>) dst(%dma_wait3A_387 : memref<64xf32, #tpu.memory_space<vmem>>)
    %get3A = arith.constant 0 : index
    %get3A_392 = tpu.vector_load %arg26[%get3A] {strides = array<i32>} : memref<16xf32, #tpu.memory_space<vmem>>, vector<16xf32>,
    %slice3A = vector.extract_strided_slice %get3A_392 {offsets = [0], sizes = [1], strides = [1]} : vector<16xf32> to vector<1xf32>
    %squeeze3A = vector.extract %slice3A[0] : f32 from vector<1xf32>
    %parallel_loop3A_393 = arith.constant 0 : i32
    %parallel_loop3A_394 = arith.constant 32 : i32
    %parallel_loop3A_395 = arith.constant 1 : i32
    scf.for %parallel_loop3A_396 = %parallel_loop3A_393 to %parallel_loop3A_394 step %parallel_loop3A_395  : i32 {
      %parallel_loop3A_397 = arith.constant 16 : i32
      %parallel_loop3A_398 = arith.muli %parallel_loop3A_396, %parallel_loop3A_397 : i32
      %parallel_loop3A_399 = arith.index_cast %parallel_loop3A_398 : i32 to index
      %parallel_loop3A_400 = tpu.vector_load %arg27[%parallel_loop3A_399] {strides = array<i32>} : memref<512xf32, #tpu.memory_space<vmem>>, vector<16xf32>,
      %parallel_loop3A_401 = arith.index_cast %parallel_loop3A_398 : i32 to index
      %parallel_loop3A_402 = tpu.vector_load %arg24[%parallel_loop3A_401] {strides = array<i32>} : memref<512xf32, #tpu.memory_space<vmem>>, vector<16xf32>,
      %parallel_loop3A_403 = arith.addf %parallel_loop3A_400, %parallel_loop3A_402 : vector<16xf32>
      %parallel_loop3A_404 = arith.index_cast %parallel_loop3A_398 : i32 to index
      %parallel_loop3A_405 = tpu.vector_load %arg25[%parallel_loop3A_404] {strides = array<i32>} : memref<512xf32, #tpu.memory_space<vmem>>, vector<16xf32>,
      %parallel_loop3A_406 = arith.addf %parallel_loop3A_403, %parallel_loop3A_405 : vector<16xf32>
      %parallel_loop3A_407 = vector.broadcast %squeeze3A : f32 to vector<16xf32>
      %parallel_loop3A_408 = arith.addf %parallel_loop3A_406, %parallel_loop3A_407 : vector<16xf32>
      %parallel_loop3A_409 = arith.index_cast %parallel_loop3A_398 : i32 to index
      %parallel_loop3A_410 = tpu.vector_load %arg27[%parallel_loop3A_409] {strides = array<i32>} : memref<512xf32, #tpu.memory_space<vmem>>, vector<16xf32>,
      tpu.vector_store %arg27[%parallel_loop3A_409], %parallel_loop3A_408 {strides = array<i32>} : memref<512xf32, #tpu.memory_space<vmem>>, vector<16xf32>,
    } {sc.loop_unroll_factor = 1 : i64, sc.parallel_access}
    "tpu.region"() ({
      %run_scoped3A = tpu.sem_alloc : memref<!tpu.dma_semaphore, #tpu.memory_space<semaphore_mem>>
      %dma_start3A_396 = tpu.memref_slice %arg9[%mul3A_2] : memref<16384xf32, #tpu.memory_space<hbm>> -> memref<512xf32, #tpu.memory_space<hbm>>
      %dma_start3A_397 = tpu.memref_slice %arg9[%mul3A_2] : memref<16384xf32, #tpu.memory_space<hbm>> -> memref<512xf32, #tpu.memory_space<hbm>>
      tpu.enqueue_dma source(%arg27 : memref<512xf32, #tpu.memory_space<vmem>>) target(%dma_start3A_397 : memref<512xf32, #tpu.memory_space<hbm>>) target_semaphore(%run_scoped3A : memref<!tpu.dma_semaphore, #tpu.memory_space<semaphore_mem>>)
      %dma_wait3A_398 = tpu.memref_slice %arg9[%mul3A_2] : memref<16384xf32, #tpu.memory_space<hbm>> -> memref<512xf32, #tpu.memory_space<hbm>>
      %dma_wait3A_399 = tpu.memref_slice %arg9[%mul3A_2] : memref<16384xf32, #tpu.memory_space<hbm>> -> memref<512xf32, #tpu.memory_space<hbm>>
      tpu.wait_dma2 semaphore(%run_scoped3A : memref<!tpu.dma_semaphore, #tpu.memory_space<semaphore_mem>>) src(%arg27 : memref<512xf32, #tpu.memory_space<vmem>>) dst(%dma_wait3A_399 : memref<512xf32, #tpu.memory_space<hbm>>)
      tpu.yield
    }) : () -> ()
    return
  }
}

</mosaic_0001>

<sc_bundles>
// kernel: kernel.3.cloned.1.call-start
scs
__scs_entry_jumppad:
0x0: {  	(pc) =	sbr.rel $0x88, $3  }
0x1: {  	(tag) =	ssettag $0x0;
	lr =	simm.s32 $0x1  }
0x2: {  	[smem:$0x3F9A] =	sst lr;
	_ =	strace $0xD0000000  }
0x3: {  	_ = 	snop  }
0x4: {  	_ = 	snop  }
0x5: {  	_ = 	snop  }
0x6: {  	_ = 	snop  }
0x7: {  	_ = 	snop  }
__scs_overlays_trampoline_lowered:
0x8: {  	[smem:$0x3FA9] =	sst s0  }
0x9: {  	[smem:$0x3FAA] =	sst s1  }
0xa: {  	[smem:$0x3FAB] =	sst s2  }
0xb: {  	[smem:$0x3FAC] =	sst s3  }
0xc: {  	[smem:$0x3FAD] =	sst s4  }
0xd: {  	[smem:$0x3FAE] =	sst s5  }
0xe: {  	[smem:$0x3FAF] =	sst s6  }
0xf: {  	[smem:$0x3FB0] =	sst s7  }
0x10: {  	[smem:$0x3FB1] =	sst s8  }
0x11: {  	[smem:$0x3FB2] =	sst s9;
	s0 =	simm.s32 @!p0 $0x0  }
0x12: {  	s1 =	sld [smem:$0x3F98];
	s0 =	simm.s32 @p0 $0x1  }
0x13: {  	[smem:$0x3FB3] =	sst s0;
	s0 =	simm.s32 @!p1 $0x0  }
0x14: {  	s2 =	sld [smem:$0x3F97];
	s0 =	simm.s32 @p1 $0x1  }
0x15: {  	[smem:$0x3FB4] =	sst s0;
	s0 =	simm.s32 @!p2 $0x0  }
0x16: {  	s3 =	sld [smem:$0x3FDB];
	s0 =	simm.s32 @p2 $0x1  }
0x17: {  	s4 =	simm.s32 $0x1BF5;
	[smem:$0x3FB6] =	sst s0  }
0x18: {  	s0 =	sld [smem:$0x3F99];
	_ =	swait.ge [sflag:s4], $0x0  }
0x19: {  	s7 =	sld [smem:$0x3F9A]  }
0x1a: {  	s8 =	sadd.s32 $0xFFFFE003, lr  }
0x1b: {  	s9 =	sadd.s32 $0xFFFFFEF7, lr;
	s5 =	simm.s32 $0xFFFFFFFF;
	p2 =	slt.u32 s8, $0xFFFFF086  }
0x1c: {  	p1 =	slt.u32 s9, $0xF7A;
	s5 =	simm.s32 @!p2 $0x0  }
0x1d: {  	s5 =	simm.s32 @p1 $0x1;
	p0 =	seq.s32 s7, s2  }
0x1e: {  	s7 =	smul.u32 @!p0 $0xF7A, s2;
	p2 =	seq.s32 @!p0 s5, $0x0  }
0x1f: {  	s9 =	smul.u32 $0xF7A, s1;
	s8 =	simm.s32 @!p0 $0x1BF5;
	p2 =	por !p2, p0  }
0x20: {  	[sflag:s8] =	ssyncset.s32 @!p0 $0xFFFFF086;
	s6 =	sadd.s32 @!p0 s3, s7;
	s7 =	simm.s32 @!p0 $0x108  }
0x21: {  	s3 =	sadd.s32 s3, s9;
	s6 =	sadd.s32 @!p0 $0x88, s6;
	s7 =	simm.s32 @p2 $0x1082  }
0x22: {  	[simem:s7], [sflag:s8] =	dma.local @!p0 [hbm:s6], $0xF7A  }
0x23: {  	s9 =	sor.u32 $0xD0000000, s2;
	s6 =	simm.s32 $0x108;
	_ =	swait.ge @!p0 [sflag:s8], $0x0  }
0x24: {  	s3 =	sadd.s32 $0x88, s3;
	s6 =	simm.s32 @!p1 $0x1082;
	[sflag:s4] =	ssyncset.s32 $0xFFFFF086  }
0x25: {  	[simem:s6], [sflag:s4] =	dma.local [hbm:s3], $0xF7A  }
0x26: {  	[smem:$0x3F9A] =	sst s1;
	(tag) =	ssettag s2;
	_ =	strace s9  }
0x27: {  	s1 =	sld [smem:$0x3FAA]  }
0x28: {  	s2 =	sld [smem:$0x3FAB]  }
0x29: {  	s4 =	sld [smem:$0x3FAD]  }
0x2a: {  	p0 =	seq.s32 s5, $0x0;
	s5 =	sld [smem:$0x3FAE]  }
0x2b: {  	s6 =	sld [smem:$0x3FAF]  }
0x2c: {  	s7 =	sld [smem:$0x3FB0]  }
0x2d: {  	s3 =	simm.s32 $0x108;
	s8 =	sld [smem:$0x3FB1]  }
0x2e: {  	s3 =	simm.s32 @!p0 $0x1082;
	s9 =	sld [smem:$0x3FB2]  }
0x2f: {  	lr =	sadd.s32 s0, s3;
	s0 =	sld [smem:$0x3FA9]  }
0x30: {  	s3 =	sld [smem:$0x3FAC]  }
0x31: {  	[smem:$0x3FB5] =	sst s10  }
0x32: {  	s10 =	sld [smem:$0x3FB3];
	_ =	sdelay $0x3  }
0x33: {  	p0 =	seq.s32 s10, $0x1;
	s10 =	sld [smem:$0x3FB5];
	_ =	sdelay $0x3  }
0x34: {  	[smem:$0x3FB5] =	sst s10  }
0x35: {  	s10 =	sld [smem:$0x3FB4];
	_ =	sdelay $0x3  }
0x36: {  	p1 =	seq.s32 s10, $0x1;
	s10 =	sld [smem:$0x3FB5];
	_ =	sdelay $0x3  }
0x37: {  	[smem:$0x3FB5] =	sst s10  }
0x38: {  	s10 =	sld [smem:$0x3FB6]  }
0x39: {  	_ = 	snop;
	(pc) =	sbr.ind lr, $3  }
0x3a: {  	_ = 	snop  }
0x3b: {  	_ = 	snop  }
0x3c: {  	p2 =	seq.s32 s10, $0x1;
	s10 =	sld [smem:$0x3FB5]  }
0x3d: {  	_ =	shalt  }
0x3e: {  	_ =	shalt  }
0x3f: {  	_ =	shalt  }
0x40: {  	_ =	shalt  }
0x41: {  	_ =	shalt  }
0x42: {  	_ =	shalt  }
0x43: {  	_ =	shalt  }
0x44: {  	_ =	shalt  }
0x45: {  	_ =	shalt  }
0x46: {  	_ =	shalt  }
0x47: {  	_ =	shalt  }
0x48: {  	_ =	shalt  }
0x49: {  	_ =	shalt  }
0x4a: {  	_ =	shalt  }
0x4b: {  	_ =	shalt  }
0x4c: {  	_ =	shalt  }
0x4d: {  	_ =	shalt  }
0x4e: {  	_ =	shalt  }
0x4f: {  	_ =	shalt  }
0x50: {  	_ =	shalt  }
0x51: {  	_ =	shalt  }
0x52: {  	_ =	shalt  }
0x53: {  	_ =	shalt  }
0x54: {  	_ =	shalt  }
0x55: {  	_ =	shalt  }
0x56: {  	_ =	shalt  }
0x57: {  	_ =	shalt  }
0x58: {  	_ =	shalt  }
0x59: {  	_ =	shalt  }
0x5a: {  	_ =	shalt  }
0x5b: {  	_ =	shalt  }
0x5c: {  	_ =	shalt  }
0x5d: {  	_ =	shalt  }
0x5e: {  	_ =	shalt  }
0x5f: {  	_ =	shalt  }
0x60: {  	_ =	shalt  }
0x61: {  	_ =	shalt  }
0x62: {  	_ =	shalt  }
0x63: {  	_ =	shalt  }
0x64: {  	_ =	shalt  }
0x65: {  	_ =	shalt  }
0x66: {  	_ =	shalt  }
0x67: {  	_ =	shalt  }
0x68: {  	_ =	shalt  }
0x69: {  	_ =	shalt  }
0x6a: {  	_ =	shalt  }
0x6b: {  	_ =	shalt  }
0x6c: {  	_ =	shalt  }
0x6d: {  	_ =	shalt  }
0x6e: {  	_ =	shalt  }
0x6f: {  	_ =	shalt  }
0x70: {  	_ =	shalt  }
0x71: {  	_ =	shalt  }
0x72: {  	_ =	shalt  }
0x73: {  	_ =	shalt  }
0x74: {  	_ =	shalt  }
0x75: {  	_ =	shalt  }
0x76: {  	_ =	shalt  }
0x77: {  	_ =	shalt  }
0x78: {  	_ =	shalt  }
0x79: {  	_ =	shalt  }
0x7a: {  	_ =	shalt  }
0x7b: {  	_ =	shalt  }
0x7c: {  	_ =	shalt  }
0x7d: {  	_ =	shalt  }
0x7e: {  	_ =	shalt  }
0x7f: {  	_ =	shalt  }
0x80: {  	_ =	shalt  }
0x81: {  	_ =	shalt  }
0x82: {  	_ =	shalt  }
0x83: {  	_ =	shalt  }
0x84: {  	_ =	shalt  }
0x85: {  	_ =	shalt  }
0x86: {  	_ =	shalt  }
0x87: {  	_ =	shalt  }
.Lfunc_end0:
.L_simem_size_0:
called_computation_lowered:
.L_overlay_start_0:
0x88: {  	s2 =	sld [smem:$0x3FD9]  }
0x89: {  	s3 =	sld [smem:$0x3FFE];
	_ =	sdelay $0x1  }
0x8a: {  	s1 =	srdreg.scid  }
0x8b: {  	s0 =	sand.u32 $0x1, s1  }
0x8c: {  	s17 =	sshll.u32 s0, $0xA;
	s2 =	sadd.s32 s3, s2  }
0x8d: {  	s2 =	sadd.s32 s2, s17  }
0x8e: {  	[smem:$0x3FC1] =	sst s2  }
0x8f: {  	_ = 	snop  }
0x90: {  	s2 =	sld [smem:$0x3FC9]  }
0x91: {  	s18 =	sld [smem:$0x3FC8]  }
0x92: {  	s4 =	sld [smem:$0x3FC7]  }
0x93: {  	s5 =	sld [smem:$0x3FC6]  }
0x94: {  	s6 =	sld [smem:$0x3FC3]  }
0x95: {  	s7 =	sld [smem:$0x3FD0];
	(tm) =	ssettm $0x1  }
0x96: {  	s8 =	sld [smem:$0x3FFB];
	_ =	sdelay $0x3  }
0x97: {  	_ =	strace s8  }
0x98: {  	s8 =	sld [smem:$0x3FFC];
	_ =	sdelay $0x3  }
0x99: {  	_ =	strace s8  }
0x9a: {  	s8 =	sld [smem:$0x3FFD];
	_ =	sdelay $0x3  }
0x9b: {  	_ =	strace s8  }
0x9c: {  	_ =	strace $0x8FFFFFFF  }
0x9d: {  	s19 =	sld [smem:$0x3FDB];
	_ =	sdelay $0x1  }
0x9e: {  	s9 =	simm.s32 $_scs_section_size  }
0x9f: {  	s10 =	simm.s32 $_size__tile_overlayer_lowered;
	s11 =	simm.s32 $_tile_overlayer_lowered  }
0xa0: {  	s22 =	simm.s32 $0x1BFF;
	s21 =	sshll.u32 s11, $0x1;
	s8 =	sadd.s32 s9, s19  }
0xa1: {  	s12 =	simm.s32 $0x0;
	s20 =	sshll.u32 s10, $0x1;
	s10 =	sadd.s32 s21, s8  }
0xa2: {  	[timem:s12], [sflag:s22] =	dma.local [hbm:s10], s20  }
0xa3: {  	_ =	swait.ge [sflag:s22], s20  }
0xa4: {  	s9 =	ssub.s32 $0x0, s20;
	[sflag:s22] =	ssyncset.done $0x0  }
0xa5: {  	[sflag:s22] =	ssyncadd.s32 s9;
	_ =	sdelay $0x1  }
0xa6: {  	s23 =	simm.s32 $0x1B8B  }
0xa7: {  	_ =	swait.ge [sflag:s23], $0x1  }
0xa8: {  	[sflag:s23] =	ssyncset.done $0x0  }
0xa9: {  	s25 =	simm.s32 $0x1B8E;
	s24 =	sld [smem:$0x3FFE];
	[sflag:s23] =	ssyncadd.s32 $0xFFFFFFFF  }
0xaa: {  	s26 =	simm.s32 $execute0_lowered;
	[smem:$0x3FD2] =	sst s25  }
0xab: {  	s10 =	sshll.u32 s26, $0x1;
	_ =	strace $0x80000046;
	[dreg:$0x1] =	wrdreg $0xFFFFFFFF  }
0xac: {  	s28 =	simm.s32 $_size_execute0_lowered;
	s8 =	sadd.s32 s8, s10;
	[dreg:$0x0] =	wrdreg $0x0  }
0xad: {  	s10 =	sshll.u32 s28, $0x1;
	[dreg:$0x2] =	wrdreg s8  }
0xae: {  	[dreg:$0x3] =	wrdreg s10  }
0xaf: {  	[dreg:$0x4] =	wrdreg $0xC0  }
0xb0: {  	_ =	task [dreg:s12], $0x5FFFF  }
0xb1: {  	[dreg:$0x1] =	wrdreg $0xFFFFFFFF  }
0xb2: {  	[dreg:$0x0] =	wrdreg $0x60  }
0xb3: {  	[dreg:$0x2] =	wrdreg s2  }
0xb4: {  	[dreg:$0x3] =	wrdreg s18  }
0xb5: {  	[dreg:$0x4] =	wrdreg s4  }
0xb6: {  	[dreg:$0x5] =	wrdreg s5  }
0xb7: {  	[dreg:$0x6] =	wrdreg s24  }
0xb8: {  	[dreg:$0x7] =	wrdreg s6  }
0xb9: {  	[dreg:$0x8] =	wrdreg s7  }
0xba: {  	[dreg:$0x9] =	wrdreg $0x9  }
0xbb: {  	_ =	task.clear_ibuf [dreg:s12], $0xAFFFF;
	_ =	strace $0x90000046  }
0xbc: {  	s29 =	simm.s32 $0x9;
	_ =	strace $0x80000048  }
0xbd: {  	_ =	swait.ge [sflag:s29], $0x1  }
0xbe: {  	[sflag:s29] =	ssyncadd.s32 $0xFFFFFFFF  }
0xbf: {  	_ =	strace $0x90000048  }
0xc0: {  	_ =	sfence  }
0xc1: {  	s30 =	sld [smem:$0x0];
	_ =	sdelay $0x2  }
0xc2: {  	s31 =	sshll.u32 s1, $0xD;
	s1 =	sshrl.u32 s1, $0x2  }
0xc3: {  	s3 =	sand.u32 $0x4000, s31;
	s1 =	sadd.s32 s1, s30  }
0xc4: {  	s0 =	sor.u32 s3, s0;
	s1 =	sshll.u32 s1, $0x11  }
0xc5: {  	s0 =	sor.u32 s1, s0  }
0xc6: {  	s0 =	sadd.s32 $0x8F2B, s0  }
0xc7: {  	[sflag:s0] =	ssyncadd.remote.s32 $0x1  }
0xc8: {  	_ =	sfence.sel $0xFFFF  }
0xc9: {  	[dreg:$0x0] =	wrdreg $0xFFFFFFFF;
	(pc) =	sbr.abs _section_cstart, $3  }
0xca: {  	[dreg:$0x1] =	wrdreg $0xFFFFFFFF  }
0xcb: {  	_ =	task.clear_ibuf [dreg:s12], $0x2FFFF;
	_ =	strace $0x9FFFFFFF  }
0xcc: {  	(tm) =	ssettm $0x7FFFFFFF  }
0xcd: {  	_ =	shalt  }
tec
execute0_lowered:
.L_overlay_start_1:
0x0: {  	(tag) =	ssettag $0x1  }
0x1: {  	s0 =	rddreg [dreg:$0x0]  }
0x2: {  	s4 =	rddreg [dreg:$0x1]  }
0x3: {  	s1 =	rddreg [dreg:$0x2]  }
0x4: {  	s2 =	rddreg [dreg:$0x3]  }
0x5: {  	s3 =	rddreg [dreg:$0x4]  }
0x6: {  	s5 =	rddreg [dreg:$0x6];
	s6 =	simm.s32 $0x0;
	s7 =	srdreg.scid  }
0x7: {  	s9 =	stileid.u32;
	s14 =	simm.s32 $0x7;
	s15 =	simm.s32 $0x40  }
0x8: {  	s24 =	simm.s32 $0x1;
	s16 =	simm.s32 $0x2;
	s17 =	simm.s32 $0x3  }
0x9: {  	s18 =	simm.s32 $0x4;
	s19 =	simm.s32 $0x5;
	s20 =	simm.s32 $0x6  }
0xa: {  	s21 =	simm.s32 $0x8;
	s23 =	simm.s32 $0x0;
	s7 =	sand.u32 $0x1, s7  }
0xb: {  	[smem:$0x7FF] =	sst s6;
	s9 =	sshll.u32 s9, $0x7;
	s8 =	ssub.s32 $0x2, s7  }
0xc: {  	s7 =	sshll.u32 s7, $0x6;
	_ =	strace $0x80000047;
	s10 =	sshrl.u32 s8, $0x1  }
0xd: {  	s11 =	sor.u32 s7, s9;
	s7 =	sadd.s32 $0x3200, s3;
	s12 =	ssub.s32 s8, s10  }
0xe: {  	s8 =	sadd.s32 s0, s11;
	s9 =	sadd.s32 s4, s11;
	s10 =	sadd.s32 s5, s11  }
0xf: {  	vm0 =	vcmask $0x3F3C;
	s5 =	simm.s32 $0x18880;
	s11 =	smax.u32 s12, $0x1;
	s12 =	simm.s32 $0x200  }
.LBB2_1:
0x10: {  	[tilespmem:s6], [sflag:$0x7] =	stream.linear.gather [hbm4b:s8+s6], $0x200, $0x38;
	[tilespmem:$0x18A80] =	vst v63  }
0x11: {  	_ = 	snop  }
0x12: {  	[tilespmem:s12], [sflag:$0x7] =	stream.linear.gather [hbm4b:s9+s6], $0x200, $0x38;
	[tilespmem:$0x18A80] =	vst v63  }
0x13: {  	s0 =	rddreg [dreg:$0x5];
	s4 =	simm.s32 $0x18800  }
0x14: {  	[tilespmem:s4], [sflag:$0x7] =	stream.linear.gather [hbm4b:s0+s6], $0x1, $0x38;
	[tilespmem:$0x18A80] =	vst v63  }
0x15: {  	_ =	swait.ge [sflag:s14], $0x200  }
0x16: {  	[sflag:s14] =	ssyncset.done $0x0  }
0x17: {  	[sflag:s14] =	ssyncadd.s32 $0xFFFFFE00  }
0x18: {  	_ =	swait.ge [sflag:s14], $0x200  }
0x19: {  	[sflag:s14] =	ssyncset.done $0x0  }
0x1a: {  	[sflag:s14] =	ssyncadd.s32 $0xFFFFFE00  }
0x1b: {  	_ =	swait.ge [sflag:s14], $0x1  }
0x1c: {  	[sflag:s14] =	ssyncset.done $0x0  }
0x1d: {  	s22 =	simm.s32 $0x400;
	[sflag:s14] =	ssyncadd.s32 $0xFFFFFFFF  }
0x1e: {  	[tilespmem:s22], [sflag:$0x1] =	stream.indirect.gather [hbm4b:s1+s15], $0x80, s6, s15, $0xb8;
	[tilespmem:$0x18A80] =	vst v63  }
0x1f: {  	s25 =	simm.s32 $0xC400  }
0x20: {  	[tilespmem:s25], [sflag:$0x1] =	stream.indirect.gather [hbm4b:s2+s15], $0x80, s12, s15, $0xb8;
	[tilespmem:$0x18A80] =	vst v63  }
0x21: {  	s26 =	simm.s32 $0x2400  }
0x22: {  	[tilespmem:s26], [sflag:$0x2] =	stream.indirect.gather [hbm4b:s1+s15], $0x80, s15, s15, $0xb8;
	[tilespmem:$0x18A80] =	vst v63  }
0x23: {  	s31 =	simm.s32 $0xE400;
	s0 =	simm.s32 $0x240  }
0x24: {  	[tilespmem:s31], [sflag:$0x2] =	stream.indirect.gather [hbm4b:s2+s15], $0x80, s0, s15, $0xb8;
	[tilespmem:$0x18A80] =	vst v63  }
0x25: {  	s4 =	simm.s32 $0x80;
	s25 =	simm.s32 $0x4400  }
0x26: {  	[tilespmem:s25], [sflag:$0x3] =	stream.indirect.gather [hbm4b:s1+s15], $0x80, s4, s15, $0xb8;
	[tilespmem:$0x18A80] =	vst v63  }
0x27: {  	s28 =	simm.s32 $0x10400;
	s25 =	simm.s32 $0x280  }
0x28: {  	[tilespmem:s28], [sflag:$0x3] =	stream.indirect.gather [hbm4b:s2+s15], $0x80, s25, s15, $0xb8;
	[tilespmem:$0x18A80] =	vst v63  }
0x29: {  	s30 =	simm.s32 $0x6400;
	s28 =	simm.s32 $0xC0  }
0x2a: {  	[tilespmem:s30], [sflag:$0x4] =	stream.indirect.gather [hbm4b:s1+s15], $0x80, s28, s15, $0xb8;
	[tilespmem:$0x18A80] =	vst v63  }
0x2b: {  	s22 =	simm.s32 $0x12400;
	s30 =	simm.s32 $0x2C0  }
0x2c: {  	[tilespmem:s22], [sflag:$0x4] =	stream.indirect.gather [hbm4b:s2+s15], $0x80, s30, s15, $0xb8;
	[tilespmem:$0x18A80] =	vst v63  }
0x2d: {  	s26 =	simm.s32 $0x8400;
	s22 =	simm.s32 $0x100  }
0x2e: {  	[tilespmem:s26], [sflag:$0x5] =	stream.indirect.gather [hbm4b:s1+s15], $0x80, s22, s15, $0xb8;
	[tilespmem:$0x18A80] =	vst v63  }
0x2f: {  	s31 =	simm.s32 $0x14400;
	s26 =	simm.s32 $0x300  }
0x30: {  	[tilespmem:s31], [sflag:$0x5] =	stream.indirect.gather [hbm4b:s2+s15], $0x80, s26, s15, $0xb8;
	[tilespmem:$0x18A80] =	vst v63  }
0x31: {  	s13 =	simm.s32 $0xA400;
	s31 =	simm.s32 $0x140  }
0x32: {  	[tilespmem:s13], [sflag:$0x6] =	stream.indirect.gather [hbm4b:s1+s15], $0x80, s31, s15, $0xb8;
	[tilespmem:$0x18A80] =	vst v63  }
0x33: {  	s29 =	simm.s32 $0x16400;
	s13 =	simm.s32 $0x340  }
0x34: {  	[tilespmem:s29], [sflag:$0x6] =	stream.indirect.gather [hbm4b:s2+s15], $0x80, s13, s15, $0xb8;
	[tilespmem:$0x18A80] =	vst v63  }
0x35: {  	s29 =	simm.s32 $0x18400  }
0x36: {  	[tilespmem:s29], [sflag:$0x7] =	stream.indirect.gather [hbm4b:s3+s15], $0x1, s6, s15, $0xb8;
	[tilespmem:$0x18A80] =	vst v63  }
0x37: {  	s29 =	simm.s32 $0x18600  }
0x38: {  	[tilespmem:s29], [sflag:$0x7] =	stream.indirect.gather [hbm4b:s7+s15], $0x1, s12, s15, $0xb8;
	[tilespmem:$0x18A80] =	vst v63  }
0x39: {  	s29 =	simm.s32 $0x18440  }
0x3a: {  	[tilespmem:s29], [sflag:$0x7] =	stream.indirect.gather [hbm4b:s3+s15], $0x1, s15, s15, $0xb8;
	[tilespmem:$0x18A80] =	vst v63  }
0x3b: {  	s29 =	simm.s32 $0x18640  }
0x3c: {  	[tilespmem:s29], [sflag:$0x7] =	stream.indirect.gather [hbm4b:s7+s15], $0x1, s0, s15, $0xb8;
	[tilespmem:$0x18A80] =	vst v63  }
0x3d: {  	s0 =	simm.s32 $0x18480  }
0x3e: {  	[tilespmem:s0], [sflag:$0x7] =	stream.indirect.gather [hbm4b:s3+s15], $0x1, s4, s15, $0xb8;
	[tilespmem:$0x18A80] =	vst v63  }
0x3f: {  	s4 =	simm.s32 $0x18680  }
0x40: {  	[tilespmem:s4], [sflag:$0x7] =	stream.indirect.gather [hbm4b:s7+s15], $0x1, s25, s15, $0xb8;
	[tilespmem:$0x18A80] =	vst v63  }
0x41: {  	s25 =	simm.s32 $0x184C0  }
0x42: {  	[tilespmem:s25], [sflag:$0x7] =	stream.indirect.gather [hbm4b:s3+s15], $0x1, s28, s15, $0xb8;
	[tilespmem:$0x18A80] =	vst v63  }
0x43: {  	s4 =	simm.s32 $0x186C0  }
0x44: {  	[tilespmem:s4], [sflag:$0x7] =	stream.indirect.gather [hbm4b:s7+s15], $0x1, s30, s15, $0xb8;
	[tilespmem:$0x18A80] =	vst v63  }
0x45: {  	s25 =	simm.s32 $0x18500  }
0x46: {  	[tilespmem:s25], [sflag:$0x7] =	stream.indirect.gather [hbm4b:s3+s15], $0x1, s22, s15, $0xb8;
	[tilespmem:$0x18A80] =	vst v63  }
0x47: {  	s4 =	simm.s32 $0x18700  }
0x48: {  	[tilespmem:s4], [sflag:$0x7] =	stream.indirect.gather [hbm4b:s7+s15], $0x1, s26, s15, $0xb8;
	[tilespmem:$0x18A80] =	vst v63  }
0x49: {  	s25 =	simm.s32 $0x18540  }
0x4a: {  	[tilespmem:s25], [sflag:$0x7] =	stream.indirect.gather [hbm4b:s3+s15], $0x1, s31, s15, $0xb8;
	[tilespmem:$0x18A80] =	vst v63  }
0x4b: {  	s4 =	simm.s32 $0x18740  }
0x4c: {  	[tilespmem:s4], [sflag:$0x7] =	stream.indirect.gather [hbm4b:s7+s15], $0x1, s13, s15, $0xb8;
	[tilespmem:$0x18A80] =	vst v63  }
0x4d: {  	s25 =	simm.s32 $0x18580;
	s13 =	simm.s32 $0x180  }
0x4e: {  	[tilespmem:s25], [sflag:$0x7] =	stream.indirect.gather [hbm4b:s3+s15], $0x1, s13, s15, $0xb8;
	[tilespmem:$0x18A80] =	vst v63  }
0x4f: {  	s22 =	simm.s32 $0x380;
	s31 =	simm.s32 $0x18780  }
0x50: {  	[tilespmem:s31], [sflag:$0x7] =	stream.indirect.gather [hbm4b:s7+s15], $0x1, s22, s15, $0xb8;
	[tilespmem:$0x18A80] =	vst v63  }
0x51: {  	s26 =	simm.s32 $0x1C0;
	s4 =	simm.s32 $0x185C0  }
0x52: {  	[tilespmem:s4], [sflag:$0x7] =	stream.indirect.gather [hbm4b:s3+s15], $0x1, s26, s15, $0xb8;
	[tilespmem:$0x18A80] =	vst v63  }
0x53: {  	s29 =	simm.s32 $0x3C0;
	s25 =	simm.s32 $0x187C0  }
0x54: {  	[tilespmem:s25], [sflag:$0x7] =	stream.indirect.gather [hbm4b:s7+s15], $0x1, s29, s15, $0xb8;
	[tilespmem:$0x18A80] =	vst v63  }
0x55: {  	_ =	swait.ge [sflag:s24], $0x2000  }
0x56: {  	[sflag:s24] =	ssyncset.done $0x0  }
0x57: {  	[sflag:s24] =	ssyncadd.s32 $0xFFFFE000  }
0x58: {  	_ =	swait.ge [sflag:s24], $0x2000  }
0x59: {  	[sflag:s24] =	ssyncset.done $0x0  }
0x5a: {  	s31 =	simm.s32 $0x500;
	[sflag:s24] =	ssyncadd.s32 $0xFFFFE000  }
0x5b: {  	s4 =	simm.s32 $0xC500;
	v0 =	vld [tilespmem:s31+$0x80]  }
0x5c: {  	v1 =	vld [tilespmem:s4+$0x80]  }
0x5d: {  	v2 =	vld [tilespmem:s31+$0x90]  }
0x5e: {  	v3 =	vld [tilespmem:s4+$0x90]  }
0x5f: {  	v4 =	vld [tilespmem:s31+$0xA0]  }
0x60: {  	v5 =	vld [tilespmem:s4+$0xA0]  }
0x61: {  	v6 =	vld [tilespmem:s31+$0xB0]  }
0x62: {  	v7 =	vld [tilespmem:s4+$0xB0]  }
0x63: {  	v8 =	vld [tilespmem:s31+$0xC0]  }
0x64: {  	v9 =	vld [tilespmem:s4+$0xC0]  }
0x65: {  	v10 =	vld [tilespmem:s31+$0xD0]  }
0x66: {  	v11 =	vld [tilespmem:s4+$0xD0]  }
0x67: {  	v12 =	vld [tilespmem:s31+$0xE0]  }
0x68: {  	v13 =	vld [tilespmem:s4+$0xE0]  }
0x69: {  	v14 =	vld [tilespmem:s31+$0xF0]  }
0x6a: {  	v15 =	vld [tilespmem:s4+$0xF0]  }
0x6b: {  	v16 =	vld [tilespmem:s4+$0xFFFFFF00]  }
0x6c: {  	v17 =	vld [tilespmem:s31+$0xFFFFFF10]  }
0x6d: {  	v18 =	vld [tilespmem:s4+$0xFFFFFF10]  }
0x6e: {  	v19 =	vld [tilespmem:s31+$0xFFFFFF20]  }
0x6f: {  	v20 =	vld [tilespmem:s4+$0xFFFFFF20]  }
0x70: {  	v21 =	vld [tilespmem:s31+$0xFFFFFF30]  }
0x71: {  	v22 =	vld [tilespmem:s4+$0xFFFFFF30]  }
0x72: {  	v23 =	vld [tilespmem:s31+$0xFFFFFF40]  }
0x73: {  	v24 =	vld [tilespmem:s4+$0xFFFFFF40]  }
0x74: {  	v25 =	vld [tilespmem:s31+$0xFFFFFF50]  }
0x75: {  	v26 =	vld [tilespmem:s4+$0xFFFFFF50]  }
0x76: {  	v27 =	vld [tilespmem:s31+$0xFFFFFF60]  }
0x77: {  	v28 =	vld [tilespmem:s4+$0xFFFFFF60]  }
0x78: {  	v29 =	vld [tilespmem:s31+$0xFFFFFF70]  }
0x79: {  	v30 =	vld [tilespmem:s4+$0xFFFFFF70]  }
0x7a: {  	v31 =	vld [tilespmem:s31+$0xFFFFFF80]  }
0x7b: {  	v32 =	vld [tilespmem:s4+$0xFFFFFF80]  }
0x7c: {  	v33 =	vld [tilespmem:s31+$0xFFFFFF90]  }
0x7d: {  	v34 =	vld [tilespmem:s4+$0xFFFFFF90]  }
0x7e: {  	v35 =	vld [tilespmem:s31+$0xFFFFFFA0]  }
0x7f: {  	v36 =	vld [tilespmem:s4+$0xFFFFFFA0]  }
0x80: {  	v37 =	vld [tilespmem:s31+$0xFFFFFFB0]  }
0x81: {  	v38 =	vld [tilespmem:s4+$0xFFFFFFB0]  }
0x82: {  	v39 =	vld [tilespmem:s31+$0xFFFFFFC0]  }
0x83: {  	v40 =	vld [tilespmem:s4+$0xFFFFFFC0]  }
0x84: {  	v41 =	vld [tilespmem:s31+$0xFFFFFFD0]  }
0x85: {  	v42 =	vld [tilespmem:s4+$0xFFFFFFD0]  }
0x86: {  	v43 =	vld [tilespmem:s31+$0xFFFFFFE0]  }
0x87: {  	v44 =	vld [tilespmem:s4+$0xFFFFFFE0]  }
0x88: {  	v45 =	vld [tilespmem:s31+$0xFFFFFFF0]  }
0x89: {  	v46 =	vld [tilespmem:s4+$0xFFFFFFF0]  }
0x8a: {  	v47 =	vld [tilespmem:s31+$0x0]  }
0x8b: {  	v48 =	vld [tilespmem:s4+$0x0]  }
0x8c: {  	v49 =	vld [tilespmem:s31+$0x10]  }
0x8d: {  	v50 =	vld [tilespmem:s4+$0x10]  }
0x8e: {  	v51 =	vld [tilespmem:s31+$0x20];
	v0 =	vmul.f32 v1, v0  }
0x8f: {  	v52 =	vld [tilespmem:s4+$0x20];
	v1 =	vmul.f32 v3, v2;
	v2 =	vmul.f32 v5, v4  }
0x90: {  	v57 =	vld [tilespmem:s31+$0x60];
	v4 =	vmul.f32 v7, v6;
	v5 =	vmul.f32 v9, v8  }
0x91: {  	v59 =	vld [tilespmem:s4+$0x60];
	v7 =	vmul.f32 v11, v10;
	v9 =	vmul.f32 v13, v12  }
0x92: {  	v3 =	vld [tilespmem:s31+$0x30];
	v10 =	vmul.f32 v15, v14;
	v12 =	vmul.f32 v34, v33  }
0x93: {  	v6 =	vld [tilespmem:s4+$0x30];
	v14 =	vmul.f32 v38, v37;
	v56 =	vmul.f32 v42, v41  }
0x94: {  	v8 =	vld [tilespmem:s31+$0x40];
	v58 =	vmul.f32 v46, v45;
	v0 =	vadd.f32 v1, v0;
	v1 =	vmul.f32 v32, v31  }
0x95: {  	v11 =	vld [tilespmem:s4+$0x40];
	v2 =	vadd.f32 v4, v2;
	v4 =	vmul.f32 v36, v35;
	v5 =	vadd.f32 v7, v5  }
0x96: {  	v13 =	vld [tilespmem:s31+$0x50];
	v7 =	vmul.f32 v40, v39;
	v9 =	vadd.f32 v10, v9;
	v10 =	vmul.f32 v44, v43  }
0x97: {  	v15 =	vld [tilespmem:s4+$0x50];
	v60 =	vmul.f32 v30, v29;
	v1 =	vadd.f32 v12, v1;
	v4 =	vadd.f32 v14, v4  }
0x98: {  	v61 =	vmul.f32 v50, v49;
	v12 =	vld [tilespmem:s31+$0x70];
	v7 =	vadd.f32 v56, v7;
	v10 =	vadd.f32 v58, v10  }
0x99: {  	v14 =	vmul.f32 v18, v17;
	v17 =	vld [tilespmem:s4+$0x70];
	v0 =	vadd.f32 v2, v0;
	v2 =	vadd.f32 v9, v5  }
0x9a: {  	s25 =	simm.s32 $0x700;
	v5 =	vmul.f32 v20, v19;
	v9 =	vld [tilespmem:s31+$0xFFFFFF00];
	v18 =	vmul.f32 v22, v21;
	v4 =	vadd.f32 v4, v1  }
0x9b: {  	s28 =	simm.s32 $0xC700;
	v3 =	vmul.f32 v6, v3;
	v6 =	vld [tilespmem:s25+$0xA0];
	v7 =	vadd.f32 v10, v7;
	v0 =	vadd.f32 v2, v0  }
0x9c: {  	v19 =	vmul.f32 v26, v25;
	v11 =	vmul.f32 v11, v8;
	v8 =	vld [tilespmem:s28+$0xA0]  }
0x9d: {  	v20 =	vmul.f32 v28, v27;
	v1 =	vld [tilespmem:s25+$0x80];
	v10 =	vmul.f32 v24, v23;
	v7 =	vadd.f32 v7, v4;
	(xrf2) =	vadd.scan.msk.f32 $0xffff, v0  }
0x9e: {  	v13 =	vmul.f32 v15, v13;
	v2 =	vld [tilespmem:s28+$0x80];
	v0 =	vadd.f32 v18, v5;
	v18 =	vmul.f32 v48, v47  }
0x9f: {  	s31 =	simm.s32 $0x1;
	v4 =	vld [tilespmem:s25+$0x90];
	v19 =	vadd.f32 v19, v10;
	v10 =	vmul.f32 v52, v51;
	v15 =	vmul.f32 v16, v9;
	(xrf2) =	vadd.scan.msk.f32 $0xffff, v7  }
0xa0: {  	v5 =	vld [tilespmem:s28+$0x90];
	v12 =	vmul.f32 v17, v12;
	v7 =	vadd.f32 v60, v20;
	v20 =	vmov s31  }
0xa1: {  	v9 =	vld [tilespmem:s25+$0xB0];
	v17 =	vand.u32 $0xFFFFFFFD, v20;
	v20 =	vadd.f32 v13, v11;
	v13 =	vadd.f32 v14, v15  }
0xa2: {  	v16 =	vmul.f32 v59, v57;
	v18 =	vadd.f32 v61, v18;
	v3 =	vadd.f32 v3, v10;
	v10 =	vld [tilespmem:s28+$0xB0]  }
0xa3: {  	s4 =	simm.s32 $0x3;
	v11 =	vld [tilespmem:s25+$0xC0];
	v7 =	vadd.f32 v7, v19;
	v0 =	vadd.f32 v0, v13  }
0xa4: {  	v62 =	vmov s4;
	v14 =	vadd.f32 v12, v16;
	v12 =	vld [tilespmem:s28+$0xC0];
	v63 =	vbroadcast v17, $0x0  }
0xa5: {  	v15 =	vld [tilespmem:s28+$0xD0];
	v3 =	vadd.f32 v3, v18;
	v0 =	vadd.f32 v7, v0  }
0xa6: {  	v17 =	vld [tilespmem:s25+$0xF0];
	v16 =	vadd.f32 v14, v20  }
0xa7: {  	v18 =	vld [tilespmem:s28+$0xF0];
	v7, _, _ =	vpop (xrf2);
	(xrf2) =	vadd.scan.msk.f32 $0xffff, v0  }
0xa8: {  	s31 =	simm.s32 $0x2;
	v13 =	vld [tilespmem:s25+$0xD0];
	v19 =	vadd.f32 v16, v3  }
0xa9: {  	v14 =	vld [tilespmem:s25+$0xE0];
	v20 =	vmov s31;
	v0 =	vmov s6;
	[tilespmem:v62+s5+$0x0] =	vst.idx.msk vm0, v7;
	v3, _, _ =	vpop (xrf2)  }
0xaa: {  	s0 =	simm.s32 $0x8;
	s30 =	simm.s32 $0x4;
	v16 =	vld [tilespmem:s28+$0xE0];
	v7 =	vand.u32 $0xFFFFFFFC, v0;
	(xrf2) =	vadd.scan.msk.f32 $0xffff, v19;
	[tilespmem:v63+s5+$0x0] =	vst.idx.msk vm0, v3;
	v3 =	vand.u32 $0xFFFFFFFE, v20  }
.LBB2_2:
0xab: {  	p0 =	slt.u32 s0, $0x3C;
	v0 =	vld [tilespmem:s28+$0xFFFFFF00];
	v7 =	vbroadcast v7, $0x0;
	v19 =	vbroadcast v3, $0x0  }
0xac: {  	v1 =	vmul.f32 v2, v1;
	v2 =	vmul.f32 v5, v4;
	v3 =	vld [tilespmem:s25+$0xFFFFFF10]  }
0xad: {  	v5 =	vmul.f32 v8, v6;
	v6 =	vmul.f32 v10, v9;
	v4 =	vld [tilespmem:s28+$0xFFFFFF10]  }
0xae: {  	v9 =	vmul.f32 v12, v11;
	v15 =	vmul.f32 v15, v13;
	v8 =	vld [tilespmem:s25+$0xFFFFFF20]  }
0xaf: {  	v12 =	vmul.f32 v16, v14;
	v11 =	vld [tilespmem:s28+$0xFFFFFF20];
	v13 =	vmul.f32 v18, v17  }
0xb0: {  	v1 =	vadd.f32 v2, v1;
	v2 =	vadd.f32 v6, v5;
	v14 =	vld [tilespmem:s25+$0xFFFFFF30]  }
0xb1: {  	v6 =	vadd.f32 v15, v9;
	v5 =	vld [tilespmem:s28+$0xFFFFFF30];
	v12 =	vadd.f32 v13, v12;
	v10, _, _ =	vpop (xrf2)  }
0xb2: {  	v3 =	vmul.f32 v4, v3;
	v4 =	vld [tilespmem:s25+$0xFFFFFF40];
	[tilespmem:v7+s5+$0x0] =	vst.idx.msk vm0, v10  }
0xb3: {  	v1 =	vadd.f32 v2, v1;
	v7 =	vld [tilespmem:s28+$0xFFFFFF40];
	v2 =	vadd.f32 v12, v6  }
0xb4: {  	v6 =	vmul.f32 v11, v8;
	v8 =	vld [tilespmem:s25+$0xFFFFFF50];
	v9, _, _ =	vpop (xrf2)  }
0xb5: {  	v10 =	vld [tilespmem:s28+$0xFFFFFF50];
	v1 =	vadd.f32 v2, v1;
	[tilespmem:v19+s5+$0x0] =	vst.idx.msk vm0, v9  }
0xb6: {  	v2 =	vmul.f32 v5, v14;
	v5 =	vld [tilespmem:s25+$0xFFFFFF60]  }
0xb7: {  	v9 =	vld [tilespmem:s28+$0xFFFFFF60];
	(xrf2) =	vadd.scan.msk.f32 $0xffff, v1  }
0xb8: {  	v1 =	vmul.f32 v7, v4;
	v4 =	vld [tilespmem:s25+$0xFFFFFF70];
	v7 =	vadd.f32 v2, v6  }
0xb9: {  	v2 =	vld [tilespmem:s28+$0xFFFFFF70]  }
0xba: {  	v6 =	vmul.f32 v10, v8;
	v8 =	vld [tilespmem:s25+$0xFFFFFF80]  }
0xbb: {  	v10 =	vld [tilespmem:s28+$0xFFFFFF80]  }
0xbc: {  	s4 =	sadd.s32 $0x3, s30;
	v5 =	vmul.f32 v9, v5;
	v1 =	vadd.f32 v6, v1;
	v6 =	vld [tilespmem:s25+$0xFFFFFF90]  }
0xbd: {  	v11 =	vmov s4;
	v9 =	vld [tilespmem:s28+$0xFFFFFF90]  }
0xbe: {  	v2 =	vmul.f32 v2, v4;
	v4 =	vld [tilespmem:s25+$0xFFFFFFA0]  }
0xbf: {  	v12 =	vld [tilespmem:s28+$0xFFFFFFA0]  }
0xc0: {  	v2 =	vadd.f32 v2, v5;
	v5 =	vmul.f32 v10, v8;
	v8 =	vld [tilespmem:s25+$0xFFFFFFB0]  }
0xc1: {  	v10 =	vld [tilespmem:s28+$0xFFFFFFB0];
	v13, _, _ =	vpop (xrf2)  }
0xc2: {  	v14 =	vadd.f32 v2, v1;
	v1 =	vmul.f32 v9, v6;
	v2 =	vld [tilespmem:s25+$0xFFFFFFC0];
	[tilespmem:v11+s5+$0x0] =	vst.idx.msk vm0, v13  }
0xc3: {  	v6 =	vld [tilespmem:s28+$0xFFFFFFC0]  }
0xc4: {  	v4 =	vmul.f32 v12, v4;
	v9 =	vld [tilespmem:s25+$0xFFFFFFD0];
	v1 =	vadd.f32 v1, v5  }
0xc5: {  	v5 =	vld [tilespmem:s28+$0xFFFFFFD0]  }
0xc6: {  	v8 =	vmul.f32 v10, v8;
	v10 =	vld [tilespmem:s25+$0xFFFFFFE0]  }
0xc7: {  	v11 =	vld [tilespmem:s28+$0xFFFFFFE0]  }
0xc8: {  	v2 =	vmul.f32 v6, v2;
	v6 =	vld [tilespmem:s25+$0xFFFFFFF0];
	v4 =	vadd.f32 v8, v4  }
0xc9: {  	v8 =	vld [tilespmem:s28+$0xFFFFFFF0]  }
0xca: {  	v5 =	vmul.f32 v5, v9;
	v1 =	vadd.f32 v4, v1;
	v4 =	vld [tilespmem:s25+$0x0]  }
0xcb: {  	v9 =	vld [tilespmem:s28+$0x0]  }
0xcc: {  	v10 =	vmul.f32 v11, v10;
	v2 =	vadd.f32 v5, v2;
	v5 =	vld [tilespmem:s25+$0x10]  }
0xcd: {  	v11 =	vld [tilespmem:s28+$0x10]  }
0xce: {  	v6 =	vmul.f32 v8, v6;
	v8 =	vld [tilespmem:s25+$0x20]  }
0xcf: {  	v12 =	vld [tilespmem:s28+$0x20]  }
0xd0: {  	v6 =	vadd.f32 v6, v10;
	v4 =	vmul.f32 v9, v4;
	v9 =	vld [tilespmem:s25+$0x30]  }
0xd1: {  	v10 =	vld [tilespmem:s28+$0x30]  }
0xd2: {  	v2 =	vadd.f32 v6, v2;
	v5 =	vmul.f32 v11, v5;
	v6 =	vld [tilespmem:s25+$0x40]  }
0xd3: {  	v11 =	vld [tilespmem:s28+$0x40]  }
0xd4: {  	v1 =	vadd.f32 v2, v1;
	v2 =	vmul.f32 v12, v8;
	v8 =	vld [tilespmem:s25+$0x50];
	v4 =	vadd.f32 v5, v4  }
0xd5: {  	v5 =	vld [tilespmem:s28+$0x50]  }
0xd6: {  	v9 =	vmul.f32 v10, v9;
	v10 =	vld [tilespmem:s25+$0x60];
	(xrf2) =	vadd.scan.msk.f32 $0xffff, v1  }
0xd7: {  	v12 =	vld [tilespmem:s28+$0x60]  }
0xd8: {  	s4 =	sadd.s32 $0x1, s30;
	v6 =	vmul.f32 v11, v6;
	v11 =	vld [tilespmem:s25+$0x70];
	v1 =	vadd.f32 v9, v2  }
0xd9: {  	v2 =	vmov s4;
	v9 =	vld [tilespmem:s28+$0x70]  }
0xda: {  	v2 =	vand.u32 $0xFFFFFFFD, v2;
	v13 =	vld [tilespmem:s25+$0xFFFFFF00];
	v5 =	vmul.f32 v5, v8;
	v15 =	vadd.f32 v1, v4;
	s25 =	sadd.s32 $0x200, s25  }
0xdb: {  	s28 =	sadd.s32 $0x200, s28;
	v16 =	vbroadcast v2, $0x0;
	v1 =	vld [tilespmem:s25+$0x80]  }
0xdc: {  	v2 =	vld [tilespmem:s28+$0x80];
	v10 =	vmul.f32 v12, v10;
	v12 =	vadd.f32 v5, v6  }
0xdd: {  	v4 =	vld [tilespmem:s25+$0x90]  }
0xde: {  	v5 =	vld [tilespmem:s28+$0x90];
	v9 =	vmul.f32 v9, v11  }
0xdf: {  	v6 =	vld [tilespmem:s25+$0xA0];
	v0 =	vmul.f32 v0, v13  }
0xe0: {  	v8 =	vld [tilespmem:s28+$0xA0];
	v11 =	vadd.f32 v9, v10;
	v10, _, _ =	vpop (xrf2)  }
0xe1: {  	v9 =	vld [tilespmem:s25+$0xB0];
	v0 =	vadd.f32 v3, v0;
	[tilespmem:v16+s5+$0x0] =	vst.idx.msk vm0, v10  }
0xe2: {  	v10 =	vld [tilespmem:s28+$0xB0];
	v3 =	vadd.f32 v11, v12  }
0xe3: {  	v11 =	vld [tilespmem:s25+$0xC0];
	v0 =	vadd.f32 v7, v0  }
0xe4: {  	v12 =	vld [tilespmem:s28+$0xC0];
	v19 =	vadd.f32 v3, v15  }
0xe5: {  	v13 =	vld [tilespmem:s25+$0xD0];
	v0 =	vadd.f32 v14, v0  }
.Ltmp0:
0xe6: {  	v15 =	vld [tilespmem:s28+$0xD0];
	(pc) =	sbr.rel @p0 .LBB2_2-.Ltmp0, $4  }
0xe7: {  	v14 =	vld [tilespmem:s25+$0xE0];
	(xrf2) =	vadd.scan.msk.f32 $0xffff, v0  }
0xe8: {  	s4 =	sadd.s32 $0x2, s30;
	v16 =	vld [tilespmem:s28+$0xE0]  }
0xe9: {  	v3 =	vmov s4;
	v0 =	vmov s30;
	s30 =	smov.u32 s0;
	v17 =	vld [tilespmem:s25+$0xF0]  }
0xea: {  	v3 =	vand.u32 $0xFFFFFFFE, v3;
	s0 =	sadd.s32 $0x4, s0;
	v7 =	vand.u32 $0xFFFFFFFC, v0;
	v18 =	vld [tilespmem:s28+$0xF0];
	(xrf2) =	vadd.scan.msk.f32 $0xffff, v19  }
0xeb: {  	v0 =	vld [tilespmem:s28+$0xFFFFFF00]  }
0xec: {  	v19 =	vld [tilespmem:s25+$0xFFFFFF10]  }
0xed: {  	v20 =	vld [tilespmem:s28+$0xFFFFFF10]  }
0xee: {  	v21 =	vld [tilespmem:s25+$0xFFFFFF20]  }
0xef: {  	v22 =	vld [tilespmem:s28+$0xFFFFFF20]  }
0xf0: {  	v23 =	vld [tilespmem:s25+$0xFFFFFF30]  }
0xf1: {  	v24 =	vld [tilespmem:s28+$0xFFFFFF30]  }
0xf2: {  	v25 =	vld [tilespmem:s25+$0xFFFFFF40]  }
0xf3: {  	v26 =	vld [tilespmem:s28+$0xFFFFFF40]  }
0xf4: {  	v27 =	vld [tilespmem:s25+$0xFFFFFF50]  }
0xf5: {  	v28 =	vld [tilespmem:s28+$0xFFFFFF50]  }
0xf6: {  	v29 =	vld [tilespmem:s25+$0xFFFFFF60]  }
0xf7: {  	v30 =	vld [tilespmem:s28+$0xFFFFFF60]  }
0xf8: {  	v31 =	vld [tilespmem:s25+$0xFFFFFF70]  }
0xf9: {  	v32 =	vld [tilespmem:s28+$0xFFFFFF70]  }
0xfa: {  	v33 =	vld [tilespmem:s25+$0xFFFFFF80]  }
0xfb: {  	v34 =	vld [tilespmem:s28+$0xFFFFFF80]  }
0xfc: {  	v35 =	vld [tilespmem:s25+$0xFFFFFF90]  }
0xfd: {  	v36 =	vld [tilespmem:s28+$0xFFFFFF90]  }
0xfe: {  	v37 =	vld [tilespmem:s25+$0xFFFFFFA0]  }
0xff: {  	v38 =	vld [tilespmem:s28+$0xFFFFFFA0]  }
0x100: {  	v39 =	vld [tilespmem:s25+$0xFFFFFFB0]  }
0x101: {  	v40 =	vld [tilespmem:s28+$0xFFFFFFB0]  }
0x102: {  	v41 =	vld [tilespmem:s25+$0xFFFFFFC0]  }
0x103: {  	v42 =	vld [tilespmem:s28+$0xFFFFFFC0]  }
0x104: {  	v43 =	vld [tilespmem:s25+$0xFFFFFFD0]  }
0x105: {  	v44 =	vld [tilespmem:s28+$0xFFFFFFD0]  }
0x106: {  	v45 =	vld [tilespmem:s25+$0xFFFFFFE0]  }
0x107: {  	v46 =	vld [tilespmem:s28+$0xFFFFFFE0]  }
0x108: {  	v47 =	vld [tilespmem:s25+$0xFFFFFFF0]  }
0x109: {  	v48 =	vld [tilespmem:s28+$0xFFFFFFF0]  }
0x10a: {  	v49 =	vld [tilespmem:s25+$0x0]  }
0x10b: {  	v50 =	vld [tilespmem:s28+$0x0]  }
0x10c: {  	v51 =	vld [tilespmem:s25+$0x10];
	v1 =	vmul.f32 v2, v1;
	v2 =	vmul.f32 v5, v4  }
0x10d: {  	v4 =	vld [tilespmem:s28+$0x10];
	v5 =	vmul.f32 v8, v6;
	v6 =	vmul.f32 v10, v9  }
0x10e: {  	v8 =	vld [tilespmem:s25+$0x20]  }
0x10f: {  	v9 =	vmul.f32 v12, v11;
	v11 =	vld [tilespmem:s28+$0x20];
	v1 =	vadd.f32 v2, v1;
	v2 =	vadd.f32 v6, v5  }
0x110: {  	v10 =	vmul.f32 v15, v13;
	v53 =	vld [tilespmem:s25+$0x70];
	v12 =	vmul.f32 v16, v14  }
0x111: {  	v55 =	vld [tilespmem:s25+$0xFFFFFF00];
	v13 =	vmul.f32 v18, v17;
	v1 =	vadd.f32 v2, v1;
	v2 =	vmul.f32 v22, v21  }
0x112: {  	v57 =	vld [tilespmem:s28+$0x70];
	v15 =	vmul.f32 v28, v27;
	v17 =	vmul.f32 v30, v29  }
0x113: {  	v14 =	vld [tilespmem:s25+$0x30];
	v18 =	vmul.f32 v32, v31;
	v52 =	vmul.f32 v40, v39  }
0x114: {  	v5 =	vld [tilespmem:s28+$0x30];
	v54 =	vmul.f32 v44, v43;
	v56 =	vmul.f32 v48, v47  }
0x115: {  	v6 =	vadd.f32 v10, v9;
	v10 =	vld [tilespmem:s25+$0x40];
	v58 =	vmul.f32 v50, v49;
	v4 =	vmul.f32 v4, v51  }
0x116: {  	v16 =	vld [tilespmem:s25+$0x50];
	v8 =	vmul.f32 v11, v8;
	v0 =	vmul.f32 v0, v55;
	v9 =	vadd.f32 v13, v12  }
0x117: {  	v12 =	vmul.f32 v20, v19;
	v13 =	vld [tilespmem:s28+$0x40];
	v20 =	vmul.f32 v36, v35  }
0x118: {  	v19 =	vld [tilespmem:s28+$0x50];
	v17 =	vadd.f32 v18, v17;
	v6 =	vadd.f32 v9, v6;
	v9 =	vmul.f32 v26, v25  }
0x119: {  	v36 =	vld [tilespmem:s28+$0x60];
	v18 =	vmul.f32 v34, v33;
	v5 =	vmul.f32 v5, v14;
	v4 =	vadd.f32 v4, v58  }
0x11a: {  	v1 =	vadd.f32 v6, v1;
	v6 =	vmul.f32 v24, v23;
	v9 =	vadd.f32 v15, v9;
	v15 =	vld [tilespmem:s25+$0x60]  }
0x11b: {  	v0 =	vadd.f32 v12, v0;
	v18 =	vadd.f32 v20, v18;
	v20 =	vmul.f32 v46, v45  }
0x11c: {  	v5 =	vadd.f32 v5, v8;
	v2 =	vadd.f32 v6, v2;
	v6 =	vmul.f32 v38, v37  }
0x11d: {  	v20 =	vadd.f32 v56, v20;
	v9 =	vadd.f32 v17, v9;
	v17 =	vmul.f32 v42, v41  }
0x11e: {  	v10 =	vmul.f32 v13, v10;
	v13 =	vmul.f32 v19, v16;
	v6 =	vadd.f32 v52, v6  }
0x11f: {  	v17 =	vadd.f32 v54, v17;
	v14 =	vmul.f32 v36, v15;
	v15 =	vmul.f32 v57, v53  }
0x120: {  	v8 =	vadd.f32 v13, v10;
	v6 =	vadd.f32 v6, v18  }
0x121: {  	v11 =	vadd.f32 v20, v17;
	v10 =	vadd.f32 v15, v14  }
0x122: {  	v0 =	vadd.f32 v2, v0;
	v2 =	vadd.f32 v5, v4  }
0x123: {  	(xrf2) =	vadd.scan.msk.f32 $0xffff, v1;
	v6 =	vadd.f32 v11, v6;
	v4 =	vadd.f32 v10, v8  }
0x124: {  	v0 =	vadd.f32 v9, v0  }
0x125: {  	(xrf2) =	vadd.scan.msk.f32 $0xffff, v6;
	v1 =	vadd.f32 v4, v2  }
0x126: {  	(xrf2) =	vadd.scan.msk.f32 $0xffff, v0  }
0x127: {  	s0 =	sadd.s32 $0x1, s30;
	v0 =	vbroadcast v7, $0x0;
	(xrf2) =	vadd.scan.msk.f32 $0xffff, v1  }
0x128: {  	s4 =	sadd.s32 $0x3, s30;
	v2 =	vmov s0;
	v4 =	vmov s30  }
0x129: {  	s31 =	sadd.s32 $0x2, s30;
	v2 =	vand.u32 $0xFFFFFFFD, v2;
	v1 =	vbroadcast v3, $0x0;
	v3 =	vmov s4  }
0x12a: {  	v5 =	vmov s31;
	v4 =	vand.u32 $0xFFFFFFFC, v4;
	v2 =	vbroadcast v2, $0x0  }
0x12b: {  	v5 =	vand.u32 $0xFFFFFFFE, v5;
	v6, _, _ =	vpop (xrf2);
	v4 =	vbroadcast v4, $0x0  }
0x12c: {  	v5 =	vbroadcast v5, $0x0;
	v7, _, _ =	vpop (xrf2)  }
0x12d: {  	[tilespmem:v0+s5+$0x0] =	vst.idx.msk vm0, v6;
	v0, _, _ =	vpop (xrf2)  }
0x12e: {  	[tilespmem:v3+s5+$0x0] =	vst.idx.msk vm0, v0  }
0x12f: {  	[tilespmem:v1+s5+$0x0] =	vst.idx.msk vm0, v7;
	v1, _, _ =	vpop (xrf2)  }
0x130: {  	[tilespmem:v2+s5+$0x0] =	vst.idx.msk vm0, v1;
	v0, _, _ =	vpop (xrf2)  }
0x131: {  	[tilespmem:v4+s5+$0x0] =	vst.idx.msk vm0, v0;
	v0, _, _ =	vpop (xrf2)  }
0x132: {  	s4 =	simm.s32 $0x400;
	[tilespmem:v5+s5+$0x0] =	vst.idx.msk vm0, v0  }
0x133: {  	[tilespmem:s4], [sflag:$0x1] =	stream.indirect.gather [hbm4b:s1+s15], $0x80, s13, s15, $0xb8;
	[tilespmem:$0x18A80] =	vst v63  }
0x134: {  	s13 =	simm.s32 $0xC400  }
0x135: {  	[tilespmem:s13], [sflag:$0x1] =	stream.indirect.gather [hbm4b:s2+s15], $0x80, s22, s15, $0xb8;
	[tilespmem:$0x18A80] =	vst v63  }
0x136: {  	_ =	swait.ge [sflag:s16], $0x2000  }
0x137: {  	[sflag:s16] =	ssyncset.done $0x0  }
0x138: {  	[sflag:s16] =	ssyncadd.s32 $0xFFFFE000  }
0x139: {  	_ =	swait.ge [sflag:s16], $0x2000  }
0x13a: {  	[sflag:s16] =	ssyncset.done $0x0  }
0x13b: {  	s22 =	simm.s32 $0x2500;
	[sflag:s16] =	ssyncadd.s32 $0xFFFFE000  }
0x13c: {  	s31 =	simm.s32 $0xE500;
	v0 =	vld [tilespmem:s22+$0x80]  }
0x13d: {  	v1 =	vld [tilespmem:s31+$0x80]  }
0x13e: {  	v2 =	vld [tilespmem:s22+$0x90]  }
0x13f: {  	v3 =	vld [tilespmem:s31+$0x90]  }
0x140: {  	v4 =	vld [tilespmem:s22+$0xA0]  }
0x141: {  	v5 =	vld [tilespmem:s31+$0xA0]  }
0x142: {  	v6 =	vld [tilespmem:s22+$0xB0]  }
0x143: {  	v7 =	vld [tilespmem:s31+$0xB0]  }
0x144: {  	v8 =	vld [tilespmem:s22+$0xC0]  }
0x145: {  	v9 =	vld [tilespmem:s31+$0xC0]  }
0x146: {  	v10 =	vld [tilespmem:s22+$0xD0]  }
0x147: {  	v11 =	vld [tilespmem:s31+$0xD0]  }
0x148: {  	v12 =	vld [tilespmem:s22+$0xE0]  }
0x149: {  	v13 =	vld [tilespmem:s31+$0xE0]  }
0x14a: {  	v14 =	vld [tilespmem:s22+$0xF0]  }
0x14b: {  	v15 =	vld [tilespmem:s31+$0xF0]  }
0x14c: {  	v16 =	vld [tilespmem:s31+$0xFFFFFF00]  }
0x14d: {  	v17 =	vld [tilespmem:s22+$0xFFFFFF10]  }
0x14e: {  	v18 =	vld [tilespmem:s31+$0xFFFFFF10]  }
0x14f: {  	v19 =	vld [tilespmem:s22+$0xFFFFFF20]  }
0x150: {  	v20 =	vld [tilespmem:s31+$0xFFFFFF20]  }
0x151: {  	v21 =	vld [tilespmem:s22+$0xFFFFFF30]  }
0x152: {  	v22 =	vld [tilespmem:s31+$0xFFFFFF30]  }
0x153: {  	v23 =	vld [tilespmem:s22+$0xFFFFFF40]  }
0x154: {  	v24 =	vld [tilespmem:s31+$0xFFFFFF40]  }
0x155: {  	v25 =	vld [tilespmem:s22+$0xFFFFFF50]  }
0x156: {  	v26 =	vld [tilespmem:s31+$0xFFFFFF50]  }
0x157: {  	v27 =	vld [tilespmem:s22+$0xFFFFFF60]  }
0x158: {  	v28 =	vld [tilespmem:s31+$0xFFFFFF60]  }
0x159: {  	v29 =	vld [tilespmem:s22+$0xFFFFFF70]  }
0x15a: {  	v30 =	vld [tilespmem:s31+$0xFFFFFF70]  }
0x15b: {  	v31 =	vld [tilespmem:s22+$0xFFFFFF80]  }
0x15c: {  	v32 =	vld [tilespmem:s31+$0xFFFFFF80]  }
0x15d: {  	v33 =	vld [tilespmem:s22+$0xFFFFFF90]  }
0x15e: {  	v34 =	vld [tilespmem:s31+$0xFFFFFF90]  }
0x15f: {  	v35 =	vld [tilespmem:s22+$0xFFFFFFA0]  }
0x160: {  	v36 =	vld [tilespmem:s31+$0xFFFFFFA0]  }
0x161: {  	v37 =	vld [tilespmem:s22+$0xFFFFFFB0]  }
0x162: {  	v38 =	vld [tilespmem:s31+$0xFFFFFFB0]  }
0x163: {  	v39 =	vld [tilespmem:s22+$0xFFFFFFC0]  }
0x164: {  	v40 =	vld [tilespmem:s31+$0xFFFFFFC0]  }
0x165: {  	v41 =	vld [tilespmem:s22+$0xFFFFFFD0]  }
0x166: {  	v42 =	vld [tilespmem:s31+$0xFFFFFFD0]  }
0x167: {  	v43 =	vld [tilespmem:s22+$0xFFFFFFE0]  }
0x168: {  	v59 =	vld [tilespmem:s31+$0xFFFFFFE0]  }
0x169: {  	v60 =	vld [tilespmem:s22+$0xFFFFFFF0]  }
0x16a: {  	v61 =	vld [tilespmem:s31+$0xFFFFFFF0]  }
0x16b: {  	v62 =	vld [tilespmem:s22+$0x0]  }
0x16c: {  	v63 =	vld [tilespmem:s31+$0x0]  }
0x16d: {  	v56 =	vld [tilespmem:s22+$0x10]  }
0x16e: {  	v57 =	vld [tilespmem:s31+$0x10];
	v0 =	vmul.f32 v1, v0  }
0x16f: {  	v58 =	vld [tilespmem:s22+$0x20];
	v1 =	vmul.f32 v3, v2;
	v2 =	vmul.f32 v5, v4  }
0x170: {  	v52 =	vld [tilespmem:s31+$0x20];
	v4 =	vmul.f32 v7, v6;
	v5 =	vmul.f32 v9, v8  }
0x171: {  	v3 =	vld [tilespmem:s22+$0x30];
	v7 =	vmul.f32 v11, v10;
	v8 =	vmul.f32 v13, v12  }
0x172: {  	v6 =	vld [tilespmem:s31+$0x30];
	v10 =	vmul.f32 v15, v14;
	v12 =	vmul.f32 v38, v37  }
0x173: {  	v9 =	vld [tilespmem:s22+$0x40];
	v14 =	vmul.f32 v42, v41;
	v17 =	vmul.f32 v18, v17  }
0x174: {  	v11 =	vld [tilespmem:s31+$0x40];
	v18 =	vmul.f32 v24, v23;
	v0 =	vadd.f32 v1, v0;
	v1 =	vadd.f32 v4, v2  }
0x175: {  	v13 =	vld [tilespmem:s31+$0x50];
	v2 =	vadd.f32 v7, v5;
	v4 =	vmul.f32 v32, v31;
	v8 =	vadd.f32 v10, v8  }
0x176: {  	v15 =	vld [tilespmem:s22+$0x60];
	v5 =	vmul.f32 v34, v33;
	v10 =	vmul.f32 v36, v35  }
0x177: {  	v7 =	vld [tilespmem:s22+$0x50];
	v0 =	vadd.f32 v1, v0;
	v1 =	vmul.f32 v40, v39;
	v2 =	vadd.f32 v8, v2  }
0x178: {  	v8 =	vmul.f32 v59, v43;
	v59 =	vmul.f32 v61, v60;
	v60 =	vld [tilespmem:s31+$0x60];
	v4 =	vadd.f32 v5, v4  }
0x179: {  	v5 =	vadd.f32 v12, v10;
	v10 =	vld [tilespmem:s22+$0x70];
	v12 =	vmul.f32 v20, v19;
	v61 =	vmul.f32 v63, v62  }
0x17a: {  	s25 =	simm.s32 $0x2700;
	v19 =	vld [tilespmem:s22+$0xFFFFFF00];
	v62 =	vmul.f32 v57, v56;
	v1 =	vadd.f32 v14, v1;
	v8 =	vadd.f32 v59, v8  }
0x17b: {  	v3 =	vmul.f32 v6, v3;
	v6 =	vld [tilespmem:s25+$0xA0];
	v0 =	vadd.f32 v2, v0;
	v2 =	vmul.f32 v22, v21  }
0x17c: {  	v20 =	vmul.f32 v26, v25;
	v14 =	vld [tilespmem:s31+$0x70];
	v4 =	vadd.f32 v5, v4;
	v5 =	vadd.f32 v8, v1  }
0x17d: {  	s28 =	simm.s32 $0xE700;
	v22 =	vadd.f32 v62, v61;
	v7 =	vmul.f32 v13, v7;
	v1 =	vld [tilespmem:s25+$0x80];
	v21 =	vadd.f32 v2, v12  }
0x17e: {  	v8 =	vmul.f32 v28, v27;
	v12 =	vmul.f32 v30, v29;
	v2 =	vld [tilespmem:s28+$0x80];
	(xrf2) =	vadd.scan.msk.f32 $0xffff, v0;
	v63 =	vadd.f32 v5, v4  }
0x17f: {  	s13 =	simm.s32 $0x1;
	v0 =	vadd.f32 v20, v18;
	v18 =	vmul.f32 v52, v58;
	v13 =	vmul.f32 v60, v15;
	v4 =	vld [tilespmem:s25+$0x90]  }
0x180: {  	s4 =	simm.s32 $0x3;
	v15 =	vmov s13;
	v16 =	vmul.f32 v16, v19;
	v5 =	vld [tilespmem:s28+$0x90];
	v20 =	vadd.f32 v12, v8;
	(xrf2) =	vadd.scan.msk.f32 $0xffff, v63  }
0x181: {  	v12 =	vmul.f32 v11, v9;
	v3 =	vadd.f32 v3, v18;
	v11 =	vmov s4;
	v8 =	vld [tilespmem:s28+$0xA0]  }
0x182: {  	v9 =	vld [tilespmem:s25+$0xB0];
	v15 =	vadd.s32 $0x40, v15;
	v11 =	vadd.s32 $0x40, v11;
	v16 =	vadd.f32 v17, v16  }
0x183: {  	v14 =	vmul.f32 v14, v10;
	v10 =	vld [tilespmem:s28+$0xB0];
	v15 =	vand.u32 $0xFFFFFFFD, v15;
	v18 =	vbroadcast v11, $0x0  }
0x184: {  	v11 =	vld [tilespmem:s25+$0xC0];
	v19 =	vbroadcast v15, $0x0;
	v0 =	vadd.f32 v20, v0;
	v15 =	vadd.f32 v21, v16  }
0x185: {  	v7 =	vadd.f32 v7, v12;
	v12 =	vld [tilespmem:s28+$0xC0];
	v14 =	vadd.f32 v14, v13  }
0x186: {  	v13 =	vld [tilespmem:s25+$0xD0];
	v0 =	vadd.f32 v0, v15  }
0x187: {  	v3 =	vadd.f32 v3, v22;
	v16 =	vld [tilespmem:s28+$0xE0];
	v7 =	vadd.f32 v14, v7  }
0x188: {  	s22 =	simm.s32 $0x0;
	s31 =	simm.s32 $0x2;
	v14 =	vld [tilespmem:s28+$0xD0];
	v17, _, _ =	vpop (xrf2);
	(xrf2) =	vadd.scan.msk.f32 $0xffff, v0  }
0x189: {  	v15 =	vld [tilespmem:s25+$0xE0];
	v20 =	vadd.f32 v7, v3;
	v3 =	vmov s22;
	v7 =	vmov s31  }
0x18a: {  	v0 =	vadd.s32 $0x40, v3;
	v3 =	vadd.s32 $0x40, v7;
	[tilespmem:v18+s5+$0x0] =	vst.idx.msk vm0, v17;
	v17 =	vld [tilespmem:s25+$0xF0];
	v18, _, _ =	vpop (xrf2)  }
0x18b: {  	s30 =	simm.s32 $0x4;
	s0 =	simm.s32 $0x8;
	v7 =	vand.u32 $0xFFFFFFFC, v0;
	v3 =	vand.u32 $0xFFFFFFFE, v3;
	(xrf2) =	vadd.scan.msk.f32 $0xffff, v20;
	[tilespmem:v19+s5+$0x0] =	vst.idx.msk vm0, v18;
	v18 =	vld [tilespmem:s28+$0xF0]  }
.LBB2_4:
0x18c: {  	p0 =	slt.u32 s0, $0x3C;
	v0 =	vld [tilespmem:s28+$0xFFFFFF00];
	v7 =	vbroadcast v7, $0x0;
	v19 =	vbroadcast v3, $0x0  }
0x18d: {  	v1 =	vmul.f32 v2, v1;
	v2 =	vmul.f32 v5, v4;
	v3 =	vld [tilespmem:s25+$0xFFFFFF10]  }
0x18e: {  	v5 =	vmul.f32 v8, v6;
	v6 =	vmul.f32 v10, v9;
	v4 =	vld [tilespmem:s28+$0xFFFFFF10]  }
0x18f: {  	v9 =	vmul.f32 v12, v11;
	v20 =	vmul.f32 v14, v13;
	v8 =	vld [tilespmem:s25+$0xFFFFFF20]  }
0x190: {  	v12 =	vmul.f32 v16, v15;
	v11 =	vld [tilespmem:s28+$0xFFFFFF20];
	v13 =	vmul.f32 v18, v17  }
0x191: {  	v1 =	vadd.f32 v2, v1;
	v2 =	vadd.f32 v6, v5;
	v14 =	vld [tilespmem:s25+$0xFFFFFF30]  }
0x192: {  	v6 =	vadd.f32 v20, v9;
	v5 =	vld [tilespmem:s28+$0xFFFFFF30];
	v12 =	vadd.f32 v13, v12;
	v10, _, _ =	vpop (xrf2)  }
0x193: {  	v3 =	vmul.f32 v4, v3;
	v4 =	vld [tilespmem:s25+$0xFFFFFF40];
	[tilespmem:v7+s5+$0x0] =	vst.idx.msk vm0, v10  }
0x194: {  	v1 =	vadd.f32 v2, v1;
	v7 =	vld [tilespmem:s28+$0xFFFFFF40];
	v2 =	vadd.f32 v12, v6  }
0x195: {  	v6 =	vmul.f32 v11, v8;
	v8 =	vld [tilespmem:s25+$0xFFFFFF50];
	v9, _, _ =	vpop (xrf2)  }
0x196: {  	v10 =	vld [tilespmem:s28+$0xFFFFFF50];
	v1 =	vadd.f32 v2, v1;
	[tilespmem:v19+s5+$0x0] =	vst.idx.msk vm0, v9  }
0x197: {  	v2 =	vmul.f32 v5, v14;
	v5 =	vld [tilespmem:s25+$0xFFFFFF60]  }
0x198: {  	v9 =	vld [tilespmem:s28+$0xFFFFFF60];
	(xrf2) =	vadd.scan.msk.f32 $0xffff, v1  }
0x199: {  	v1 =	vmul.f32 v7, v4;
	v4 =	vld [tilespmem:s25+$0xFFFFFF70];
	v7 =	vadd.f32 v2, v6  }
0x19a: {  	s4 =	sadd.s32 $0x3, s30;
	v2 =	vld [tilespmem:s28+$0xFFFFFF70]  }
0x19b: {  	v6 =	vmul.f32 v10, v8;
	v8 =	vld [tilespmem:s25+$0xFFFFFF80];
	v10 =	vmov s4  }
0x19c: {  	v11 =	vld [tilespmem:s28+$0xFFFFFF80];
	v10 =	vadd.s32 $0x40, v10  }
0x19d: {  	v5 =	vmul.f32 v9, v5;
	v1 =	vadd.f32 v6, v1;
	v6 =	vld [tilespmem:s25+$0xFFFFFF90];
	v9 =	vbroadcast v10, $0x0  }
0x19e: {  	v10 =	vld [tilespmem:s28+$0xFFFFFF90]  }
0x19f: {  	v2 =	vmul.f32 v2, v4;
	v4 =	vld [tilespmem:s25+$0xFFFFFFA0]  }
0x1a0: {  	v12 =	vld [tilespmem:s28+$0xFFFFFFA0]  }
0x1a1: {  	v2 =	vadd.f32 v2, v5;
	v5 =	vmul.f32 v11, v8;
	v8 =	vld [tilespmem:s25+$0xFFFFFFB0]  }
0x1a2: {  	v11 =	vld [tilespmem:s28+$0xFFFFFFB0];
	v13, _, _ =	vpop (xrf2)  }
0x1a3: {  	v14 =	vadd.f32 v2, v1;
	v1 =	vmul.f32 v10, v6;
	v2 =	vld [tilespmem:s25+$0xFFFFFFC0];
	[tilespmem:v9+s5+$0x0] =	vst.idx.msk vm0, v13  }
0x1a4: {  	v6 =	vld [tilespmem:s28+$0xFFFFFFC0]  }
0x1a5: {  	v4 =	vmul.f32 v12, v4;
	v9 =	vld [tilespmem:s25+$0xFFFFFFD0];
	v1 =	vadd.f32 v1, v5  }
0x1a6: {  	v5 =	vld [tilespmem:s28+$0xFFFFFFD0]  }
0x1a7: {  	v8 =	vmul.f32 v11, v8;
	v10 =	vld [tilespmem:s25+$0xFFFFFFE0]  }
0x1a8: {  	v11 =	vld [tilespmem:s28+$0xFFFFFFE0]  }
0x1a9: {  	v2 =	vmul.f32 v6, v2;
	v6 =	vld [tilespmem:s25+$0xFFFFFFF0];
	v4 =	vadd.f32 v8, v4  }
0x1aa: {  	v8 =	vld [tilespmem:s28+$0xFFFFFFF0]  }
0x1ab: {  	v5 =	vmul.f32 v5, v9;
	v1 =	vadd.f32 v4, v1;
	v4 =	vld [tilespmem:s25+$0x0]  }
0x1ac: {  	v9 =	vld [tilespmem:s28+$0x0]  }
0x1ad: {  	v10 =	vmul.f32 v11, v10;
	v2 =	vadd.f32 v5, v2;
	v5 =	vld [tilespmem:s25+$0x10]  }
0x1ae: {  	v11 =	vld [tilespmem:s28+$0x10]  }
0x1af: {  	v6 =	vmul.f32 v8, v6;
	v8 =	vld [tilespmem:s25+$0x20]  }
0x1b0: {  	v12 =	vld [tilespmem:s28+$0x20]  }
0x1b1: {  	v6 =	vadd.f32 v6, v10;
	v4 =	vmul.f32 v9, v4;
	v9 =	vld [tilespmem:s25+$0x30]  }
0x1b2: {  	v10 =	vld [tilespmem:s28+$0x30]  }
0x1b3: {  	v2 =	vadd.f32 v6, v2;
	v5 =	vmul.f32 v11, v5;
	v6 =	vld [tilespmem:s25+$0x40]  }
0x1b4: {  	v11 =	vld [tilespmem:s28+$0x40]  }
0x1b5: {  	v1 =	vadd.f32 v2, v1;
	v2 =	vmul.f32 v12, v8;
	v8 =	vld [tilespmem:s25+$0x50];
	v4 =	vadd.f32 v5, v4  }
0x1b6: {  	v5 =	vld [tilespmem:s28+$0x50]  }
0x1b7: {  	v9 =	vmul.f32 v10, v9;
	v10 =	vld [tilespmem:s25+$0x60];
	(xrf2) =	vadd.scan.msk.f32 $0xffff, v1  }
0x1b8: {  	s4 =	sadd.s32 $0x1, s30;
	v12 =	vld [tilespmem:s28+$0x60]  }
0x1b9: {  	v1 =	vmov s4;
	v6 =	vmul.f32 v11, v6;
	v11 =	vld [tilespmem:s25+$0x70];
	v2 =	vadd.f32 v9, v2  }
0x1ba: {  	v1 =	vadd.s32 $0x40, v1;
	v9 =	vld [tilespmem:s28+$0x70]  }
0x1bb: {  	v15 =	vand.u32 $0xFFFFFFFD, v1;
	v13 =	vld [tilespmem:s25+$0xFFFFFF00];
	v5 =	vmul.f32 v5, v8;
	v16 =	vadd.f32 v2, v4;
	s25 =	sadd.s32 $0x200, s25  }
0x1bc: {  	v15 =	vbroadcast v15, $0x0;
	s28 =	sadd.s32 $0x200, s28;
	v1 =	vld [tilespmem:s25+$0x80]  }
0x1bd: {  	v2 =	vld [tilespmem:s28+$0x80];
	v10 =	vmul.f32 v12, v10;
	v12 =	vadd.f32 v5, v6  }
0x1be: {  	v4 =	vld [tilespmem:s25+$0x90]  }
0x1bf: {  	v5 =	vld [tilespmem:s28+$0x90];
	v9 =	vmul.f32 v9, v11  }
0x1c0: {  	v6 =	vld [tilespmem:s25+$0xA0];
	v0 =	vmul.f32 v0, v13  }
0x1c1: {  	v8 =	vld [tilespmem:s28+$0xA0];
	v11 =	vadd.f32 v9, v10;
	v10, _, _ =	vpop (xrf2)  }
0x1c2: {  	v9 =	vld [tilespmem:s25+$0xB0];
	v0 =	vadd.f32 v3, v0;
	[tilespmem:v15+s5+$0x0] =	vst.idx.msk vm0, v10  }
0x1c3: {  	v10 =	vld [tilespmem:s28+$0xB0];
	v3 =	vadd.f32 v11, v12  }
0x1c4: {  	v11 =	vld [tilespmem:s25+$0xC0];
	v0 =	vadd.f32 v7, v0  }
0x1c5: {  	v12 =	vld [tilespmem:s28+$0xC0];
	v19 =	vadd.f32 v3, v16  }
0x1c6: {  	v13 =	vld [tilespmem:s25+$0xD0];
	v0 =	vadd.f32 v14, v0  }
.Ltmp1:
0x1c7: {  	v14 =	vld [tilespmem:s28+$0xD0];
	(pc) =	sbr.rel @p0 .LBB2_4-.Ltmp1, $4  }
0x1c8: {  	s4 =	sadd.s32 $0x2, s30;
	v15 =	vld [tilespmem:s25+$0xE0];
	(xrf2) =	vadd.scan.msk.f32 $0xffff, v0  }
0x1c9: {  	v3 =	vmov s4;
	v0 =	vmov s30;
	s30 =	smov.u32 s0;
	v16 =	vld [tilespmem:s28+$0xE0]  }
0x1ca: {  	v3 =	vadd.s32 $0x40, v3;
	v0 =	vadd.s32 $0x40, v0;
	v17 =	vld [tilespmem:s25+$0xF0]  }
0x1cb: {  	v3 =	vand.u32 $0xFFFFFFFE, v3;
	s0 =	sadd.s32 $0x4, s0;
	v7 =	vand.u32 $0xFFFFFFFC, v0;
	v18 =	vld [tilespmem:s28+$0xF0];
	(xrf2) =	vadd.scan.msk.f32 $0xffff, v19  }
0x1cc: {  	v0 =	vld [tilespmem:s28+$0xFFFFFF00]  }
0x1cd: {  	v19 =	vld [tilespmem:s25+$0xFFFFFF10]  }
0x1ce: {  	v20 =	vld [tilespmem:s28+$0xFFFFFF10]  }
0x1cf: {  	v21 =	vld [tilespmem:s25+$0xFFFFFF20]  }
0x1d0: {  	v22 =	vld [tilespmem:s28+$0xFFFFFF20]  }
0x1d1: {  	v23 =	vld [tilespmem:s25+$0xFFFFFF30]  }
0x1d2: {  	v24 =	vld [tilespmem:s28+$0xFFFFFF30]  }
0x1d3: {  	v25 =	vld [tilespmem:s25+$0xFFFFFF40]  }
0x1d4: {  	v26 =	vld [tilespmem:s28+$0xFFFFFF40]  }
0x1d5: {  	v27 =	vld [tilespmem:s25+$0xFFFFFF50]  }
0x1d6: {  	v28 =	vld [tilespmem:s28+$0xFFFFFF50]  }
0x1d7: {  	v29 =	vld [tilespmem:s25+$0xFFFFFF60]  }
0x1d8: {  	v30 =	vld [tilespmem:s28+$0xFFFFFF60]  }
0x1d9: {  	v31 =	vld [tilespmem:s25+$0xFFFFFF70]  }
0x1da: {  	v32 =	vld [tilespmem:s28+$0xFFFFFF70]  }
0x1db: {  	v33 =	vld [tilespmem:s25+$0xFFFFFF80]  }
0x1dc: {  	v34 =	vld [tilespmem:s28+$0xFFFFFF80]  }
0x1dd: {  	v35 =	vld [tilespmem:s25+$0xFFFFFF90]  }
0x1de: {  	v36 =	vld [tilespmem:s28+$0xFFFFFF90]  }
0x1df: {  	v37 =	vld [tilespmem:s25+$0xFFFFFFA0]  }
0x1e0: {  	v38 =	vld [tilespmem:s28+$0xFFFFFFA0]  }
0x1e1: {  	v39 =	vld [tilespmem:s25+$0xFFFFFFB0]  }
0x1e2: {  	v40 =	vld [tilespmem:s28+$0xFFFFFFB0]  }
0x1e3: {  	v41 =	vld [tilespmem:s25+$0xFFFFFFC0]  }
0x1e4: {  	v42 =	vld [tilespmem:s28+$0xFFFFFFC0]  }
0x1e5: {  	v43 =	vld [tilespmem:s25+$0xFFFFFFD0]  }
0x1e6: {  	v44 =	vld [tilespmem:s28+$0xFFFFFFD0]  }
0x1e7: {  	v45 =	vld [tilespmem:s25+$0xFFFFFFE0]  }
0x1e8: {  	v46 =	vld [tilespmem:s28+$0xFFFFFFE0]  }
0x1e9: {  	v47 =	vld [tilespmem:s25+$0xFFFFFFF0]  }
0x1ea: {  	v48 =	vld [tilespmem:s28+$0xFFFFFFF0]  }
0x1eb: {  	v49 =	vld [tilespmem:s25+$0x0]  }
0x1ec: {  	v50 =	vld [tilespmem:s28+$0x0]  }
0x1ed: {  	v51 =	vld [tilespmem:s25+$0x10];
	v1 =	vmul.f32 v2, v1;
	v2 =	vmul.f32 v5, v4  }
0x1ee: {  	v4 =	vld [tilespmem:s28+$0x10];
	v5 =	vmul.f32 v8, v6;
	v6 =	vmul.f32 v10, v9  }
0x1ef: {  	v8 =	vld [tilespmem:s25+$0x20]  }
0x1f0: {  	v9 =	vmul.f32 v12, v11;
	v11 =	vld [tilespmem:s28+$0x20];
	v1 =	vadd.f32 v2, v1;
	v2 =	vadd.f32 v6, v5  }
0x1f1: {  	v10 =	vmul.f32 v14, v13;
	v14 =	vld [tilespmem:s25+$0x30];
	v12 =	vmul.f32 v16, v15  }
0x1f2: {  	v55 =	vld [tilespmem:s25+$0xFFFFFF00];
	v13 =	vmul.f32 v18, v17;
	v1 =	vadd.f32 v2, v1;
	v2 =	vmul.f32 v22, v21  }
0x1f3: {  	v53 =	vld [tilespmem:s25+$0x70];
	v15 =	vmul.f32 v28, v27;
	v17 =	vmul.f32 v30, v29  }
0x1f4: {  	v57 =	vld [tilespmem:s28+$0x70];
	v18 =	vmul.f32 v32, v31;
	v52 =	vmul.f32 v40, v39  }
0x1f5: {  	v5 =	vld [tilespmem:s28+$0x30];
	v54 =	vmul.f32 v44, v43;
	v56 =	vmul.f32 v48, v47  }
0x1f6: {  	v6 =	vadd.f32 v10, v9;
	v10 =	vld [tilespmem:s25+$0x40];
	v58 =	vmul.f32 v50, v49;
	v4 =	vmul.f32 v4, v51  }
0x1f7: {  	v16 =	vld [tilespmem:s25+$0x50];
	v8 =	vmul.f32 v11, v8;
	v0 =	vmul.f32 v0, v55;
	v9 =	vadd.f32 v13, v12  }
0x1f8: {  	v12 =	vmul.f32 v20, v19;
	v13 =	vld [tilespmem:s28+$0x40];
	v20 =	vmul.f32 v36, v35  }
0x1f9: {  	v19 =	vld [tilespmem:s28+$0x50];
	v17 =	vadd.f32 v18, v17;
	v6 =	vadd.f32 v9, v6;
	v9 =	vmul.f32 v26, v25  }
0x1fa: {  	v36 =	vld [tilespmem:s28+$0x60];
	v18 =	vmul.f32 v34, v33;
	v5 =	vmul.f32 v5, v14;
	v4 =	vadd.f32 v4, v58  }
0x1fb: {  	v1 =	vadd.f32 v6, v1;
	v6 =	vmul.f32 v24, v23;
	v9 =	vadd.f32 v15, v9;
	v15 =	vld [tilespmem:s25+$0x60]  }
0x1fc: {  	v0 =	vadd.f32 v12, v0;
	v18 =	vadd.f32 v20, v18;
	v20 =	vmul.f32 v46, v45  }
0x1fd: {  	v5 =	vadd.f32 v5, v8;
	v2 =	vadd.f32 v6, v2;
	v6 =	vmul.f32 v38, v37  }
0x1fe: {  	v20 =	vadd.f32 v56, v20;
	v9 =	vadd.f32 v17, v9;
	v17 =	vmul.f32 v42, v41  }
0x1ff: {  	v10 =	vmul.f32 v13, v10;
	v13 =	vmul.f32 v19, v16;
	v6 =	vadd.f32 v52, v6  }
0x200: {  	v17 =	vadd.f32 v54, v17;
	v14 =	vmul.f32 v36, v15;
	v15 =	vmul.f32 v57, v53  }
0x201: {  	v8 =	vadd.f32 v13, v10;
	v6 =	vadd.f32 v6, v18  }
0x202: {  	v11 =	vadd.f32 v20, v17;
	v10 =	vadd.f32 v15, v14  }
0x203: {  	v0 =	vadd.f32 v2, v0;
	v2 =	vadd.f32 v5, v4  }
0x204: {  	v6 =	vadd.f32 v11, v6;
	v4 =	vadd.f32 v10, v8  }
0x205: {  	(xrf2) =	vadd.scan.msk.f32 $0xffff, v1;
	v0 =	vadd.f32 v9, v0  }
0x206: {  	s0 =	sadd.s32 $0x3, s30;
	(xrf2) =	vadd.scan.msk.f32 $0xffff, v6;
	v1 =	vadd.f32 v4, v2  }
0x207: {  	s22 =	sadd.s32 $0x1, s30;
	v2 =	vbroadcast v7, $0x0;
	v4 =	vmov s0;
	(xrf2) =	vadd.scan.msk.f32 $0xffff, v0  }
0x208: {  	v0 =	vbroadcast v3, $0x0;
	v3 =	vadd.s32 $0x40, v4;
	v4 =	vmov s22;
	(xrf2) =	vadd.scan.msk.f32 $0xffff, v1  }
0x209: {  	s25 =	sadd.s32 $0x2, s30;
	v1 =	vbroadcast v3, $0x0;
	v3 =	vadd.s32 $0x40, v4;
	v4 =	vmov s30  }
0x20a: {  	v5 =	vmov s25;
	v3 =	vand.u32 $0xFFFFFFFD, v3;
	v4 =	vadd.s32 $0x40, v4  }
0x20b: {  	v5 =	vadd.s32 $0x40, v5;
	v3 =	vbroadcast v3, $0x0;
	v4 =	vand.u32 $0xFFFFFFFC, v4  }
0x20c: {  	v5 =	vand.u32 $0xFFFFFFFE, v5;
	v4 =	vbroadcast v4, $0x0  }
0x20d: {  	v5 =	vbroadcast v5, $0x0;
	v6, _, _ =	vpop (xrf2)  }
0x20e: {  	v7, _, _ =	vpop (xrf2);
	[tilespmem:v2+s5+$0x0] =	vst.idx.msk vm0, v6  }
0x20f: {  	v2, _, _ =	vpop (xrf2);
	[tilespmem:v0+s5+$0x0] =	vst.idx.msk vm0, v7  }
0x210: {  	[tilespmem:v1+s5+$0x0] =	vst.idx.msk vm0, v2;
	v0, _, _ =	vpop (xrf2)  }
0x211: {  	[tilespmem:v3+s5+$0x0] =	vst.idx.msk vm0, v0;
	v0, _, _ =	vpop (xrf2)  }
0x212: {  	[tilespmem:v4+s5+$0x0] =	vst.idx.msk vm0, v0;
	v0, _, _ =	vpop (xrf2)  }
0x213: {  	s31 =	simm.s32 $0x2400;
	[tilespmem:v5+s5+$0x0] =	vst.idx.msk vm0, v0  }
0x214: {  	[tilespmem:s31], [sflag:$0x2] =	stream.indirect.gather [hbm4b:s1+s15], $0x80, s26, s15, $0xb8;
	[tilespmem:$0x18A80] =	vst v63  }
0x215: {  	s4 =	simm.s32 $0xE400  }
0x216: {  	[tilespmem:s4], [sflag:$0x2] =	stream.indirect.gather [hbm4b:s2+s15], $0x80, s29, s15, $0xb8;
	[tilespmem:$0x18A80] =	vst v63  }
0x217: {  	_ =	swait.ge [sflag:s17], $0x2000  }
0x218: {  	[sflag:s17] =	ssyncset.done $0x0  }
0x219: {  	[sflag:s17] =	ssyncadd.s32 $0xFFFFE000  }
0x21a: {  	_ =	swait.ge [sflag:s17], $0x2000  }
0x21b: {  	[sflag:s17] =	ssyncset.done $0x0  }
0x21c: {  	s13 =	simm.s32 $0x4500;
	[sflag:s17] =	ssyncadd.s32 $0xFFFFE000  }
0x21d: {  	s22 =	simm.s32 $0x10500;
	v0 =	vld [tilespmem:s13+$0x80]  }
0x21e: {  	v1 =	vld [tilespmem:s22+$0x80]  }
0x21f: {  	v2 =	vld [tilespmem:s13+$0x90]  }
0x220: {  	v3 =	vld [tilespmem:s22+$0x90]  }
0x221: {  	v4 =	vld [tilespmem:s13+$0xA0]  }
0x222: {  	v5 =	vld [tilespmem:s22+$0xA0]  }
0x223: {  	v6 =	vld [tilespmem:s13+$0xB0]  }
0x224: {  	v7 =	vld [tilespmem:s22+$0xB0]  }
0x225: {  	v8 =	vld [tilespmem:s13+$0xC0]  }
0x226: {  	v9 =	vld [tilespmem:s22+$0xC0]  }
0x227: {  	v10 =	vld [tilespmem:s13+$0xD0]  }
0x228: {  	v11 =	vld [tilespmem:s22+$0xD0]  }
0x229: {  	v12 =	vld [tilespmem:s13+$0xE0]  }
0x22a: {  	v13 =	vld [tilespmem:s22+$0xE0]  }
0x22b: {  	v14 =	vld [tilespmem:s13+$0xF0]  }
0x22c: {  	v15 =	vld [tilespmem:s22+$0xF0]  }
0x22d: {  	v16 =	vld [tilespmem:s22+$0xFFFFFF00]  }
0x22e: {  	v17 =	vld [tilespmem:s13+$0xFFFFFF10]  }
0x22f: {  	v18 =	vld [tilespmem:s22+$0xFFFFFF10]  }
0x230: {  	v19 =	vld [tilespmem:s13+$0xFFFFFF20]  }
0x231: {  	v20 =	vld [tilespmem:s22+$0xFFFFFF20]  }
0x232: {  	v21 =	vld [tilespmem:s13+$0xFFFFFF30]  }
0x233: {  	v22 =	vld [tilespmem:s22+$0xFFFFFF30]  }
0x234: {  	v23 =	vld [tilespmem:s13+$0xFFFFFF40]  }
0x235: {  	v24 =	vld [tilespmem:s22+$0xFFFFFF40]  }
0x236: {  	v25 =	vld [tilespmem:s13+$0xFFFFFF50]  }
0x237: {  	v26 =	vld [tilespmem:s22+$0xFFFFFF50]  }
0x238: {  	v27 =	vld [tilespmem:s13+$0xFFFFFF60]  }
0x239: {  	v28 =	vld [tilespmem:s22+$0xFFFFFF60]  }
0x23a: {  	v29 =	vld [tilespmem:s13+$0xFFFFFF70]  }
0x23b: {  	v30 =	vld [tilespmem:s22+$0xFFFFFF70]  }
0x23c: {  	v31 =	vld [tilespmem:s13+$0xFFFFFF80]  }
0x23d: {  	v32 =	vld [tilespmem:s22+$0xFFFFFF80]  }
0x23e: {  	v33 =	vld [tilespmem:s13+$0xFFFFFF90]  }
0x23f: {  	v34 =	vld [tilespmem:s22+$0xFFFFFF90]  }
0x240: {  	v35 =	vld [tilespmem:s13+$0xFFFFFFA0]  }
0x241: {  	v36 =	vld [tilespmem:s22+$0xFFFFFFA0]  }
0x242: {  	v37 =	vld [tilespmem:s13+$0xFFFFFFB0]  }
0x243: {  	v38 =	vld [tilespmem:s22+$0xFFFFFFB0]  }
0x244: {  	v39 =	vld [tilespmem:s13+$0xFFFFFFC0]  }
0x245: {  	v40 =	vld [tilespmem:s22+$0xFFFFFFC0]  }
0x246: {  	v41 =	vld [tilespmem:s13+$0xFFFFFFD0]  }
0x247: {  	v42 =	vld [tilespmem:s22+$0xFFFFFFD0]  }
0x248: {  	v43 =	vld [tilespmem:s13+$0xFFFFFFE0]  }
0x249: {  	v59 =	vld [tilespmem:s22+$0xFFFFFFE0]  }
0x24a: {  	v60 =	vld [tilespmem:s13+$0xFFFFFFF0]  }
0x24b: {  	v61 =	vld [tilespmem:s22+$0xFFFFFFF0]  }
0x24c: {  	v62 =	vld [tilespmem:s13+$0x0]  }
0x24d: {  	v63 =	vld [tilespmem:s22+$0x0]  }
0x24e: {  	v56 =	vld [tilespmem:s13+$0x10]  }
0x24f: {  	v57 =	vld [tilespmem:s22+$0x10];
	v0 =	vmul.f32 v1, v0  }
0x250: {  	v58 =	vld [tilespmem:s13+$0x20];
	v1 =	vmul.f32 v3, v2;
	v2 =	vmul.f32 v5, v4  }
0x251: {  	v52 =	vld [tilespmem:s22+$0x20];
	v4 =	vmul.f32 v7, v6;
	v5 =	vmul.f32 v9, v8  }
0x252: {  	v3 =	vld [tilespmem:s13+$0x30];
	v7 =	vmul.f32 v11, v10;
	v8 =	vmul.f32 v13, v12  }
0x253: {  	v6 =	vld [tilespmem:s22+$0x30];
	v10 =	vmul.f32 v15, v14;
	v12 =	vmul.f32 v38, v37  }
0x254: {  	v9 =	vld [tilespmem:s13+$0x40];
	v14 =	vmul.f32 v42, v41;
	v17 =	vmul.f32 v18, v17  }
0x255: {  	v11 =	vld [tilespmem:s22+$0x40];
	v18 =	vmul.f32 v24, v23;
	v0 =	vadd.f32 v1, v0;
	v1 =	vadd.f32 v4, v2  }
0x256: {  	v13 =	vld [tilespmem:s22+$0x50];
	v2 =	vadd.f32 v7, v5;
	v4 =	vmul.f32 v32, v31;
	v8 =	vadd.f32 v10, v8  }
0x257: {  	v15 =	vld [tilespmem:s13+$0x60];
	v5 =	vmul.f32 v34, v33;
	v10 =	vmul.f32 v36, v35  }
0x258: {  	v7 =	vld [tilespmem:s13+$0x50];
	v0 =	vadd.f32 v1, v0;
	v1 =	vmul.f32 v40, v39;
	v2 =	vadd.f32 v8, v2  }
0x259: {  	v8 =	vmul.f32 v59, v43;
	v59 =	vmul.f32 v61, v60;
	v60 =	vld [tilespmem:s22+$0x60];
	v4 =	vadd.f32 v5, v4  }
0x25a: {  	v5 =	vadd.f32 v12, v10;
	v10 =	vld [tilespmem:s13+$0x70];
	v12 =	vmul.f32 v20, v19;
	v61 =	vmul.f32 v63, v62  }
0x25b: {  	s25 =	simm.s32 $0x4700;
	v19 =	vld [tilespmem:s13+$0xFFFFFF00];
	v62 =	vmul.f32 v57, v56;
	v1 =	vadd.f32 v14, v1;
	v8 =	vadd.f32 v59, v8  }
0x25c: {  	v3 =	vmul.f32 v6, v3;
	v6 =	vld [tilespmem:s25+$0xA0];
	v0 =	vadd.f32 v2, v0;
	v2 =	vmul.f32 v22, v21  }
0x25d: {  	v20 =	vmul.f32 v26, v25;
	v14 =	vld [tilespmem:s22+$0x70];
	v4 =	vadd.f32 v5, v4;
	v5 =	vadd.f32 v8, v1  }
0x25e: {  	s28 =	simm.s32 $0x10700;
	v22 =	vadd.f32 v62, v61;
	v7 =	vmul.f32 v13, v7;
	v1 =	vld [tilespmem:s25+$0x80];
	v21 =	vadd.f32 v2, v12  }
0x25f: {  	v8 =	vmul.f32 v28, v27;
	v12 =	vmul.f32 v30, v29;
	v2 =	vld [tilespmem:s28+$0x80];
	(xrf2) =	vadd.scan.msk.f32 $0xffff, v0;
	v63 =	vadd.f32 v5, v4  }
0x260: {  	s29 =	simm.s32 $0x1;
	v0 =	vadd.f32 v20, v18;
	v18 =	vmul.f32 v52, v58;
	v13 =	vmul.f32 v60, v15;
	v4 =	vld [tilespmem:s25+$0x90]  }
0x261: {  	s26 =	simm.s32 $0x3;
	v15 =	vmov s29;
	v16 =	vmul.f32 v16, v19;
	v5 =	vld [tilespmem:s28+$0x90];
	v20 =	vadd.f32 v12, v8;
	(xrf2) =	vadd.scan.msk.f32 $0xffff, v63  }
0x262: {  	v12 =	vmul.f32 v11, v9;
	v3 =	vadd.f32 v3, v18;
	v11 =	vmov s26;
	v8 =	vld [tilespmem:s28+$0xA0]  }
0x263: {  	v9 =	vld [tilespmem:s25+$0xB0];
	v15 =	vadd.s32 $0x80, v15;
	v11 =	vadd.s32 $0x80, v11;
	v16 =	vadd.f32 v17, v16  }
0x264: {  	v14 =	vmul.f32 v14, v10;
	v10 =	vld [tilespmem:s28+$0xB0];
	v15 =	vand.u32 $0xFFFFFFFD, v15;
	v18 =	vbroadcast v11, $0x0  }
0x265: {  	v11 =	vld [tilespmem:s25+$0xC0];
	v19 =	vbroadcast v15, $0x0;
	v0 =	vadd.f32 v20, v0;
	v15 =	vadd.f32 v21, v16  }
0x266: {  	v7 =	vadd.f32 v7, v12;
	v12 =	vld [tilespmem:s28+$0xC0];
	v14 =	vadd.f32 v14, v13  }
0x267: {  	v13 =	vld [tilespmem:s25+$0xD0];
	v0 =	vadd.f32 v0, v15  }
0x268: {  	v3 =	vadd.f32 v3, v22;
	v16 =	vld [tilespmem:s28+$0xE0];
	v7 =	vadd.f32 v14, v7  }
0x269: {  	s31 =	simm.s32 $0x0;
	s4 =	simm.s32 $0x2;
	v14 =	vld [tilespmem:s28+$0xD0];
	v17, _, _ =	vpop (xrf2);
	(xrf2) =	vadd.scan.msk.f32 $0xffff, v0  }
0x26a: {  	v15 =	vld [tilespmem:s25+$0xE0];
	v20 =	vadd.f32 v7, v3;
	v3 =	vmov s31;
	v7 =	vmov s4  }
0x26b: {  	v0 =	vadd.s32 $0x80, v3;
	v3 =	vadd.s32 $0x80, v7;
	[tilespmem:v18+s5+$0x0] =	vst.idx.msk vm0, v17;
	v17 =	vld [tilespmem:s25+$0xF0];
	v18, _, _ =	vpop (xrf2)  }
0x26c: {  	s0 =	simm.s32 $0x8;
	s30 =	simm.s32 $0x4;
	v7 =	vand.u32 $0xFFFFFFFC, v0;
	v3 =	vand.u32 $0xFFFFFFFE, v3;
	(xrf2) =	vadd.scan.msk.f32 $0xffff, v20;
	[tilespmem:v19+s5+$0x0] =	vst.idx.msk vm0, v18;
	v18 =	vld [tilespmem:s28+$0xF0]  }
.LBB2_6:
0x26d: {  	p0 =	slt.u32 s0, $0x3C;
	v0 =	vld [tilespmem:s28+$0xFFFFFF00];
	v7 =	vbroadcast v7, $0x0;
	v19 =	vbroadcast v3, $0x0  }
0x26e: {  	v1 =	vmul.f32 v2, v1;
	v2 =	vmul.f32 v5, v4;
	v3 =	vld [tilespmem:s25+$0xFFFFFF10]  }
0x26f: {  	v5 =	vmul.f32 v8, v6;
	v6 =	vmul.f32 v10, v9;
	v4 =	vld [tilespmem:s28+$0xFFFFFF10]  }
0x270: {  	v9 =	vmul.f32 v12, v11;
	v20 =	vmul.f32 v14, v13;
	v8 =	vld [tilespmem:s25+$0xFFFFFF20]  }
0x271: {  	v12 =	vmul.f32 v16, v15;
	v11 =	vld [tilespmem:s28+$0xFFFFFF20];
	v13 =	vmul.f32 v18, v17  }
0x272: {  	v1 =	vadd.f32 v2, v1;
	v2 =	vadd.f32 v6, v5;
	v14 =	vld [tilespmem:s25+$0xFFFFFF30]  }
0x273: {  	v6 =	vadd.f32 v20, v9;
	v5 =	vld [tilespmem:s28+$0xFFFFFF30];
	v12 =	vadd.f32 v13, v12;
	v10, _, _ =	vpop (xrf2)  }
0x274: {  	v3 =	vmul.f32 v4, v3;
	v4 =	vld [tilespmem:s25+$0xFFFFFF40];
	[tilespmem:v7+s5+$0x0] =	vst.idx.msk vm0, v10  }
0x275: {  	v1 =	vadd.f32 v2, v1;
	v7 =	vld [tilespmem:s28+$0xFFFFFF40];
	v2 =	vadd.f32 v12, v6  }
0x276: {  	v6 =	vmul.f32 v11, v8;
	v8 =	vld [tilespmem:s25+$0xFFFFFF50];
	v9, _, _ =	vpop (xrf2)  }
0x277: {  	v10 =	vld [tilespmem:s28+$0xFFFFFF50];
	v1 =	vadd.f32 v2, v1;
	[tilespmem:v19+s5+$0x0] =	vst.idx.msk vm0, v9  }
0x278: {  	v2 =	vmul.f32 v5, v14;
	v5 =	vld [tilespmem:s25+$0xFFFFFF60]  }
0x279: {  	v9 =	vld [tilespmem:s28+$0xFFFFFF60];
	(xrf2) =	vadd.scan.msk.f32 $0xffff, v1  }
0x27a: {  	v1 =	vmul.f32 v7, v4;
	v4 =	vld [tilespmem:s25+$0xFFFFFF70];
	v7 =	vadd.f32 v2, v6  }
0x27b: {  	s4 =	sadd.s32 $0x3, s30;
	v2 =	vld [tilespmem:s28+$0xFFFFFF70]  }
0x27c: {  	v6 =	vmul.f32 v10, v8;
	v8 =	vld [tilespmem:s25+$0xFFFFFF80];
	v10 =	vmov s4  }
0x27d: {  	v11 =	vld [tilespmem:s28+$0xFFFFFF80];
	v10 =	vadd.s32 $0x80, v10  }
0x27e: {  	v5 =	vmul.f32 v9, v5;
	v1 =	vadd.f32 v6, v1;
	v6 =	vld [tilespmem:s25+$0xFFFFFF90];
	v9 =	vbroadcast v10, $0x0  }
0x27f: {  	v10 =	vld [tilespmem:s28+$0xFFFFFF90]  }
0x280: {  	v2 =	vmul.f32 v2, v4;
	v4 =	vld [tilespmem:s25+$0xFFFFFFA0]  }
0x281: {  	v12 =	vld [tilespmem:s28+$0xFFFFFFA0]  }
0x282: {  	v2 =	vadd.f32 v2, v5;
	v5 =	vmul.f32 v11, v8;
	v8 =	vld [tilespmem:s25+$0xFFFFFFB0]  }
0x283: {  	v11 =	vld [tilespmem:s28+$0xFFFFFFB0];
	v13, _, _ =	vpop (xrf2)  }
0x284: {  	v14 =	vadd.f32 v2, v1;
	v1 =	vmul.f32 v10, v6;
	v2 =	vld [tilespmem:s25+$0xFFFFFFC0];
	[tilespmem:v9+s5+$0x0] =	vst.idx.msk vm0, v13  }
0x285: {  	v6 =	vld [tilespmem:s28+$0xFFFFFFC0]  }
0x286: {  	v4 =	vmul.f32 v12, v4;
	v9 =	vld [tilespmem:s25+$0xFFFFFFD0];
	v1 =	vadd.f32 v1, v5  }
0x287: {  	v5 =	vld [tilespmem:s28+$0xFFFFFFD0]  }
0x288: {  	v8 =	vmul.f32 v11, v8;
	v10 =	vld [tilespmem:s25+$0xFFFFFFE0]  }
0x289: {  	v11 =	vld [tilespmem:s28+$0xFFFFFFE0]  }
0x28a: {  	v2 =	vmul.f32 v6, v2;
	v6 =	vld [tilespmem:s25+$0xFFFFFFF0];
	v4 =	vadd.f32 v8, v4  }
0x28b: {  	v8 =	vld [tilespmem:s28+$0xFFFFFFF0]  }
0x28c: {  	v5 =	vmul.f32 v5, v9;
	v1 =	vadd.f32 v4, v1;
	v4 =	vld [tilespmem:s25+$0x0]  }
0x28d: {  	v9 =	vld [tilespmem:s28+$0x0]  }
0x28e: {  	v10 =	vmul.f32 v11, v10;
	v2 =	vadd.f32 v5, v2;
	v5 =	vld [tilespmem:s25+$0x10]  }
0x28f: {  	v11 =	vld [tilespmem:s28+$0x10]  }
0x290: {  	v6 =	vmul.f32 v8, v6;
	v8 =	vld [tilespmem:s25+$0x20]  }
0x291: {  	v12 =	vld [tilespmem:s28+$0x20]  }
0x292: {  	v6 =	vadd.f32 v6, v10;
	v4 =	vmul.f32 v9, v4;
	v9 =	vld [tilespmem:s25+$0x30]  }
0x293: {  	v10 =	vld [tilespmem:s28+$0x30]  }
0x294: {  	v2 =	vadd.f32 v6, v2;
	v5 =	vmul.f32 v11, v5;
	v6 =	vld [tilespmem:s25+$0x40]  }
0x295: {  	v11 =	vld [tilespmem:s28+$0x40]  }
0x296: {  	v1 =	vadd.f32 v2, v1;
	v2 =	vmul.f32 v12, v8;
	v8 =	vld [tilespmem:s25+$0x50];
	v4 =	vadd.f32 v5, v4  }
0x297: {  	v5 =	vld [tilespmem:s28+$0x50]  }
0x298: {  	v9 =	vmul.f32 v10, v9;
	v10 =	vld [tilespmem:s25+$0x60];
	(xrf2) =	vadd.scan.msk.f32 $0xffff, v1  }
0x299: {  	s4 =	sadd.s32 $0x1, s30;
	v12 =	vld [tilespmem:s28+$0x60]  }
0x29a: {  	v1 =	vmov s4;
	v6 =	vmul.f32 v11, v6;
	v11 =	vld [tilespmem:s25+$0x70];
	v2 =	vadd.f32 v9, v2  }
0x29b: {  	v1 =	vadd.s32 $0x80, v1;
	v9 =	vld [tilespmem:s28+$0x70]  }
0x29c: {  	v15 =	vand.u32 $0xFFFFFFFD, v1;
	v13 =	vld [tilespmem:s25+$0xFFFFFF00];
	v5 =	vmul.f32 v5, v8;
	v16 =	vadd.f32 v2, v4;
	s25 =	sadd.s32 $0x200, s25  }
0x29d: {  	v15 =	vbroadcast v15, $0x0;
	s28 =	sadd.s32 $0x200, s28;
	v1 =	vld [tilespmem:s25+$0x80]  }
0x29e: {  	v2 =	vld [tilespmem:s28+$0x80];
	v10 =	vmul.f32 v12, v10;
	v12 =	vadd.f32 v5, v6  }
0x29f: {  	v4 =	vld [tilespmem:s25+$0x90]  }
0x2a0: {  	v5 =	vld [tilespmem:s28+$0x90];
	v9 =	vmul.f32 v9, v11  }
0x2a1: {  	v6 =	vld [tilespmem:s25+$0xA0];
	v0 =	vmul.f32 v0, v13  }
0x2a2: {  	v8 =	vld [tilespmem:s28+$0xA0];
	v11 =	vadd.f32 v9, v10;
	v10, _, _ =	vpop (xrf2)  }
0x2a3: {  	v9 =	vld [tilespmem:s25+$0xB0];
	v0 =	vadd.f32 v3, v0;
	[tilespmem:v15+s5+$0x0] =	vst.idx.msk vm0, v10  }
0x2a4: {  	v10 =	vld [tilespmem:s28+$0xB0];
	v3 =	vadd.f32 v11, v12  }
0x2a5: {  	v11 =	vld [tilespmem:s25+$0xC0];
	v0 =	vadd.f32 v7, v0  }
0x2a6: {  	v12 =	vld [tilespmem:s28+$0xC0];
	v19 =	vadd.f32 v3, v16  }
0x2a7: {  	v13 =	vld [tilespmem:s25+$0xD0];
	v0 =	vadd.f32 v14, v0  }
.Ltmp2:
0x2a8: {  	v14 =	vld [tilespmem:s28+$0xD0];
	(pc) =	sbr.rel @p0 .LBB2_6-.Ltmp2, $4  }
0x2a9: {  	s4 =	sadd.s32 $0x2, s30;
	v15 =	vld [tilespmem:s25+$0xE0];
	(xrf2) =	vadd.scan.msk.f32 $0xffff, v0  }
0x2aa: {  	v3 =	vmov s4;
	v0 =	vmov s30;
	s30 =	smov.u32 s0;
	v16 =	vld [tilespmem:s28+$0xE0]  }
0x2ab: {  	v3 =	vadd.s32 $0x80, v3;
	v0 =	vadd.s32 $0x80, v0;
	v17 =	vld [tilespmem:s25+$0xF0]  }
0x2ac: {  	v3 =	vand.u32 $0xFFFFFFFE, v3;
	s0 =	sadd.s32 $0x4, s0;
	v7 =	vand.u32 $0xFFFFFFFC, v0;
	v18 =	vld [tilespmem:s28+$0xF0];
	(xrf2) =	vadd.scan.msk.f32 $0xffff, v19  }
0x2ad: {  	v0 =	vld [tilespmem:s28+$0xFFFFFF00]  }
0x2ae: {  	v19 =	vld [tilespmem:s25+$0xFFFFFF10]  }
0x2af: {  	v20 =	vld [tilespmem:s28+$0xFFFFFF10]  }
0x2b0: {  	v21 =	vld [tilespmem:s25+$0xFFFFFF20]  }
0x2b1: {  	v22 =	vld [tilespmem:s28+$0xFFFFFF20]  }
0x2b2: {  	v23 =	vld [tilespmem:s25+$0xFFFFFF30]  }
0x2b3: {  	v24 =	vld [tilespmem:s28+$0xFFFFFF30]  }
0x2b4: {  	v25 =	vld [tilespmem:s25+$0xFFFFFF40]  }
0x2b5: {  	v26 =	vld [tilespmem:s28+$0xFFFFFF40]  }
0x2b6: {  	v27 =	vld [tilespmem:s25+$0xFFFFFF50]  }
0x2b7: {  	v28 =	vld [tilespmem:s28+$0xFFFFFF50]  }
0x2b8: {  	v29 =	vld [tilespmem:s25+$0xFFFFFF60]  }
0x2b9: {  	v30 =	vld [tilespmem:s28+$0xFFFFFF60]  }
0x2ba: {  	v31 =	vld [tilespmem:s25+$0xFFFFFF70]  }
0x2bb: {  	v32 =	vld [tilespmem:s28+$0xFFFFFF70]  }
0x2bc: {  	v33 =	vld [tilespmem:s25+$0xFFFFFF80]  }
0x2bd: {  	v34 =	vld [tilespmem:s28+$0xFFFFFF80]  }
0x2be: {  	v35 =	vld [tilespmem:s25+$0xFFFFFF90]  }
0x2bf: {  	v36 =	vld [tilespmem:s28+$0xFFFFFF90]  }
0x2c0: {  	v37 =	vld [tilespmem:s25+$0xFFFFFFA0]  }
0x2c1: {  	v38 =	vld [tilespmem:s28+$0xFFFFFFA0]  }
0x2c2: {  	v39 =	vld [tilespmem:s25+$0xFFFFFFB0]  }
0x2c3: {  	v40 =	vld [tilespmem:s28+$0xFFFFFFB0]  }
0x2c4: {  	v41 =	vld [tilespmem:s25+$0xFFFFFFC0]  }
0x2c5: {  	v42 =	vld [tilespmem:s28+$0xFFFFFFC0]  }
0x2c6: {  	v43 =	vld [tilespmem:s25+$0xFFFFFFD0]  }
0x2c7: {  	v44 =	vld [tilespmem:s28+$0xFFFFFFD0]  }
0x2c8: {  	v45 =	vld [tilespmem:s25+$0xFFFFFFE0]  }
0x2c9: {  	v46 =	vld [tilespmem:s28+$0xFFFFFFE0]  }
0x2ca: {  	v47 =	vld [tilespmem:s25+$0xFFFFFFF0]  }
0x2cb: {  	v48 =	vld [tilespmem:s28+$0xFFFFFFF0]  }
0x2cc: {  	v49 =	vld [tilespmem:s25+$0x0]  }
0x2cd: {  	v50 =	vld [tilespmem:s28+$0x0]  }
0x2ce: {  	v51 =	vld [tilespmem:s25+$0x10];
	v1 =	vmul.f32 v2, v1;
	v2 =	vmul.f32 v5, v4  }
0x2cf: {  	v4 =	vld [tilespmem:s28+$0x10];
	v5 =	vmul.f32 v8, v6;
	v6 =	vmul.f32 v10, v9  }
0x2d0: {  	v8 =	vld [tilespmem:s25+$0x20]  }
0x2d1: {  	v9 =	vmul.f32 v12, v11;
	v11 =	vld [tilespmem:s28+$0x20];
	v1 =	vadd.f32 v2, v1;
	v2 =	vadd.f32 v6, v5  }
0x2d2: {  	v10 =	vmul.f32 v14, v13;
	v14 =	vld [tilespmem:s25+$0x30];
	v12 =	vmul.f32 v16, v15  }
0x2d3: {  	v55 =	vld [tilespmem:s25+$0xFFFFFF00];
	v13 =	vmul.f32 v18, v17;
	v1 =	vadd.f32 v2, v1;
	v2 =	vmul.f32 v22, v21  }
0x2d4: {  	v53 =	vld [tilespmem:s25+$0x70];
	v15 =	vmul.f32 v28, v27;
	v17 =	vmul.f32 v30, v29  }
0x2d5: {  	v57 =	vld [tilespmem:s28+$0x70];
	v18 =	vmul.f32 v32, v31;
	v52 =	vmul.f32 v40, v39  }
0x2d6: {  	v5 =	vld [tilespmem:s28+$0x30];
	v54 =	vmul.f32 v44, v43;
	v56 =	vmul.f32 v48, v47  }
0x2d7: {  	v6 =	vadd.f32 v10, v9;
	v10 =	vld [tilespmem:s25+$0x40];
	v58 =	vmul.f32 v50, v49;
	v4 =	vmul.f32 v4, v51  }
0x2d8: {  	v16 =	vld [tilespmem:s25+$0x50];
	v8 =	vmul.f32 v11, v8;
	v0 =	vmul.f32 v0, v55;
	v9 =	vadd.f32 v13, v12  }
0x2d9: {  	v12 =	vmul.f32 v20, v19;
	v13 =	vld [tilespmem:s28+$0x40];
	v20 =	vmul.f32 v36, v35  }
0x2da: {  	v19 =	vld [tilespmem:s28+$0x50];
	v17 =	vadd.f32 v18, v17;
	v6 =	vadd.f32 v9, v6;
	v9 =	vmul.f32 v26, v25  }
0x2db: {  	v36 =	vld [tilespmem:s28+$0x60];
	v18 =	vmul.f32 v34, v33;
	v5 =	vmul.f32 v5, v14;
	v4 =	vadd.f32 v4, v58  }
0x2dc: {  	v1 =	vadd.f32 v6, v1;
	v6 =	vmul.f32 v24, v23;
	v9 =	vadd.f32 v15, v9;
	v15 =	vld [tilespmem:s25+$0x60]  }
0x2dd: {  	v0 =	vadd.f32 v12, v0;
	v18 =	vadd.f32 v20, v18;
	v20 =	vmul.f32 v46, v45  }
0x2de: {  	v5 =	vadd.f32 v5, v8;
	v2 =	vadd.f32 v6, v2;
	v6 =	vmul.f32 v38, v37  }
0x2df: {  	v20 =	vadd.f32 v56, v20;
	v9 =	vadd.f32 v17, v9;
	v17 =	vmul.f32 v42, v41  }
0x2e0: {  	v10 =	vmul.f32 v13, v10;
	v13 =	vmul.f32 v19, v16;
	v6 =	vadd.f32 v52, v6  }
0x2e1: {  	v17 =	vadd.f32 v54, v17;
	v14 =	vmul.f32 v36, v15;
	v15 =	vmul.f32 v57, v53  }
0x2e2: {  	v8 =	vadd.f32 v13, v10;
	v6 =	vadd.f32 v6, v18  }
0x2e3: {  	v11 =	vadd.f32 v20, v17;
	v10 =	vadd.f32 v15, v14  }
0x2e4: {  	v0 =	vadd.f32 v2, v0;
	v2 =	vadd.f32 v5, v4  }
0x2e5: {  	v6 =	vadd.f32 v11, v6;
	v4 =	vadd.f32 v10, v8  }
0x2e6: {  	(xrf2) =	vadd.scan.msk.f32 $0xffff, v1;
	v0 =	vadd.f32 v9, v0  }
0x2e7: {  	s0 =	sadd.s32 $0x3, s30;
	(xrf2) =	vadd.scan.msk.f32 $0xffff, v6;
	v1 =	vadd.f32 v4, v2  }
0x2e8: {  	s31 =	sadd.s32 $0x1, s30;
	v2 =	vbroadcast v7, $0x0;
	v4 =	vmov s0;
	(xrf2) =	vadd.scan.msk.f32 $0xffff, v0  }
0x2e9: {  	v0 =	vbroadcast v3, $0x0;
	v3 =	vadd.s32 $0x80, v4;
	v4 =	vmov s31;
	(xrf2) =	vadd.scan.msk.f32 $0xffff, v1  }
0x2ea: {  	s4 =	sadd.s32 $0x2, s30;
	v1 =	vbroadcast v3, $0x0;
	v3 =	vadd.s32 $0x80, v4;
	v4 =	vmov s30  }
0x2eb: {  	v5 =	vmov s4;
	v3 =	vand.u32 $0xFFFFFFFD, v3;
	v4 =	vadd.s32 $0x80, v4  }
0x2ec: {  	v5 =	vadd.s32 $0x80, v5;
	v3 =	vbroadcast v3, $0x0;
	v4 =	vand.u32 $0xFFFFFFFC, v4  }
0x2ed: {  	v5 =	vand.u32 $0xFFFFFFFE, v5;
	v4 =	vbroadcast v4, $0x0  }
0x2ee: {  	v5 =	vbroadcast v5, $0x0;
	v6, _, _ =	vpop (xrf2)  }
0x2ef: {  	v7, _, _ =	vpop (xrf2);
	[tilespmem:v2+s5+$0x0] =	vst.idx.msk vm0, v6  }
0x2f0: {  	v2, _, _ =	vpop (xrf2);
	[tilespmem:v0+s5+$0x0] =	vst.idx.msk vm0, v7  }
0x2f1: {  	[tilespmem:v1+s5+$0x0] =	vst.idx.msk vm0, v2;
	v0, _, _ =	vpop (xrf2)  }
0x2f2: {  	[tilespmem:v3+s5+$0x0] =	vst.idx.msk vm0, v0;
	v0, _, _ =	vpop (xrf2)  }
0x2f3: {  	[tilespmem:v4+s5+$0x0] =	vst.idx.msk vm0, v0;
	v0, _, _ =	vpop (xrf2)  }
0x2f4: {  	[tilespmem:v5+s5+$0x0] =	vst.idx.msk vm0, v0  }
0x2f5: {  	_ =	swait.ge [sflag:s18], $0x2000  }
0x2f6: {  	[sflag:s18] =	ssyncset.done $0x0  }
0x2f7: {  	[sflag:s18] =	ssyncadd.s32 $0xFFFFE000  }
0x2f8: {  	_ =	swait.ge [sflag:s18], $0x2000  }
0x2f9: {  	[sflag:s18] =	ssyncset.done $0x0  }
0x2fa: {  	s13 =	simm.s32 $0x6500;
	[sflag:s18] =	ssyncadd.s32 $0xFFFFE000  }
0x2fb: {  	s22 =	simm.s32 $0x12500;
	v0 =	vld [tilespmem:s13+$0x80]  }
0x2fc: {  	v1 =	vld [tilespmem:s22+$0x80]  }
0x2fd: {  	v2 =	vld [tilespmem:s13+$0x90]  }
0x2fe: {  	v3 =	vld [tilespmem:s22+$0x90]  }
0x2ff: {  	v4 =	vld [tilespmem:s13+$0xA0]  }
0x300: {  	v5 =	vld [tilespmem:s22+$0xA0]  }
0x301: {  	v6 =	vld [tilespmem:s13+$0xB0]  }
0x302: {  	v7 =	vld [tilespmem:s22+$0xB0]  }
0x303: {  	v8 =	vld [tilespmem:s13+$0xC0]  }
0x304: {  	v9 =	vld [tilespmem:s22+$0xC0]  }
0x305: {  	v10 =	vld [tilespmem:s13+$0xD0]  }
0x306: {  	v11 =	vld [tilespmem:s22+$0xD0]  }
0x307: {  	v12 =	vld [tilespmem:s13+$0xE0]  }
0x308: {  	v13 =	vld [tilespmem:s22+$0xE0]  }
0x309: {  	v14 =	vld [tilespmem:s13+$0xF0]  }
0x30a: {  	v15 =	vld [tilespmem:s22+$0xF0]  }
0x30b: {  	v16 =	vld [tilespmem:s22+$0xFFFFFF00]  }
0x30c: {  	v17 =	vld [tilespmem:s13+$0xFFFFFF10]  }
0x30d: {  	v18 =	vld [tilespmem:s22+$0xFFFFFF10]  }
0x30e: {  	v19 =	vld [tilespmem:s13+$0xFFFFFF20]  }
0x30f: {  	v20 =	vld [tilespmem:s22+$0xFFFFFF20]  }
0x310: {  	v21 =	vld [tilespmem:s13+$0xFFFFFF30]  }
0x311: {  	v22 =	vld [tilespmem:s22+$0xFFFFFF30]  }
0x312: {  	v23 =	vld [tilespmem:s13+$0xFFFFFF40]  }
0x313: {  	v24 =	vld [tilespmem:s22+$0xFFFFFF40]  }
0x314: {  	v25 =	vld [tilespmem:s13+$0xFFFFFF50]  }
0x315: {  	v26 =	vld [tilespmem:s22+$0xFFFFFF50]  }
0x316: {  	v27 =	vld [tilespmem:s13+$0xFFFFFF60]  }
0x317: {  	v28 =	vld [tilespmem:s22+$0xFFFFFF60]  }
0x318: {  	v29 =	vld [tilespmem:s13+$0xFFFFFF70]  }
0x319: {  	v30 =	vld [tilespmem:s22+$0xFFFFFF70]  }
0x31a: {  	v31 =	vld [tilespmem:s13+$0xFFFFFF80]  }
0x31b: {  	v32 =	vld [tilespmem:s22+$0xFFFFFF80]  }
0x31c: {  	v33 =	vld [tilespmem:s13+$0xFFFFFF90]  }
0x31d: {  	v34 =	vld [tilespmem:s22+$0xFFFFFF90]  }
0x31e: {  	v35 =	vld [tilespmem:s13+$0xFFFFFFA0]  }
0x31f: {  	v36 =	vld [tilespmem:s22+$0xFFFFFFA0]  }
0x320: {  	v37 =	vld [tilespmem:s13+$0xFFFFFFB0]  }
0x321: {  	v38 =	vld [tilespmem:s22+$0xFFFFFFB0]  }
0x322: {  	v39 =	vld [tilespmem:s13+$0xFFFFFFC0]  }
0x323: {  	v40 =	vld [tilespmem:s22+$0xFFFFFFC0]  }
0x324: {  	v41 =	vld [tilespmem:s13+$0xFFFFFFD0]  }
0x325: {  	v42 =	vld [tilespmem:s22+$0xFFFFFFD0]  }
0x326: {  	v43 =	vld [tilespmem:s13+$0xFFFFFFE0]  }
0x327: {  	v59 =	vld [tilespmem:s22+$0xFFFFFFE0]  }
0x328: {  	v60 =	vld [tilespmem:s13+$0xFFFFFFF0]  }
0x329: {  	v61 =	vld [tilespmem:s22+$0xFFFFFFF0]  }
0x32a: {  	v62 =	vld [tilespmem:s13+$0x0]  }
0x32b: {  	v63 =	vld [tilespmem:s22+$0x0]  }
0x32c: {  	v56 =	vld [tilespmem:s13+$0x10]  }
0x32d: {  	v57 =	vld [tilespmem:s22+$0x10];
	v0 =	vmul.f32 v1, v0  }
0x32e: {  	v58 =	vld [tilespmem:s13+$0x20];
	v1 =	vmul.f32 v3, v2;
	v2 =	vmul.f32 v5, v4  }
0x32f: {  	v52 =	vld [tilespmem:s22+$0x20];
	v4 =	vmul.f32 v7, v6;
	v5 =	vmul.f32 v9, v8  }
0x330: {  	v3 =	vld [tilespmem:s13+$0x30];
	v7 =	vmul.f32 v11, v10;
	v8 =	vmul.f32 v13, v12  }
0x331: {  	v6 =	vld [tilespmem:s22+$0x30];
	v10 =	vmul.f32 v15, v14;
	v12 =	vmul.f32 v38, v37  }
0x332: {  	v9 =	vld [tilespmem:s13+$0x40];
	v14 =	vmul.f32 v42, v41;
	v17 =	vmul.f32 v18, v17  }
0x333: {  	v11 =	vld [tilespmem:s22+$0x40];
	v18 =	vmul.f32 v24, v23;
	v0 =	vadd.f32 v1, v0;
	v1 =	vadd.f32 v4, v2  }
0x334: {  	v13 =	vld [tilespmem:s22+$0x50];
	v2 =	vadd.f32 v7, v5;
	v4 =	vmul.f32 v32, v31;
	v8 =	vadd.f32 v10, v8  }
0x335: {  	v15 =	vld [tilespmem:s13+$0x60];
	v5 =	vmul.f32 v34, v33;
	v10 =	vmul.f32 v36, v35  }
0x336: {  	v7 =	vld [tilespmem:s13+$0x50];
	v0 =	vadd.f32 v1, v0;
	v1 =	vmul.f32 v40, v39;
	v2 =	vadd.f32 v8, v2  }
0x337: {  	v8 =	vmul.f32 v59, v43;
	v59 =	vmul.f32 v61, v60;
	v60 =	vld [tilespmem:s22+$0x60];
	v4 =	vadd.f32 v5, v4  }
0x338: {  	v5 =	vadd.f32 v12, v10;
	v10 =	vld [tilespmem:s13+$0x70];
	v12 =	vmul.f32 v20, v19;
	v61 =	vmul.f32 v63, v62  }
0x339: {  	s25 =	simm.s32 $0x6700;
	v19 =	vld [tilespmem:s13+$0xFFFFFF00];
	v62 =	vmul.f32 v57, v56;
	v1 =	vadd.f32 v14, v1;
	v8 =	vadd.f32 v59, v8  }
0x33a: {  	v3 =	vmul.f32 v6, v3;
	v6 =	vld [tilespmem:s25+$0xA0];
	v0 =	vadd.f32 v2, v0;
	v2 =	vmul.f32 v22, v21  }
0x33b: {  	v20 =	vmul.f32 v26, v25;
	v14 =	vld [tilespmem:s22+$0x70];
	v4 =	vadd.f32 v5, v4;
	v5 =	vadd.f32 v8, v1  }
0x33c: {  	s28 =	simm.s32 $0x12700;
	v22 =	vadd.f32 v62, v61;
	v7 =	vmul.f32 v13, v7;
	v1 =	vld [tilespmem:s25+$0x80];
	v21 =	vadd.f32 v2, v12  }
0x33d: {  	v8 =	vmul.f32 v28, v27;
	v12 =	vmul.f32 v30, v29;
	v2 =	vld [tilespmem:s28+$0x80];
	(xrf2) =	vadd.scan.msk.f32 $0xffff, v0;
	v63 =	vadd.f32 v5, v4  }
0x33e: {  	s29 =	simm.s32 $0x1;
	v0 =	vadd.f32 v20, v18;
	v18 =	vmul.f32 v52, v58;
	v13 =	vmul.f32 v60, v15;
	v4 =	vld [tilespmem:s25+$0x90]  }
0x33f: {  	s26 =	simm.s32 $0x3;
	v15 =	vmov s29;
	v16 =	vmul.f32 v16, v19;
	v5 =	vld [tilespmem:s28+$0x90];
	v20 =	vadd.f32 v12, v8;
	(xrf2) =	vadd.scan.msk.f32 $0xffff, v63  }
0x340: {  	v12 =	vmul.f32 v11, v9;
	v3 =	vadd.f32 v3, v18;
	v11 =	vmov s26;
	v8 =	vld [tilespmem:s28+$0xA0]  }
0x341: {  	v9 =	vld [tilespmem:s25+$0xB0];
	v15 =	vadd.s32 $0xC0, v15;
	v11 =	vadd.s32 $0xC0, v11;
	v16 =	vadd.f32 v17, v16  }
0x342: {  	v14 =	vmul.f32 v14, v10;
	v10 =	vld [tilespmem:s28+$0xB0];
	v15 =	vand.u32 $0xFFFFFFFD, v15;
	v18 =	vbroadcast v11, $0x0  }
0x343: {  	v11 =	vld [tilespmem:s25+$0xC0];
	v19 =	vbroadcast v15, $0x0;
	v0 =	vadd.f32 v20, v0;
	v15 =	vadd.f32 v21, v16  }
0x344: {  	v7 =	vadd.f32 v7, v12;
	v12 =	vld [tilespmem:s28+$0xC0];
	v14 =	vadd.f32 v14, v13  }
0x345: {  	v13 =	vld [tilespmem:s25+$0xD0];
	v0 =	vadd.f32 v0, v15  }
0x346: {  	v3 =	vadd.f32 v3, v22;
	v16 =	vld [tilespmem:s28+$0xE0];
	v7 =	vadd.f32 v14, v7  }
0x347: {  	s4 =	simm.s32 $0x2;
	s31 =	simm.s32 $0x0;
	v14 =	vld [tilespmem:s28+$0xD0];
	v17, _, _ =	vpop (xrf2);
	(xrf2) =	vadd.scan.msk.f32 $0xffff, v0  }
0x348: {  	v15 =	vld [tilespmem:s25+$0xE0];
	v20 =	vadd.f32 v7, v3;
	v3 =	vmov s31;
	v7 =	vmov s4  }
0x349: {  	v0 =	vadd.s32 $0xC0, v3;
	v3 =	vadd.s32 $0xC0, v7;
	[tilespmem:v18+s5+$0x0] =	vst.idx.msk vm0, v17;
	v17 =	vld [tilespmem:s25+$0xF0];
	v18, _, _ =	vpop (xrf2)  }
0x34a: {  	s0 =	simm.s32 $0x8;
	s30 =	simm.s32 $0x4;
	v7 =	vand.u32 $0xFFFFFFFC, v0;
	v3 =	vand.u32 $0xFFFFFFFE, v3;
	(xrf2) =	vadd.scan.msk.f32 $0xffff, v20;
	[tilespmem:v19+s5+$0x0] =	vst.idx.msk vm0, v18;
	v18 =	vld [tilespmem:s28+$0xF0]  }
.LBB2_8:
0x34b: {  	p0 =	slt.u32 s0, $0x3C;
	v0 =	vld [tilespmem:s28+$0xFFFFFF00];
	v7 =	vbroadcast v7, $0x0;
	v19 =	vbroadcast v3, $0x0  }
0x34c: {  	v1 =	vmul.f32 v2, v1;
	v2 =	vmul.f32 v5, v4;
	v3 =	vld [tilespmem:s25+$0xFFFFFF10]  }
0x34d: {  	v5 =	vmul.f32 v8, v6;
	v6 =	vmul.f32 v10, v9;
	v4 =	vld [tilespmem:s28+$0xFFFFFF10]  }
0x34e: {  	v9 =	vmul.f32 v12, v11;
	v20 =	vmul.f32 v14, v13;
	v8 =	vld [tilespmem:s25+$0xFFFFFF20]  }
0x34f: {  	v12 =	vmul.f32 v16, v15;
	v11 =	vld [tilespmem:s28+$0xFFFFFF20];
	v13 =	vmul.f32 v18, v17  }
0x350: {  	v1 =	vadd.f32 v2, v1;
	v2 =	vadd.f32 v6, v5;
	v14 =	vld [tilespmem:s25+$0xFFFFFF30]  }
0x351: {  	v6 =	vadd.f32 v20, v9;
	v5 =	vld [tilespmem:s28+$0xFFFFFF30];
	v12 =	vadd.f32 v13, v12;
	v10, _, _ =	vpop (xrf2)  }
0x352: {  	v3 =	vmul.f32 v4, v3;
	v4 =	vld [tilespmem:s25+$0xFFFFFF40];
	[tilespmem:v7+s5+$0x0] =	vst.idx.msk vm0, v10  }
0x353: {  	v1 =	vadd.f32 v2, v1;
	v7 =	vld [tilespmem:s28+$0xFFFFFF40];
	v2 =	vadd.f32 v12, v6  }
0x354: {  	v6 =	vmul.f32 v11, v8;
	v8 =	vld [tilespmem:s25+$0xFFFFFF50];
	v9, _, _ =	vpop (xrf2)  }
0x355: {  	v10 =	vld [tilespmem:s28+$0xFFFFFF50];
	v1 =	vadd.f32 v2, v1;
	[tilespmem:v19+s5+$0x0] =	vst.idx.msk vm0, v9  }
0x356: {  	v2 =	vmul.f32 v5, v14;
	v5 =	vld [tilespmem:s25+$0xFFFFFF60]  }
0x357: {  	v9 =	vld [tilespmem:s28+$0xFFFFFF60];
	(xrf2) =	vadd.scan.msk.f32 $0xffff, v1  }
0x358: {  	v1 =	vmul.f32 v7, v4;
	v4 =	vld [tilespmem:s25+$0xFFFFFF70];
	v7 =	vadd.f32 v2, v6  }
0x359: {  	s4 =	sadd.s32 $0x3, s30;
	v2 =	vld [tilespmem:s28+$0xFFFFFF70]  }
0x35a: {  	v6 =	vmul.f32 v10, v8;
	v8 =	vld [tilespmem:s25+$0xFFFFFF80];
	v10 =	vmov s4  }
0x35b: {  	v11 =	vld [tilespmem:s28+$0xFFFFFF80];
	v10 =	vadd.s32 $0xC0, v10  }
0x35c: {  	v5 =	vmul.f32 v9, v5;
	v1 =	vadd.f32 v6, v1;
	v6 =	vld [tilespmem:s25+$0xFFFFFF90];
	v9 =	vbroadcast v10, $0x0  }
0x35d: {  	v10 =	vld [tilespmem:s28+$0xFFFFFF90]  }
0x35e: {  	v2 =	vmul.f32 v2, v4;
	v4 =	vld [tilespmem:s25+$0xFFFFFFA0]  }
0x35f: {  	v12 =	vld [tilespmem:s28+$0xFFFFFFA0]  }
0x360: {  	v2 =	vadd.f32 v2, v5;
	v5 =	vmul.f32 v11, v8;
	v8 =	vld [tilespmem:s25+$0xFFFFFFB0]  }
0x361: {  	v11 =	vld [tilespmem:s28+$0xFFFFFFB0];
	v13, _, _ =	vpop (xrf2)  }
0x362: {  	v14 =	vadd.f32 v2, v1;
	v1 =	vmul.f32 v10, v6;
	v2 =	vld [tilespmem:s25+$0xFFFFFFC0];
	[tilespmem:v9+s5+$0x0] =	vst.idx.msk vm0, v13  }
0x363: {  	v6 =	vld [tilespmem:s28+$0xFFFFFFC0]  }
0x364: {  	v4 =	vmul.f32 v12, v4;
	v9 =	vld [tilespmem:s25+$0xFFFFFFD0];
	v1 =	vadd.f32 v1, v5  }
0x365: {  	v5 =	vld [tilespmem:s28+$0xFFFFFFD0]  }
0x366: {  	v8 =	vmul.f32 v11, v8;
	v10 =	vld [tilespmem:s25+$0xFFFFFFE0]  }
0x367: {  	v11 =	vld [tilespmem:s28+$0xFFFFFFE0]  }
0x368: {  	v2 =	vmul.f32 v6, v2;
	v6 =	vld [tilespmem:s25+$0xFFFFFFF0];
	v4 =	vadd.f32 v8, v4  }
0x369: {  	v8 =	vld [tilespmem:s28+$0xFFFFFFF0]  }
0x36a: {  	v5 =	vmul.f32 v5, v9;
	v1 =	vadd.f32 v4, v1;
	v4 =	vld [tilespmem:s25+$0x0]  }
0x36b: {  	v9 =	vld [tilespmem:s28+$0x0]  }
0x36c: {  	v10 =	vmul.f32 v11, v10;
	v2 =	vadd.f32 v5, v2;
	v5 =	vld [tilespmem:s25+$0x10]  }
0x36d: {  	v11 =	vld [tilespmem:s28+$0x10]  }
0x36e: {  	v6 =	vmul.f32 v8, v6;
	v8 =	vld [tilespmem:s25+$0x20]  }
0x36f: {  	v12 =	vld [tilespmem:s28+$0x20]  }
0x370: {  	v6 =	vadd.f32 v6, v10;
	v4 =	vmul.f32 v9, v4;
	v9 =	vld [tilespmem:s25+$0x30]  }
0x371: {  	v10 =	vld [tilespmem:s28+$0x30]  }
0x372: {  	v2 =	vadd.f32 v6, v2;
	v5 =	vmul.f32 v11, v5;
	v6 =	vld [tilespmem:s25+$0x40]  }
0x373: {  	v11 =	vld [tilespmem:s28+$0x40]  }
0x374: {  	v1 =	vadd.f32 v2, v1;
	v2 =	vmul.f32 v12, v8;
	v8 =	vld [tilespmem:s25+$0x50];
	v4 =	vadd.f32 v5, v4  }
0x375: {  	v5 =	vld [tilespmem:s28+$0x50]  }
0x376: {  	v9 =	vmul.f32 v10, v9;
	v10 =	vld [tilespmem:s25+$0x60];
	(xrf2) =	vadd.scan.msk.f32 $0xffff, v1  }
0x377: {  	s4 =	sadd.s32 $0x1, s30;
	v12 =	vld [tilespmem:s28+$0x60]  }
0x378: {  	v1 =	vmov s4;
	v6 =	vmul.f32 v11, v6;
	v11 =	vld [tilespmem:s25+$0x70];
	v2 =	vadd.f32 v9, v2  }
0x379: {  	v1 =	vadd.s32 $0xC0, v1;
	v9 =	vld [tilespmem:s28+$0x70]  }
0x37a: {  	v15 =	vand.u32 $0xFFFFFFFD, v1;
	v13 =	vld [tilespmem:s25+$0xFFFFFF00];
	v5 =	vmul.f32 v5, v8;
	v16 =	vadd.f32 v2, v4;
	s25 =	sadd.s32 $0x200, s25  }
0x37b: {  	v15 =	vbroadcast v15, $0x0;
	s28 =	sadd.s32 $0x200, s28;
	v1 =	vld [tilespmem:s25+$0x80]  }
0x37c: {  	v2 =	vld [tilespmem:s28+$0x80];
	v10 =	vmul.f32 v12, v10;
	v12 =	vadd.f32 v5, v6  }
0x37d: {  	v4 =	vld [tilespmem:s25+$0x90]  }
0x37e: {  	v5 =	vld [tilespmem:s28+$0x90];
	v9 =	vmul.f32 v9, v11  }
0x37f: {  	v6 =	vld [tilespmem:s25+$0xA0];
	v0 =	vmul.f32 v0, v13  }
0x380: {  	v8 =	vld [tilespmem:s28+$0xA0];
	v11 =	vadd.f32 v9, v10;
	v10, _, _ =	vpop (xrf2)  }
0x381: {  	v9 =	vld [tilespmem:s25+$0xB0];
	v0 =	vadd.f32 v3, v0;
	[tilespmem:v15+s5+$0x0] =	vst.idx.msk vm0, v10  }
0x382: {  	v10 =	vld [tilespmem:s28+$0xB0];
	v3 =	vadd.f32 v11, v12  }
0x383: {  	v11 =	vld [tilespmem:s25+$0xC0];
	v0 =	vadd.f32 v7, v0  }
0x384: {  	v12 =	vld [tilespmem:s28+$0xC0];
	v19 =	vadd.f32 v3, v16  }
0x385: {  	v13 =	vld [tilespmem:s25+$0xD0];
	v0 =	vadd.f32 v14, v0  }
.Ltmp3:
0x386: {  	v14 =	vld [tilespmem:s28+$0xD0];
	(pc) =	sbr.rel @p0 .LBB2_8-.Ltmp3, $4  }
0x387: {  	s4 =	sadd.s32 $0x2, s30;
	v15 =	vld [tilespmem:s25+$0xE0];
	(xrf2) =	vadd.scan.msk.f32 $0xffff, v0  }
0x388: {  	v3 =	vmov s4;
	v0 =	vmov s30;
	s30 =	smov.u32 s0;
	v16 =	vld [tilespmem:s28+$0xE0]  }
0x389: {  	v3 =	vadd.s32 $0xC0, v3;
	v0 =	vadd.s32 $0xC0, v0;
	v17 =	vld [tilespmem:s25+$0xF0]  }
0x38a: {  	v3 =	vand.u32 $0xFFFFFFFE, v3;
	s0 =	sadd.s32 $0x4, s0;
	v7 =	vand.u32 $0xFFFFFFFC, v0;
	v18 =	vld [tilespmem:s28+$0xF0];
	(xrf2) =	vadd.scan.msk.f32 $0xffff, v19  }
0x38b: {  	v0 =	vld [tilespmem:s28+$0xFFFFFF00]  }
0x38c: {  	v19 =	vld [tilespmem:s25+$0xFFFFFF10]  }
0x38d: {  	v20 =	vld [tilespmem:s28+$0xFFFFFF10]  }
0x38e: {  	v21 =	vld [tilespmem:s25+$0xFFFFFF20]  }
0x38f: {  	v22 =	vld [tilespmem:s28+$0xFFFFFF20]  }
0x390: {  	v23 =	vld [tilespmem:s25+$0xFFFFFF30]  }
0x391: {  	v24 =	vld [tilespmem:s28+$0xFFFFFF30]  }
0x392: {  	v25 =	vld [tilespmem:s25+$0xFFFFFF40]  }
0x393: {  	v26 =	vld [tilespmem:s28+$0xFFFFFF40]  }
0x394: {  	v27 =	vld [tilespmem:s25+$0xFFFFFF50]  }
0x395: {  	v28 =	vld [tilespmem:s28+$0xFFFFFF50]  }
0x396: {  	v29 =	vld [tilespmem:s25+$0xFFFFFF60]  }
0x397: {  	v30 =	vld [tilespmem:s28+$0xFFFFFF60]  }
0x398: {  	v31 =	vld [tilespmem:s25+$0xFFFFFF70]  }
0x399: {  	v32 =	vld [tilespmem:s28+$0xFFFFFF70]  }
0x39a: {  	v33 =	vld [tilespmem:s25+$0xFFFFFF80]  }
0x39b: {  	v34 =	vld [tilespmem:s28+$0xFFFFFF80]  }
0x39c: {  	v35 =	vld [tilespmem:s25+$0xFFFFFF90]  }
0x39d: {  	v36 =	vld [tilespmem:s28+$0xFFFFFF90]  }
0x39e: {  	v37 =	vld [tilespmem:s25+$0xFFFFFFA0]  }
0x39f: {  	v38 =	vld [tilespmem:s28+$0xFFFFFFA0]  }
0x3a0: {  	v39 =	vld [tilespmem:s25+$0xFFFFFFB0]  }
0x3a1: {  	v40 =	vld [tilespmem:s28+$0xFFFFFFB0]  }
0x3a2: {  	v41 =	vld [tilespmem:s25+$0xFFFFFFC0]  }
0x3a3: {  	v42 =	vld [tilespmem:s28+$0xFFFFFFC0]  }
0x3a4: {  	v43 =	vld [tilespmem:s25+$0xFFFFFFD0]  }
0x3a5: {  	v44 =	vld [tilespmem:s28+$0xFFFFFFD0]  }
0x3a6: {  	v45 =	vld [tilespmem:s25+$0xFFFFFFE0]  }
0x3a7: {  	v46 =	vld [tilespmem:s28+$0xFFFFFFE0]  }
0x3a8: {  	v47 =	vld [tilespmem:s25+$0xFFFFFFF0]  }
0x3a9: {  	v48 =	vld [tilespmem:s28+$0xFFFFFFF0]  }
0x3aa: {  	v49 =	vld [tilespmem:s25+$0x0]  }
0x3ab: {  	v50 =	vld [tilespmem:s28+$0x0]  }
0x3ac: {  	v51 =	vld [tilespmem:s25+$0x10];
	v1 =	vmul.f32 v2, v1;
	v2 =	vmul.f32 v5, v4  }
0x3ad: {  	v4 =	vld [tilespmem:s28+$0x10];
	v5 =	vmul.f32 v8, v6;
	v6 =	vmul.f32 v10, v9  }
0x3ae: {  	v8 =	vld [tilespmem:s25+$0x20]  }
0x3af: {  	v9 =	vmul.f32 v12, v11;
	v11 =	vld [tilespmem:s28+$0x20];
	v1 =	vadd.f32 v2, v1;
	v2 =	vadd.f32 v6, v5  }
0x3b0: {  	v10 =	vmul.f32 v14, v13;
	v14 =	vld [tilespmem:s25+$0x30];
	v12 =	vmul.f32 v16, v15  }
0x3b1: {  	v55 =	vld [tilespmem:s25+$0xFFFFFF00];
	v13 =	vmul.f32 v18, v17;
	v1 =	vadd.f32 v2, v1;
	v2 =	vmul.f32 v22, v21  }
0x3b2: {  	v53 =	vld [tilespmem:s25+$0x70];
	v15 =	vmul.f32 v28, v27;
	v17 =	vmul.f32 v30, v29  }
0x3b3: {  	v57 =	vld [tilespmem:s28+$0x70];
	v18 =	vmul.f32 v32, v31;
	v52 =	vmul.f32 v40, v39  }
0x3b4: {  	v5 =	vld [tilespmem:s28+$0x30];
	v54 =	vmul.f32 v44, v43;
	v56 =	vmul.f32 v48, v47  }
0x3b5: {  	v6 =	vadd.f32 v10, v9;
	v10 =	vld [tilespmem:s25+$0x40];
	v58 =	vmul.f32 v50, v49;
	v4 =	vmul.f32 v4, v51  }
0x3b6: {  	v16 =	vld [tilespmem:s25+$0x50];
	v8 =	vmul.f32 v11, v8;
	v0 =	vmul.f32 v0, v55;
	v9 =	vadd.f32 v13, v12  }
0x3b7: {  	v12 =	vmul.f32 v20, v19;
	v13 =	vld [tilespmem:s28+$0x40];
	v20 =	vmul.f32 v36, v35  }
0x3b8: {  	v19 =	vld [tilespmem:s28+$0x50];
	v17 =	vadd.f32 v18, v17;
	v6 =	vadd.f32 v9, v6;
	v9 =	vmul.f32 v26, v25  }
0x3b9: {  	v36 =	vld [tilespmem:s28+$0x60];
	v18 =	vmul.f32 v34, v33;
	v5 =	vmul.f32 v5, v14;
	v4 =	vadd.f32 v4, v58  }
0x3ba: {  	v1 =	vadd.f32 v6, v1;
	v6 =	vmul.f32 v24, v23;
	v9 =	vadd.f32 v15, v9;
	v15 =	vld [tilespmem:s25+$0x60]  }
0x3bb: {  	v0 =	vadd.f32 v12, v0;
	v18 =	vadd.f32 v20, v18;
	v20 =	vmul.f32 v46, v45  }
0x3bc: {  	v5 =	vadd.f32 v5, v8;
	v2 =	vadd.f32 v6, v2;
	v6 =	vmul.f32 v38, v37  }
0x3bd: {  	v20 =	vadd.f32 v56, v20;
	v9 =	vadd.f32 v17, v9;
	v17 =	vmul.f32 v42, v41  }
0x3be: {  	v10 =	vmul.f32 v13, v10;
	v13 =	vmul.f32 v19, v16;
	v6 =	vadd.f32 v52, v6  }
0x3bf: {  	v17 =	vadd.f32 v54, v17;
	v14 =	vmul.f32 v36, v15;
	v15 =	vmul.f32 v57, v53  }
0x3c0: {  	v8 =	vadd.f32 v13, v10;
	v6 =	vadd.f32 v6, v18  }
0x3c1: {  	v11 =	vadd.f32 v20, v17;
	v10 =	vadd.f32 v15, v14  }
0x3c2: {  	v0 =	vadd.f32 v2, v0;
	v2 =	vadd.f32 v5, v4  }
0x3c3: {  	v6 =	vadd.f32 v11, v6;
	v4 =	vadd.f32 v10, v8  }
0x3c4: {  	(xrf2) =	vadd.scan.msk.f32 $0xffff, v1;
	v0 =	vadd.f32 v9, v0  }
0x3c5: {  	s0 =	sadd.s32 $0x3, s30;
	(xrf2) =	vadd.scan.msk.f32 $0xffff, v6;
	v1 =	vadd.f32 v4, v2  }
0x3c6: {  	s31 =	sadd.s32 $0x1, s30;
	v2 =	vbroadcast v7, $0x0;
	v4 =	vmov s0;
	(xrf2) =	vadd.scan.msk.f32 $0xffff, v0  }
0x3c7: {  	v0 =	vbroadcast v3, $0x0;
	v3 =	vadd.s32 $0xC0, v4;
	v4 =	vmov s31;
	(xrf2) =	vadd.scan.msk.f32 $0xffff, v1  }
0x3c8: {  	s4 =	sadd.s32 $0x2, s30;
	v1 =	vbroadcast v3, $0x0;
	v3 =	vadd.s32 $0xC0, v4;
	v4 =	vmov s30  }
0x3c9: {  	v5 =	vmov s4;
	v3 =	vand.u32 $0xFFFFFFFD, v3;
	v4 =	vadd.s32 $0xC0, v4  }
0x3ca: {  	v5 =	vadd.s32 $0xC0, v5;
	v3 =	vbroadcast v3, $0x0;
	v4 =	vand.u32 $0xFFFFFFFC, v4  }
0x3cb: {  	v5 =	vand.u32 $0xFFFFFFFE, v5;
	v4 =	vbroadcast v4, $0x0  }
0x3cc: {  	v5 =	vbroadcast v5, $0x0;
	v6, _, _ =	vpop (xrf2)  }
0x3cd: {  	v7, _, _ =	vpop (xrf2);
	[tilespmem:v2+s5+$0x0] =	vst.idx.msk vm0, v6  }
0x3ce: {  	v2, _, _ =	vpop (xrf2);
	[tilespmem:v0+s5+$0x0] =	vst.idx.msk vm0, v7  }
0x3cf: {  	[tilespmem:v1+s5+$0x0] =	vst.idx.msk vm0, v2;
	v0, _, _ =	vpop (xrf2)  }
0x3d0: {  	[tilespmem:v3+s5+$0x0] =	vst.idx.msk vm0, v0;
	v0, _, _ =	vpop (xrf2)  }
0x3d1: {  	[tilespmem:v4+s5+$0x0] =	vst.idx.msk vm0, v0;
	v0, _, _ =	vpop (xrf2)  }
0x3d2: {  	[tilespmem:v5+s5+$0x0] =	vst.idx.msk vm0, v0  }
0x3d3: {  	_ =	swait.ge [sflag:s19], $0x2000  }
0x3d4: {  	[sflag:s19] =	ssyncset.done $0x0  }
0x3d5: {  	[sflag:s19] =	ssyncadd.s32 $0xFFFFE000  }
0x3d6: {  	_ =	swait.ge [sflag:s19], $0x2000  }
0x3d7: {  	[sflag:s19] =	ssyncset.done $0x0  }
0x3d8: {  	s13 =	simm.s32 $0x8500;
	[sflag:s19] =	ssyncadd.s32 $0xFFFFE000  }
0x3d9: {  	s22 =	simm.s32 $0x14500;
	v0 =	vld [tilespmem:s13+$0x80]  }
0x3da: {  	v1 =	vld [tilespmem:s22+$0x80]  }
0x3db: {  	v2 =	vld [tilespmem:s13+$0x90]  }
0x3dc: {  	v3 =	vld [tilespmem:s22+$0x90]  }
0x3dd: {  	v4 =	vld [tilespmem:s13+$0xA0]  }
0x3de: {  	v5 =	vld [tilespmem:s22+$0xA0]  }
0x3df: {  	v6 =	vld [tilespmem:s13+$0xB0]  }
0x3e0: {  	v7 =	vld [tilespmem:s22+$0xB0]  }
0x3e1: {  	v8 =	vld [tilespmem:s13+$0xC0]  }
0x3e2: {  	v9 =	vld [tilespmem:s22+$0xC0]  }
0x3e3: {  	v10 =	vld [tilespmem:s13+$0xD0]  }
0x3e4: {  	v11 =	vld [tilespmem:s22+$0xD0]  }
0x3e5: {  	v12 =	vld [tilespmem:s13+$0xE0]  }
0x3e6: {  	v13 =	vld [tilespmem:s22+$0xE0]  }
0x3e7: {  	v14 =	vld [tilespmem:s13+$0xF0]  }
0x3e8: {  	v15 =	vld [tilespmem:s22+$0xF0]  }
0x3e9: {  	v16 =	vld [tilespmem:s22+$0xFFFFFF00]  }
0x3ea: {  	v17 =	vld [tilespmem:s13+$0xFFFFFF10]  }
0x3eb: {  	v18 =	vld [tilespmem:s22+$0xFFFFFF10]  }
0x3ec: {  	v19 =	vld [tilespmem:s13+$0xFFFFFF20]  }
0x3ed: {  	v20 =	vld [tilespmem:s22+$0xFFFFFF20]  }
0x3ee: {  	v21 =	vld [tilespmem:s13+$0xFFFFFF30]  }
0x3ef: {  	v22 =	vld [tilespmem:s22+$0xFFFFFF30]  }
0x3f0: {  	v23 =	vld [tilespmem:s13+$0xFFFFFF40]  }
0x3f1: {  	v24 =	vld [tilespmem:s22+$0xFFFFFF40]  }
0x3f2: {  	v25 =	vld [tilespmem:s13+$0xFFFFFF50]  }
0x3f3: {  	v26 =	vld [tilespmem:s22+$0xFFFFFF50]  }
0x3f4: {  	v27 =	vld [tilespmem:s13+$0xFFFFFF60]  }
0x3f5: {  	v28 =	vld [tilespmem:s22+$0xFFFFFF60]  }
0x3f6: {  	v29 =	vld [tilespmem:s13+$0xFFFFFF70]  }
0x3f7: {  	v30 =	vld [tilespmem:s22+$0xFFFFFF70]  }
0x3f8: {  	v31 =	vld [tilespmem:s13+$0xFFFFFF80]  }
0x3f9: {  	v32 =	vld [tilespmem:s22+$0xFFFFFF80]  }
0x3fa: {  	v33 =	vld [tilespmem:s13+$0xFFFFFF90]  }
0x3fb: {  	v34 =	vld [tilespmem:s22+$0xFFFFFF90]  }
0x3fc: {  	v35 =	vld [tilespmem:s13+$0xFFFFFFA0]  }
0x3fd: {  	v36 =	vld [tilespmem:s22+$0xFFFFFFA0]  }
0x3fe: {  	v37 =	vld [tilespmem:s13+$0xFFFFFFB0]  }
0x3ff: {  	v38 =	vld [tilespmem:s22+$0xFFFFFFB0]  }
0x400: {  	v39 =	vld [tilespmem:s13+$0xFFFFFFC0]  }
0x401: {  	v40 =	vld [tilespmem:s22+$0xFFFFFFC0]  }
0x402: {  	v41 =	vld [tilespmem:s13+$0xFFFFFFD0]  }
0x403: {  	v42 =	vld [tilespmem:s22+$0xFFFFFFD0]  }
0x404: {  	v43 =	vld [tilespmem:s13+$0xFFFFFFE0]  }
0x405: {  	v59 =	vld [tilespmem:s22+$0xFFFFFFE0]  }
0x406: {  	v60 =	vld [tilespmem:s13+$0xFFFFFFF0]  }
0x407: {  	v61 =	vld [tilespmem:s22+$0xFFFFFFF0]  }
0x408: {  	v62 =	vld [tilespmem:s13+$0x0]  }
0x409: {  	v63 =	vld [tilespmem:s22+$0x0]  }
0x40a: {  	v56 =	vld [tilespmem:s13+$0x10]  }
0x40b: {  	v57 =	vld [tilespmem:s22+$0x10];
	v0 =	vmul.f32 v1, v0  }
0x40c: {  	v58 =	vld [tilespmem:s13+$0x20];
	v1 =	vmul.f32 v3, v2;
	v2 =	vmul.f32 v5, v4  }
0x40d: {  	v52 =	vld [tilespmem:s22+$0x20];
	v4 =	vmul.f32 v7, v6;
	v5 =	vmul.f32 v9, v8  }
0x40e: {  	v3 =	vld [tilespmem:s13+$0x30];
	v7 =	vmul.f32 v11, v10;
	v8 =	vmul.f32 v13, v12  }
0x40f: {  	v6 =	vld [tilespmem:s22+$0x30];
	v10 =	vmul.f32 v15, v14;
	v12 =	vmul.f32 v38, v37  }
0x410: {  	v9 =	vld [tilespmem:s13+$0x40];
	v14 =	vmul.f32 v42, v41;
	v17 =	vmul.f32 v18, v17  }
0x411: {  	v11 =	vld [tilespmem:s22+$0x40];
	v18 =	vmul.f32 v24, v23;
	v0 =	vadd.f32 v1, v0;
	v1 =	vadd.f32 v4, v2  }
0x412: {  	v13 =	vld [tilespmem:s22+$0x50];
	v2 =	vadd.f32 v7, v5;
	v4 =	vmul.f32 v32, v31;
	v8 =	vadd.f32 v10, v8  }
0x413: {  	v15 =	vld [tilespmem:s13+$0x60];
	v5 =	vmul.f32 v34, v33;
	v10 =	vmul.f32 v36, v35  }
0x414: {  	v7 =	vld [tilespmem:s13+$0x50];
	v0 =	vadd.f32 v1, v0;
	v1 =	vmul.f32 v40, v39;
	v2 =	vadd.f32 v8, v2  }
0x415: {  	v8 =	vmul.f32 v59, v43;
	v59 =	vmul.f32 v61, v60;
	v60 =	vld [tilespmem:s22+$0x60];
	v4 =	vadd.f32 v5, v4  }
0x416: {  	v5 =	vadd.f32 v12, v10;
	v10 =	vld [tilespmem:s13+$0x70];
	v12 =	vmul.f32 v20, v19;
	v61 =	vmul.f32 v63, v62  }
0x417: {  	s25 =	simm.s32 $0x8700;
	v19 =	vld [tilespmem:s13+$0xFFFFFF00];
	v62 =	vmul.f32 v57, v56;
	v1 =	vadd.f32 v14, v1;
	v8 =	vadd.f32 v59, v8  }
0x418: {  	v3 =	vmul.f32 v6, v3;
	v6 =	vld [tilespmem:s25+$0xA0];
	v0 =	vadd.f32 v2, v0;
	v2 =	vmul.f32 v22, v21  }
0x419: {  	v20 =	vmul.f32 v26, v25;
	v14 =	vld [tilespmem:s22+$0x70];
	v4 =	vadd.f32 v5, v4;
	v5 =	vadd.f32 v8, v1  }
0x41a: {  	s28 =	simm.s32 $0x14700;
	v22 =	vadd.f32 v62, v61;
	v7 =	vmul.f32 v13, v7;
	v1 =	vld [tilespmem:s25+$0x80];
	v21 =	vadd.f32 v2, v12  }
0x41b: {  	v8 =	vmul.f32 v28, v27;
	v12 =	vmul.f32 v30, v29;
	v2 =	vld [tilespmem:s28+$0x80];
	(xrf2) =	vadd.scan.msk.f32 $0xffff, v0;
	v63 =	vadd.f32 v5, v4  }
0x41c: {  	s29 =	simm.s32 $0x1;
	v0 =	vadd.f32 v20, v18;
	v18 =	vmul.f32 v52, v58;
	v13 =	vmul.f32 v60, v15;
	v4 =	vld [tilespmem:s25+$0x90]  }
0x41d: {  	s26 =	simm.s32 $0x3;
	v15 =	vmov s29;
	v16 =	vmul.f32 v16, v19;
	v5 =	vld [tilespmem:s28+$0x90];
	v20 =	vadd.f32 v12, v8;
	(xrf2) =	vadd.scan.msk.f32 $0xffff, v63  }
0x41e: {  	v12 =	vmul.f32 v11, v9;
	v3 =	vadd.f32 v3, v18;
	v11 =	vmov s26;
	v8 =	vld [tilespmem:s28+$0xA0]  }
0x41f: {  	v9 =	vld [tilespmem:s25+$0xB0];
	v15 =	vadd.s32 $0x100, v15;
	v11 =	vadd.s32 $0x100, v11;
	v16 =	vadd.f32 v17, v16  }
0x420: {  	v14 =	vmul.f32 v14, v10;
	v10 =	vld [tilespmem:s28+$0xB0];
	v15 =	vand.u32 $0xFFFFFFFD, v15;
	v18 =	vbroadcast v11, $0x0  }
0x421: {  	v11 =	vld [tilespmem:s25+$0xC0];
	v19 =	vbroadcast v15, $0x0;
	v0 =	vadd.f32 v20, v0;
	v15 =	vadd.f32 v21, v16  }
0x422: {  	v7 =	vadd.f32 v7, v12;
	v12 =	vld [tilespmem:s28+$0xC0];
	v14 =	vadd.f32 v14, v13  }
0x423: {  	v13 =	vld [tilespmem:s25+$0xD0];
	v0 =	vadd.f32 v0, v15  }
0x424: {  	v3 =	vadd.f32 v3, v22;
	v16 =	vld [tilespmem:s28+$0xE0];
	v7 =	vadd.f32 v14, v7  }
0x425: {  	s4 =	simm.s32 $0x2;
	s31 =	simm.s32 $0x0;
	v14 =	vld [tilespmem:s28+$0xD0];
	v17, _, _ =	vpop (xrf2);
	(xrf2) =	vadd.scan.msk.f32 $0xffff, v0  }
0x426: {  	v15 =	vld [tilespmem:s25+$0xE0];
	v20 =	vadd.f32 v7, v3;
	v3 =	vmov s31;
	v7 =	vmov s4  }
0x427: {  	v0 =	vadd.s32 $0x100, v3;
	v3 =	vadd.s32 $0x100, v7;
	[tilespmem:v18+s5+$0x0] =	vst.idx.msk vm0, v17;
	v17 =	vld [tilespmem:s25+$0xF0];
	v18, _, _ =	vpop (xrf2)  }
0x428: {  	s0 =	simm.s32 $0x8;
	s30 =	simm.s32 $0x4;
	v7 =	vand.u32 $0xFFFFFFFC, v0;
	v3 =	vand.u32 $0xFFFFFFFE, v3;
	(xrf2) =	vadd.scan.msk.f32 $0xffff, v20;
	[tilespmem:v19+s5+$0x0] =	vst.idx.msk vm0, v18;
	v18 =	vld [tilespmem:s28+$0xF0]  }
.LBB2_10:
0x429: {  	p0 =	slt.u32 s0, $0x3C;
	v0 =	vld [tilespmem:s28+$0xFFFFFF00];
	v7 =	vbroadcast v7, $0x0;
	v19 =	vbroadcast v3, $0x0  }
0x42a: {  	v1 =	vmul.f32 v2, v1;
	v2 =	vmul.f32 v5, v4;
	v3 =	vld [tilespmem:s25+$0xFFFFFF10]  }
0x42b: {  	v5 =	vmul.f32 v8, v6;
	v6 =	vmul.f32 v10, v9;
	v4 =	vld [tilespmem:s28+$0xFFFFFF10]  }
0x42c: {  	v9 =	vmul.f32 v12, v11;
	v20 =	vmul.f32 v14, v13;
	v8 =	vld [tilespmem:s25+$0xFFFFFF20]  }
0x42d: {  	v12 =	vmul.f32 v16, v15;
	v11 =	vld [tilespmem:s28+$0xFFFFFF20];
	v13 =	vmul.f32 v18, v17  }
0x42e: {  	v1 =	vadd.f32 v2, v1;
	v2 =	vadd.f32 v6, v5;
	v14 =	vld [tilespmem:s25+$0xFFFFFF30]  }
0x42f: {  	v6 =	vadd.f32 v20, v9;
	v5 =	vld [tilespmem:s28+$0xFFFFFF30];
	v12 =	vadd.f32 v13, v12;
	v10, _, _ =	vpop (xrf2)  }
0x430: {  	v3 =	vmul.f32 v4, v3;
	v4 =	vld [tilespmem:s25+$0xFFFFFF40];
	[tilespmem:v7+s5+$0x0] =	vst.idx.msk vm0, v10  }
0x431: {  	v1 =	vadd.f32 v2, v1;
	v7 =	vld [tilespmem:s28+$0xFFFFFF40];
	v2 =	vadd.f32 v12, v6  }
0x432: {  	v6 =	vmul.f32 v11, v8;
	v8 =	vld [tilespmem:s25+$0xFFFFFF50];
	v9, _, _ =	vpop (xrf2)  }
0x433: {  	v10 =	vld [tilespmem:s28+$0xFFFFFF50];
	v1 =	vadd.f32 v2, v1;
	[tilespmem:v19+s5+$0x0] =	vst.idx.msk vm0, v9  }
0x434: {  	v2 =	vmul.f32 v5, v14;
	v5 =	vld [tilespmem:s25+$0xFFFFFF60]  }
0x435: {  	v9 =	vld [tilespmem:s28+$0xFFFFFF60];
	(xrf2) =	vadd.scan.msk.f32 $0xffff, v1  }
0x436: {  	v1 =	vmul.f32 v7, v4;
	v4 =	vld [tilespmem:s25+$0xFFFFFF70];
	v7 =	vadd.f32 v2, v6  }
0x437: {  	s4 =	sadd.s32 $0x3, s30;
	v2 =	vld [tilespmem:s28+$0xFFFFFF70]  }
0x438: {  	v6 =	vmul.f32 v10, v8;
	v8 =	vld [tilespmem:s25+$0xFFFFFF80];
	v10 =	vmov s4  }
0x439: {  	v11 =	vld [tilespmem:s28+$0xFFFFFF80];
	v10 =	vadd.s32 $0x100, v10  }
0x43a: {  	v5 =	vmul.f32 v9, v5;
	v1 =	vadd.f32 v6, v1;
	v6 =	vld [tilespmem:s25+$0xFFFFFF90];
	v9 =	vbroadcast v10, $0x0  }
0x43b: {  	v10 =	vld [tilespmem:s28+$0xFFFFFF90]  }
0x43c: {  	v2 =	vmul.f32 v2, v4;
	v4 =	vld [tilespmem:s25+$0xFFFFFFA0]  }
0x43d: {  	v12 =	vld [tilespmem:s28+$0xFFFFFFA0]  }
0x43e: {  	v2 =	vadd.f32 v2, v5;
	v5 =	vmul.f32 v11, v8;
	v8 =	vld [tilespmem:s25+$0xFFFFFFB0]  }
0x43f: {  	v11 =	vld [tilespmem:s28+$0xFFFFFFB0];
	v13, _, _ =	vpop (xrf2)  }
0x440: {  	v14 =	vadd.f32 v2, v1;
	v1 =	vmul.f32 v10, v6;
	v2 =	vld [tilespmem:s25+$0xFFFFFFC0];
	[tilespmem:v9+s5+$0x0] =	vst.idx.msk vm0, v13  }
0x441: {  	v6 =	vld [tilespmem:s28+$0xFFFFFFC0]  }
0x442: {  	v4 =	vmul.f32 v12, v4;
	v9 =	vld [tilespmem:s25+$0xFFFFFFD0];
	v1 =	vadd.f32 v1, v5  }
0x443: {  	v5 =	vld [tilespmem:s28+$0xFFFFFFD0]  }
0x444: {  	v8 =	vmul.f32 v11, v8;
	v10 =	vld [tilespmem:s25+$0xFFFFFFE0]  }
0x445: {  	v11 =	vld [tilespmem:s28+$0xFFFFFFE0]  }
0x446: {  	v2 =	vmul.f32 v6, v2;
	v6 =	vld [tilespmem:s25+$0xFFFFFFF0];
	v4 =	vadd.f32 v8, v4  }
0x447: {  	v8 =	vld [tilespmem:s28+$0xFFFFFFF0]  }
0x448: {  	v5 =	vmul.f32 v5, v9;
	v1 =	vadd.f32 v4, v1;
	v4 =	vld [tilespmem:s25+$0x0]  }
0x449: {  	v9 =	vld [tilespmem:s28+$0x0]  }
0x44a: {  	v10 =	vmul.f32 v11, v10;
	v2 =	vadd.f32 v5, v2;
	v5 =	vld [tilespmem:s25+$0x10]  }
0x44b: {  	v11 =	vld [tilespmem:s28+$0x10]  }
0x44c: {  	v6 =	vmul.f32 v8, v6;
	v8 =	vld [tilespmem:s25+$0x20]  }
0x44d: {  	v12 =	vld [tilespmem:s28+$0x20]  }
0x44e: {  	v6 =	vadd.f32 v6, v10;
	v4 =	vmul.f32 v9, v4;
	v9 =	vld [tilespmem:s25+$0x30]  }
0x44f: {  	v10 =	vld [tilespmem:s28+$0x30]  }
0x450: {  	v2 =	vadd.f32 v6, v2;
	v5 =	vmul.f32 v11, v5;
	v6 =	vld [tilespmem:s25+$0x40]  }
0x451: {  	v11 =	vld [tilespmem:s28+$0x40]  }
0x452: {  	v1 =	vadd.f32 v2, v1;
	v2 =	vmul.f32 v12, v8;
	v8 =	vld [tilespmem:s25+$0x50];
	v4 =	vadd.f32 v5, v4  }
0x453: {  	v5 =	vld [tilespmem:s28+$0x50]  }
0x454: {  	v9 =	vmul.f32 v10, v9;
	v10 =	vld [tilespmem:s25+$0x60];
	(xrf2) =	vadd.scan.msk.f32 $0xffff, v1  }
0x455: {  	s4 =	sadd.s32 $0x1, s30;
	v12 =	vld [tilespmem:s28+$0x60]  }
0x456: {  	v1 =	vmov s4;
	v6 =	vmul.f32 v11, v6;
	v11 =	vld [tilespmem:s25+$0x70];
	v2 =	vadd.f32 v9, v2  }
0x457: {  	v1 =	vadd.s32 $0x100, v1;
	v9 =	vld [tilespmem:s28+$0x70]  }
0x458: {  	v15 =	vand.u32 $0xFFFFFFFD, v1;
	v13 =	vld [tilespmem:s25+$0xFFFFFF00];
	v5 =	vmul.f32 v5, v8;
	v16 =	vadd.f32 v2, v4;
	s25 =	sadd.s32 $0x200, s25  }
0x459: {  	v15 =	vbroadcast v15, $0x0;
	s28 =	sadd.s32 $0x200, s28;
	v1 =	vld [tilespmem:s25+$0x80]  }
0x45a: {  	v2 =	vld [tilespmem:s28+$0x80];
	v10 =	vmul.f32 v12, v10;
	v12 =	vadd.f32 v5, v6  }
0x45b: {  	v4 =	vld [tilespmem:s25+$0x90]  }
0x45c: {  	v5 =	vld [tilespmem:s28+$0x90];
	v9 =	vmul.f32 v9, v11  }
0x45d: {  	v6 =	vld [tilespmem:s25+$0xA0];
	v0 =	vmul.f32 v0, v13  }
0x45e: {  	v8 =	vld [tilespmem:s28+$0xA0];
	v11 =	vadd.f32 v9, v10;
	v10, _, _ =	vpop (xrf2)  }
0x45f: {  	v9 =	vld [tilespmem:s25+$0xB0];
	v0 =	vadd.f32 v3, v0;
	[tilespmem:v15+s5+$0x0] =	vst.idx.msk vm0, v10  }
0x460: {  	v10 =	vld [tilespmem:s28+$0xB0];
	v3 =	vadd.f32 v11, v12  }
0x461: {  	v11 =	vld [tilespmem:s25+$0xC0];
	v0 =	vadd.f32 v7, v0  }
0x462: {  	v12 =	vld [tilespmem:s28+$0xC0];
	v19 =	vadd.f32 v3, v16  }
0x463: {  	v13 =	vld [tilespmem:s25+$0xD0];
	v0 =	vadd.f32 v14, v0  }
.Ltmp4:
0x464: {  	v14 =	vld [tilespmem:s28+$0xD0];
	(pc) =	sbr.rel @p0 .LBB2_10-.Ltmp4, $4  }
0x465: {  	s4 =	sadd.s32 $0x2, s30;
	v15 =	vld [tilespmem:s25+$0xE0];
	(xrf2) =	vadd.scan.msk.f32 $0xffff, v0  }
0x466: {  	v3 =	vmov s4;
	v0 =	vmov s30;
	s30 =	smov.u32 s0;
	v16 =	vld [tilespmem:s28+$0xE0]  }
0x467: {  	v3 =	vadd.s32 $0x100, v3;
	v0 =	vadd.s32 $0x100, v0;
	v17 =	vld [tilespmem:s25+$0xF0]  }
0x468: {  	v3 =	vand.u32 $0xFFFFFFFE, v3;
	s0 =	sadd.s32 $0x4, s0;
	v7 =	vand.u32 $0xFFFFFFFC, v0;
	v18 =	vld [tilespmem:s28+$0xF0];
	(xrf2) =	vadd.scan.msk.f32 $0xffff, v19  }
0x469: {  	v0 =	vld [tilespmem:s28+$0xFFFFFF00]  }
0x46a: {  	v19 =	vld [tilespmem:s25+$0xFFFFFF10]  }
0x46b: {  	v20 =	vld [tilespmem:s28+$0xFFFFFF10]  }
0x46c: {  	v21 =	vld [tilespmem:s25+$0xFFFFFF20]  }
0x46d: {  	v22 =	vld [tilespmem:s28+$0xFFFFFF20]  }
0x46e: {  	v23 =	vld [tilespmem:s25+$0xFFFFFF30]  }
0x46f: {  	v24 =	vld [tilespmem:s28+$0xFFFFFF30]  }
0x470: {  	v25 =	vld [tilespmem:s25+$0xFFFFFF40]  }
0x471: {  	v26 =	vld [tilespmem:s28+$0xFFFFFF40]  }
0x472: {  	v27 =	vld [tilespmem:s25+$0xFFFFFF50]  }
0x473: {  	v28 =	vld [tilespmem:s28+$0xFFFFFF50]  }
0x474: {  	v29 =	vld [tilespmem:s25+$0xFFFFFF60]  }
0x475: {  	v30 =	vld [tilespmem:s28+$0xFFFFFF60]  }
0x476: {  	v31 =	vld [tilespmem:s25+$0xFFFFFF70]  }
0x477: {  	v32 =	vld [tilespmem:s28+$0xFFFFFF70]  }
0x478: {  	v33 =	vld [tilespmem:s25+$0xFFFFFF80]  }
0x479: {  	v34 =	vld [tilespmem:s28+$0xFFFFFF80]  }
0x47a: {  	v35 =	vld [tilespmem:s25+$0xFFFFFF90]  }
0x47b: {  	v36 =	vld [tilespmem:s28+$0xFFFFFF90]  }
0x47c: {  	v37 =	vld [tilespmem:s25+$0xFFFFFFA0]  }
0x47d: {  	v38 =	vld [tilespmem:s28+$0xFFFFFFA0]  }
0x47e: {  	v39 =	vld [tilespmem:s25+$0xFFFFFFB0]  }
0x47f: {  	v40 =	vld [tilespmem:s28+$0xFFFFFFB0]  }
0x480: {  	v41 =	vld [tilespmem:s25+$0xFFFFFFC0]  }
0x481: {  	v42 =	vld [tilespmem:s28+$0xFFFFFFC0]  }
0x482: {  	v43 =	vld [tilespmem:s25+$0xFFFFFFD0]  }
0x483: {  	v44 =	vld [tilespmem:s28+$0xFFFFFFD0]  }
0x484: {  	v45 =	vld [tilespmem:s25+$0xFFFFFFE0]  }
0x485: {  	v46 =	vld [tilespmem:s28+$0xFFFFFFE0]  }
0x486: {  	v47 =	vld [tilespmem:s25+$0xFFFFFFF0]  }
0x487: {  	v48 =	vld [tilespmem:s28+$0xFFFFFFF0]  }
0x488: {  	v49 =	vld [tilespmem:s25+$0x0]  }
0x489: {  	v50 =	vld [tilespmem:s28+$0x0]  }
0x48a: {  	v51 =	vld [tilespmem:s25+$0x10];
	v1 =	vmul.f32 v2, v1;
	v2 =	vmul.f32 v5, v4  }
0x48b: {  	v4 =	vld [tilespmem:s28+$0x10];
	v5 =	vmul.f32 v8, v6;
	v6 =	vmul.f32 v10, v9  }
0x48c: {  	v8 =	vld [tilespmem:s25+$0x20]  }
0x48d: {  	v9 =	vmul.f32 v12, v11;
	v11 =	vld [tilespmem:s28+$0x20];
	v1 =	vadd.f32 v2, v1;
	v2 =	vadd.f32 v6, v5  }
0x48e: {  	v10 =	vmul.f32 v14, v13;
	v14 =	vld [tilespmem:s25+$0x30];
	v12 =	vmul.f32 v16, v15  }
0x48f: {  	v55 =	vld [tilespmem:s25+$0xFFFFFF00];
	v13 =	vmul.f32 v18, v17;
	v1 =	vadd.f32 v2, v1;
	v2 =	vmul.f32 v22, v21  }
0x490: {  	v53 =	vld [tilespmem:s25+$0x70];
	v15 =	vmul.f32 v28, v27;
	v17 =	vmul.f32 v30, v29  }
0x491: {  	v57 =	vld [tilespmem:s28+$0x70];
	v18 =	vmul.f32 v32, v31;
	v52 =	vmul.f32 v40, v39  }
0x492: {  	v5 =	vld [tilespmem:s28+$0x30];
	v54 =	vmul.f32 v44, v43;
	v56 =	vmul.f32 v48, v47  }
0x493: {  	v6 =	vadd.f32 v10, v9;
	v10 =	vld [tilespmem:s25+$0x40];
	v58 =	vmul.f32 v50, v49;
	v4 =	vmul.f32 v4, v51  }
0x494: {  	v16 =	vld [tilespmem:s25+$0x50];
	v8 =	vmul.f32 v11, v8;
	v0 =	vmul.f32 v0, v55;
	v9 =	vadd.f32 v13, v12  }
0x495: {  	v12 =	vmul.f32 v20, v19;
	v13 =	vld [tilespmem:s28+$0x40];
	v20 =	vmul.f32 v36, v35  }
0x496: {  	v19 =	vld [tilespmem:s28+$0x50];
	v17 =	vadd.f32 v18, v17;
	v6 =	vadd.f32 v9, v6;
	v9 =	vmul.f32 v26, v25  }
0x497: {  	v36 =	vld [tilespmem:s28+$0x60];
	v18 =	vmul.f32 v34, v33;
	v5 =	vmul.f32 v5, v14;
	v4 =	vadd.f32 v4, v58  }
0x498: {  	v1 =	vadd.f32 v6, v1;
	v6 =	vmul.f32 v24, v23;
	v9 =	vadd.f32 v15, v9;
	v15 =	vld [tilespmem:s25+$0x60]  }
0x499: {  	v0 =	vadd.f32 v12, v0;
	v18 =	vadd.f32 v20, v18;
	v20 =	vmul.f32 v46, v45  }
0x49a: {  	v5 =	vadd.f32 v5, v8;
	v2 =	vadd.f32 v6, v2;
	v6 =	vmul.f32 v38, v37  }
0x49b: {  	v20 =	vadd.f32 v56, v20;
	v9 =	vadd.f32 v17, v9;
	v17 =	vmul.f32 v42, v41  }
0x49c: {  	v10 =	vmul.f32 v13, v10;
	v13 =	vmul.f32 v19, v16;
	v6 =	vadd.f32 v52, v6  }
0x49d: {  	v17 =	vadd.f32 v54, v17;
	v14 =	vmul.f32 v36, v15;
	v15 =	vmul.f32 v57, v53  }
0x49e: {  	v8 =	vadd.f32 v13, v10;
	v6 =	vadd.f32 v6, v18  }
0x49f: {  	v11 =	vadd.f32 v20, v17;
	v10 =	vadd.f32 v15, v14  }
0x4a0: {  	v0 =	vadd.f32 v2, v0;
	v2 =	vadd.f32 v5, v4  }
0x4a1: {  	v6 =	vadd.f32 v11, v6;
	v4 =	vadd.f32 v10, v8  }
0x4a2: {  	(xrf2) =	vadd.scan.msk.f32 $0xffff, v1;
	v0 =	vadd.f32 v9, v0  }
0x4a3: {  	s0 =	sadd.s32 $0x3, s30;
	(xrf2) =	vadd.scan.msk.f32 $0xffff, v6;
	v1 =	vadd.f32 v4, v2  }
0x4a4: {  	s31 =	sadd.s32 $0x1, s30;
	v2 =	vbroadcast v7, $0x0;
	v4 =	vmov s0;
	(xrf2) =	vadd.scan.msk.f32 $0xffff, v0  }
0x4a5: {  	v0 =	vbroadcast v3, $0x0;
	v3 =	vadd.s32 $0x100, v4;
	v4 =	vmov s31;
	(xrf2) =	vadd.scan.msk.f32 $0xffff, v1  }
0x4a6: {  	s4 =	sadd.s32 $0x2, s30;
	v1 =	vbroadcast v3, $0x0;
	v3 =	vadd.s32 $0x100, v4;
	v4 =	vmov s30  }
0x4a7: {  	v5 =	vmov s4;
	v3 =	vand.u32 $0xFFFFFFFD, v3;
	v4 =	vadd.s32 $0x100, v4  }
0x4a8: {  	v5 =	vadd.s32 $0x100, v5;
	v3 =	vbroadcast v3, $0x0;
	v4 =	vand.u32 $0xFFFFFFFC, v4  }
0x4a9: {  	v5 =	vand.u32 $0xFFFFFFFE, v5;
	v4 =	vbroadcast v4, $0x0  }
0x4aa: {  	v5 =	vbroadcast v5, $0x0;
	v6, _, _ =	vpop (xrf2)  }
0x4ab: {  	v7, _, _ =	vpop (xrf2);
	[tilespmem:v2+s5+$0x0] =	vst.idx.msk vm0, v6  }
0x4ac: {  	v2, _, _ =	vpop (xrf2);
	[tilespmem:v0+s5+$0x0] =	vst.idx.msk vm0, v7  }
0x4ad: {  	[tilespmem:v1+s5+$0x0] =	vst.idx.msk vm0, v2;
	v0, _, _ =	vpop (xrf2)  }
0x4ae: {  	[tilespmem:v3+s5+$0x0] =	vst.idx.msk vm0, v0;
	v0, _, _ =	vpop (xrf2)  }
0x4af: {  	[tilespmem:v4+s5+$0x0] =	vst.idx.msk vm0, v0;
	v0, _, _ =	vpop (xrf2)  }
0x4b0: {  	[tilespmem:v5+s5+$0x0] =	vst.idx.msk vm0, v0  }
0x4b1: {  	_ =	swait.ge [sflag:s20], $0x2000  }
0x4b2: {  	[sflag:s20] =	ssyncset.done $0x0  }
0x4b3: {  	[sflag:s20] =	ssyncadd.s32 $0xFFFFE000  }
0x4b4: {  	_ =	swait.ge [sflag:s20], $0x2000  }
0x4b5: {  	[sflag:s20] =	ssyncset.done $0x0  }
0x4b6: {  	s13 =	simm.s32 $0xA500;
	[sflag:s20] =	ssyncadd.s32 $0xFFFFE000  }
0x4b7: {  	s22 =	simm.s32 $0x16500;
	v0 =	vld [tilespmem:s13+$0x80]  }
0x4b8: {  	v1 =	vld [tilespmem:s22+$0x80]  }
0x4b9: {  	v2 =	vld [tilespmem:s13+$0x90]  }
0x4ba: {  	v3 =	vld [tilespmem:s22+$0x90]  }
0x4bb: {  	v4 =	vld [tilespmem:s13+$0xA0]  }
0x4bc: {  	v5 =	vld [tilespmem:s22+$0xA0]  }
0x4bd: {  	v6 =	vld [tilespmem:s13+$0xB0]  }
0x4be: {  	v7 =	vld [tilespmem:s22+$0xB0]  }
0x4bf: {  	v8 =	vld [tilespmem:s13+$0xC0]  }
0x4c0: {  	v9 =	vld [tilespmem:s22+$0xC0]  }
0x4c1: {  	v10 =	vld [tilespmem:s13+$0xD0]  }
0x4c2: {  	v11 =	vld [tilespmem:s22+$0xD0]  }
0x4c3: {  	v12 =	vld [tilespmem:s13+$0xE0]  }
0x4c4: {  	v13 =	vld [tilespmem:s22+$0xE0]  }
0x4c5: {  	v14 =	vld [tilespmem:s13+$0xF0]  }
0x4c6: {  	v15 =	vld [tilespmem:s22+$0xF0]  }
0x4c7: {  	v16 =	vld [tilespmem:s22+$0xFFFFFF00]  }
0x4c8: {  	v17 =	vld [tilespmem:s13+$0xFFFFFF10]  }
0x4c9: {  	v18 =	vld [tilespmem:s22+$0xFFFFFF10]  }
0x4ca: {  	v19 =	vld [tilespmem:s13+$0xFFFFFF20]  }
0x4cb: {  	v20 =	vld [tilespmem:s22+$0xFFFFFF20]  }
0x4cc: {  	v21 =	vld [tilespmem:s13+$0xFFFFFF30]  }
0x4cd: {  	v22 =	vld [tilespmem:s22+$0xFFFFFF30]  }
0x4ce: {  	v23 =	vld [tilespmem:s13+$0xFFFFFF40]  }
0x4cf: {  	v24 =	vld [tilespmem:s22+$0xFFFFFF40]  }
0x4d0: {  	v25 =	vld [tilespmem:s13+$0xFFFFFF50]  }
0x4d1: {  	v26 =	vld [tilespmem:s22+$0xFFFFFF50]  }
0x4d2: {  	v27 =	vld [tilespmem:s13+$0xFFFFFF60]  }
0x4d3: {  	v28 =	vld [tilespmem:s22+$0xFFFFFF60]  }
0x4d4: {  	v29 =	vld [tilespmem:s13+$0xFFFFFF70]  }
0x4d5: {  	v30 =	vld [tilespmem:s22+$0xFFFFFF70]  }
0x4d6: {  	v31 =	vld [tilespmem:s13+$0xFFFFFF80]  }
0x4d7: {  	v32 =	vld [tilespmem:s22+$0xFFFFFF80]  }
0x4d8: {  	v33 =	vld [tilespmem:s13+$0xFFFFFF90]  }
0x4d9: {  	v34 =	vld [tilespmem:s22+$0xFFFFFF90]  }
0x4da: {  	v35 =	vld [tilespmem:s13+$0xFFFFFFA0]  }
0x4db: {  	v36 =	vld [tilespmem:s22+$0xFFFFFFA0]  }
0x4dc: {  	v37 =	vld [tilespmem:s13+$0xFFFFFFB0]  }
0x4dd: {  	v38 =	vld [tilespmem:s22+$0xFFFFFFB0]  }
0x4de: {  	v39 =	vld [tilespmem:s13+$0xFFFFFFC0]  }
0x4df: {  	v40 =	vld [tilespmem:s22+$0xFFFFFFC0]  }
0x4e0: {  	v41 =	vld [tilespmem:s13+$0xFFFFFFD0]  }
0x4e1: {  	v42 =	vld [tilespmem:s22+$0xFFFFFFD0]  }
0x4e2: {  	v43 =	vld [tilespmem:s13+$0xFFFFFFE0]  }
0x4e3: {  	v59 =	vld [tilespmem:s22+$0xFFFFFFE0]  }
0x4e4: {  	v60 =	vld [tilespmem:s13+$0xFFFFFFF0]  }
0x4e5: {  	v61 =	vld [tilespmem:s22+$0xFFFFFFF0]  }
0x4e6: {  	v62 =	vld [tilespmem:s13+$0x0]  }
0x4e7: {  	v63 =	vld [tilespmem:s22+$0x0]  }
0x4e8: {  	v56 =	vld [tilespmem:s13+$0x10]  }
0x4e9: {  	v57 =	vld [tilespmem:s22+$0x10];
	v0 =	vmul.f32 v1, v0  }
0x4ea: {  	v58 =	vld [tilespmem:s13+$0x20];
	v1 =	vmul.f32 v3, v2;
	v2 =	vmul.f32 v5, v4  }
0x4eb: {  	v52 =	vld [tilespmem:s22+$0x20];
	v4 =	vmul.f32 v7, v6;
	v5 =	vmul.f32 v9, v8  }
0x4ec: {  	v3 =	vld [tilespmem:s13+$0x30];
	v7 =	vmul.f32 v11, v10;
	v8 =	vmul.f32 v13, v12  }
0x4ed: {  	v6 =	vld [tilespmem:s22+$0x30];
	v10 =	vmul.f32 v15, v14;
	v12 =	vmul.f32 v38, v37  }
0x4ee: {  	v9 =	vld [tilespmem:s13+$0x40];
	v14 =	vmul.f32 v42, v41;
	v17 =	vmul.f32 v18, v17  }
0x4ef: {  	v11 =	vld [tilespmem:s22+$0x40];
	v18 =	vmul.f32 v24, v23;
	v0 =	vadd.f32 v1, v0;
	v1 =	vadd.f32 v4, v2  }
0x4f0: {  	v13 =	vld [tilespmem:s22+$0x50];
	v2 =	vadd.f32 v7, v5;
	v4 =	vmul.f32 v32, v31;
	v8 =	vadd.f32 v10, v8  }
0x4f1: {  	v15 =	vld [tilespmem:s13+$0x60];
	v5 =	vmul.f32 v34, v33;
	v10 =	vmul.f32 v36, v35  }
0x4f2: {  	v7 =	vld [tilespmem:s13+$0x50];
	v0 =	vadd.f32 v1, v0;
	v1 =	vmul.f32 v40, v39;
	v2 =	vadd.f32 v8, v2  }
0x4f3: {  	v8 =	vmul.f32 v59, v43;
	v59 =	vmul.f32 v61, v60;
	v60 =	vld [tilespmem:s22+$0x60];
	v4 =	vadd.f32 v5, v4  }
0x4f4: {  	v5 =	vadd.f32 v12, v10;
	v10 =	vld [tilespmem:s13+$0x70];
	v12 =	vmul.f32 v20, v19;
	v61 =	vmul.f32 v63, v62  }
0x4f5: {  	s25 =	simm.s32 $0xA700;
	v19 =	vld [tilespmem:s13+$0xFFFFFF00];
	v62 =	vmul.f32 v57, v56;
	v1 =	vadd.f32 v14, v1;
	v8 =	vadd.f32 v59, v8  }
0x4f6: {  	v3 =	vmul.f32 v6, v3;
	v6 =	vld [tilespmem:s25+$0xA0];
	v0 =	vadd.f32 v2, v0;
	v2 =	vmul.f32 v22, v21  }
0x4f7: {  	v20 =	vmul.f32 v26, v25;
	v14 =	vld [tilespmem:s22+$0x70];
	v4 =	vadd.f32 v5, v4;
	v5 =	vadd.f32 v8, v1  }
0x4f8: {  	s28 =	simm.s32 $0x16700;
	v22 =	vadd.f32 v62, v61;
	v7 =	vmul.f32 v13, v7;
	v1 =	vld [tilespmem:s25+$0x80];
	v21 =	vadd.f32 v2, v12  }
0x4f9: {  	v8 =	vmul.f32 v28, v27;
	v12 =	vmul.f32 v30, v29;
	v2 =	vld [tilespmem:s28+$0x80];
	(xrf2) =	vadd.scan.msk.f32 $0xffff, v0;
	v63 =	vadd.f32 v5, v4  }
0x4fa: {  	s29 =	simm.s32 $0x1;
	v0 =	vadd.f32 v20, v18;
	v18 =	vmul.f32 v52, v58;
	v13 =	vmul.f32 v60, v15;
	v4 =	vld [tilespmem:s25+$0x90]  }
0x4fb: {  	s26 =	simm.s32 $0x3;
	v15 =	vmov s29;
	v16 =	vmul.f32 v16, v19;
	v5 =	vld [tilespmem:s28+$0x90];
	v20 =	vadd.f32 v12, v8;
	(xrf2) =	vadd.scan.msk.f32 $0xffff, v63  }
0x4fc: {  	v12 =	vmul.f32 v11, v9;
	v3 =	vadd.f32 v3, v18;
	v11 =	vmov s26;
	v8 =	vld [tilespmem:s28+$0xA0]  }
0x4fd: {  	v9 =	vld [tilespmem:s25+$0xB0];
	v15 =	vadd.s32 $0x140, v15;
	v11 =	vadd.s32 $0x140, v11;
	v16 =	vadd.f32 v17, v16  }
0x4fe: {  	v14 =	vmul.f32 v14, v10;
	v10 =	vld [tilespmem:s28+$0xB0];
	v15 =	vand.u32 $0xFFFFFFFD, v15;
	v18 =	vbroadcast v11, $0x0  }
0x4ff: {  	v11 =	vld [tilespmem:s25+$0xC0];
	v19 =	vbroadcast v15, $0x0;
	v0 =	vadd.f32 v20, v0;
	v15 =	vadd.f32 v21, v16  }
0x500: {  	v7 =	vadd.f32 v7, v12;
	v12 =	vld [tilespmem:s28+$0xC0];
	v14 =	vadd.f32 v14, v13  }
0x501: {  	v13 =	vld [tilespmem:s25+$0xD0];
	v0 =	vadd.f32 v0, v15  }
0x502: {  	v3 =	vadd.f32 v3, v22;
	v16 =	vld [tilespmem:s28+$0xE0];
	v7 =	vadd.f32 v14, v7  }
0x503: {  	s4 =	simm.s32 $0x2;
	s31 =	simm.s32 $0x0;
	v14 =	vld [tilespmem:s28+$0xD0];
	v17, _, _ =	vpop (xrf2);
	(xrf2) =	vadd.scan.msk.f32 $0xffff, v0  }
0x504: {  	v15 =	vld [tilespmem:s25+$0xE0];
	v20 =	vadd.f32 v7, v3;
	v3 =	vmov s31;
	v7 =	vmov s4  }
0x505: {  	v0 =	vadd.s32 $0x140, v3;
	v3 =	vadd.s32 $0x140, v7;
	[tilespmem:v18+s5+$0x0] =	vst.idx.msk vm0, v17;
	v17 =	vld [tilespmem:s25+$0xF0];
	v18, _, _ =	vpop (xrf2)  }
0x506: {  	s0 =	simm.s32 $0x8;
	s30 =	simm.s32 $0x4;
	v7 =	vand.u32 $0xFFFFFFFC, v0;
	v3 =	vand.u32 $0xFFFFFFFE, v3;
	(xrf2) =	vadd.scan.msk.f32 $0xffff, v20;
	[tilespmem:v19+s5+$0x0] =	vst.idx.msk vm0, v18;
	v18 =	vld [tilespmem:s28+$0xF0]  }
.LBB2_12:
0x507: {  	p0 =	slt.u32 s0, $0x3C;
	v0 =	vld [tilespmem:s28+$0xFFFFFF00];
	v7 =	vbroadcast v7, $0x0;
	v19 =	vbroadcast v3, $0x0  }
0x508: {  	v1 =	vmul.f32 v2, v1;
	v2 =	vmul.f32 v5, v4;
	v3 =	vld [tilespmem:s25+$0xFFFFFF10]  }
0x509: {  	v5 =	vmul.f32 v8, v6;
	v6 =	vmul.f32 v10, v9;
	v4 =	vld [tilespmem:s28+$0xFFFFFF10]  }
0x50a: {  	v9 =	vmul.f32 v12, v11;
	v20 =	vmul.f32 v14, v13;
	v8 =	vld [tilespmem:s25+$0xFFFFFF20]  }
0x50b: {  	v12 =	vmul.f32 v16, v15;
	v11 =	vld [tilespmem:s28+$0xFFFFFF20];
	v13 =	vmul.f32 v18, v17  }
0x50c: {  	v1 =	vadd.f32 v2, v1;
	v2 =	vadd.f32 v6, v5;
	v14 =	vld [tilespmem:s25+$0xFFFFFF30]  }
0x50d: {  	v6 =	vadd.f32 v20, v9;
	v5 =	vld [tilespmem:s28+$0xFFFFFF30];
	v12 =	vadd.f32 v13, v12;
	v10, _, _ =	vpop (xrf2)  }
0x50e: {  	v3 =	vmul.f32 v4, v3;
	v4 =	vld [tilespmem:s25+$0xFFFFFF40];
	[tilespmem:v7+s5+$0x0] =	vst.idx.msk vm0, v10  }
0x50f: {  	v1 =	vadd.f32 v2, v1;
	v7 =	vld [tilespmem:s28+$0xFFFFFF40];
	v2 =	vadd.f32 v12, v6  }
0x510: {  	v6 =	vmul.f32 v11, v8;
	v8 =	vld [tilespmem:s25+$0xFFFFFF50];
	v9, _, _ =	vpop (xrf2)  }
0x511: {  	v10 =	vld [tilespmem:s28+$0xFFFFFF50];
	v1 =	vadd.f32 v2, v1;
	[tilespmem:v19+s5+$0x0] =	vst.idx.msk vm0, v9  }
0x512: {  	v2 =	vmul.f32 v5, v14;
	v5 =	vld [tilespmem:s25+$0xFFFFFF60]  }
0x513: {  	v9 =	vld [tilespmem:s28+$0xFFFFFF60];
	(xrf2) =	vadd.scan.msk.f32 $0xffff, v1  }
0x514: {  	v1 =	vmul.f32 v7, v4;
	v4 =	vld [tilespmem:s25+$0xFFFFFF70];
	v7 =	vadd.f32 v2, v6  }
0x515: {  	s4 =	sadd.s32 $0x3, s30;
	v2 =	vld [tilespmem:s28+$0xFFFFFF70]  }
0x516: {  	v6 =	vmul.f32 v10, v8;
	v8 =	vld [tilespmem:s25+$0xFFFFFF80];
	v10 =	vmov s4  }
0x517: {  	v11 =	vld [tilespmem:s28+$0xFFFFFF80];
	v10 =	vadd.s32 $0x140, v10  }
0x518: {  	v5 =	vmul.f32 v9, v5;
	v1 =	vadd.f32 v6, v1;
	v6 =	vld [tilespmem:s25+$0xFFFFFF90];
	v9 =	vbroadcast v10, $0x0  }
0x519: {  	v10 =	vld [tilespmem:s28+$0xFFFFFF90]  }
0x51a: {  	v2 =	vmul.f32 v2, v4;
	v4 =	vld [tilespmem:s25+$0xFFFFFFA0]  }
0x51b: {  	v12 =	vld [tilespmem:s28+$0xFFFFFFA0]  }
0x51c: {  	v2 =	vadd.f32 v2, v5;
	v5 =	vmul.f32 v11, v8;
	v8 =	vld [tilespmem:s25+$0xFFFFFFB0]  }
0x51d: {  	v11 =	vld [tilespmem:s28+$0xFFFFFFB0];
	v13, _, _ =	vpop (xrf2)  }
0x51e: {  	v14 =	vadd.f32 v2, v1;
	v1 =	vmul.f32 v10, v6;
	v2 =	vld [tilespmem:s25+$0xFFFFFFC0];
	[tilespmem:v9+s5+$0x0] =	vst.idx.msk vm0, v13  }
0x51f: {  	v6 =	vld [tilespmem:s28+$0xFFFFFFC0]  }
0x520: {  	v4 =	vmul.f32 v12, v4;
	v9 =	vld [tilespmem:s25+$0xFFFFFFD0];
	v1 =	vadd.f32 v1, v5  }
0x521: {  	v5 =	vld [tilespmem:s28+$0xFFFFFFD0]  }
0x522: {  	v8 =	vmul.f32 v11, v8;
	v10 =	vld [tilespmem:s25+$0xFFFFFFE0]  }
0x523: {  	v11 =	vld [tilespmem:s28+$0xFFFFFFE0]  }
0x524: {  	v2 =	vmul.f32 v6, v2;
	v6 =	vld [tilespmem:s25+$0xFFFFFFF0];
	v4 =	vadd.f32 v8, v4  }
0x525: {  	v8 =	vld [tilespmem:s28+$0xFFFFFFF0]  }
0x526: {  	v5 =	vmul.f32 v5, v9;
	v1 =	vadd.f32 v4, v1;
	v4 =	vld [tilespmem:s25+$0x0]  }
0x527: {  	v9 =	vld [tilespmem:s28+$0x0]  }
0x528: {  	v10 =	vmul.f32 v11, v10;
	v2 =	vadd.f32 v5, v2;
	v5 =	vld [tilespmem:s25+$0x10]  }
0x529: {  	v11 =	vld [tilespmem:s28+$0x10]  }
0x52a: {  	v6 =	vmul.f32 v8, v6;
	v8 =	vld [tilespmem:s25+$0x20]  }
0x52b: {  	v12 =	vld [tilespmem:s28+$0x20]  }
0x52c: {  	v6 =	vadd.f32 v6, v10;
	v4 =	vmul.f32 v9, v4;
	v9 =	vld [tilespmem:s25+$0x30]  }
0x52d: {  	v10 =	vld [tilespmem:s28+$0x30]  }
0x52e: {  	v2 =	vadd.f32 v6, v2;
	v5 =	vmul.f32 v11, v5;
	v6 =	vld [tilespmem:s25+$0x40]  }
0x52f: {  	v11 =	vld [tilespmem:s28+$0x40]  }
0x530: {  	v1 =	vadd.f32 v2, v1;
	v2 =	vmul.f32 v12, v8;
	v8 =	vld [tilespmem:s25+$0x50];
	v4 =	vadd.f32 v5, v4  }
0x531: {  	v5 =	vld [tilespmem:s28+$0x50]  }
0x532: {  	v9 =	vmul.f32 v10, v9;
	v10 =	vld [tilespmem:s25+$0x60];
	(xrf2) =	vadd.scan.msk.f32 $0xffff, v1  }
0x533: {  	s4 =	sadd.s32 $0x1, s30;
	v12 =	vld [tilespmem:s28+$0x60]  }
0x534: {  	v1 =	vmov s4;
	v6 =	vmul.f32 v11, v6;
	v11 =	vld [tilespmem:s25+$0x70];
	v2 =	vadd.f32 v9, v2  }
0x535: {  	v1 =	vadd.s32 $0x140, v1;
	v9 =	vld [tilespmem:s28+$0x70]  }
0x536: {  	v15 =	vand.u32 $0xFFFFFFFD, v1;
	v13 =	vld [tilespmem:s25+$0xFFFFFF00];
	v5 =	vmul.f32 v5, v8;
	v16 =	vadd.f32 v2, v4;
	s25 =	sadd.s32 $0x200, s25  }
0x537: {  	v15 =	vbroadcast v15, $0x0;
	s28 =	sadd.s32 $0x200, s28;
	v1 =	vld [tilespmem:s25+$0x80]  }
0x538: {  	v2 =	vld [tilespmem:s28+$0x80];
	v10 =	vmul.f32 v12, v10;
	v12 =	vadd.f32 v5, v6  }
0x539: {  	v4 =	vld [tilespmem:s25+$0x90]  }
0x53a: {  	v5 =	vld [tilespmem:s28+$0x90];
	v9 =	vmul.f32 v9, v11  }
0x53b: {  	v6 =	vld [tilespmem:s25+$0xA0];
	v0 =	vmul.f32 v0, v13  }
0x53c: {  	v8 =	vld [tilespmem:s28+$0xA0];
	v11 =	vadd.f32 v9, v10;
	v10, _, _ =	vpop (xrf2)  }
0x53d: {  	v9 =	vld [tilespmem:s25+$0xB0];
	v0 =	vadd.f32 v3, v0;
	[tilespmem:v15+s5+$0x0] =	vst.idx.msk vm0, v10  }
0x53e: {  	v10 =	vld [tilespmem:s28+$0xB0];
	v3 =	vadd.f32 v11, v12  }
0x53f: {  	v11 =	vld [tilespmem:s25+$0xC0];
	v0 =	vadd.f32 v7, v0  }
0x540: {  	v12 =	vld [tilespmem:s28+$0xC0];
	v19 =	vadd.f32 v3, v16  }
0x541: {  	v13 =	vld [tilespmem:s25+$0xD0];
	v0 =	vadd.f32 v14, v0  }
.Ltmp5:
0x542: {  	v14 =	vld [tilespmem:s28+$0xD0];
	(pc) =	sbr.rel @p0 .LBB2_12-.Ltmp5, $4  }
0x543: {  	s4 =	sadd.s32 $0x2, s30;
	v15 =	vld [tilespmem:s25+$0xE0];
	(xrf2) =	vadd.scan.msk.f32 $0xffff, v0  }
0x544: {  	v3 =	vmov s4;
	v0 =	vmov s30;
	s30 =	smov.u32 s0;
	v16 =	vld [tilespmem:s28+$0xE0]  }
0x545: {  	v3 =	vadd.s32 $0x140, v3;
	v0 =	vadd.s32 $0x140, v0;
	v17 =	vld [tilespmem:s25+$0xF0]  }
0x546: {  	v3 =	vand.u32 $0xFFFFFFFE, v3;
	s0 =	sadd.s32 $0x4, s0;
	v7 =	vand.u32 $0xFFFFFFFC, v0;
	v18 =	vld [tilespmem:s28+$0xF0];
	(xrf2) =	vadd.scan.msk.f32 $0xffff, v19  }
0x547: {  	v0 =	vld [tilespmem:s28+$0xFFFFFF00]  }
0x548: {  	v19 =	vld [tilespmem:s25+$0xFFFFFF10]  }
0x549: {  	v20 =	vld [tilespmem:s28+$0xFFFFFF10]  }
0x54a: {  	v21 =	vld [tilespmem:s25+$0xFFFFFF20]  }
0x54b: {  	v22 =	vld [tilespmem:s28+$0xFFFFFF20]  }
0x54c: {  	v23 =	vld [tilespmem:s25+$0xFFFFFF30]  }
0x54d: {  	v24 =	vld [tilespmem:s28+$0xFFFFFF30]  }
0x54e: {  	v25 =	vld [tilespmem:s25+$0xFFFFFF40]  }
0x54f: {  	v26 =	vld [tilespmem:s28+$0xFFFFFF40]  }
0x550: {  	v27 =	vld [tilespmem:s25+$0xFFFFFF50]  }
0x551: {  	v28 =	vld [tilespmem:s28+$0xFFFFFF50]  }
0x552: {  	v29 =	vld [tilespmem:s25+$0xFFFFFF60]  }
0x553: {  	v30 =	vld [tilespmem:s28+$0xFFFFFF60]  }
0x554: {  	v31 =	vld [tilespmem:s25+$0xFFFFFF70]  }
0x555: {  	v32 =	vld [tilespmem:s28+$0xFFFFFF70]  }
0x556: {  	v33 =	vld [tilespmem:s25+$0xFFFFFF80]  }
0x557: {  	v34 =	vld [tilespmem:s28+$0xFFFFFF80]  }
0x558: {  	v35 =	vld [tilespmem:s25+$0xFFFFFF90]  }
0x559: {  	v36 =	vld [tilespmem:s28+$0xFFFFFF90]  }
0x55a: {  	v37 =	vld [tilespmem:s25+$0xFFFFFFA0]  }
0x55b: {  	v38 =	vld [tilespmem:s28+$0xFFFFFFA0]  }
0x55c: {  	v39 =	vld [tilespmem:s25+$0xFFFFFFB0]  }
0x55d: {  	v40 =	vld [tilespmem:s28+$0xFFFFFFB0]  }
0x55e: {  	v41 =	vld [tilespmem:s25+$0xFFFFFFC0]  }
0x55f: {  	v42 =	vld [tilespmem:s28+$0xFFFFFFC0]  }
0x560: {  	v43 =	vld [tilespmem:s25+$0xFFFFFFD0]  }
0x561: {  	v44 =	vld [tilespmem:s28+$0xFFFFFFD0]  }
0x562: {  	v45 =	vld [tilespmem:s25+$0xFFFFFFE0]  }
0x563: {  	v46 =	vld [tilespmem:s28+$0xFFFFFFE0]  }
0x564: {  	v47 =	vld [tilespmem:s25+$0xFFFFFFF0]  }
0x565: {  	v48 =	vld [tilespmem:s28+$0xFFFFFFF0]  }
0x566: {  	v49 =	vld [tilespmem:s25+$0x0]  }
0x567: {  	v50 =	vld [tilespmem:s28+$0x0]  }
0x568: {  	v51 =	vld [tilespmem:s25+$0x10];
	v1 =	vmul.f32 v2, v1;
	v2 =	vmul.f32 v5, v4  }
0x569: {  	v4 =	vld [tilespmem:s28+$0x10];
	v5 =	vmul.f32 v8, v6;
	v6 =	vmul.f32 v10, v9  }
0x56a: {  	v8 =	vld [tilespmem:s25+$0x20]  }
0x56b: {  	v9 =	vmul.f32 v12, v11;
	v11 =	vld [tilespmem:s28+$0x20];
	v1 =	vadd.f32 v2, v1;
	v2 =	vadd.f32 v6, v5  }
0x56c: {  	v10 =	vmul.f32 v14, v13;
	v14 =	vld [tilespmem:s25+$0x30];
	v12 =	vmul.f32 v16, v15  }
0x56d: {  	v55 =	vld [tilespmem:s25+$0xFFFFFF00];
	v13 =	vmul.f32 v18, v17;
	v1 =	vadd.f32 v2, v1;
	v2 =	vmul.f32 v22, v21  }
0x56e: {  	v53 =	vld [tilespmem:s25+$0x70];
	v15 =	vmul.f32 v28, v27;
	v17 =	vmul.f32 v30, v29  }
0x56f: {  	v57 =	vld [tilespmem:s28+$0x70];
	v18 =	vmul.f32 v32, v31;
	v52 =	vmul.f32 v40, v39  }
0x570: {  	v5 =	vld [tilespmem:s28+$0x30];
	v54 =	vmul.f32 v44, v43;
	v56 =	vmul.f32 v48, v47  }
0x571: {  	v6 =	vadd.f32 v10, v9;
	v10 =	vld [tilespmem:s25+$0x40];
	v58 =	vmul.f32 v50, v49;
	v4 =	vmul.f32 v4, v51  }
0x572: {  	v16 =	vld [tilespmem:s25+$0x50];
	v8 =	vmul.f32 v11, v8;
	v0 =	vmul.f32 v0, v55;
	v9 =	vadd.f32 v13, v12  }
0x573: {  	v12 =	vmul.f32 v20, v19;
	v13 =	vld [tilespmem:s28+$0x40];
	v20 =	vmul.f32 v36, v35  }
0x574: {  	v19 =	vld [tilespmem:s28+$0x50];
	v17 =	vadd.f32 v18, v17;
	v6 =	vadd.f32 v9, v6;
	v9 =	vmul.f32 v26, v25  }
0x575: {  	v36 =	vld [tilespmem:s28+$0x60];
	v18 =	vmul.f32 v34, v33;
	v5 =	vmul.f32 v5, v14;
	v4 =	vadd.f32 v4, v58  }
0x576: {  	v1 =	vadd.f32 v6, v1;
	v6 =	vmul.f32 v24, v23;
	v9 =	vadd.f32 v15, v9;
	v15 =	vld [tilespmem:s25+$0x60]  }
0x577: {  	v0 =	vadd.f32 v12, v0;
	v18 =	vadd.f32 v20, v18;
	v20 =	vmul.f32 v46, v45  }
0x578: {  	v5 =	vadd.f32 v5, v8;
	v2 =	vadd.f32 v6, v2;
	v6 =	vmul.f32 v38, v37  }
0x579: {  	v20 =	vadd.f32 v56, v20;
	v9 =	vadd.f32 v17, v9;
	v17 =	vmul.f32 v42, v41  }
0x57a: {  	v10 =	vmul.f32 v13, v10;
	v13 =	vmul.f32 v19, v16;
	v6 =	vadd.f32 v52, v6  }
0x57b: {  	v17 =	vadd.f32 v54, v17;
	v14 =	vmul.f32 v36, v15;
	v15 =	vmul.f32 v57, v53  }
0x57c: {  	v8 =	vadd.f32 v13, v10;
	v6 =	vadd.f32 v6, v18  }
0x57d: {  	v11 =	vadd.f32 v20, v17;
	v10 =	vadd.f32 v15, v14  }
0x57e: {  	v0 =	vadd.f32 v2, v0;
	v2 =	vadd.f32 v5, v4  }
0x57f: {  	v6 =	vadd.f32 v11, v6;
	v4 =	vadd.f32 v10, v8  }
0x580: {  	(xrf2) =	vadd.scan.msk.f32 $0xffff, v1;
	v0 =	vadd.f32 v9, v0  }
0x581: {  	s0 =	sadd.s32 $0x3, s30;
	(xrf2) =	vadd.scan.msk.f32 $0xffff, v6;
	v1 =	vadd.f32 v4, v2  }
0x582: {  	s31 =	sadd.s32 $0x1, s30;
	v2 =	vbroadcast v7, $0x0;
	v4 =	vmov s0;
	(xrf2) =	vadd.scan.msk.f32 $0xffff, v0  }
0x583: {  	v0 =	vbroadcast v3, $0x0;
	v3 =	vadd.s32 $0x140, v4;
	v4 =	vmov s31;
	(xrf2) =	vadd.scan.msk.f32 $0xffff, v1  }
0x584: {  	s4 =	sadd.s32 $0x2, s30;
	v1 =	vbroadcast v3, $0x0;
	v3 =	vadd.s32 $0x140, v4;
	v4 =	vmov s30  }
0x585: {  	v5 =	vmov s4;
	v3 =	vand.u32 $0xFFFFFFFD, v3;
	v4 =	vadd.s32 $0x140, v4  }
0x586: {  	v5 =	vadd.s32 $0x140, v5;
	v3 =	vbroadcast v3, $0x0;
	v4 =	vand.u32 $0xFFFFFFFC, v4  }
0x587: {  	v5 =	vand.u32 $0xFFFFFFFE, v5;
	v4 =	vbroadcast v4, $0x0  }
0x588: {  	v5 =	vbroadcast v5, $0x0;
	v6, _, _ =	vpop (xrf2)  }
0x589: {  	v7, _, _ =	vpop (xrf2);
	[tilespmem:v2+s5+$0x0] =	vst.idx.msk vm0, v6  }
0x58a: {  	v2, _, _ =	vpop (xrf2);
	[tilespmem:v0+s5+$0x0] =	vst.idx.msk vm0, v7  }
0x58b: {  	[tilespmem:v1+s5+$0x0] =	vst.idx.msk vm0, v2;
	v0, _, _ =	vpop (xrf2)  }
0x58c: {  	[tilespmem:v3+s5+$0x0] =	vst.idx.msk vm0, v0;
	v0, _, _ =	vpop (xrf2)  }
0x58d: {  	[tilespmem:v4+s5+$0x0] =	vst.idx.msk vm0, v0;
	v0, _, _ =	vpop (xrf2)  }
0x58e: {  	[tilespmem:v5+s5+$0x0] =	vst.idx.msk vm0, v0  }
0x58f: {  	_ =	swait.ge [sflag:s24], $0x2000  }
0x590: {  	[sflag:s24] =	ssyncset.done $0x0  }
0x591: {  	[sflag:s24] =	ssyncadd.s32 $0xFFFFE000  }
0x592: {  	_ =	swait.ge [sflag:s24], $0x2000  }
0x593: {  	[sflag:s24] =	ssyncset.done $0x0  }
0x594: {  	s13 =	simm.s32 $0x500;
	[sflag:s24] =	ssyncadd.s32 $0xFFFFE000  }
0x595: {  	s22 =	simm.s32 $0xC500;
	v0 =	vld [tilespmem:s13+$0x80]  }
0x596: {  	v1 =	vld [tilespmem:s22+$0x80]  }
0x597: {  	v2 =	vld [tilespmem:s13+$0x90]  }
0x598: {  	v3 =	vld [tilespmem:s22+$0x90]  }
0x599: {  	v4 =	vld [tilespmem:s13+$0xA0]  }
0x59a: {  	v5 =	vld [tilespmem:s22+$0xA0]  }
0x59b: {  	v6 =	vld [tilespmem:s13+$0xB0]  }
0x59c: {  	v7 =	vld [tilespmem:s22+$0xB0]  }
0x59d: {  	v8 =	vld [tilespmem:s13+$0xC0]  }
0x59e: {  	v9 =	vld [tilespmem:s22+$0xC0]  }
0x59f: {  	v10 =	vld [tilespmem:s13+$0xD0]  }
0x5a0: {  	v11 =	vld [tilespmem:s22+$0xD0]  }
0x5a1: {  	v12 =	vld [tilespmem:s13+$0xE0]  }
0x5a2: {  	v13 =	vld [tilespmem:s22+$0xE0]  }
0x5a3: {  	v14 =	vld [tilespmem:s13+$0xF0]  }
0x5a4: {  	v15 =	vld [tilespmem:s22+$0xF0]  }
0x5a5: {  	v16 =	vld [tilespmem:s22+$0xFFFFFF00]  }
0x5a6: {  	v17 =	vld [tilespmem:s13+$0xFFFFFF10]  }
0x5a7: {  	v18 =	vld [tilespmem:s22+$0xFFFFFF10]  }
0x5a8: {  	v19 =	vld [tilespmem:s13+$0xFFFFFF20]  }
0x5a9: {  	v20 =	vld [tilespmem:s22+$0xFFFFFF20]  }
0x5aa: {  	v21 =	vld [tilespmem:s13+$0xFFFFFF30]  }
0x5ab: {  	v22 =	vld [tilespmem:s22+$0xFFFFFF30]  }
0x5ac: {  	v23 =	vld [tilespmem:s13+$0xFFFFFF40]  }
0x5ad: {  	v24 =	vld [tilespmem:s22+$0xFFFFFF40]  }
0x5ae: {  	v25 =	vld [tilespmem:s13+$0xFFFFFF50]  }
0x5af: {  	v26 =	vld [tilespmem:s22+$0xFFFFFF50]  }
0x5b0: {  	v27 =	vld [tilespmem:s13+$0xFFFFFF60]  }
0x5b1: {  	v28 =	vld [tilespmem:s22+$0xFFFFFF60]  }
0x5b2: {  	v29 =	vld [tilespmem:s13+$0xFFFFFF70]  }
0x5b3: {  	v30 =	vld [tilespmem:s22+$0xFFFFFF70]  }
0x5b4: {  	v31 =	vld [tilespmem:s13+$0xFFFFFF80]  }
0x5b5: {  	v32 =	vld [tilespmem:s22+$0xFFFFFF80]  }
0x5b6: {  	v33 =	vld [tilespmem:s13+$0xFFFFFF90]  }
0x5b7: {  	v34 =	vld [tilespmem:s22+$0xFFFFFF90]  }
0x5b8: {  	v35 =	vld [tilespmem:s13+$0xFFFFFFA0]  }
0x5b9: {  	v36 =	vld [tilespmem:s22+$0xFFFFFFA0]  }
0x5ba: {  	v37 =	vld [tilespmem:s13+$0xFFFFFFB0]  }
0x5bb: {  	v38 =	vld [tilespmem:s22+$0xFFFFFFB0]  }
0x5bc: {  	v39 =	vld [tilespmem:s13+$0xFFFFFFC0]  }
0x5bd: {  	v40 =	vld [tilespmem:s22+$0xFFFFFFC0]  }
0x5be: {  	v41 =	vld [tilespmem:s13+$0xFFFFFFD0]  }
0x5bf: {  	v42 =	vld [tilespmem:s22+$0xFFFFFFD0]  }
0x5c0: {  	v43 =	vld [tilespmem:s13+$0xFFFFFFE0]  }
0x5c1: {  	v59 =	vld [tilespmem:s22+$0xFFFFFFE0]  }
0x5c2: {  	v60 =	vld [tilespmem:s13+$0xFFFFFFF0]  }
0x5c3: {  	v61 =	vld [tilespmem:s22+$0xFFFFFFF0]  }
0x5c4: {  	v62 =	vld [tilespmem:s13+$0x0]  }
0x5c5: {  	v63 =	vld [tilespmem:s22+$0x0]  }
0x5c6: {  	v56 =	vld [tilespmem:s13+$0x10]  }
0x5c7: {  	v57 =	vld [tilespmem:s22+$0x10];
	v0 =	vmul.f32 v1, v0  }
0x5c8: {  	v58 =	vld [tilespmem:s13+$0x20];
	v1 =	vmul.f32 v3, v2;
	v2 =	vmul.f32 v5, v4  }
0x5c9: {  	v52 =	vld [tilespmem:s22+$0x20];
	v4 =	vmul.f32 v7, v6;
	v5 =	vmul.f32 v9, v8  }
0x5ca: {  	v3 =	vld [tilespmem:s13+$0x30];
	v7 =	vmul.f32 v11, v10;
	v8 =	vmul.f32 v13, v12  }
0x5cb: {  	v6 =	vld [tilespmem:s22+$0x30];
	v10 =	vmul.f32 v15, v14;
	v12 =	vmul.f32 v38, v37  }
0x5cc: {  	v9 =	vld [tilespmem:s13+$0x40];
	v14 =	vmul.f32 v42, v41;
	v17 =	vmul.f32 v18, v17  }
0x5cd: {  	v11 =	vld [tilespmem:s22+$0x40];
	v18 =	vmul.f32 v24, v23;
	v0 =	vadd.f32 v1, v0;
	v1 =	vadd.f32 v4, v2  }
0x5ce: {  	v13 =	vld [tilespmem:s22+$0x50];
	v2 =	vadd.f32 v7, v5;
	v4 =	vmul.f32 v32, v31;
	v8 =	vadd.f32 v10, v8  }
0x5cf: {  	v15 =	vld [tilespmem:s13+$0x60];
	v5 =	vmul.f32 v34, v33;
	v10 =	vmul.f32 v36, v35  }
0x5d0: {  	v7 =	vld [tilespmem:s13+$0x50];
	v0 =	vadd.f32 v1, v0;
	v1 =	vmul.f32 v40, v39;
	v2 =	vadd.f32 v8, v2  }
0x5d1: {  	v8 =	vmul.f32 v59, v43;
	v59 =	vmul.f32 v61, v60;
	v60 =	vld [tilespmem:s22+$0x60];
	v4 =	vadd.f32 v5, v4  }
0x5d2: {  	v5 =	vadd.f32 v12, v10;
	v10 =	vld [tilespmem:s13+$0x70];
	v12 =	vmul.f32 v20, v19;
	v61 =	vmul.f32 v63, v62  }
0x5d3: {  	s25 =	simm.s32 $0x700;
	v19 =	vld [tilespmem:s13+$0xFFFFFF00];
	v62 =	vmul.f32 v57, v56;
	v1 =	vadd.f32 v14, v1;
	v8 =	vadd.f32 v59, v8  }
0x5d4: {  	v3 =	vmul.f32 v6, v3;
	v6 =	vld [tilespmem:s25+$0xA0];
	v0 =	vadd.f32 v2, v0;
	v2 =	vmul.f32 v22, v21  }
0x5d5: {  	v20 =	vmul.f32 v26, v25;
	v14 =	vld [tilespmem:s22+$0x70];
	v4 =	vadd.f32 v5, v4;
	v5 =	vadd.f32 v8, v1  }
0x5d6: {  	s28 =	simm.s32 $0xC700;
	v22 =	vadd.f32 v62, v61;
	v7 =	vmul.f32 v13, v7;
	v1 =	vld [tilespmem:s25+$0x80];
	v21 =	vadd.f32 v2, v12  }
0x5d7: {  	v8 =	vmul.f32 v28, v27;
	v12 =	vmul.f32 v30, v29;
	v2 =	vld [tilespmem:s28+$0x80];
	(xrf2) =	vadd.scan.msk.f32 $0xffff, v0;
	v63 =	vadd.f32 v5, v4  }
0x5d8: {  	s29 =	simm.s32 $0x1;
	v0 =	vadd.f32 v20, v18;
	v18 =	vmul.f32 v52, v58;
	v13 =	vmul.f32 v60, v15;
	v4 =	vld [tilespmem:s25+$0x90]  }
0x5d9: {  	s26 =	simm.s32 $0x3;
	v15 =	vmov s29;
	v16 =	vmul.f32 v16, v19;
	v5 =	vld [tilespmem:s28+$0x90];
	v20 =	vadd.f32 v12, v8;
	(xrf2) =	vadd.scan.msk.f32 $0xffff, v63  }
0x5da: {  	v12 =	vmul.f32 v11, v9;
	v3 =	vadd.f32 v3, v18;
	v11 =	vmov s26;
	v8 =	vld [tilespmem:s28+$0xA0]  }
0x5db: {  	v9 =	vld [tilespmem:s25+$0xB0];
	v15 =	vadd.s32 $0x180, v15;
	v11 =	vadd.s32 $0x180, v11;
	v16 =	vadd.f32 v17, v16  }
0x5dc: {  	v14 =	vmul.f32 v14, v10;
	v10 =	vld [tilespmem:s28+$0xB0];
	v15 =	vand.u32 $0xFFFFFFFD, v15;
	v18 =	vbroadcast v11, $0x0  }
0x5dd: {  	v11 =	vld [tilespmem:s25+$0xC0];
	v19 =	vbroadcast v15, $0x0;
	v0 =	vadd.f32 v20, v0;
	v15 =	vadd.f32 v21, v16  }
0x5de: {  	v7 =	vadd.f32 v7, v12;
	v12 =	vld [tilespmem:s28+$0xC0];
	v14 =	vadd.f32 v14, v13  }
0x5df: {  	v13 =	vld [tilespmem:s25+$0xD0];
	v0 =	vadd.f32 v0, v15  }
0x5e0: {  	v3 =	vadd.f32 v3, v22;
	v16 =	vld [tilespmem:s28+$0xE0];
	v7 =	vadd.f32 v14, v7  }
0x5e1: {  	s4 =	simm.s32 $0x2;
	s31 =	simm.s32 $0x0;
	v14 =	vld [tilespmem:s28+$0xD0];
	v17, _, _ =	vpop (xrf2);
	(xrf2) =	vadd.scan.msk.f32 $0xffff, v0  }
0x5e2: {  	v15 =	vld [tilespmem:s25+$0xE0];
	v20 =	vadd.f32 v7, v3;
	v3 =	vmov s31;
	v7 =	vmov s4  }
0x5e3: {  	v0 =	vadd.s32 $0x180, v3;
	v3 =	vadd.s32 $0x180, v7;
	[tilespmem:v18+s5+$0x0] =	vst.idx.msk vm0, v17;
	v17 =	vld [tilespmem:s25+$0xF0];
	v18, _, _ =	vpop (xrf2)  }
0x5e4: {  	s0 =	simm.s32 $0x8;
	s30 =	simm.s32 $0x4;
	v7 =	vand.u32 $0xFFFFFFFC, v0;
	v3 =	vand.u32 $0xFFFFFFFE, v3;
	(xrf2) =	vadd.scan.msk.f32 $0xffff, v20;
	[tilespmem:v19+s5+$0x0] =	vst.idx.msk vm0, v18;
	v18 =	vld [tilespmem:s28+$0xF0]  }
.LBB2_14:
0x5e5: {  	p0 =	slt.u32 s0, $0x3C;
	v0 =	vld [tilespmem:s28+$0xFFFFFF00];
	v7 =	vbroadcast v7, $0x0;
	v19 =	vbroadcast v3, $0x0  }
0x5e6: {  	v1 =	vmul.f32 v2, v1;
	v2 =	vmul.f32 v5, v4;
	v3 =	vld [tilespmem:s25+$0xFFFFFF10]  }
0x5e7: {  	v5 =	vmul.f32 v8, v6;
	v6 =	vmul.f32 v10, v9;
	v4 =	vld [tilespmem:s28+$0xFFFFFF10]  }
0x5e8: {  	v9 =	vmul.f32 v12, v11;
	v20 =	vmul.f32 v14, v13;
	v8 =	vld [tilespmem:s25+$0xFFFFFF20]  }
0x5e9: {  	v12 =	vmul.f32 v16, v15;
	v11 =	vld [tilespmem:s28+$0xFFFFFF20];
	v13 =	vmul.f32 v18, v17  }
0x5ea: {  	v1 =	vadd.f32 v2, v1;
	v2 =	vadd.f32 v6, v5;
	v14 =	vld [tilespmem:s25+$0xFFFFFF30]  }
0x5eb: {  	v6 =	vadd.f32 v20, v9;
	v5 =	vld [tilespmem:s28+$0xFFFFFF30];
	v12 =	vadd.f32 v13, v12;
	v10, _, _ =	vpop (xrf2)  }
0x5ec: {  	v3 =	vmul.f32 v4, v3;
	v4 =	vld [tilespmem:s25+$0xFFFFFF40];
	[tilespmem:v7+s5+$0x0] =	vst.idx.msk vm0, v10  }
0x5ed: {  	v1 =	vadd.f32 v2, v1;
	v7 =	vld [tilespmem:s28+$0xFFFFFF40];
	v2 =	vadd.f32 v12, v6  }
0x5ee: {  	v6 =	vmul.f32 v11, v8;
	v8 =	vld [tilespmem:s25+$0xFFFFFF50];
	v9, _, _ =	vpop (xrf2)  }
0x5ef: {  	v10 =	vld [tilespmem:s28+$0xFFFFFF50];
	v1 =	vadd.f32 v2, v1;
	[tilespmem:v19+s5+$0x0] =	vst.idx.msk vm0, v9  }
0x5f0: {  	v2 =	vmul.f32 v5, v14;
	v5 =	vld [tilespmem:s25+$0xFFFFFF60]  }
0x5f1: {  	v9 =	vld [tilespmem:s28+$0xFFFFFF60];
	(xrf2) =	vadd.scan.msk.f32 $0xffff, v1  }
0x5f2: {  	v1 =	vmul.f32 v7, v4;
	v4 =	vld [tilespmem:s25+$0xFFFFFF70];
	v7 =	vadd.f32 v2, v6  }
0x5f3: {  	s4 =	sadd.s32 $0x3, s30;
	v2 =	vld [tilespmem:s28+$0xFFFFFF70]  }
0x5f4: {  	v6 =	vmul.f32 v10, v8;
	v8 =	vld [tilespmem:s25+$0xFFFFFF80];
	v10 =	vmov s4  }
0x5f5: {  	v11 =	vld [tilespmem:s28+$0xFFFFFF80];
	v10 =	vadd.s32 $0x180, v10  }
0x5f6: {  	v5 =	vmul.f32 v9, v5;
	v1 =	vadd.f32 v6, v1;
	v6 =	vld [tilespmem:s25+$0xFFFFFF90];
	v9 =	vbroadcast v10, $0x0  }
0x5f7: {  	v10 =	vld [tilespmem:s28+$0xFFFFFF90]  }
0x5f8: {  	v2 =	vmul.f32 v2, v4;
	v4 =	vld [tilespmem:s25+$0xFFFFFFA0]  }
0x5f9: {  	v12 =	vld [tilespmem:s28+$0xFFFFFFA0]  }
0x5fa: {  	v2 =	vadd.f32 v2, v5;
	v5 =	vmul.f32 v11, v8;
	v8 =	vld [tilespmem:s25+$0xFFFFFFB0]  }
0x5fb: {  	v11 =	vld [tilespmem:s28+$0xFFFFFFB0];
	v13, _, _ =	vpop (xrf2)  }
0x5fc: {  	v14 =	vadd.f32 v2, v1;
	v1 =	vmul.f32 v10, v6;
	v2 =	vld [tilespmem:s25+$0xFFFFFFC0];
	[tilespmem:v9+s5+$0x0] =	vst.idx.msk vm0, v13  }
0x5fd: {  	v6 =	vld [tilespmem:s28+$0xFFFFFFC0]  }
0x5fe: {  	v4 =	vmul.f32 v12, v4;
	v9 =	vld [tilespmem:s25+$0xFFFFFFD0];
	v1 =	vadd.f32 v1, v5  }
0x5ff: {  	v5 =	vld [tilespmem:s28+$0xFFFFFFD0]  }
0x600: {  	v8 =	vmul.f32 v11, v8;
	v10 =	vld [tilespmem:s25+$0xFFFFFFE0]  }
0x601: {  	v11 =	vld [tilespmem:s28+$0xFFFFFFE0]  }
0x602: {  	v2 =	vmul.f32 v6, v2;
	v6 =	vld [tilespmem:s25+$0xFFFFFFF0];
	v4 =	vadd.f32 v8, v4  }
0x603: {  	v8 =	vld [tilespmem:s28+$0xFFFFFFF0]  }
0x604: {  	v5 =	vmul.f32 v5, v9;
	v1 =	vadd.f32 v4, v1;
	v4 =	vld [tilespmem:s25+$0x0]  }
0x605: {  	v9 =	vld [tilespmem:s28+$0x0]  }
0x606: {  	v10 =	vmul.f32 v11, v10;
	v2 =	vadd.f32 v5, v2;
	v5 =	vld [tilespmem:s25+$0x10]  }
0x607: {  	v11 =	vld [tilespmem:s28+$0x10]  }
0x608: {  	v6 =	vmul.f32 v8, v6;
	v8 =	vld [tilespmem:s25+$0x20]  }
0x609: {  	v12 =	vld [tilespmem:s28+$0x20]  }
0x60a: {  	v6 =	vadd.f32 v6, v10;
	v4 =	vmul.f32 v9, v4;
	v9 =	vld [tilespmem:s25+$0x30]  }
0x60b: {  	v10 =	vld [tilespmem:s28+$0x30]  }
0x60c: {  	v2 =	vadd.f32 v6, v2;
	v5 =	vmul.f32 v11, v5;
	v6 =	vld [tilespmem:s25+$0x40]  }
0x60d: {  	v11 =	vld [tilespmem:s28+$0x40]  }
0x60e: {  	v1 =	vadd.f32 v2, v1;
	v2 =	vmul.f32 v12, v8;
	v8 =	vld [tilespmem:s25+$0x50];
	v4 =	vadd.f32 v5, v4  }
0x60f: {  	v5 =	vld [tilespmem:s28+$0x50]  }
0x610: {  	v9 =	vmul.f32 v10, v9;
	v10 =	vld [tilespmem:s25+$0x60];
	(xrf2) =	vadd.scan.msk.f32 $0xffff, v1  }
0x611: {  	s4 =	sadd.s32 $0x1, s30;
	v12 =	vld [tilespmem:s28+$0x60]  }
0x612: {  	v1 =	vmov s4;
	v6 =	vmul.f32 v11, v6;
	v11 =	vld [tilespmem:s25+$0x70];
	v2 =	vadd.f32 v9, v2  }
0x613: {  	v1 =	vadd.s32 $0x180, v1;
	v9 =	vld [tilespmem:s28+$0x70]  }
0x614: {  	v15 =	vand.u32 $0xFFFFFFFD, v1;
	v13 =	vld [tilespmem:s25+$0xFFFFFF00];
	v5 =	vmul.f32 v5, v8;
	v16 =	vadd.f32 v2, v4;
	s25 =	sadd.s32 $0x200, s25  }
0x615: {  	v15 =	vbroadcast v15, $0x0;
	s28 =	sadd.s32 $0x200, s28;
	v1 =	vld [tilespmem:s25+$0x80]  }
0x616: {  	v2 =	vld [tilespmem:s28+$0x80];
	v10 =	vmul.f32 v12, v10;
	v12 =	vadd.f32 v5, v6  }
0x617: {  	v4 =	vld [tilespmem:s25+$0x90]  }
0x618: {  	v5 =	vld [tilespmem:s28+$0x90];
	v9 =	vmul.f32 v9, v11  }
0x619: {  	v6 =	vld [tilespmem:s25+$0xA0];
	v0 =	vmul.f32 v0, v13  }
0x61a: {  	v8 =	vld [tilespmem:s28+$0xA0];
	v11 =	vadd.f32 v9, v10;
	v10, _, _ =	vpop (xrf2)  }
0x61b: {  	v9 =	vld [tilespmem:s25+$0xB0];
	v0 =	vadd.f32 v3, v0;
	[tilespmem:v15+s5+$0x0] =	vst.idx.msk vm0, v10  }
0x61c: {  	v10 =	vld [tilespmem:s28+$0xB0];
	v3 =	vadd.f32 v11, v12  }
0x61d: {  	v11 =	vld [tilespmem:s25+$0xC0];
	v0 =	vadd.f32 v7, v0  }
0x61e: {  	v12 =	vld [tilespmem:s28+$0xC0];
	v19 =	vadd.f32 v3, v16  }
0x61f: {  	v13 =	vld [tilespmem:s25+$0xD0];
	v0 =	vadd.f32 v14, v0  }
.Ltmp6:
0x620: {  	v14 =	vld [tilespmem:s28+$0xD0];
	(pc) =	sbr.rel @p0 .LBB2_14-.Ltmp6, $4  }
0x621: {  	s4 =	sadd.s32 $0x2, s30;
	v15 =	vld [tilespmem:s25+$0xE0];
	(xrf2) =	vadd.scan.msk.f32 $0xffff, v0  }
0x622: {  	v3 =	vmov s4;
	v0 =	vmov s30;
	s30 =	smov.u32 s0;
	v16 =	vld [tilespmem:s28+$0xE0]  }
0x623: {  	v3 =	vadd.s32 $0x180, v3;
	v0 =	vadd.s32 $0x180, v0;
	v17 =	vld [tilespmem:s25+$0xF0]  }
0x624: {  	v3 =	vand.u32 $0xFFFFFFFE, v3;
	s0 =	sadd.s32 $0x4, s0;
	v7 =	vand.u32 $0xFFFFFFFC, v0;
	v18 =	vld [tilespmem:s28+$0xF0];
	(xrf2) =	vadd.scan.msk.f32 $0xffff, v19  }
0x625: {  	v0 =	vld [tilespmem:s28+$0xFFFFFF00]  }
0x626: {  	v19 =	vld [tilespmem:s25+$0xFFFFFF10]  }
0x627: {  	v20 =	vld [tilespmem:s28+$0xFFFFFF10]  }
0x628: {  	v21 =	vld [tilespmem:s25+$0xFFFFFF20]  }
0x629: {  	v22 =	vld [tilespmem:s28+$0xFFFFFF20]  }
0x62a: {  	v23 =	vld [tilespmem:s25+$0xFFFFFF30]  }
0x62b: {  	v24 =	vld [tilespmem:s28+$0xFFFFFF30]  }
0x62c: {  	v25 =	vld [tilespmem:s25+$0xFFFFFF40]  }
0x62d: {  	v26 =	vld [tilespmem:s28+$0xFFFFFF40]  }
0x62e: {  	v27 =	vld [tilespmem:s25+$0xFFFFFF50]  }
0x62f: {  	v28 =	vld [tilespmem:s28+$0xFFFFFF50]  }
0x630: {  	v29 =	vld [tilespmem:s25+$0xFFFFFF60]  }
0x631: {  	v30 =	vld [tilespmem:s28+$0xFFFFFF60]  }
0x632: {  	v31 =	vld [tilespmem:s25+$0xFFFFFF70]  }
0x633: {  	v32 =	vld [tilespmem:s28+$0xFFFFFF70]  }
0x634: {  	v33 =	vld [tilespmem:s25+$0xFFFFFF80]  }
0x635: {  	v34 =	vld [tilespmem:s28+$0xFFFFFF80]  }
0x636: {  	v35 =	vld [tilespmem:s25+$0xFFFFFF90]  }
0x637: {  	v36 =	vld [tilespmem:s28+$0xFFFFFF90]  }
0x638: {  	v37 =	vld [tilespmem:s25+$0xFFFFFFA0]  }
0x639: {  	v38 =	vld [tilespmem:s28+$0xFFFFFFA0]  }
0x63a: {  	v39 =	vld [tilespmem:s25+$0xFFFFFFB0]  }
0x63b: {  	v40 =	vld [tilespmem:s28+$0xFFFFFFB0]  }
0x63c: {  	v41 =	vld [tilespmem:s25+$0xFFFFFFC0]  }
0x63d: {  	v42 =	vld [tilespmem:s28+$0xFFFFFFC0]  }
0x63e: {  	v43 =	vld [tilespmem:s25+$0xFFFFFFD0]  }
0x63f: {  	v44 =	vld [tilespmem:s28+$0xFFFFFFD0]  }
0x640: {  	v45 =	vld [tilespmem:s25+$0xFFFFFFE0]  }
0x641: {  	v46 =	vld [tilespmem:s28+$0xFFFFFFE0]  }
0x642: {  	v47 =	vld [tilespmem:s25+$0xFFFFFFF0]  }
0x643: {  	v48 =	vld [tilespmem:s28+$0xFFFFFFF0]  }
0x644: {  	v49 =	vld [tilespmem:s25+$0x0]  }
0x645: {  	v50 =	vld [tilespmem:s28+$0x0]  }
0x646: {  	v51 =	vld [tilespmem:s25+$0x10];
	v1 =	vmul.f32 v2, v1;
	v2 =	vmul.f32 v5, v4  }
0x647: {  	v4 =	vld [tilespmem:s28+$0x10];
	v5 =	vmul.f32 v8, v6;
	v6 =	vmul.f32 v10, v9  }
0x648: {  	v8 =	vld [tilespmem:s25+$0x20]  }
0x649: {  	v9 =	vmul.f32 v12, v11;
	v11 =	vld [tilespmem:s28+$0x20];
	v1 =	vadd.f32 v2, v1;
	v2 =	vadd.f32 v6, v5  }
0x64a: {  	v10 =	vmul.f32 v14, v13;
	v14 =	vld [tilespmem:s25+$0x30];
	v12 =	vmul.f32 v16, v15  }
0x64b: {  	v55 =	vld [tilespmem:s25+$0xFFFFFF00];
	v13 =	vmul.f32 v18, v17;
	v1 =	vadd.f32 v2, v1;
	v2 =	vmul.f32 v22, v21  }
0x64c: {  	v53 =	vld [tilespmem:s25+$0x70];
	v15 =	vmul.f32 v28, v27;
	v17 =	vmul.f32 v30, v29  }
0x64d: {  	v57 =	vld [tilespmem:s28+$0x70];
	v18 =	vmul.f32 v32, v31;
	v52 =	vmul.f32 v40, v39  }
0x64e: {  	v5 =	vld [tilespmem:s28+$0x30];
	v54 =	vmul.f32 v44, v43;
	v56 =	vmul.f32 v48, v47  }
0x64f: {  	v6 =	vadd.f32 v10, v9;
	v10 =	vld [tilespmem:s25+$0x40];
	v58 =	vmul.f32 v50, v49;
	v4 =	vmul.f32 v4, v51  }
0x650: {  	v16 =	vld [tilespmem:s25+$0x50];
	v8 =	vmul.f32 v11, v8;
	v0 =	vmul.f32 v0, v55;
	v9 =	vadd.f32 v13, v12  }
0x651: {  	v12 =	vmul.f32 v20, v19;
	v13 =	vld [tilespmem:s28+$0x40];
	v20 =	vmul.f32 v36, v35  }
0x652: {  	v19 =	vld [tilespmem:s28+$0x50];
	v17 =	vadd.f32 v18, v17;
	v6 =	vadd.f32 v9, v6;
	v9 =	vmul.f32 v26, v25  }
0x653: {  	v36 =	vld [tilespmem:s28+$0x60];
	v18 =	vmul.f32 v34, v33;
	v5 =	vmul.f32 v5, v14;
	v4 =	vadd.f32 v4, v58  }
0x654: {  	v1 =	vadd.f32 v6, v1;
	v6 =	vmul.f32 v24, v23;
	v9 =	vadd.f32 v15, v9;
	v15 =	vld [tilespmem:s25+$0x60]  }
0x655: {  	v0 =	vadd.f32 v12, v0;
	v18 =	vadd.f32 v20, v18;
	v20 =	vmul.f32 v46, v45  }
0x656: {  	v5 =	vadd.f32 v5, v8;
	v2 =	vadd.f32 v6, v2;
	v6 =	vmul.f32 v38, v37  }
0x657: {  	v20 =	vadd.f32 v56, v20;
	v9 =	vadd.f32 v17, v9;
	v17 =	vmul.f32 v42, v41  }
0x658: {  	v10 =	vmul.f32 v13, v10;
	v13 =	vmul.f32 v19, v16;
	v6 =	vadd.f32 v52, v6  }
0x659: {  	v17 =	vadd.f32 v54, v17;
	v14 =	vmul.f32 v36, v15;
	v15 =	vmul.f32 v57, v53  }
0x65a: {  	v8 =	vadd.f32 v13, v10;
	v6 =	vadd.f32 v6, v18  }
0x65b: {  	v11 =	vadd.f32 v20, v17;
	v10 =	vadd.f32 v15, v14  }
0x65c: {  	v0 =	vadd.f32 v2, v0;
	v2 =	vadd.f32 v5, v4  }
0x65d: {  	v6 =	vadd.f32 v11, v6;
	v4 =	vadd.f32 v10, v8  }
0x65e: {  	(xrf2) =	vadd.scan.msk.f32 $0xffff, v1;
	v0 =	vadd.f32 v9, v0  }
0x65f: {  	s0 =	sadd.s32 $0x3, s30;
	(xrf2) =	vadd.scan.msk.f32 $0xffff, v6;
	v1 =	vadd.f32 v4, v2  }
0x660: {  	s31 =	sadd.s32 $0x1, s30;
	v2 =	vbroadcast v7, $0x0;
	v4 =	vmov s0;
	(xrf2) =	vadd.scan.msk.f32 $0xffff, v0  }
0x661: {  	v0 =	vbroadcast v3, $0x0;
	v3 =	vadd.s32 $0x180, v4;
	v4 =	vmov s31;
	(xrf2) =	vadd.scan.msk.f32 $0xffff, v1  }
0x662: {  	s4 =	sadd.s32 $0x2, s30;
	v1 =	vbroadcast v3, $0x0;
	v3 =	vadd.s32 $0x180, v4;
	v4 =	vmov s30  }
0x663: {  	v5 =	vmov s4;
	v3 =	vand.u32 $0xFFFFFFFD, v3;
	v4 =	vadd.s32 $0x180, v4  }
0x664: {  	v5 =	vadd.s32 $0x180, v5;
	v3 =	vbroadcast v3, $0x0;
	v4 =	vand.u32 $0xFFFFFFFC, v4  }
0x665: {  	v5 =	vand.u32 $0xFFFFFFFE, v5;
	v4 =	vbroadcast v4, $0x0  }
0x666: {  	v5 =	vbroadcast v5, $0x0;
	v6, _, _ =	vpop (xrf2)  }
0x667: {  	v7, _, _ =	vpop (xrf2);
	[tilespmem:v2+s5+$0x0] =	vst.idx.msk vm0, v6  }
0x668: {  	v2, _, _ =	vpop (xrf2);
	[tilespmem:v0+s5+$0x0] =	vst.idx.msk vm0, v7  }
0x669: {  	[tilespmem:v1+s5+$0x0] =	vst.idx.msk vm0, v2;
	v0, _, _ =	vpop (xrf2)  }
0x66a: {  	[tilespmem:v3+s5+$0x0] =	vst.idx.msk vm0, v0;
	v0, _, _ =	vpop (xrf2)  }
0x66b: {  	[tilespmem:v4+s5+$0x0] =	vst.idx.msk vm0, v0;
	v0, _, _ =	vpop (xrf2)  }
0x66c: {  	[tilespmem:v5+s5+$0x0] =	vst.idx.msk vm0, v0  }
0x66d: {  	_ =	swait.ge [sflag:s16], $0x2000  }
0x66e: {  	[sflag:s16] =	ssyncset.done $0x0  }
0x66f: {  	[sflag:s16] =	ssyncadd.s32 $0xFFFFE000  }
0x670: {  	_ =	swait.ge [sflag:s16], $0x2000  }
0x671: {  	[sflag:s16] =	ssyncset.done $0x0  }
0x672: {  	s13 =	simm.s32 $0x2500;
	[sflag:s16] =	ssyncadd.s32 $0xFFFFE000  }
0x673: {  	s22 =	simm.s32 $0xE500;
	v0 =	vld [tilespmem:s13+$0x80]  }
0x674: {  	v1 =	vld [tilespmem:s22+$0x80]  }
0x675: {  	v2 =	vld [tilespmem:s13+$0x90]  }
0x676: {  	v3 =	vld [tilespmem:s22+$0x90]  }
0x677: {  	v4 =	vld [tilespmem:s13+$0xA0]  }
0x678: {  	v5 =	vld [tilespmem:s22+$0xA0]  }
0x679: {  	v6 =	vld [tilespmem:s13+$0xB0]  }
0x67a: {  	v7 =	vld [tilespmem:s22+$0xB0]  }
0x67b: {  	v8 =	vld [tilespmem:s13+$0xC0]  }
0x67c: {  	v9 =	vld [tilespmem:s22+$0xC0]  }
0x67d: {  	v10 =	vld [tilespmem:s13+$0xD0]  }
0x67e: {  	v11 =	vld [tilespmem:s22+$0xD0]  }
0x67f: {  	v12 =	vld [tilespmem:s13+$0xE0]  }
0x680: {  	v13 =	vld [tilespmem:s22+$0xE0]  }
0x681: {  	v14 =	vld [tilespmem:s13+$0xF0]  }
0x682: {  	v15 =	vld [tilespmem:s22+$0xF0]  }
0x683: {  	v16 =	vld [tilespmem:s22+$0xFFFFFF00]  }
0x684: {  	v17 =	vld [tilespmem:s13+$0xFFFFFF10]  }
0x685: {  	v18 =	vld [tilespmem:s22+$0xFFFFFF10]  }
0x686: {  	v19 =	vld [tilespmem:s13+$0xFFFFFF20]  }
0x687: {  	v20 =	vld [tilespmem:s22+$0xFFFFFF20]  }
0x688: {  	v21 =	vld [tilespmem:s13+$0xFFFFFF30]  }
0x689: {  	v22 =	vld [tilespmem:s22+$0xFFFFFF30]  }
0x68a: {  	v23 =	vld [tilespmem:s13+$0xFFFFFF40]  }
0x68b: {  	v24 =	vld [tilespmem:s22+$0xFFFFFF40]  }
0x68c: {  	v25 =	vld [tilespmem:s13+$0xFFFFFF50]  }
0x68d: {  	v26 =	vld [tilespmem:s22+$0xFFFFFF50]  }
0x68e: {  	v27 =	vld [tilespmem:s13+$0xFFFFFF60]  }
0x68f: {  	v28 =	vld [tilespmem:s22+$0xFFFFFF60]  }
0x690: {  	v29 =	vld [tilespmem:s13+$0xFFFFFF70]  }
0x691: {  	v30 =	vld [tilespmem:s22+$0xFFFFFF70]  }
0x692: {  	v31 =	vld [tilespmem:s13+$0xFFFFFF80]  }
0x693: {  	v32 =	vld [tilespmem:s22+$0xFFFFFF80]  }
0x694: {  	v33 =	vld [tilespmem:s13+$0xFFFFFF90]  }
0x695: {  	v34 =	vld [tilespmem:s22+$0xFFFFFF90]  }
0x696: {  	v35 =	vld [tilespmem:s13+$0xFFFFFFA0]  }
0x697: {  	v36 =	vld [tilespmem:s22+$0xFFFFFFA0]  }
0x698: {  	v37 =	vld [tilespmem:s13+$0xFFFFFFB0]  }
0x699: {  	v38 =	vld [tilespmem:s22+$0xFFFFFFB0]  }
0x69a: {  	v39 =	vld [tilespmem:s13+$0xFFFFFFC0]  }
0x69b: {  	v40 =	vld [tilespmem:s22+$0xFFFFFFC0]  }
0x69c: {  	v41 =	vld [tilespmem:s13+$0xFFFFFFD0]  }
0x69d: {  	v42 =	vld [tilespmem:s22+$0xFFFFFFD0]  }
0x69e: {  	v43 =	vld [tilespmem:s13+$0xFFFFFFE0]  }
0x69f: {  	v59 =	vld [tilespmem:s22+$0xFFFFFFE0]  }
0x6a0: {  	v60 =	vld [tilespmem:s13+$0xFFFFFFF0]  }
0x6a1: {  	v61 =	vld [tilespmem:s22+$0xFFFFFFF0]  }
0x6a2: {  	v62 =	vld [tilespmem:s13+$0x0]  }
0x6a3: {  	v63 =	vld [tilespmem:s22+$0x0]  }
0x6a4: {  	v56 =	vld [tilespmem:s13+$0x10]  }
0x6a5: {  	v57 =	vld [tilespmem:s22+$0x10];
	v0 =	vmul.f32 v1, v0  }
0x6a6: {  	v58 =	vld [tilespmem:s13+$0x20];
	v1 =	vmul.f32 v3, v2;
	v2 =	vmul.f32 v5, v4  }
0x6a7: {  	v52 =	vld [tilespmem:s22+$0x20];
	v4 =	vmul.f32 v7, v6;
	v5 =	vmul.f32 v9, v8  }
0x6a8: {  	v3 =	vld [tilespmem:s13+$0x30];
	v7 =	vmul.f32 v11, v10;
	v8 =	vmul.f32 v13, v12  }
0x6a9: {  	v6 =	vld [tilespmem:s22+$0x30];
	v10 =	vmul.f32 v15, v14;
	v12 =	vmul.f32 v38, v37  }
0x6aa: {  	v9 =	vld [tilespmem:s13+$0x40];
	v14 =	vmul.f32 v42, v41;
	v17 =	vmul.f32 v18, v17  }
0x6ab: {  	v11 =	vld [tilespmem:s22+$0x40];
	v18 =	vmul.f32 v24, v23;
	v0 =	vadd.f32 v1, v0;
	v1 =	vadd.f32 v4, v2  }
0x6ac: {  	v13 =	vld [tilespmem:s22+$0x50];
	v2 =	vadd.f32 v7, v5;
	v4 =	vmul.f32 v32, v31;
	v8 =	vadd.f32 v10, v8  }
0x6ad: {  	v15 =	vld [tilespmem:s13+$0x60];
	v5 =	vmul.f32 v34, v33;
	v10 =	vmul.f32 v36, v35  }
0x6ae: {  	v7 =	vld [tilespmem:s13+$0x50];
	v0 =	vadd.f32 v1, v0;
	v1 =	vmul.f32 v40, v39;
	v2 =	vadd.f32 v8, v2  }
0x6af: {  	v8 =	vmul.f32 v59, v43;
	v59 =	vmul.f32 v61, v60;
	v60 =	vld [tilespmem:s22+$0x60];
	v4 =	vadd.f32 v5, v4  }
0x6b0: {  	v5 =	vadd.f32 v12, v10;
	v10 =	vld [tilespmem:s13+$0x70];
	v12 =	vmul.f32 v20, v19;
	v61 =	vmul.f32 v63, v62  }
0x6b1: {  	s25 =	simm.s32 $0x2700;
	v19 =	vld [tilespmem:s13+$0xFFFFFF00];
	v62 =	vmul.f32 v57, v56;
	v1 =	vadd.f32 v14, v1;
	v8 =	vadd.f32 v59, v8  }
0x6b2: {  	v3 =	vmul.f32 v6, v3;
	v6 =	vld [tilespmem:s25+$0xA0];
	v0 =	vadd.f32 v2, v0;
	v2 =	vmul.f32 v22, v21  }
0x6b3: {  	v20 =	vmul.f32 v26, v25;
	v14 =	vld [tilespmem:s22+$0x70];
	v4 =	vadd.f32 v5, v4;
	v5 =	vadd.f32 v8, v1  }
0x6b4: {  	s28 =	simm.s32 $0xE700;
	v22 =	vadd.f32 v62, v61;
	v7 =	vmul.f32 v13, v7;
	v1 =	vld [tilespmem:s25+$0x80];
	v21 =	vadd.f32 v2, v12  }
0x6b5: {  	v8 =	vmul.f32 v28, v27;
	v12 =	vmul.f32 v30, v29;
	v2 =	vld [tilespmem:s28+$0x80];
	(xrf2) =	vadd.scan.msk.f32 $0xffff, v0;
	v63 =	vadd.f32 v5, v4  }
0x6b6: {  	s29 =	simm.s32 $0x1;
	v0 =	vadd.f32 v20, v18;
	v18 =	vmul.f32 v52, v58;
	v13 =	vmul.f32 v60, v15;
	v4 =	vld [tilespmem:s25+$0x90]  }
0x6b7: {  	s26 =	simm.s32 $0x3;
	v15 =	vmov s29;
	v16 =	vmul.f32 v16, v19;
	v5 =	vld [tilespmem:s28+$0x90];
	v20 =	vadd.f32 v12, v8;
	(xrf2) =	vadd.scan.msk.f32 $0xffff, v63  }
0x6b8: {  	v12 =	vmul.f32 v11, v9;
	v3 =	vadd.f32 v3, v18;
	v11 =	vmov s26;
	v8 =	vld [tilespmem:s28+$0xA0]  }
0x6b9: {  	v9 =	vld [tilespmem:s25+$0xB0];
	v15 =	vadd.s32 $0x1C0, v15;
	v11 =	vadd.s32 $0x1C0, v11;
	v16 =	vadd.f32 v17, v16  }
0x6ba: {  	v14 =	vmul.f32 v14, v10;
	v10 =	vld [tilespmem:s28+$0xB0];
	v15 =	vand.u32 $0xFFFFFFFD, v15;
	v18 =	vbroadcast v11, $0x0  }
0x6bb: {  	v11 =	vld [tilespmem:s25+$0xC0];
	v19 =	vbroadcast v15, $0x0;
	v0 =	vadd.f32 v20, v0;
	v15 =	vadd.f32 v21, v16  }
0x6bc: {  	v7 =	vadd.f32 v7, v12;
	v12 =	vld [tilespmem:s28+$0xC0];
	v14 =	vadd.f32 v14, v13  }
0x6bd: {  	v13 =	vld [tilespmem:s25+$0xD0];
	v0 =	vadd.f32 v0, v15  }
0x6be: {  	v3 =	vadd.f32 v3, v22;
	v16 =	vld [tilespmem:s28+$0xE0];
	v7 =	vadd.f32 v14, v7  }
0x6bf: {  	s4 =	simm.s32 $0x2;
	s31 =	simm.s32 $0x0;
	v14 =	vld [tilespmem:s28+$0xD0];
	v17, _, _ =	vpop (xrf2);
	(xrf2) =	vadd.scan.msk.f32 $0xffff, v0  }
0x6c0: {  	v15 =	vld [tilespmem:s25+$0xE0];
	v20 =	vadd.f32 v7, v3;
	v3 =	vmov s31;
	v7 =	vmov s4  }
0x6c1: {  	v0 =	vadd.s32 $0x1C0, v3;
	v3 =	vadd.s32 $0x1C0, v7;
	[tilespmem:v18+s5+$0x0] =	vst.idx.msk vm0, v17;
	v17 =	vld [tilespmem:s25+$0xF0];
	v18, _, _ =	vpop (xrf2)  }
0x6c2: {  	s0 =	simm.s32 $0x8;
	s30 =	simm.s32 $0x4;
	v7 =	vand.u32 $0xFFFFFFFC, v0;
	v3 =	vand.u32 $0xFFFFFFFE, v3;
	(xrf2) =	vadd.scan.msk.f32 $0xffff, v20;
	[tilespmem:v19+s5+$0x0] =	vst.idx.msk vm0, v18;
	v18 =	vld [tilespmem:s28+$0xF0]  }
.LBB2_16:
0x6c3: {  	p0 =	slt.u32 s0, $0x3C;
	v0 =	vld [tilespmem:s28+$0xFFFFFF00];
	v7 =	vbroadcast v7, $0x0;
	v19 =	vbroadcast v3, $0x0  }
0x6c4: {  	v1 =	vmul.f32 v2, v1;
	v2 =	vmul.f32 v5, v4;
	v3 =	vld [tilespmem:s25+$0xFFFFFF10]  }
0x6c5: {  	v5 =	vmul.f32 v8, v6;
	v6 =	vmul.f32 v10, v9;
	v4 =	vld [tilespmem:s28+$0xFFFFFF10]  }
0x6c6: {  	v9 =	vmul.f32 v12, v11;
	v20 =	vmul.f32 v14, v13;
	v8 =	vld [tilespmem:s25+$0xFFFFFF20]  }
0x6c7: {  	v12 =	vmul.f32 v16, v15;
	v11 =	vld [tilespmem:s28+$0xFFFFFF20];
	v13 =	vmul.f32 v18, v17  }
0x6c8: {  	v1 =	vadd.f32 v2, v1;
	v2 =	vadd.f32 v6, v5;
	v14 =	vld [tilespmem:s25+$0xFFFFFF30]  }
0x6c9: {  	v6 =	vadd.f32 v20, v9;
	v5 =	vld [tilespmem:s28+$0xFFFFFF30];
	v12 =	vadd.f32 v13, v12;
	v10, _, _ =	vpop (xrf2)  }
0x6ca: {  	v3 =	vmul.f32 v4, v3;
	v4 =	vld [tilespmem:s25+$0xFFFFFF40];
	[tilespmem:v7+s5+$0x0] =	vst.idx.msk vm0, v10  }
0x6cb: {  	v1 =	vadd.f32 v2, v1;
	v7 =	vld [tilespmem:s28+$0xFFFFFF40];
	v2 =	vadd.f32 v12, v6  }
0x6cc: {  	v6 =	vmul.f32 v11, v8;
	v8 =	vld [tilespmem:s25+$0xFFFFFF50];
	v9, _, _ =	vpop (xrf2)  }
0x6cd: {  	v10 =	vld [tilespmem:s28+$0xFFFFFF50];
	v1 =	vadd.f32 v2, v1;
	[tilespmem:v19+s5+$0x0] =	vst.idx.msk vm0, v9  }
0x6ce: {  	v2 =	vmul.f32 v5, v14;
	v5 =	vld [tilespmem:s25+$0xFFFFFF60]  }
0x6cf: {  	v9 =	vld [tilespmem:s28+$0xFFFFFF60];
	(xrf2) =	vadd.scan.msk.f32 $0xffff, v1  }
0x6d0: {  	v1 =	vmul.f32 v7, v4;
	v4 =	vld [tilespmem:s25+$0xFFFFFF70];
	v7 =	vadd.f32 v2, v6  }
0x6d1: {  	s4 =	sadd.s32 $0x3, s30;
	v2 =	vld [tilespmem:s28+$0xFFFFFF70]  }
0x6d2: {  	v6 =	vmul.f32 v10, v8;
	v8 =	vld [tilespmem:s25+$0xFFFFFF80];
	v10 =	vmov s4  }
0x6d3: {  	v11 =	vld [tilespmem:s28+$0xFFFFFF80];
	v10 =	vadd.s32 $0x1C0, v10  }
0x6d4: {  	v5 =	vmul.f32 v9, v5;
	v1 =	vadd.f32 v6, v1;
	v6 =	vld [tilespmem:s25+$0xFFFFFF90];
	v9 =	vbroadcast v10, $0x0  }
0x6d5: {  	v10 =	vld [tilespmem:s28+$0xFFFFFF90]  }
0x6d6: {  	v2 =	vmul.f32 v2, v4;
	v4 =	vld [tilespmem:s25+$0xFFFFFFA0]  }
0x6d7: {  	v12 =	vld [tilespmem:s28+$0xFFFFFFA0]  }
0x6d8: {  	v2 =	vadd.f32 v2, v5;
	v5 =	vmul.f32 v11, v8;
	v8 =	vld [tilespmem:s25+$0xFFFFFFB0]  }
0x6d9: {  	v11 =	vld [tilespmem:s28+$0xFFFFFFB0];
	v13, _, _ =	vpop (xrf2)  }
0x6da: {  	v14 =	vadd.f32 v2, v1;
	v1 =	vmul.f32 v10, v6;
	v2 =	vld [tilespmem:s25+$0xFFFFFFC0];
	[tilespmem:v9+s5+$0x0] =	vst.idx.msk vm0, v13  }
0x6db: {  	v6 =	vld [tilespmem:s28+$0xFFFFFFC0]  }
0x6dc: {  	v4 =	vmul.f32 v12, v4;
	v9 =	vld [tilespmem:s25+$0xFFFFFFD0];
	v1 =	vadd.f32 v1, v5  }
0x6dd: {  	v5 =	vld [tilespmem:s28+$0xFFFFFFD0]  }
0x6de: {  	v8 =	vmul.f32 v11, v8;
	v10 =	vld [tilespmem:s25+$0xFFFFFFE0]  }
0x6df: {  	v11 =	vld [tilespmem:s28+$0xFFFFFFE0]  }
0x6e0: {  	v2 =	vmul.f32 v6, v2;
	v6 =	vld [tilespmem:s25+$0xFFFFFFF0];
	v4 =	vadd.f32 v8, v4  }
0x6e1: {  	v8 =	vld [tilespmem:s28+$0xFFFFFFF0]  }
0x6e2: {  	v5 =	vmul.f32 v5, v9;
	v1 =	vadd.f32 v4, v1;
	v4 =	vld [tilespmem:s25+$0x0]  }
0x6e3: {  	v9 =	vld [tilespmem:s28+$0x0]  }
0x6e4: {  	v10 =	vmul.f32 v11, v10;
	v2 =	vadd.f32 v5, v2;
	v5 =	vld [tilespmem:s25+$0x10]  }
0x6e5: {  	v11 =	vld [tilespmem:s28+$0x10]  }
0x6e6: {  	v6 =	vmul.f32 v8, v6;
	v8 =	vld [tilespmem:s25+$0x20]  }
0x6e7: {  	v12 =	vld [tilespmem:s28+$0x20]  }
0x6e8: {  	v6 =	vadd.f32 v6, v10;
	v4 =	vmul.f32 v9, v4;
	v9 =	vld [tilespmem:s25+$0x30]  }
0x6e9: {  	v10 =	vld [tilespmem:s28+$0x30]  }
0x6ea: {  	v2 =	vadd.f32 v6, v2;
	v5 =	vmul.f32 v11, v5;
	v6 =	vld [tilespmem:s25+$0x40]  }
0x6eb: {  	v11 =	vld [tilespmem:s28+$0x40]  }
0x6ec: {  	v1 =	vadd.f32 v2, v1;
	v2 =	vmul.f32 v12, v8;
	v8 =	vld [tilespmem:s25+$0x50];
	v4 =	vadd.f32 v5, v4  }
0x6ed: {  	v5 =	vld [tilespmem:s28+$0x50]  }
0x6ee: {  	v9 =	vmul.f32 v10, v9;
	v10 =	vld [tilespmem:s25+$0x60];
	(xrf2) =	vadd.scan.msk.f32 $0xffff, v1  }
0x6ef: {  	s4 =	sadd.s32 $0x1, s30;
	v12 =	vld [tilespmem:s28+$0x60]  }
0x6f0: {  	v1 =	vmov s4;
	v6 =	vmul.f32 v11, v6;
	v11 =	vld [tilespmem:s25+$0x70];
	v2 =	vadd.f32 v9, v2  }
0x6f1: {  	v1 =	vadd.s32 $0x1C0, v1;
	v9 =	vld [tilespmem:s28+$0x70]  }
0x6f2: {  	v15 =	vand.u32 $0xFFFFFFFD, v1;
	v13 =	vld [tilespmem:s25+$0xFFFFFF00];
	v5 =	vmul.f32 v5, v8;
	v16 =	vadd.f32 v2, v4;
	s25 =	sadd.s32 $0x200, s25  }
0x6f3: {  	v15 =	vbroadcast v15, $0x0;
	s28 =	sadd.s32 $0x200, s28;
	v1 =	vld [tilespmem:s25+$0x80]  }
0x6f4: {  	v2 =	vld [tilespmem:s28+$0x80];
	v10 =	vmul.f32 v12, v10;
	v12 =	vadd.f32 v5, v6  }
0x6f5: {  	v4 =	vld [tilespmem:s25+$0x90]  }
0x6f6: {  	v5 =	vld [tilespmem:s28+$0x90];
	v9 =	vmul.f32 v9, v11  }
0x6f7: {  	v6 =	vld [tilespmem:s25+$0xA0];
	v0 =	vmul.f32 v0, v13  }
0x6f8: {  	v8 =	vld [tilespmem:s28+$0xA0];
	v11 =	vadd.f32 v9, v10;
	v10, _, _ =	vpop (xrf2)  }
0x6f9: {  	v9 =	vld [tilespmem:s25+$0xB0];
	v0 =	vadd.f32 v3, v0;
	[tilespmem:v15+s5+$0x0] =	vst.idx.msk vm0, v10  }
0x6fa: {  	v10 =	vld [tilespmem:s28+$0xB0];
	v3 =	vadd.f32 v11, v12  }
0x6fb: {  	v11 =	vld [tilespmem:s25+$0xC0];
	v0 =	vadd.f32 v7, v0  }
0x6fc: {  	v12 =	vld [tilespmem:s28+$0xC0];
	v19 =	vadd.f32 v3, v16  }
0x6fd: {  	v13 =	vld [tilespmem:s25+$0xD0];
	v0 =	vadd.f32 v14, v0  }
.Ltmp7:
0x6fe: {  	v14 =	vld [tilespmem:s28+$0xD0];
	(pc) =	sbr.rel @p0 .LBB2_16-.Ltmp7, $4  }
0x6ff: {  	s4 =	sadd.s32 $0x2, s30;
	v15 =	vld [tilespmem:s25+$0xE0];
	(xrf2) =	vadd.scan.msk.f32 $0xffff, v0  }
0x700: {  	v3 =	vmov s4;
	v0 =	vmov s30;
	s30 =	smov.u32 s0;
	v16 =	vld [tilespmem:s28+$0xE0]  }
0x701: {  	v3 =	vadd.s32 $0x1C0, v3;
	v0 =	vadd.s32 $0x1C0, v0;
	v17 =	vld [tilespmem:s25+$0xF0]  }
0x702: {  	v3 =	vand.u32 $0xFFFFFFFE, v3;
	s0 =	sadd.s32 $0x4, s0;
	v7 =	vand.u32 $0xFFFFFFFC, v0;
	v18 =	vld [tilespmem:s28+$0xF0];
	(xrf2) =	vadd.scan.msk.f32 $0xffff, v19  }
0x703: {  	v0 =	vld [tilespmem:s28+$0xFFFFFF00]  }
0x704: {  	v19 =	vld [tilespmem:s25+$0xFFFFFF10]  }
0x705: {  	v20 =	vld [tilespmem:s28+$0xFFFFFF10]  }
0x706: {  	v21 =	vld [tilespmem:s25+$0xFFFFFF20]  }
0x707: {  	v22 =	vld [tilespmem:s28+$0xFFFFFF20]  }
0x708: {  	v23 =	vld [tilespmem:s25+$0xFFFFFF30]  }
0x709: {  	v24 =	vld [tilespmem:s28+$0xFFFFFF30]  }
0x70a: {  	v25 =	vld [tilespmem:s25+$0xFFFFFF40]  }
0x70b: {  	v26 =	vld [tilespmem:s28+$0xFFFFFF40]  }
0x70c: {  	v27 =	vld [tilespmem:s25+$0xFFFFFF50]  }
0x70d: {  	v28 =	vld [tilespmem:s28+$0xFFFFFF50]  }
0x70e: {  	v29 =	vld [tilespmem:s25+$0xFFFFFF60]  }
0x70f: {  	v30 =	vld [tilespmem:s28+$0xFFFFFF60]  }
0x710: {  	v31 =	vld [tilespmem:s25+$0xFFFFFF70]  }
0x711: {  	v32 =	vld [tilespmem:s28+$0xFFFFFF70]  }
0x712: {  	v33 =	vld [tilespmem:s25+$0xFFFFFF80]  }
0x713: {  	v34 =	vld [tilespmem:s28+$0xFFFFFF80]  }
0x714: {  	v35 =	vld [tilespmem:s25+$0xFFFFFF90]  }
0x715: {  	v36 =	vld [tilespmem:s28+$0xFFFFFF90]  }
0x716: {  	v37 =	vld [tilespmem:s25+$0xFFFFFFA0]  }
0x717: {  	v38 =	vld [tilespmem:s28+$0xFFFFFFA0]  }
0x718: {  	v39 =	vld [tilespmem:s25+$0xFFFFFFB0]  }
0x719: {  	v40 =	vld [tilespmem:s28+$0xFFFFFFB0]  }
0x71a: {  	v41 =	vld [tilespmem:s25+$0xFFFFFFC0]  }
0x71b: {  	v42 =	vld [tilespmem:s28+$0xFFFFFFC0]  }
0x71c: {  	v43 =	vld [tilespmem:s25+$0xFFFFFFD0]  }
0x71d: {  	v44 =	vld [tilespmem:s28+$0xFFFFFFD0]  }
0x71e: {  	v45 =	vld [tilespmem:s25+$0xFFFFFFE0]  }
0x71f: {  	v46 =	vld [tilespmem:s28+$0xFFFFFFE0]  }
0x720: {  	v47 =	vld [tilespmem:s25+$0xFFFFFFF0]  }
0x721: {  	v48 =	vld [tilespmem:s28+$0xFFFFFFF0]  }
0x722: {  	v49 =	vld [tilespmem:s25+$0x0]  }
0x723: {  	v50 =	vld [tilespmem:s28+$0x0]  }
0x724: {  	v51 =	vld [tilespmem:s25+$0x10];
	v1 =	vmul.f32 v2, v1;
	v2 =	vmul.f32 v5, v4  }
0x725: {  	v4 =	vld [tilespmem:s28+$0x10];
	v5 =	vmul.f32 v8, v6;
	v6 =	vmul.f32 v10, v9  }
0x726: {  	v8 =	vld [tilespmem:s25+$0x20];
	v54 =	vmul.f32 v12, v11  }
0x727: {  	v55 =	vmul.f32 v14, v13;
	v11 =	vld [tilespmem:s28+$0x20];
	v1 =	vadd.f32 v2, v1;
	v2 =	vadd.f32 v6, v5  }
0x728: {  	v14 =	vld [tilespmem:s25+$0x30];
	v56 =	vmul.f32 v16, v15;
	v57 =	vmul.f32 v18, v17  }
0x729: {  	v59 =	vld [tilespmem:s25+$0x40];
	v1 =	vadd.f32 v2, v1;
	v12 =	vmul.f32 v20, v19;
	v2 =	vmul.f32 v22, v21  }
0x72a: {  	v60 =	vld [tilespmem:s28+$0x40];
	v61 =	vmul.f32 v26, v25;
	v62 =	vmul.f32 v28, v27  }
0x72b: {  	v63 =	vld [tilespmem:s25+$0x50];
	v29 =	vmul.f32 v30, v29;
	v30 =	vmul.f32 v32, v31  }
0x72c: {  	v53 =	vld [tilespmem:s25+$0xFFFFFF00];
	v34 =	vmul.f32 v34, v33;
	v35 =	vmul.f32 v36, v35  }
0x72d: {  	v5 =	vld [tilespmem:s28+$0x30];
	v39 =	vmul.f32 v40, v39;
	v42 =	vmul.f32 v42, v41  }
0x72e: {  	v6 =	vadd.f32 v55, v54;
	v31 =	vld [tilespmem:s28+$0x50];
	v52 =	vmul.f32 v44, v43;
	v54 =	vmul.f32 v46, v45  }
0x72f: {  	v32 =	vld [tilespmem:s25+$0x60];
	v55 =	vmul.f32 v48, v47;
	v4 =	vmul.f32 v4, v51;
	v58 =	vadd.f32 v57, v56  }
0x730: {  	v36 =	vld [tilespmem:s28+$0x60];
	v8 =	vmul.f32 v11, v8;
	v10 =	vmul.f32 v60, v59  }
0x731: {  	v40 =	vld [tilespmem:s25+$0x70];
	v0 =	vmul.f32 v0, v53;
	v9 =	vadd.f32 v62, v61;
	v6 =	vadd.f32 v58, v6  }
0x732: {  	v56 =	vld [tilespmem:s28+$0x70];
	v57 =	vmul.f32 v50, v49;
	v17 =	vadd.f32 v30, v29;
	v18 =	vadd.f32 v35, v34  }
0x733: {  	v20 =	vadd.f32 v55, v54;
	v1 =	vadd.f32 v6, v1;
	v6 =	vmul.f32 v24, v23  }
0x734: {  	v5 =	vmul.f32 v5, v14;
	v0 =	vadd.f32 v12, v0;
	v4 =	vadd.f32 v4, v57  }
0x735: {  	v9 =	vadd.f32 v17, v9;
	v2 =	vadd.f32 v6, v2;
	v6 =	vmul.f32 v38, v37  }
0x736: {  	v17 =	vadd.f32 v52, v42;
	v5 =	vadd.f32 v5, v8;
	v59 =	vmul.f32 v31, v63  }
0x737: {  	v60 =	vmul.f32 v36, v32;
	v61 =	vmul.f32 v56, v40;
	v6 =	vadd.f32 v39, v6  }
0x738: {  	v58 =	vadd.f32 v20, v17;
	v62 =	vadd.f32 v59, v10  }
0x739: {  	v63 =	vadd.f32 v61, v60;
	v6 =	vadd.f32 v6, v18  }
0x73a: {  	v0 =	vadd.f32 v2, v0;
	v2 =	vadd.f32 v5, v4  }
0x73b: {  	v4 =	vadd.f32 v63, v62;
	v6 =	vadd.f32 v58, v6  }
0x73c: {  	(xrf2) =	vadd.scan.msk.f32 $0xffff, v1;
	v0 =	vadd.f32 v9, v0  }
0x73d: {  	s0 =	sadd.s32 $0x3, s30;
	v1 =	vadd.f32 v4, v2;
	(xrf2) =	vadd.scan.msk.f32 $0xffff, v6  }
0x73e: {  	s29 =	sadd.s32 $0x1, s30;
	v2 =	vbroadcast v7, $0x0;
	v4 =	vmov s0;
	(xrf2) =	vadd.scan.msk.f32 $0xffff, v0  }
0x73f: {  	v0 =	vbroadcast v3, $0x0;
	v3 =	vadd.s32 $0x1C0, v4;
	v4 =	vmov s29;
	(xrf2) =	vadd.scan.msk.f32 $0xffff, v1  }
0x740: {  	s31 =	sadd.s32 $0x2, s30;
	v1 =	vbroadcast v3, $0x0;
	v3 =	vadd.s32 $0x1C0, v4;
	v4 =	vmov s30  }
0x741: {  	v5 =	vmov s31;
	v3 =	vand.u32 $0xFFFFFFFD, v3;
	v4 =	vadd.s32 $0x1C0, v4  }
0x742: {  	v5 =	vadd.s32 $0x1C0, v5;
	v3 =	vbroadcast v3, $0x0;
	v4 =	vand.u32 $0xFFFFFFFC, v4  }
0x743: {  	v5 =	vand.u32 $0xFFFFFFFE, v5;
	v4 =	vbroadcast v4, $0x0  }
0x744: {  	v5 =	vbroadcast v5, $0x0;
	v6, _, _ =	vpop (xrf2)  }
0x745: {  	v7, _, _ =	vpop (xrf2);
	[tilespmem:v2+s5+$0x0] =	vst.idx.msk vm0, v6  }
0x746: {  	v2, _, _ =	vpop (xrf2);
	[tilespmem:v0+s5+$0x0] =	vst.idx.msk vm0, v7  }
0x747: {  	[tilespmem:v1+s5+$0x0] =	vst.idx.msk vm0, v2;
	v0, _, _ =	vpop (xrf2)  }
0x748: {  	[tilespmem:v3+s5+$0x0] =	vst.idx.msk vm0, v0;
	v0, _, _ =	vpop (xrf2)  }
0x749: {  	[tilespmem:v4+s5+$0x0] =	vst.idx.msk vm0, v0;
	v0, _, _ =	vpop (xrf2)  }
0x74a: {  	[tilespmem:v5+s5+$0x0] =	vst.idx.msk vm0, v0  }
0x74b: {  	_ =	swait.ge [sflag:s14], $0x40  }
0x74c: {  	[sflag:s14] =	ssyncset.done $0x0  }
0x74d: {  	[sflag:s14] =	ssyncadd.s32 $0xFFFFFFC0  }
0x74e: {  	_ =	swait.ge [sflag:s14], $0x40  }
0x74f: {  	[sflag:s14] =	ssyncset.done $0x0  }
0x750: {  	[sflag:s14] =	ssyncadd.s32 $0xFFFFFFC0  }
0x751: {  	_ =	swait.ge [sflag:s14], $0x40  }
0x752: {  	[sflag:s14] =	ssyncset.done $0x0  }
0x753: {  	[sflag:s14] =	ssyncadd.s32 $0xFFFFFFC0  }
0x754: {  	_ =	swait.ge [sflag:s14], $0x40  }
0x755: {  	[sflag:s14] =	ssyncset.done $0x0  }
0x756: {  	[sflag:s14] =	ssyncadd.s32 $0xFFFFFFC0  }
0x757: {  	_ =	swait.ge [sflag:s14], $0x40  }
0x758: {  	[sflag:s14] =	ssyncset.done $0x0  }
0x759: {  	[sflag:s14] =	ssyncadd.s32 $0xFFFFFFC0  }
0x75a: {  	_ =	swait.ge [sflag:s14], $0x40  }
0x75b: {  	[sflag:s14] =	ssyncset.done $0x0  }
0x75c: {  	[sflag:s14] =	ssyncadd.s32 $0xFFFFFFC0  }
0x75d: {  	_ =	swait.ge [sflag:s14], $0x40  }
0x75e: {  	[sflag:s14] =	ssyncset.done $0x0  }
0x75f: {  	[sflag:s14] =	ssyncadd.s32 $0xFFFFFFC0  }
0x760: {  	_ =	swait.ge [sflag:s14], $0x40  }
0x761: {  	[sflag:s14] =	ssyncset.done $0x0  }
0x762: {  	[sflag:s14] =	ssyncadd.s32 $0xFFFFFFC0  }
0x763: {  	_ =	swait.ge [sflag:s14], $0x40  }
0x764: {  	[sflag:s14] =	ssyncset.done $0x0  }
0x765: {  	[sflag:s14] =	ssyncadd.s32 $0xFFFFFFC0  }
0x766: {  	_ =	swait.ge [sflag:s14], $0x40  }
0x767: {  	[sflag:s14] =	ssyncset.done $0x0  }
0x768: {  	[sflag:s14] =	ssyncadd.s32 $0xFFFFFFC0  }
0x769: {  	_ =	swait.ge [sflag:s14], $0x40  }
0x76a: {  	[sflag:s14] =	ssyncset.done $0x0  }
0x76b: {  	[sflag:s14] =	ssyncadd.s32 $0xFFFFFFC0  }
0x76c: {  	_ =	swait.ge [sflag:s14], $0x40  }
0x76d: {  	[sflag:s14] =	ssyncset.done $0x0  }
0x76e: {  	[sflag:s14] =	ssyncadd.s32 $0xFFFFFFC0  }
0x76f: {  	_ =	swait.ge [sflag:s14], $0x40  }
0x770: {  	[sflag:s14] =	ssyncset.done $0x0  }
0x771: {  	[sflag:s14] =	ssyncadd.s32 $0xFFFFFFC0  }
0x772: {  	_ =	swait.ge [sflag:s14], $0x40  }
0x773: {  	[sflag:s14] =	ssyncset.done $0x0  }
0x774: {  	[sflag:s14] =	ssyncadd.s32 $0xFFFFFFC0  }
0x775: {  	_ =	swait.ge [sflag:s14], $0x40  }
0x776: {  	[sflag:s14] =	ssyncset.done $0x0  }
0x777: {  	[sflag:s14] =	ssyncadd.s32 $0xFFFFFFC0  }
0x778: {  	_ =	swait.ge [sflag:s14], $0x40  }
0x779: {  	[sflag:s14] =	ssyncset.done $0x0  }
0x77a: {  	s0 =	simm.s32 $0x0;
	[sflag:s14] =	ssyncadd.s32 $0xFFFFFFC0  }
0x77b: {  	v1 =	vld [tilespmem:s0+$0x18880]  }
0x77c: {  	v2 =	vld [tilespmem:s0+$0x18400];
	_ =	sdelay $0x1  }
0x77d: {  	v3 =	vld [tilespmem:s0+$0x18600];
	_ =	sdelay $0x2  }
0x77e: {  	s25 =	simm.s32 $0x10;
	v0 =	vld.msk [tilespmem:$0x18800 ss:$0x0], $0xffff;
	v2 =	vadd.f32 v2, v1  }
0x77f: {  	v1 =	vld [tilespmem:s25+$0x18880]  }
0x780: {  	v4 =	vadd.f32 v3, v2;
	v3 =	vld [tilespmem:s25+$0x18400];
	_ =	sdelay $0x1  }
0x781: {  	v2 =	vld [tilespmem:s25+$0x18600]  }
0x782: {  	s28 =	simm.s32 $0x80;
	v4 =	vadd.f32 v4, v0  }
.LBB2_18:
0x783: {  	s4 =	sshra.s32 s28, $0x2;
	p0 =	sne.s32 s28, $0x7C0  }
.Ltmp8:
0x784: {  	s28 =	sadd.s32 $0x40, s28;
	v5 =	vadd.f32 v3, v1;
	v1 =	vld [tilespmem:s4+$0x18880];
	[tilespmem:s0+$0x18880] =	vst v4;
	(pc) =	sbr.rel @p0 .LBB2_18-.Ltmp8, $4  }
0x785: {  	s0 =	smov.u32 s25;
	s25 =	smov.u32 s4;
	v3 =	vld [tilespmem:s4+$0x18400]  }
0x786: {  	v4 =	vadd.f32 v2, v5  }
0x787: {  	v2 =	vld [tilespmem:s25+$0x18600]  }
0x788: {  	v4 =	vadd.f32 v4, v0  }
0x789: {  	_ = 	snop  }
0x78a: {  	v1 =	vadd.f32 v3, v1;
	_ =	sdelay $0x1  }
0x78b: {  	v1 =	vadd.f32 v2, v1;
	_ =	sdelay $0x1  }
0x78c: {  	s23 =	sadd.s32 $0x1, s23;
	v0 =	vadd.f32 v1, v0  }
0x78d: {  	[tilespmem:s0+$0x18880] =	vst v4;
	p0 =	sne.s32 s23, s11  }
.Ltmp9:
0x78e: {  	[tilespmem:s25+$0x18880] =	vst v0;
	(pc) =	sbr.rel @p0 .LBB2_1-.Ltmp9, $4  }
0x78f: {  	[hbm4b:s10+s6] =	stream.linear.scatter [tilespmem:s5], [sflag:$0x8], $0x200, $0x38;
	[tilespmem:$0x18A80] =	vst v63  }
0x790: {  	_ =	swait.ge [sflag:s21], $0x200  }
0x791: {  	[sflag:s21] =	ssyncset.done $0x0  }
0x792: {  	[sflag:s21] =	ssyncadd.s32 $0xFFFFFE00  }
0x793: {  	_ =	sfence.sel $0x180000  }
0x794: {  	[bflag:$0x0] =	sbarrier.arrive $0xFFFF  }
0x795: {  	_ =	strace $0x90000047  }
0x796: {  	s0 =	stileid.u32;
	[bflag:$0x2] =	sbarrier.arrive $0xFFFF  }
0x797: {  	p0 =	sne.s32 s0, $0x0;
	s0 =	rddreg [dreg:$0x7]  }
0x798: {  	s0 =	sadd.s32 @!p0 $0x100000, s0  }
0x799: {  	[sflag:s0] =	ssyncadd.tile.s32 @!p0 $0x1;
	_ =	shalt  }
.Lfunc_end2:
_tile_overlayer_lowered:
.L_overlay_start_2:
0x79a: {  	(tag) =	ssettag $0x2  }
0x79b: {  	s0 =	rddreg [dreg:$0x0];
	s2 =	stileid.u32  }
0x79c: {  	s1 =	rddreg [dreg:$0x1];
	p0 =	sne.s32 s2, $0x0  }
0x79d: {  	s3 =	rddreg [dreg:$0x2];
	[bflag:$0x3] =	sbarrier.arrive $0xFFFF;
	s2 =	simm.s32 @!p0 $0x1C08  }
0x79e: {  	[timem:s3], [sflag:s2] =	dma.local @!p0 [hbm:s0], s1  }
0x79f: {  	s0 =	simm.s32 @!p0 $0x8  }
0x7a0: {  	_ =	swait.ge @!p0 [sflag:s0], s1  }
0x7a1: {  	s1 =	ssub.s32 @!p0 $0x0, s1;
	[sflag:s0] =	ssyncset.done @!p0 $0x0  }
0x7a2: {  	[sflag:s0] =	ssyncadd.s32 @!p0 s1  }
0x7a3: {  	[bflag:$0x3] =	sbarrier.arrive $0xFFFF  }
0x7a4: {  	_ =	shalt  }

</sc_bundles>
